<compile_context>
chip_gen: v7x
topology: tpu7x:2x2x1
jax: 0.10.2.dev20260603
libtpu: 0.0.44.dev20260713+nightly
codegen_flags: <defaults>
</compile_context>

<pallas_src>
import functools

import jax
import jax.numpy as jnp
from jax import lax
from jax.experimental import pallas as pl
from jax.experimental.pallas import tpu as pltpu
from jax.experimental.pallas import tpu_sc as plsc

N = 100000
NC = 2
NS = 16
LANES = 16

NPAD = 100352
NTAB = 100000
NSL = NPAD // NS
VLOOP = NSL // LANES
QCH = 7
QLEN = NSL // QCH
QVL = QLEN // LANES

E = 6400000
NBUF = 4
NBLKS = 200
EBLK = 1024
EPAD = NC * NS * NBLKS * EBLK
EROWS = EPAD // EBLK

_mesh = plsc.VectorSubcoreMesh(
    core_axis_name="c", subcore_axis_name="s", num_cores=NC, num_subcores=NS)

_f32 = jnp.float32
_i32 = jnp.int32
_sc_params = pltpu.CompilerParams(needs_layout_passes=False)


def _zero_loop(ref, iters):
  def body(j, _):
    ref[pl.ds(j * LANES, LANES)] = jnp.zeros((LANES,), _f32)
    return 0
  lax.fori_loop(0, iters, body, 0)


def _edge_phase(cid, sid, roww, colw, y_s, acc_s, rbufs, cbufs, vbufs,
                semL, semS, semG, ones=None, y_tab=None):
  hist = ones is not None
  wrbase = (cid * NS + sid) * NBLKS

  def load(b, p):
    esl = pl.ds((wrbase + b) * EBLK, EBLK)
    if not hist:
      pltpu.async_copy(roww.at[esl], rbufs[p], semL[p])
    pltpu.async_copy(colw.at[esl], cbufs[p], semL[p])

  def wait_load(b, p):
    esl = pl.ds((wrbase + b) * EBLK, EBLK)
    if not hist:
      pltpu.make_async_copy(roww.at[esl], rbufs[p], semL[p]).wait()
    pltpu.make_async_copy(colw.at[esl], cbufs[p], semL[p]).wait()

  def gathers(p):
    if y_tab is None:
      pltpu.async_copy(y_s.at[rbufs[p]], vbufs[p], semG)
      pltpu.make_async_copy(y_s.at[rbufs[p]], vbufs[p], semG).wait()
    else:
      def body(i, _):
        v = pl.ds(i * LANES, LANES)
        vbufs[p][v] = plsc.load_gather(y_tab, [rbufs[p][v]])
        return 0
      lax.fori_loop(0, EBLK // LANES, body, 0)

  def scatters_fire(p):
    src = ones if hist else vbufs[p]
    pltpu.async_copy(src, acc_s.at[cbufs[p]], semS[p], add=True)

  def scatters_drain(p):
    src = ones if hist else vbufs[p]
    pltpu.make_async_copy(src, acc_s.at[cbufs[p]], semS[p]).wait()

  for b in range(NBUF):
    load(b, b)

  def g_body(g, _):
    for par in range(NBUF):
      c = NBUF * g + par
      p = (par + 1) % NBUF

      @pl.when(c >= NBUF - 1)
      def _():
        scatters_drain(p)

      nxt = c + 1

      @pl.when(jnp.logical_and(nxt >= NBUF, nxt < NBLKS))
      def _():
        load(nxt, p)

      wait_load(c, par)
      if not hist:
        gathers(par)
      scatters_fire(par)
    return 0

  lax.fori_loop(0, NBLKS // NBUF, g_body, 0)
  for par in range(1, NBUF):
    scatters_drain(par)


def _hist_body(colw, dpart, deg_s, zbuf, *rest):
  cbufs = rest[:NBUF]
  ones = rest[NBUF]
  sems = rest[NBUF + 1:]
  cid = lax.axis_index("c")
  sid = lax.axis_index("s")
  base = sid * NSL

  _zero_loop(zbuf, VLOOP)

  def ones_body(w, _):
    ones[pl.ds(w * LANES, LANES)] = jnp.ones((LANES,), _f32)
    return 0

  lax.fori_loop(0, EBLK // LANES, ones_body, 0)
  pltpu.sync_copy(zbuf, deg_s.at[pl.ds(base, NSL)])
  plsc.subcore_barrier()

  semL = sems[:NBUF]
  semS = sems[NBUF:2 * NBUF]
  _edge_phase(cid, sid, None, colw, None, deg_s, None, cbufs, None,
              semL, semS, None, ones=ones)

  plsc.subcore_barrier()
  pltpu.sync_copy(deg_s.at[pl.ds(base, NSL)],
                  dpart.at[pl.ds(cid * NPAD + base, NSL)])


def _layer_body(first, *refs):
  if first:
    (roww, colw, y0, zpart,
     y_s, acc_s, y_t, ab, bb, cb, db, *rest) = refs
  else:
    (roww, colw, pa, yp, dv, y_o, psum, zpart,
     y_s, acc_s, y_t, ab, bb, cb, db, *rest) = refs
  rbufs = rest[:NBUF]
  cbufs = rest[NBUF:2 * NBUF]
  vbufs = rest[2 * NBUF:3 * NBUF]
  ps = rest[3 * NBUF]
  sems = rest[3 * NBUF + 1:]
  cid = lax.axis_index("c")
  sid = lax.axis_index("s")
  base = sid * NSL
  sl = pl.ds(base, NSL)

  if first:
    pltpu.sync_copy(y0.at[sl], y_s.at[sl])
  else:
    ps[...] = jnp.zeros((LANES,), _f32)

    def chunk_body(q, _):
      qsl = pl.ds(base + q * QLEN, QLEN)
      pltpu.sync_copy(pa.at[pl.ds(base + q * QLEN, QLEN)], ab)
      pltpu.sync_copy(pa.at[pl.ds(NPAD + base + q * QLEN, QLEN)], bb)
      pltpu.sync_copy(yp.at[qsl], cb)
      pltpu.sync_copy(dv.at[qsl], db)

      def ew_body(j, _):
        v = pl.ds(j * LANES, LANES)
        dvv = db[v]
        x = dvv * (ab[v] + bb[v] + cb[v])
        ps[...] = ps[...] + x * x
        db[v] = dvv * x
        return 0

      lax.fori_loop(0, QVL, ew_body, 0)

      pltpu.sync_copy(db, y_s.at[qsl])

      @pl.when(cid == 0)
      def _():
        pltpu.sync_copy(db, y_o.at[qsl])
      return 0

    lax.fori_loop(0, QCH, chunk_body, 0)

    @pl.when(cid == 0)
    def _():
      pltpu.sync_copy(ps, psum.at[sid])

  zb = bb if first else ab
  _zero_loop(zb, QVL)

  def zacc_body(q, _):
    pltpu.sync_copy(zb, acc_s.at[pl.ds(base + q * QLEN, QLEN)])
    return 0

  lax.fori_loop(0, QCH, zacc_body, 0)
  plsc.subcore_barrier()

  def ytab_body(t, _):
    tsl = pl.ds(t * 4000, 4000)
    pltpu.sync_copy(y_s.at[tsl], y_t.at[tsl])
    return 0

  lax.fori_loop(0, NTAB // 4000, ytab_body, 0)

  _edge_phase(cid, sid, roww, colw, y_s, acc_s, rbufs, cbufs, vbufs,
              sems[:NBUF], sems[NBUF:2 * NBUF], sems[2 * NBUF],
              y_tab=y_t)

  plsc.subcore_barrier()
  pltpu.sync_copy(acc_s.at[sl], zpart.at[pl.ds(cid * NPAD + base, NSL)])


def _final_body(pa, yp, dv, psum, ab, bb, cb, db, ps):
  cid = lax.axis_index("c")
  sid = lax.axis_index("s")
  sl = pl.ds(sid * NSL, NSL)
  pltpu.sync_copy(pa.at[sl], ab)
  pltpu.sync_copy(pa.at[pl.ds(NPAD + sid * NSL, NSL)], bb)
  pltpu.sync_copy(yp.at[sl], cb)
  pltpu.sync_copy(dv.at[sl], db)
  ps[...] = jnp.zeros((LANES,), _f32)

  def ew_body(j, _):
    v = pl.ds(j * LANES, LANES)
    x = db[v] * (ab[v] + bb[v] + cb[v])
    ps[...] = ps[...] + x * x
    return 0

  lax.fori_loop(0, VLOOP, ew_body, 0)

  @pl.when(cid == 0)
  def _():
    pltpu.sync_copy(ps, psum.at[sid])


_node_f32 = jax.ShapeDtypeStruct((NPAD,), _f32)
_part_f32 = jax.ShapeDtypeStruct((NC * NPAD,), _f32)
_psum_t = jax.ShapeDtypeStruct((NS, LANES), _f32)

_edge_scratch = [
    pltpu.MemorySpace.VMEM_SHARED((NPAD,), _f32),
    pltpu.MemorySpace.VMEM_SHARED((NPAD,), _f32),
    pltpu.VMEM((NTAB,), _f32),
    pltpu.VMEM((QLEN,), _f32),
    pltpu.VMEM((QLEN,), _f32),
    pltpu.VMEM((QLEN,), _f32),
    pltpu.VMEM((QLEN,), _f32),
] + [pltpu.VMEM((EBLK,), _i32)] * NBUF \
  + [pltpu.VMEM((EBLK,), _i32)] * NBUF \
  + [pltpu.VMEM((EBLK,), _f32)] * NBUF + [
    pltpu.VMEM((LANES,), _f32),
] + [pltpu.SemaphoreType.DMA] * (2 * NBUF + 1)

_hist_kernel = pl.kernel(
    _hist_body,
    out_type=_part_f32,
    mesh=_mesh,
    scratch_types=[
        pltpu.MemorySpace.VMEM_SHARED((NPAD,), _f32),
        pltpu.VMEM((NSL,), _f32),
    ] + [pltpu.VMEM((EBLK,), _i32)] * NBUF + [
        pltpu.VMEM((EBLK,), _f32),
    ] + [pltpu.SemaphoreType.DMA] * (2 * NBUF),
)

_layer1_kernel = pl.kernel(
    functools.partial(_layer_body, True),
    out_type=_part_f32,
    mesh=_mesh,
    compiler_params=_sc_params,
    scratch_types=_edge_scratch,
)

_layer_kernel = pl.kernel(
    functools.partial(_layer_body, False),
    out_type=(_node_f32, _psum_t, _part_f32),
    mesh=_mesh,
    compiler_params=_sc_params,
    scratch_types=_edge_scratch,
)

_final_kernel = pl.kernel(
    _final_body,
    out_type=_psum_t,
    mesh=_mesh,
    scratch_types=[
        pltpu.VMEM((NSL,), _f32),
        pltpu.VMEM((NSL,), _f32),
        pltpu.VMEM((NSL,), _f32),
        pltpu.VMEM((NSL,), _f32),
        pltpu.VMEM((LANES,), _f32),
    ],
)


def _dinv_tc_body(dp_ref, hp_ref, dinv_ref, y0_ref):
  d = dp_ref[0] + dp_ref[1] + 1.0
  dv = jax.lax.rsqrt(d)
  dinv_ref[...] = dv
  y0_ref[...] = dv * hp_ref[...]


_R2 = NPAD // 128
_dinv_tc = pl.pallas_call(
    _dinv_tc_body,
    out_shape=(
        jax.ShapeDtypeStruct((_R2, 128), _f32),
        jax.ShapeDtypeStruct((_R2, 128), _f32),
    ),
)


@jax.jit
def kernel(h, edge_index):
  epad = EPAD - E
  fill = jnp.arange(epad, dtype=_i32)
  row = jnp.concatenate([edge_index[0], fill % N])
  col = jnp.concatenate([edge_index[1], N + fill % (NPAD - N)])
  hp = jnp.concatenate([h[:, 0], jnp.zeros((NPAD - N,), _f32)])

  dpart = _hist_kernel(col)
  dinv2, y02 = _dinv_tc(dpart.reshape(NC, _R2, 128), hp.reshape(_R2, 128))
  dinv = dinv2.reshape(NPAD)
  y0 = y02.reshape(NPAD)
  z1 = _layer1_kernel(row, col, y0)
  y1, ps1, z2 = _layer_kernel(row, col, z1, y0, dinv)
  y2, ps2, z3 = _layer_kernel(row, col, z2, y1, dinv)
  ps3 = _final_kernel(z3, y2, dinv)
  return jnp.stack([jnp.sum(ps1), jnp.sum(ps2), jnp.sum(ps3)])

# --- scband reference (transcript-rebuilt; emitter-appended) ---
"""Pipeline reference for scband-aggr-50637664420290 (READ-ONLY COPY).

The authoritative reference and input builder live on the scoring server;
editing this copy changes nothing except your own understanding.
"""

import jax, jax.numpy as jnp
import numpy as np

N = 100000
E = 6400000
L = 3


def setup_inputs(seed: int = 0) -> dict:
    key = jax.random.key(seed)
    k1, k2 = jax.random.split(key)
    h = jax.random.normal(k1, (N, 1), dtype=jnp.float32)
    edge_index = jax.random.randint(k2, (2, E), 0, N, dtype=jnp.int32)
    return {"h": h, "edge_index": edge_index}


def reference(h, edge_index):
    # gcn_norm with add_self_loops=True, improved=False (fill_value=1),
    # flow='source_to_target' (deg computed over col = target index)
    row = edge_index[0]
    col = edge_index[1]
    loop = jnp.arange(N, dtype=row.dtype)
    row_f = jnp.concatenate([row, loop])
    col_f = jnp.concatenate([col, loop])
    ew = jnp.ones(row_f.shape[0], dtype=h.dtype)
    deg = jnp.zeros((N,), dtype=h.dtype).at[col_f].add(ew)
    dinv = jnp.where(deg > 0, jax.lax.rsqrt(deg), jnp.zeros_like(deg))
    w = dinv[row_f] * ew * dinv[col_f]

    # L identical GCNConv(1,1,bias=False) layers: no lin weight, no bias.
    # propagate(aggr='add'): out[i] = sum_{(j->i)} w_e * x[j]
    outs = []
    x = h
    for _ in range(L):
        msg = w[:, None] * x[row_f]
        x = jnp.zeros((N, x.shape[1]), dtype=x.dtype).at[col_f].add(msg)
        outs.append(jnp.sum(x ** 2))
    return jnp.stack(outs)

if __name__ == "__main__":
    import jax
    _d = setup_inputs()
    print(jax.jit(kernel)(*tuple(_d.values())))

</pallas_src>

<mosaic_0001>
#map = affine_map<(d0, d1) -> (0)>
module attributes {stable_mosaic.version = 14 : i64} {
  func.func @_layer_body(%arg0: i32, %arg1: i32, %arg2: memref<6553600xi32, #tpu.memory_space<hbm>>, %arg3: memref<6553600xi32, #tpu.memory_space<hbm>>, %arg4: memref<100352xf32, #tpu.memory_space<hbm>>, %arg5: memref<200704xf32, #tpu.memory_space<hbm>>, %arg6: memref<100352xf32, #tpu.memory_space<vmem_shared>>, %arg7: memref<100352xf32, #tpu.memory_space<vmem_shared>>, %arg8: memref<100000xf32, #tpu.memory_space<vmem>>, %arg9: memref<896xf32, #tpu.memory_space<vmem>>, %arg10: memref<896xf32, #tpu.memory_space<vmem>>, %arg11: memref<896xf32, #tpu.memory_space<vmem>>, %arg12: memref<896xf32, #tpu.memory_space<vmem>>, %arg13: memref<1024xi32, #tpu.memory_space<vmem>>, %arg14: memref<1024xi32, #tpu.memory_space<vmem>>, %arg15: memref<1024xi32, #tpu.memory_space<vmem>>, %arg16: memref<1024xi32, #tpu.memory_space<vmem>>, %arg17: memref<1024xi32, #tpu.memory_space<vmem>>, %arg18: memref<1024xi32, #tpu.memory_space<vmem>>, %arg19: memref<1024xi32, #tpu.memory_space<vmem>>, %arg20: memref<1024xi32, #tpu.memory_space<vmem>>, %arg21: memref<1024xf32, #tpu.memory_space<vmem>>, %arg22: memref<1024xf32, #tpu.memory_space<vmem>>, %arg23: memref<1024xf32, #tpu.memory_space<vmem>>, %arg24: memref<1024xf32, #tpu.memory_space<vmem>>, %arg25: memref<16xf32, #tpu.memory_space<vmem>>, %arg26: memref<!tpu.dma_semaphore, #tpu.memory_space<semaphore_mem>>, %arg27: memref<!tpu.dma_semaphore, #tpu.memory_space<semaphore_mem>>, %arg28: memref<!tpu.dma_semaphore, #tpu.memory_space<semaphore_mem>>, %arg29: memref<!tpu.dma_semaphore, #tpu.memory_space<semaphore_mem>>, %arg30: memref<!tpu.dma_semaphore, #tpu.memory_space<semaphore_mem>>, %arg31: memref<!tpu.dma_semaphore, #tpu.memory_space<semaphore_mem>>, %arg32: memref<!tpu.dma_semaphore, #tpu.memory_space<semaphore_mem>>, %arg33: memref<!tpu.dma_semaphore, #tpu.memory_space<semaphore_mem>>, %arg34: memref<!tpu.dma_semaphore, #tpu.memory_space<semaphore_mem>>) attributes {dimension_semantics = [#tpu.dimension_semantics<core_parallel>, #tpu.dimension_semantics<subcore_parallel>], iteration_bounds = array<i64: 2, 16>, scalar_prefetch = 0 : i64, scratch_operands = 29 : i64, tpu.core_type = #tpu.core_type<sc_vector_subcore>, window_params = [{transform_indices = #map}, {transform_indices = #map}, {transform_indices = #map}, {transform_indices = #map}]} {
    %mul3A = arith.constant 6272 : i32
    %mul3A_0 = arith.muli %arg1, %mul3A : i32
    "tpu.region"() ({
      %run_scoped3A = tpu.sem_alloc : memref<!tpu.dma_semaphore, #tpu.memory_space<semaphore_mem>>
      %dma_start3A_72 = tpu.memref_slice %arg6[%mul3A_0] : memref<100352xf32, #tpu.memory_space<vmem_shared>> -> memref<6272xf32, #tpu.memory_space<vmem_shared>>
      %dma_start3A_73 = tpu.memref_slice %arg4[%mul3A_0] : memref<100352xf32, #tpu.memory_space<hbm>> -> memref<6272xf32, #tpu.memory_space<hbm>>
      tpu.enqueue_dma source(%dma_start3A_73 : memref<6272xf32, #tpu.memory_space<hbm>>) target(%dma_start3A_72 : memref<6272xf32, #tpu.memory_space<vmem_shared>>) target_semaphore(%run_scoped3A : memref<!tpu.dma_semaphore, #tpu.memory_space<semaphore_mem>>)
      %dma_wait3A_74 = tpu.memref_slice %arg6[%mul3A_0] : memref<100352xf32, #tpu.memory_space<vmem_shared>> -> memref<6272xf32, #tpu.memory_space<vmem_shared>>
      %dma_wait3A_75 = tpu.memref_slice %arg4[%mul3A_0] : memref<100352xf32, #tpu.memory_space<hbm>> -> memref<6272xf32, #tpu.memory_space<hbm>>
      tpu.wait_dma2 semaphore(%run_scoped3A : memref<!tpu.dma_semaphore, #tpu.memory_space<semaphore_mem>>) src(%dma_wait3A_75 : memref<6272xf32, #tpu.memory_space<hbm>>) dst(%dma_wait3A_74 : memref<6272xf32, #tpu.memory_space<vmem_shared>>)
      tpu.yield
    }) : () -> ()
    %scan3A = arith.constant 0 : i32
    %scan3A_1 = arith.constant 0 : i32
    %scan3A_2 = arith.constant 56 : i32
    %scan3A_3 = arith.addi %scan3A_1, %scan3A_2 : i32
    %scan3A_4 = arith.constant 1 : i32
    %scan3A_5 = scf.for %scan3A_72 = %scan3A_1 to %scan3A_3 step %scan3A_4 iter_args(%scan3A_73 = %scan3A) -> (i32)  : i32 {
      %broadcast_in_dim3A = arith.constant 0.000000e+00 : f32
      %broadcast_in_dim3A_74 = vector.broadcast %broadcast_in_dim3A : f32 to vector<16xf32>
      %mul3A_75 = arith.constant 16 : i32
      %mul3A_76 = arith.muli %scan3A_72, %mul3A_75 : i32
      %swap3A = arith.index_cast %mul3A_76 : i32 to index
      %swap3A_77 = tpu.vector_load %arg10[%swap3A] {strides = array<i32>} : memref<896xf32, #tpu.memory_space<vmem>>, vector<16xf32>,
      tpu.vector_store %arg10[%swap3A], %broadcast_in_dim3A_74 {strides = array<i32>} : memref<896xf32, #tpu.memory_space<vmem>>, vector<16xf32>,
      %scan3A_78 = arith.constant 0 : i32
      scf.yield %scan3A_78 : i32
    }
    %scan3A_6 = arith.constant 56 : i32
    %scan3A_7 = arith.constant 0 : i32
    %scan3A_8 = arith.constant 0 : i32
    %scan3A_9 = arith.constant 7 : i32
    %scan3A_10 = arith.addi %scan3A_8, %scan3A_9 : i32
    %scan3A_11 = arith.constant 1 : i32
    %scan3A_12 = scf.for %scan3A_72 = %scan3A_8 to %scan3A_10 step %scan3A_11 iter_args(%scan3A_73 = %scan3A_7) -> (i32)  : i32 {
      %mul3A_74 = arith.constant 896 : i32
      %mul3A_75 = arith.muli %scan3A_72, %mul3A_74 : i32
      %add3A_76 = arith.addi %mul3A_0, %mul3A_75 : i32
      "tpu.region"() ({
        %run_scoped3A = tpu.sem_alloc : memref<!tpu.dma_semaphore, #tpu.memory_space<semaphore_mem>>
        %dma_start3A_78 = tpu.memref_slice %arg7[%add3A_76] : memref<100352xf32, #tpu.memory_space<vmem_shared>> -> memref<896xf32, #tpu.memory_space<vmem_shared>>
        %dma_start3A_79 = tpu.memref_slice %arg7[%add3A_76] : memref<100352xf32, #tpu.memory_space<vmem_shared>> -> memref<896xf32, #tpu.memory_space<vmem_shared>>
        tpu.enqueue_dma source(%arg10 : memref<896xf32, #tpu.memory_space<vmem>>) target(%dma_start3A_79 : memref<896xf32, #tpu.memory_space<vmem_shared>>) target_semaphore(%run_scoped3A : memref<!tpu.dma_semaphore, #tpu.memory_space<semaphore_mem>>)
        %dma_wait3A_80 = tpu.memref_slice %arg7[%add3A_76] : memref<100352xf32, #tpu.memory_space<vmem_shared>> -> memref<896xf32, #tpu.memory_space<vmem_shared>>
        %dma_wait3A_81 = tpu.memref_slice %arg7[%add3A_76] : memref<100352xf32, #tpu.memory_space<vmem_shared>> -> memref<896xf32, #tpu.memory_space<vmem_shared>>
        tpu.wait_dma2 semaphore(%run_scoped3A : memref<!tpu.dma_semaphore, #tpu.memory_space<semaphore_mem>>) src(%arg10 : memref<896xf32, #tpu.memory_space<vmem>>) dst(%dma_wait3A_81 : memref<896xf32, #tpu.memory_space<vmem_shared>>)
        tpu.yield
      }) : () -> ()
      %scan3A_77 = arith.constant 0 : i32
      scf.yield %scan3A_77 : i32
    }
    %scan3A_13 = arith.constant 7 : i32
    %barrier3A = arith.constant 0 : index
    tpu.barrier barrier_id(%barrier3A)
    %scan3A_14 = arith.constant 0 : i32
    %scan3A_15 = arith.constant 0 : i32
    %scan3A_16 = arith.constant 25 : i32
    %scan3A_17 = arith.addi %scan3A_15, %scan3A_16 : i32
    %scan3A_18 = arith.constant 1 : i32
    %scan3A_19 = scf.for %scan3A_72 = %scan3A_15 to %scan3A_17 step %scan3A_18 iter_args(%scan3A_73 = %scan3A_14) -> (i32)  : i32 {
      %mul3A_74 = arith.constant 4000 : i32
      %mul3A_75 = arith.muli %scan3A_72, %mul3A_74 : i32
      "tpu.region"() ({
        %run_scoped3A = tpu.sem_alloc : memref<!tpu.dma_semaphore, #tpu.memory_space<semaphore_mem>>
        %dma_start3A_77 = tpu.memref_slice %arg8[%mul3A_75] : memref<100000xf32, #tpu.memory_space<vmem>> -> memref<4000xf32, #tpu.memory_space<vmem>>
        %dma_start3A_78 = tpu.memref_slice %arg6[%mul3A_75] : memref<100352xf32, #tpu.memory_space<vmem_shared>> -> memref<4000xf32, #tpu.memory_space<vmem_shared>>
        %dma_start3A_79 = tpu.memref_slice %arg8[%mul3A_75] : memref<100000xf32, #tpu.memory_space<vmem>> -> memref<4000xf32, #tpu.memory_space<vmem>>
        %dma_start3A_80 = tpu.memref_slice %arg6[%mul3A_75] : memref<100352xf32, #tpu.memory_space<vmem_shared>> -> memref<4000xf32, #tpu.memory_space<vmem_shared>>
        tpu.enqueue_dma source(%dma_start3A_80 : memref<4000xf32, #tpu.memory_space<vmem_shared>>) target(%dma_start3A_79 : memref<4000xf32, #tpu.memory_space<vmem>>) target_semaphore(%run_scoped3A : memref<!tpu.dma_semaphore, #tpu.memory_space<semaphore_mem>>)
        %dma_wait3A_81 = tpu.memref_slice %arg8[%mul3A_75] : memref<100000xf32, #tpu.memory_space<vmem>> -> memref<4000xf32, #tpu.memory_space<vmem>>
        %dma_wait3A_82 = tpu.memref_slice %arg6[%mul3A_75] : memref<100352xf32, #tpu.memory_space<vmem_shared>> -> memref<4000xf32, #tpu.memory_space<vmem_shared>>
        %dma_wait3A_83 = tpu.memref_slice %arg8[%mul3A_75] : memref<100000xf32, #tpu.memory_space<vmem>> -> memref<4000xf32, #tpu.memory_space<vmem>>
        %dma_wait3A_84 = tpu.memref_slice %arg6[%mul3A_75] : memref<100352xf32, #tpu.memory_space<vmem_shared>> -> memref<4000xf32, #tpu.memory_space<vmem_shared>>
        tpu.wait_dma2 semaphore(%run_scoped3A : memref<!tpu.dma_semaphore, #tpu.memory_space<semaphore_mem>>) src(%dma_wait3A_84 : memref<4000xf32, #tpu.memory_space<vmem_shared>>) dst(%dma_wait3A_83 : memref<4000xf32, #tpu.memory_space<vmem>>)
        tpu.yield
      }) : () -> ()
      %scan3A_76 = arith.constant 0 : i32
      scf.yield %scan3A_76 : i32
    }
    %scan3A_20 = arith.constant 25 : i32
    %mul3A_21 = arith.constant 16 : i32
    %mul3A_22 = arith.muli %arg0, %mul3A_21 : i32
    %add3A = arith.addi %mul3A_22, %arg1 : i32
    %mul3A_23 = arith.constant 200 : i32
    %mul3A_24 = arith.muli %add3A, %mul3A_23 : i32
    %add3A_25 = arith.constant 0 : i32
    %add3A_26 = arith.addi %mul3A_24, %add3A_25 : i32
    %mul3A_27 = arith.constant 1024 : i32
    %mul3A_28 = arith.muli %add3A_26, %mul3A_27 : i32
    %dma_start3A = tpu.memref_slice %arg2[%mul3A_28] : memref<6553600xi32, #tpu.memory_space<hbm>> -> memref<1024xi32, #tpu.memory_space<hbm>>
    %dma_start3A_29 = tpu.memref_slice %arg2[%mul3A_28] : memref<6553600xi32, #tpu.memory_space<hbm>> -> memref<1024xi32, #tpu.memory_space<hbm>>
    tpu.enqueue_dma source(%dma_start3A_29 : memref<1024xi32, #tpu.memory_space<hbm>>) target(%arg13 : memref<1024xi32, #tpu.memory_space<vmem>>) target_semaphore(%arg26 : memref<!tpu.dma_semaphore, #tpu.memory_space<semaphore_mem>>)
    %dma_start3A_30 = tpu.memref_slice %arg3[%mul3A_28] : memref<6553600xi32, #tpu.memory_space<hbm>> -> memref<1024xi32, #tpu.memory_space<hbm>>
    %dma_start3A_31 = tpu.memref_slice %arg3[%mul3A_28] : memref<6553600xi32, #tpu.memory_space<hbm>> -> memref<1024xi32, #tpu.memory_space<hbm>>
    tpu.enqueue_dma source(%dma_start3A_31 : memref<1024xi32, #tpu.memory_space<hbm>>) target(%arg17 : memref<1024xi32, #tpu.memory_space<vmem>>) target_semaphore(%arg26 : memref<!tpu.dma_semaphore, #tpu.memory_space<semaphore_mem>>)
    %add3A_32 = arith.constant 1 : i32
    %add3A_33 = arith.addi %mul3A_24, %add3A_32 : i32
    %mul3A_34 = arith.constant 1024 : i32
    %mul3A_35 = arith.muli %add3A_33, %mul3A_34 : i32
    %dma_start3A_36 = tpu.memref_slice %arg2[%mul3A_35] : memref<6553600xi32, #tpu.memory_space<hbm>> -> memref<1024xi32, #tpu.memory_space<hbm>>
    %dma_start3A_37 = tpu.memref_slice %arg2[%mul3A_35] : memref<6553600xi32, #tpu.memory_space<hbm>> -> memref<1024xi32, #tpu.memory_space<hbm>>
    tpu.enqueue_dma source(%dma_start3A_37 : memref<1024xi32, #tpu.memory_space<hbm>>) target(%arg14 : memref<1024xi32, #tpu.memory_space<vmem>>) target_semaphore(%arg27 : memref<!tpu.dma_semaphore, #tpu.memory_space<semaphore_mem>>)
    %dma_start3A_38 = tpu.memref_slice %arg3[%mul3A_35] : memref<6553600xi32, #tpu.memory_space<hbm>> -> memref<1024xi32, #tpu.memory_space<hbm>>
    %dma_start3A_39 = tpu.memref_slice %arg3[%mul3A_35] : memref<6553600xi32, #tpu.memory_space<hbm>> -> memref<1024xi32, #tpu.memory_space<hbm>>
    tpu.enqueue_dma source(%dma_start3A_39 : memref<1024xi32, #tpu.memory_space<hbm>>) target(%arg18 : memref<1024xi32, #tpu.memory_space<vmem>>) target_semaphore(%arg27 : memref<!tpu.dma_semaphore, #tpu.memory_space<semaphore_mem>>)
    %add3A_40 = arith.constant 2 : i32
    %add3A_41 = arith.addi %mul3A_24, %add3A_40 : i32
    %mul3A_42 = arith.constant 1024 : i32
    %mul3A_43 = arith.muli %add3A_41, %mul3A_42 : i32
    %dma_start3A_44 = tpu.memref_slice %arg2[%mul3A_43] : memref<6553600xi32, #tpu.memory_space<hbm>> -> memref<1024xi32, #tpu.memory_space<hbm>>
    %dma_start3A_45 = tpu.memref_slice %arg2[%mul3A_43] : memref<6553600xi32, #tpu.memory_space<hbm>> -> memref<1024xi32, #tpu.memory_space<hbm>>
    tpu.enqueue_dma source(%dma_start3A_45 : memref<1024xi32, #tpu.memory_space<hbm>>) target(%arg15 : memref<1024xi32, #tpu.memory_space<vmem>>) target_semaphore(%arg28 : memref<!tpu.dma_semaphore, #tpu.memory_space<semaphore_mem>>)
    %dma_start3A_46 = tpu.memref_slice %arg3[%mul3A_43] : memref<6553600xi32, #tpu.memory_space<hbm>> -> memref<1024xi32, #tpu.memory_space<hbm>>
    %dma_start3A_47 = tpu.memref_slice %arg3[%mul3A_43] : memref<6553600xi32, #tpu.memory_space<hbm>> -> memref<1024xi32, #tpu.memory_space<hbm>>
    tpu.enqueue_dma source(%dma_start3A_47 : memref<1024xi32, #tpu.memory_space<hbm>>) target(%arg19 : memref<1024xi32, #tpu.memory_space<vmem>>) target_semaphore(%arg28 : memref<!tpu.dma_semaphore, #tpu.memory_space<semaphore_mem>>)
    %add3A_48 = arith.constant 3 : i32
    %add3A_49 = arith.addi %mul3A_24, %add3A_48 : i32
    %mul3A_50 = arith.constant 1024 : i32
    %mul3A_51 = arith.muli %add3A_49, %mul3A_50 : i32
    %dma_start3A_52 = tpu.memref_slice %arg2[%mul3A_51] : memref<6553600xi32, #tpu.memory_space<hbm>> -> memref<1024xi32, #tpu.memory_space<hbm>>
    %dma_start3A_53 = tpu.memref_slice %arg2[%mul3A_51] : memref<6553600xi32, #tpu.memory_space<hbm>> -> memref<1024xi32, #tpu.memory_space<hbm>>
    tpu.enqueue_dma source(%dma_start3A_53 : memref<1024xi32, #tpu.memory_space<hbm>>) target(%arg16 : memref<1024xi32, #tpu.memory_space<vmem>>) target_semaphore(%arg29 : memref<!tpu.dma_semaphore, #tpu.memory_space<semaphore_mem>>)
    %dma_start3A_54 = tpu.memref_slice %arg3[%mul3A_51] : memref<6553600xi32, #tpu.memory_space<hbm>> -> memref<1024xi32, #tpu.memory_space<hbm>>
    %dma_start3A_55 = tpu.memref_slice %arg3[%mul3A_51] : memref<6553600xi32, #tpu.memory_space<hbm>> -> memref<1024xi32, #tpu.memory_space<hbm>>
    tpu.enqueue_dma source(%dma_start3A_55 : memref<1024xi32, #tpu.memory_space<hbm>>) target(%arg20 : memref<1024xi32, #tpu.memory_space<vmem>>) target_semaphore(%arg29 : memref<!tpu.dma_semaphore, #tpu.memory_space<semaphore_mem>>)
    %scan3A_56 = arith.constant 0 : i32
    %scan3A_57 = arith.constant 0 : i32
    %scan3A_58 = arith.constant 50 : i32
    %scan3A_59 = arith.addi %scan3A_57, %scan3A_58 : i32
    %scan3A_60 = arith.constant 1 : i32
    %scan3A_61 = scf.for %scan3A_72 = %scan3A_57 to %scan3A_59 step %scan3A_60 iter_args(%scan3A_73 = %scan3A_56) -> (i32)  : i32 {
      %mul3A_74 = arith.constant 4 : i32
      %mul3A_75 = arith.muli %mul3A_74, %scan3A_72 : i32
      %add3A_76 = arith.constant 0 : i32
      %add3A_77 = arith.addi %mul3A_75, %add3A_76 : i32
      %ge3A = arith.constant 3 : i32
      %ge3A_78 = arith.cmpi sge, %add3A_77, %ge3A : i32
      %convert_element_type3A = arith.extui %ge3A_78 : i1 to i32
      %cond3A = arith.constant 0 : i32
      %cond3A_79 = arith.cmpi ne, %convert_element_type3A, %cond3A : i32
      scf.if %cond3A_79 {
        %dma_wait3A_210 = arith.constant 0 : i32
        %dma_wait3A_211 = tpu.memref_slice %arg7[%dma_wait3A_210] : memref<100352xf32, #tpu.memory_space<vmem_shared>> -> memref<100352xf32, #tpu.memory_space<vmem_shared>>
        tpu.wait_indirect_dma semaphore(%arg31 : memref<!tpu.dma_semaphore, #tpu.memory_space<semaphore_mem>>) src(%arg22 : memref<1024xf32, #tpu.memory_space<vmem>>) dst(%dma_wait3A_211 : memref<100352xf32, #tpu.memory_space<vmem_shared>>)
      } else {
      }
      %add3A_80 = arith.constant 1 : i32
      %add3A_81 = arith.addi %add3A_77, %add3A_80 : i32
      %ge3A_82 = arith.constant 4 : i32
      %ge3A_83 = arith.cmpi sge, %add3A_81, %ge3A_82 : i32
      %lt3A = arith.constant 200 : i32
      %lt3A_84 = arith.cmpi slt, %add3A_81, %lt3A : i32
      %and3A = arith.andi %ge3A_83, %lt3A_84 : i1
      %convert_element_type3A_85 = arith.extui %and3A : i1 to i32
      %cond3A_86 = arith.constant 0 : i32
      %cond3A_87 = arith.cmpi ne, %convert_element_type3A_85, %cond3A_86 : i32
      scf.if %cond3A_87 {
        %add3A_210 = arith.addi %mul3A_24, %add3A_81 : i32
        %mul3A_211 = arith.constant 1024 : i32
        %mul3A_212 = arith.muli %add3A_210, %mul3A_211 : i32
        %dma_start3A_213 = tpu.memref_slice %arg2[%mul3A_212] : memref<6553600xi32, #tpu.memory_space<hbm>> -> memref<1024xi32, #tpu.memory_space<hbm>>
        %dma_start3A_214 = tpu.memref_slice %arg2[%mul3A_212] : memref<6553600xi32, #tpu.memory_space<hbm>> -> memref<1024xi32, #tpu.memory_space<hbm>>
        tpu.enqueue_dma source(%dma_start3A_214 : memref<1024xi32, #tpu.memory_space<hbm>>) target(%arg14 : memref<1024xi32, #tpu.memory_space<vmem>>) target_semaphore(%arg27 : memref<!tpu.dma_semaphore, #tpu.memory_space<semaphore_mem>>)
        %dma_start3A_215 = tpu.memref_slice %arg3[%mul3A_212] : memref<6553600xi32, #tpu.memory_space<hbm>> -> memref<1024xi32, #tpu.memory_space<hbm>>
        %dma_start3A_216 = tpu.memref_slice %arg3[%mul3A_212] : memref<6553600xi32, #tpu.memory_space<hbm>> -> memref<1024xi32, #tpu.memory_space<hbm>>
        tpu.enqueue_dma source(%dma_start3A_216 : memref<1024xi32, #tpu.memory_space<hbm>>) target(%arg18 : memref<1024xi32, #tpu.memory_space<vmem>>) target_semaphore(%arg27 : memref<!tpu.dma_semaphore, #tpu.memory_space<semaphore_mem>>)
      } else {
      }
      %add3A_88 = arith.addi %mul3A_24, %add3A_77 : i32
      %mul3A_89 = arith.constant 1024 : i32
      %mul3A_90 = arith.muli %add3A_88, %mul3A_89 : i32
      %dma_wait3A_91 = tpu.memref_slice %arg2[%mul3A_90] : memref<6553600xi32, #tpu.memory_space<hbm>> -> memref<1024xi32, #tpu.memory_space<hbm>>
      %dma_wait3A_92 = tpu.memref_slice %arg2[%mul3A_90] : memref<6553600xi32, #tpu.memory_space<hbm>> -> memref<1024xi32, #tpu.memory_space<hbm>>
      tpu.wait_dma2 semaphore(%arg26 : memref<!tpu.dma_semaphore, #tpu.memory_space<semaphore_mem>>) src(%dma_wait3A_92 : memref<1024xi32, #tpu.memory_space<hbm>>) dst(%arg13 : memref<1024xi32, #tpu.memory_space<vmem>>)
      %dma_wait3A_93 = tpu.memref_slice %arg3[%mul3A_90] : memref<6553600xi32, #tpu.memory_space<hbm>> -> memref<1024xi32, #tpu.memory_space<hbm>>
      %dma_wait3A_94 = tpu.memref_slice %arg3[%mul3A_90] : memref<6553600xi32, #tpu.memory_space<hbm>> -> memref<1024xi32, #tpu.memory_space<hbm>>
      tpu.wait_dma2 semaphore(%arg26 : memref<!tpu.dma_semaphore, #tpu.memory_space<semaphore_mem>>) src(%dma_wait3A_94 : memref<1024xi32, #tpu.memory_space<hbm>>) dst(%arg17 : memref<1024xi32, #tpu.memory_space<vmem>>)
      %scan3A_95 = arith.constant 0 : i32
      %scan3A_96 = arith.constant 0 : i32
      %scan3A_97 = arith.constant 64 : i32
      %scan3A_98 = arith.addi %scan3A_96, %scan3A_97 : i32
      %scan3A_99 = arith.constant 1 : i32
      %scan3A_100 = scf.for %scan3A_210 = %scan3A_96 to %scan3A_98 step %scan3A_99 iter_args(%scan3A_211 = %scan3A_95) -> (i32)  : i32 {
        %mul3A_212 = arith.constant 16 : i32
        %mul3A_213 = arith.muli %scan3A_210, %mul3A_212 : i32
        %get3A = arith.index_cast %mul3A_213 : i32 to index
        %get3A_214 = tpu.vector_load %arg13[%get3A] {strides = array<i32>} : memref<1024xi32, #tpu.memory_space<vmem>>, vector<16xi32>,
        %gather3A = tpu.vector_load_idx %arg8[%get3A_214] : memref<100000xf32, #tpu.memory_space<vmem>>[vector<16xi32>], vector<16xf32>,
        %swap3A = arith.index_cast %mul3A_213 : i32 to index
        %swap3A_215 = tpu.vector_load %arg21[%swap3A] {strides = array<i32>} : memref<1024xf32, #tpu.memory_space<vmem>>, vector<16xf32>,
        %swap3A_216 = vector.shape_cast %swap3A_215 : vector<16xf32> to vector<16xf32>
        %swap3A_217 = vector.shape_cast %gather3A : vector<16xf32> to vector<16xf32>
        tpu.vector_store %arg21[%swap3A], %swap3A_217 {strides = array<i32>} : memref<1024xf32, #tpu.memory_space<vmem>>, vector<16xf32>,
        %scan3A_218 = arith.constant 0 : i32
        scf.yield %scan3A_218 : i32
      }
      %scan3A_101 = arith.constant 64 : i32
      %dma_start3A_102 = arith.constant 0 : i32
      %dma_start3A_103 = tpu.memref_slice %arg7[%dma_start3A_102] : memref<100352xf32, #tpu.memory_space<vmem_shared>> -> memref<100352xf32, #tpu.memory_space<vmem_shared>>
      tpu.enqueue_indirect_dma source(%arg21 : memref<1024xf32, #tpu.memory_space<vmem>>) target(%dma_start3A_103 : memref<100352xf32, #tpu.memory_space<vmem_shared>>) offsets(%arg17 : memref<1024xi32, #tpu.memory_space<vmem>>) semaphore(%arg30 : memref<!tpu.dma_semaphore, #tpu.memory_space<semaphore_mem>>) {add = true}
      %mul3A_104 = arith.constant 4 : i32
      %mul3A_105 = arith.muli %mul3A_104, %scan3A_72 : i32
      %add3A_106 = arith.constant 1 : i32
      %add3A_107 = arith.addi %mul3A_105, %add3A_106 : i32
      %ge3A_108 = arith.constant 3 : i32
      %ge3A_109 = arith.cmpi sge, %add3A_107, %ge3A_108 : i32
      %convert_element_type3A_110 = arith.extui %ge3A_109 : i1 to i32
      %cond3A_111 = arith.constant 0 : i32
      %cond3A_112 = arith.cmpi ne, %convert_element_type3A_110, %cond3A_111 : i32
      scf.if %cond3A_112 {
        %dma_wait3A_210 = arith.constant 0 : i32
        %dma_wait3A_211 = tpu.memref_slice %arg7[%dma_wait3A_210] : memref<100352xf32, #tpu.memory_space<vmem_shared>> -> memref<100352xf32, #tpu.memory_space<vmem_shared>>
        tpu.wait_indirect_dma semaphore(%arg32 : memref<!tpu.dma_semaphore, #tpu.memory_space<semaphore_mem>>) src(%arg23 : memref<1024xf32, #tpu.memory_space<vmem>>) dst(%dma_wait3A_211 : memref<100352xf32, #tpu.memory_space<vmem_shared>>)
      } else {
      }
      %add3A_113 = arith.constant 1 : i32
      %add3A_114 = arith.addi %add3A_107, %add3A_113 : i32
      %ge3A_115 = arith.constant 4 : i32
      %ge3A_116 = arith.cmpi sge, %add3A_114, %ge3A_115 : i32
      %lt3A_117 = arith.constant 200 : i32
      %lt3A_118 = arith.cmpi slt, %add3A_114, %lt3A_117 : i32
      %and3A_119 = arith.andi %ge3A_116, %lt3A_118 : i1
      %convert_element_type3A_120 = arith.extui %and3A_119 : i1 to i32
      %cond3A_121 = arith.constant 0 : i32
      %cond3A_122 = arith.cmpi ne, %convert_element_type3A_120, %cond3A_121 : i32
      scf.if %cond3A_122 {
        %add3A_210 = arith.addi %mul3A_24, %add3A_114 : i32
        %mul3A_211 = arith.constant 1024 : i32
        %mul3A_212 = arith.muli %add3A_210, %mul3A_211 : i32
        %dma_start3A_213 = tpu.memref_slice %arg2[%mul3A_212] : memref<6553600xi32, #tpu.memory_space<hbm>> -> memref<1024xi32, #tpu.memory_space<hbm>>
        %dma_start3A_214 = tpu.memref_slice %arg2[%mul3A_212] : memref<6553600xi32, #tpu.memory_space<hbm>> -> memref<1024xi32, #tpu.memory_space<hbm>>
        tpu.enqueue_dma source(%dma_start3A_214 : memref<1024xi32, #tpu.memory_space<hbm>>) target(%arg15 : memref<1024xi32, #tpu.memory_space<vmem>>) target_semaphore(%arg28 : memref<!tpu.dma_semaphore, #tpu.memory_space<semaphore_mem>>)
        %dma_start3A_215 = tpu.memref_slice %arg3[%mul3A_212] : memref<6553600xi32, #tpu.memory_space<hbm>> -> memref<1024xi32, #tpu.memory_space<hbm>>
        %dma_start3A_216 = tpu.memref_slice %arg3[%mul3A_212] : memref<6553600xi32, #tpu.memory_space<hbm>> -> memref<1024xi32, #tpu.memory_space<hbm>>
        tpu.enqueue_dma source(%dma_start3A_216 : memref<1024xi32, #tpu.memory_space<hbm>>) target(%arg19 : memref<1024xi32, #tpu.memory_space<vmem>>) target_semaphore(%arg28 : memref<!tpu.dma_semaphore, #tpu.memory_space<semaphore_mem>>)
      } else {
      }
      %add3A_123 = arith.addi %mul3A_24, %add3A_107 : i32
      %mul3A_124 = arith.constant 1024 : i32
      %mul3A_125 = arith.muli %add3A_123, %mul3A_124 : i32
      %dma_wait3A_126 = tpu.memref_slice %arg2[%mul3A_125] : memref<6553600xi32, #tpu.memory_space<hbm>> -> memref<1024xi32, #tpu.memory_space<hbm>>
      %dma_wait3A_127 = tpu.memref_slice %arg2[%mul3A_125] : memref<6553600xi32, #tpu.memory_space<hbm>> -> memref<1024xi32, #tpu.memory_space<hbm>>
      tpu.wait_dma2 semaphore(%arg27 : memref<!tpu.dma_semaphore, #tpu.memory_space<semaphore_mem>>) src(%dma_wait3A_127 : memref<1024xi32, #tpu.memory_space<hbm>>) dst(%arg14 : memref<1024xi32, #tpu.memory_space<vmem>>)
      %dma_wait3A_128 = tpu.memref_slice %arg3[%mul3A_125] : memref<6553600xi32, #tpu.memory_space<hbm>> -> memref<1024xi32, #tpu.memory_space<hbm>>
      %dma_wait3A_129 = tpu.memref_slice %arg3[%mul3A_125] : memref<6553600xi32, #tpu.memory_space<hbm>> -> memref<1024xi32, #tpu.memory_space<hbm>>
      tpu.wait_dma2 semaphore(%arg27 : memref<!tpu.dma_semaphore, #tpu.memory_space<semaphore_mem>>) src(%dma_wait3A_129 : memref<1024xi32, #tpu.memory_space<hbm>>) dst(%arg18 : memref<1024xi32, #tpu.memory_space<vmem>>)
      %scan3A_130 = arith.constant 0 : i32
      %scan3A_131 = arith.constant 0 : i32
      %scan3A_132 = arith.constant 64 : i32
      %scan3A_133 = arith.addi %scan3A_131, %scan3A_132 : i32
      %scan3A_134 = arith.constant 1 : i32
      %scan3A_135 = scf.for %scan3A_210 = %scan3A_131 to %scan3A_133 step %scan3A_134 iter_args(%scan3A_211 = %scan3A_130) -> (i32)  : i32 {
        %mul3A_212 = arith.constant 16 : i32
        %mul3A_213 = arith.muli %scan3A_210, %mul3A_212 : i32
        %get3A = arith.index_cast %mul3A_213 : i32 to index
        %get3A_214 = tpu.vector_load %arg14[%get3A] {strides = array<i32>} : memref<1024xi32, #tpu.memory_space<vmem>>, vector<16xi32>,
        %gather3A = tpu.vector_load_idx %arg8[%get3A_214] : memref<100000xf32, #tpu.memory_space<vmem>>[vector<16xi32>], vector<16xf32>,
        %swap3A = arith.index_cast %mul3A_213 : i32 to index
        %swap3A_215 = tpu.vector_load %arg22[%swap3A] {strides = array<i32>} : memref<1024xf32, #tpu.memory_space<vmem>>, vector<16xf32>,
        %swap3A_216 = vector.shape_cast %swap3A_215 : vector<16xf32> to vector<16xf32>
        %swap3A_217 = vector.shape_cast %gather3A : vector<16xf32> to vector<16xf32>
        tpu.vector_store %arg22[%swap3A], %swap3A_217 {strides = array<i32>} : memref<1024xf32, #tpu.memory_space<vmem>>, vector<16xf32>,
        %scan3A_218 = arith.constant 0 : i32
        scf.yield %scan3A_218 : i32
      }
      %scan3A_136 = arith.constant 64 : i32
      %dma_start3A_137 = arith.constant 0 : i32
      %dma_start3A_138 = tpu.memref_slice %arg7[%dma_start3A_137] : memref<100352xf32, #tpu.memory_space<vmem_shared>> -> memref<100352xf32, #tpu.memory_space<vmem_shared>>
      tpu.enqueue_indirect_dma source(%arg22 : memref<1024xf32, #tpu.memory_space<vmem>>) target(%dma_start3A_138 : memref<100352xf32, #tpu.memory_space<vmem_shared>>) offsets(%arg18 : memref<1024xi32, #tpu.memory_space<vmem>>) semaphore(%arg31 : memref<!tpu.dma_semaphore, #tpu.memory_space<semaphore_mem>>) {add = true}
      %mul3A_139 = arith.constant 4 : i32
      %mul3A_140 = arith.muli %mul3A_139, %scan3A_72 : i32
      %add3A_141 = arith.constant 2 : i32
      %add3A_142 = arith.addi %mul3A_140, %add3A_141 : i32
      %ge3A_143 = arith.constant 3 : i32
      %ge3A_144 = arith.cmpi sge, %add3A_142, %ge3A_143 : i32
      %convert_element_type3A_145 = arith.extui %ge3A_144 : i1 to i32
      %cond3A_146 = arith.constant 0 : i32
      %cond3A_147 = arith.cmpi ne, %convert_element_type3A_145, %cond3A_146 : i32
      scf.if %cond3A_147 {
        %dma_wait3A_210 = arith.constant 0 : i32
        %dma_wait3A_211 = tpu.memref_slice %arg7[%dma_wait3A_210] : memref<100352xf32, #tpu.memory_space<vmem_shared>> -> memref<100352xf32, #tpu.memory_space<vmem_shared>>
        tpu.wait_indirect_dma semaphore(%arg33 : memref<!tpu.dma_semaphore, #tpu.memory_space<semaphore_mem>>) src(%arg24 : memref<1024xf32, #tpu.memory_space<vmem>>) dst(%dma_wait3A_211 : memref<100352xf32, #tpu.memory_space<vmem_shared>>)
      } else {
      }
      %add3A_148 = arith.constant 1 : i32
      %add3A_149 = arith.addi %add3A_142, %add3A_148 : i32
      %ge3A_150 = arith.constant 4 : i32
      %ge3A_151 = arith.cmpi sge, %add3A_149, %ge3A_150 : i32
      %lt3A_152 = arith.constant 200 : i32
      %lt3A_153 = arith.cmpi slt, %add3A_149, %lt3A_152 : i32
      %and3A_154 = arith.andi %ge3A_151, %lt3A_153 : i1
      %convert_element_type3A_155 = arith.extui %and3A_154 : i1 to i32
      %cond3A_156 = arith.constant 0 : i32
      %cond3A_157 = arith.cmpi ne, %convert_element_type3A_155, %cond3A_156 : i32
      scf.if %cond3A_157 {
        %add3A_210 = arith.addi %mul3A_24, %add3A_149 : i32
        %mul3A_211 = arith.constant 1024 : i32
        %mul3A_212 = arith.muli %add3A_210, %mul3A_211 : i32
        %dma_start3A_213 = tpu.memref_slice %arg2[%mul3A_212] : memref<6553600xi32, #tpu.memory_space<hbm>> -> memref<1024xi32, #tpu.memory_space<hbm>>
        %dma_start3A_214 = tpu.memref_slice %arg2[%mul3A_212] : memref<6553600xi32, #tpu.memory_space<hbm>> -> memref<1024xi32, #tpu.memory_space<hbm>>
        tpu.enqueue_dma source(%dma_start3A_214 : memref<1024xi32, #tpu.memory_space<hbm>>) target(%arg16 : memref<1024xi32, #tpu.memory_space<vmem>>) target_semaphore(%arg29 : memref<!tpu.dma_semaphore, #tpu.memory_space<semaphore_mem>>)
        %dma_start3A_215 = tpu.memref_slice %arg3[%mul3A_212] : memref<6553600xi32, #tpu.memory_space<hbm>> -> memref<1024xi32, #tpu.memory_space<hbm>>
        %dma_start3A_216 = tpu.memref_slice %arg3[%mul3A_212] : memref<6553600xi32, #tpu.memory_space<hbm>> -> memref<1024xi32, #tpu.memory_space<hbm>>
        tpu.enqueue_dma source(%dma_start3A_216 : memref<1024xi32, #tpu.memory_space<hbm>>) target(%arg20 : memref<1024xi32, #tpu.memory_space<vmem>>) target_semaphore(%arg29 : memref<!tpu.dma_semaphore, #tpu.memory_space<semaphore_mem>>)
      } else {
      }
      %add3A_158 = arith.addi %mul3A_24, %add3A_142 : i32
      %mul3A_159 = arith.constant 1024 : i32
      %mul3A_160 = arith.muli %add3A_158, %mul3A_159 : i32
      %dma_wait3A_161 = tpu.memref_slice %arg2[%mul3A_160] : memref<6553600xi32, #tpu.memory_space<hbm>> -> memref<1024xi32, #tpu.memory_space<hbm>>
      %dma_wait3A_162 = tpu.memref_slice %arg2[%mul3A_160] : memref<6553600xi32, #tpu.memory_space<hbm>> -> memref<1024xi32, #tpu.memory_space<hbm>>
      tpu.wait_dma2 semaphore(%arg28 : memref<!tpu.dma_semaphore, #tpu.memory_space<semaphore_mem>>) src(%dma_wait3A_162 : memref<1024xi32, #tpu.memory_space<hbm>>) dst(%arg15 : memref<1024xi32, #tpu.memory_space<vmem>>)
      %dma_wait3A_163 = tpu.memref_slice %arg3[%mul3A_160] : memref<6553600xi32, #tpu.memory_space<hbm>> -> memref<1024xi32, #tpu.memory_space<hbm>>
      %dma_wait3A_164 = tpu.memref_slice %arg3[%mul3A_160] : memref<6553600xi32, #tpu.memory_space<hbm>> -> memref<1024xi32, #tpu.memory_space<hbm>>
      tpu.wait_dma2 semaphore(%arg28 : memref<!tpu.dma_semaphore, #tpu.memory_space<semaphore_mem>>) src(%dma_wait3A_164 : memref<1024xi32, #tpu.memory_space<hbm>>) dst(%arg19 : memref<1024xi32, #tpu.memory_space<vmem>>)
      %scan3A_165 = arith.constant 0 : i32
      %scan3A_166 = arith.constant 0 : i32
      %scan3A_167 = arith.constant 64 : i32
      %scan3A_168 = arith.addi %scan3A_166, %scan3A_167 : i32
      %scan3A_169 = arith.constant 1 : i32
      %scan3A_170 = scf.for %scan3A_210 = %scan3A_166 to %scan3A_168 step %scan3A_169 iter_args(%scan3A_211 = %scan3A_165) -> (i32)  : i32 {
        %mul3A_212 = arith.constant 16 : i32
        %mul3A_213 = arith.muli %scan3A_210, %mul3A_212 : i32
        %get3A = arith.index_cast %mul3A_213 : i32 to index
        %get3A_214 = tpu.vector_load %arg15[%get3A] {strides = array<i32>} : memref<1024xi32, #tpu.memory_space<vmem>>, vector<16xi32>,
        %gather3A = tpu.vector_load_idx %arg8[%get3A_214] : memref<100000xf32, #tpu.memory_space<vmem>>[vector<16xi32>], vector<16xf32>,
        %swap3A = arith.index_cast %mul3A_213 : i32 to index
        %swap3A_215 = tpu.vector_load %arg23[%swap3A] {strides = array<i32>} : memref<1024xf32, #tpu.memory_space<vmem>>, vector<16xf32>,
        %swap3A_216 = vector.shape_cast %swap3A_215 : vector<16xf32> to vector<16xf32>
        %swap3A_217 = vector.shape_cast %gather3A : vector<16xf32> to vector<16xf32>
        tpu.vector_store %arg23[%swap3A], %swap3A_217 {strides = array<i32>} : memref<1024xf32, #tpu.memory_space<vmem>>, vector<16xf32>,
        %scan3A_218 = arith.constant 0 : i32
        scf.yield %scan3A_218 : i32
      }
      %scan3A_171 = arith.constant 64 : i32
      %dma_start3A_172 = arith.constant 0 : i32
      %dma_start3A_173 = tpu.memref_slice %arg7[%dma_start3A_172] : memref<100352xf32, #tpu.memory_space<vmem_shared>> -> memref<100352xf32, #tpu.memory_space<vmem_shared>>
      tpu.enqueue_indirect_dma source(%arg23 : memref<1024xf32, #tpu.memory_space<vmem>>) target(%dma_start3A_173 : memref<100352xf32, #tpu.memory_space<vmem_shared>>) offsets(%arg19 : memref<1024xi32, #tpu.memory_space<vmem>>) semaphore(%arg32 : memref<!tpu.dma_semaphore, #tpu.memory_space<semaphore_mem>>) {add = true}
      %mul3A_174 = arith.constant 4 : i32
      %mul3A_175 = arith.muli %mul3A_174, %scan3A_72 : i32
      %add3A_176 = arith.constant 3 : i32
      %add3A_177 = arith.addi %mul3A_175, %add3A_176 : i32
      %ge3A_178 = arith.constant 3 : i32
      %ge3A_179 = arith.cmpi sge, %add3A_177, %ge3A_178 : i32
      %convert_element_type3A_180 = arith.extui %ge3A_179 : i1 to i32
      %cond3A_181 = arith.constant 0 : i32
      %cond3A_182 = arith.cmpi ne, %convert_element_type3A_180, %cond3A_181 : i32
      scf.if %cond3A_182 {
        %dma_wait3A_210 = arith.constant 0 : i32
        %dma_wait3A_211 = tpu.memref_slice %arg7[%dma_wait3A_210] : memref<100352xf32, #tpu.memory_space<vmem_shared>> -> memref<100352xf32, #tpu.memory_space<vmem_shared>>
        tpu.wait_indirect_dma semaphore(%arg30 : memref<!tpu.dma_semaphore, #tpu.memory_space<semaphore_mem>>) src(%arg21 : memref<1024xf32, #tpu.memory_space<vmem>>) dst(%dma_wait3A_211 : memref<100352xf32, #tpu.memory_space<vmem_shared>>)
      } else {
      }
      %add3A_183 = arith.constant 1 : i32
      %add3A_184 = arith.addi %add3A_177, %add3A_183 : i32
      %ge3A_185 = arith.constant 4 : i32
      %ge3A_186 = arith.cmpi sge, %add3A_184, %ge3A_185 : i32
      %lt3A_187 = arith.constant 200 : i32
      %lt3A_188 = arith.cmpi slt, %add3A_184, %lt3A_187 : i32
      %and3A_189 = arith.andi %ge3A_186, %lt3A_188 : i1
      %convert_element_type3A_190 = arith.extui %and3A_189 : i1 to i32
      %cond3A_191 = arith.constant 0 : i32
      %cond3A_192 = arith.cmpi ne, %convert_element_type3A_190, %cond3A_191 : i32
      scf.if %cond3A_192 {
        %add3A_210 = arith.addi %mul3A_24, %add3A_184 : i32
        %mul3A_211 = arith.constant 1024 : i32
        %mul3A_212 = arith.muli %add3A_210, %mul3A_211 : i32
        %dma_start3A_213 = tpu.memref_slice %arg2[%mul3A_212] : memref<6553600xi32, #tpu.memory_space<hbm>> -> memref<1024xi32, #tpu.memory_space<hbm>>
        %dma_start3A_214 = tpu.memref_slice %arg2[%mul3A_212] : memref<6553600xi32, #tpu.memory_space<hbm>> -> memref<1024xi32, #tpu.memory_space<hbm>>
        tpu.enqueue_dma source(%dma_start3A_214 : memref<1024xi32, #tpu.memory_space<hbm>>) target(%arg13 : memref<1024xi32, #tpu.memory_space<vmem>>) target_semaphore(%arg26 : memref<!tpu.dma_semaphore, #tpu.memory_space<semaphore_mem>>)
        %dma_start3A_215 = tpu.memref_slice %arg3[%mul3A_212] : memref<6553600xi32, #tpu.memory_space<hbm>> -> memref<1024xi32, #tpu.memory_space<hbm>>
        %dma_start3A_216 = tpu.memref_slice %arg3[%mul3A_212] : memref<6553600xi32, #tpu.memory_space<hbm>> -> memref<1024xi32, #tpu.memory_space<hbm>>
        tpu.enqueue_dma source(%dma_start3A_216 : memref<1024xi32, #tpu.memory_space<hbm>>) target(%arg17 : memref<1024xi32, #tpu.memory_space<vmem>>) target_semaphore(%arg26 : memref<!tpu.dma_semaphore, #tpu.memory_space<semaphore_mem>>)
      } else {
      }
      %add3A_193 = arith.addi %mul3A_24, %add3A_177 : i32
      %mul3A_194 = arith.constant 1024 : i32
      %mul3A_195 = arith.muli %add3A_193, %mul3A_194 : i32
      %dma_wait3A_196 = tpu.memref_slice %arg2[%mul3A_195] : memref<6553600xi32, #tpu.memory_space<hbm>> -> memref<1024xi32, #tpu.memory_space<hbm>>
      %dma_wait3A_197 = tpu.memref_slice %arg2[%mul3A_195] : memref<6553600xi32, #tpu.memory_space<hbm>> -> memref<1024xi32, #tpu.memory_space<hbm>>
      tpu.wait_dma2 semaphore(%arg29 : memref<!tpu.dma_semaphore, #tpu.memory_space<semaphore_mem>>) src(%dma_wait3A_197 : memref<1024xi32, #tpu.memory_space<hbm>>) dst(%arg16 : memref<1024xi32, #tpu.memory_space<vmem>>)
      %dma_wait3A_198 = tpu.memref_slice %arg3[%mul3A_195] : memref<6553600xi32, #tpu.memory_space<hbm>> -> memref<1024xi32, #tpu.memory_space<hbm>>
      %dma_wait3A_199 = tpu.memref_slice %arg3[%mul3A_195] : memref<6553600xi32, #tpu.memory_space<hbm>> -> memref<1024xi32, #tpu.memory_space<hbm>>
      tpu.wait_dma2 semaphore(%arg29 : memref<!tpu.dma_semaphore, #tpu.memory_space<semaphore_mem>>) src(%dma_wait3A_199 : memref<1024xi32, #tpu.memory_space<hbm>>) dst(%arg20 : memref<1024xi32, #tpu.memory_space<vmem>>)
      %scan3A_200 = arith.constant 0 : i32
      %scan3A_201 = arith.constant 0 : i32
      %scan3A_202 = arith.constant 64 : i32
      %scan3A_203 = arith.addi %scan3A_201, %scan3A_202 : i32
      %scan3A_204 = arith.constant 1 : i32
      %scan3A_205 = scf.for %scan3A_210 = %scan3A_201 to %scan3A_203 step %scan3A_204 iter_args(%scan3A_211 = %scan3A_200) -> (i32)  : i32 {
        %mul3A_212 = arith.constant 16 : i32
        %mul3A_213 = arith.muli %scan3A_210, %mul3A_212 : i32
        %get3A = arith.index_cast %mul3A_213 : i32 to index
        %get3A_214 = tpu.vector_load %arg16[%get3A] {strides = array<i32>} : memref<1024xi32, #tpu.memory_space<vmem>>, vector<16xi32>,
        %gather3A = tpu.vector_load_idx %arg8[%get3A_214] : memref<100000xf32, #tpu.memory_space<vmem>>[vector<16xi32>], vector<16xf32>,
        %swap3A = arith.index_cast %mul3A_213 : i32 to index
        %swap3A_215 = tpu.vector_load %arg24[%swap3A] {strides = array<i32>} : memref<1024xf32, #tpu.memory_space<vmem>>, vector<16xf32>,
        %swap3A_216 = vector.shape_cast %swap3A_215 : vector<16xf32> to vector<16xf32>
        %swap3A_217 = vector.shape_cast %gather3A : vector<16xf32> to vector<16xf32>
        tpu.vector_store %arg24[%swap3A], %swap3A_217 {strides = array<i32>} : memref<1024xf32, #tpu.memory_space<vmem>>, vector<16xf32>,
        %scan3A_218 = arith.constant 0 : i32
        scf.yield %scan3A_218 : i32
      }
      %scan3A_206 = arith.constant 64 : i32
      %dma_start3A_207 = arith.constant 0 : i32
      %dma_start3A_208 = tpu.memref_slice %arg7[%dma_start3A_207] : memref<100352xf32, #tpu.memory_space<vmem_shared>> -> memref<100352xf32, #tpu.memory_space<vmem_shared>>
      tpu.enqueue_indirect_dma source(%arg24 : memref<1024xf32, #tpu.memory_space<vmem>>) target(%dma_start3A_208 : memref<100352xf32, #tpu.memory_space<vmem_shared>>) offsets(%arg20 : memref<1024xi32, #tpu.memory_space<vmem>>) semaphore(%arg33 : memref<!tpu.dma_semaphore, #tpu.memory_space<semaphore_mem>>) {add = true}
      %scan3A_209 = arith.constant 0 : i32
      scf.yield %scan3A_209 : i32
    }
    %scan3A_62 = arith.constant 50 : i32
    %dma_wait3A = arith.constant 0 : i32
    %dma_wait3A_63 = tpu.memref_slice %arg7[%dma_wait3A] : memref<100352xf32, #tpu.memory_space<vmem_shared>> -> memref<100352xf32, #tpu.memory_space<vmem_shared>>
    tpu.wait_indirect_dma semaphore(%arg31 : memref<!tpu.dma_semaphore, #tpu.memory_space<semaphore_mem>>) src(%arg22 : memref<1024xf32, #tpu.memory_space<vmem>>) dst(%dma_wait3A_63 : memref<100352xf32, #tpu.memory_space<vmem_shared>>)
    %dma_wait3A_64 = arith.constant 0 : i32
    %dma_wait3A_65 = tpu.memref_slice %arg7[%dma_wait3A_64] : memref<100352xf32, #tpu.memory_space<vmem_shared>> -> memref<100352xf32, #tpu.memory_space<vmem_shared>>
    tpu.wait_indirect_dma semaphore(%arg32 : memref<!tpu.dma_semaphore, #tpu.memory_space<semaphore_mem>>) src(%arg23 : memref<1024xf32, #tpu.memory_space<vmem>>) dst(%dma_wait3A_65 : memref<100352xf32, #tpu.memory_space<vmem_shared>>)
    %dma_wait3A_66 = arith.constant 0 : i32
    %dma_wait3A_67 = tpu.memref_slice %arg7[%dma_wait3A_66] : memref<100352xf32, #tpu.memory_space<vmem_shared>> -> memref<100352xf32, #tpu.memory_space<vmem_shared>>
    tpu.wait_indirect_dma semaphore(%arg33 : memref<!tpu.dma_semaphore, #tpu.memory_space<semaphore_mem>>) src(%arg24 : memref<1024xf32, #tpu.memory_space<vmem>>) dst(%dma_wait3A_67 : memref<100352xf32, #tpu.memory_space<vmem_shared>>)
    %barrier3A_68 = arith.constant 0 : index
    tpu.barrier barrier_id(%barrier3A_68)
    %mul3A_69 = arith.constant 100352 : i32
    %mul3A_70 = arith.muli %arg0, %mul3A_69 : i32
    %add3A_71 = arith.addi %mul3A_70, %mul3A_0 : i32
    "tpu.region"() ({
      %run_scoped3A = tpu.sem_alloc : memref<!tpu.dma_semaphore, #tpu.memory_space<semaphore_mem>>
      %dma_start3A_72 = tpu.memref_slice %arg5[%add3A_71] : memref<200704xf32, #tpu.memory_space<hbm>> -> memref<6272xf32, #tpu.memory_space<hbm>>
      %dma_start3A_73 = tpu.memref_slice %arg7[%mul3A_0] : memref<100352xf32, #tpu.memory_space<vmem_shared>> -> memref<6272xf32, #tpu.memory_space<vmem_shared>>
      tpu.enqueue_dma source(%dma_start3A_73 : memref<6272xf32, #tpu.memory_space<vmem_shared>>) target(%dma_start3A_72 : memref<6272xf32, #tpu.memory_space<hbm>>) target_semaphore(%run_scoped3A : memref<!tpu.dma_semaphore, #tpu.memory_space<semaphore_mem>>)
      %dma_wait3A_74 = tpu.memref_slice %arg5[%add3A_71] : memref<200704xf32, #tpu.memory_space<hbm>> -> memref<6272xf32, #tpu.memory_space<hbm>>
      %dma_wait3A_75 = tpu.memref_slice %arg7[%mul3A_0] : memref<100352xf32, #tpu.memory_space<vmem_shared>> -> memref<6272xf32, #tpu.memory_space<vmem_shared>>
      tpu.wait_dma2 semaphore(%run_scoped3A : memref<!tpu.dma_semaphore, #tpu.memory_space<semaphore_mem>>) src(%dma_wait3A_75 : memref<6272xf32, #tpu.memory_space<vmem_shared>>) dst(%dma_wait3A_74 : memref<6272xf32, #tpu.memory_space<hbm>>)
      tpu.yield
    }) : () -> ()
    return
  }
}

#map = affine_map<(d0, d1) -> (0)>
#map1 = affine_map<(d0, d1) -> (0, 0)>
module attributes {stable_mosaic.version = 14 : i64} {
  func.func @_layer_body(%arg0: i32, %arg1: i32, %arg2: memref<6553600xi32, #tpu.memory_space<hbm>>, %arg3: memref<6553600xi32, #tpu.memory_space<hbm>>, %arg4: memref<200704xf32, #tpu.memory_space<hbm>>, %arg5: memref<100352xf32, #tpu.memory_space<hbm>>, %arg6: memref<100352xf32, #tpu.memory_space<hbm>>, %arg7: memref<100352xf32, #tpu.memory_space<hbm>>, %arg8: memref<16x16xf32, #tpu.memory_space<hbm>>, %arg9: memref<200704xf32, #tpu.memory_space<hbm>>, %arg10: memref<100352xf32, #tpu.memory_space<vmem_shared>>, %arg11: memref<100352xf32, #tpu.memory_space<vmem_shared>>, %arg12: memref<100000xf32, #tpu.memory_space<vmem>>, %arg13: memref<896xf32, #tpu.memory_space<vmem>>, %arg14: memref<896xf32, #tpu.memory_space<vmem>>, %arg15: memref<896xf32, #tpu.memory_space<vmem>>, %arg16: memref<896xf32, #tpu.memory_space<vmem>>, %arg17: memref<1024xi32, #tpu.memory_space<vmem>>, %arg18: memref<1024xi32, #tpu.memory_space<vmem>>, %arg19: memref<1024xi32, #tpu.memory_space<vmem>>, %arg20: memref<1024xi32, #tpu.memory_space<vmem>>, %arg21: memref<1024xi32, #tpu.memory_space<vmem>>, %arg22: memref<1024xi32, #tpu.memory_space<vmem>>, %arg23: memref<1024xi32, #tpu.memory_space<vmem>>, %arg24: memref<1024xi32, #tpu.memory_space<vmem>>, %arg25: memref<1024xf32, #tpu.memory_space<vmem>>, %arg26: memref<1024xf32, #tpu.memory_space<vmem>>, %arg27: memref<1024xf32, #tpu.memory_space<vmem>>, %arg28: memref<1024xf32, #tpu.memory_space<vmem>>, %arg29: memref<16xf32, #tpu.memory_space<vmem>>, %arg30: memref<!tpu.dma_semaphore, #tpu.memory_space<semaphore_mem>>, %arg31: memref<!tpu.dma_semaphore, #tpu.memory_space<semaphore_mem>>, %arg32: memref<!tpu.dma_semaphore, #tpu.memory_space<semaphore_mem>>, %arg33: memref<!tpu.dma_semaphore, #tpu.memory_space<semaphore_mem>>, %arg34: memref<!tpu.dma_semaphore, #tpu.memory_space<semaphore_mem>>, %arg35: memref<!tpu.dma_semaphore, #tpu.memory_space<semaphore_mem>>, %arg36: memref<!tpu.dma_semaphore, #tpu.memory_space<semaphore_mem>>, %arg37: memref<!tpu.dma_semaphore, #tpu.memory_space<semaphore_mem>>, %arg38: memref<!tpu.dma_semaphore, #tpu.memory_space<semaphore_mem>>) attributes {dimension_semantics = [#tpu.dimension_semantics<core_parallel>, #tpu.dimension_semantics<subcore_parallel>], iteration_bounds = array<i64: 2, 16>, scalar_prefetch = 0 : i64, scratch_operands = 29 : i64, tpu.core_type = #tpu.core_type<sc_vector_subcore>, window_params = [{transform_indices = #map}, {transform_indices = #map}, {transform_indices = #map}, {transform_indices = #map}, {transform_indices = #map}, {transform_indices = #map}, {transform_indices = #map1}, {transform_indices = #map}]} {
    %mul3A = arith.constant 6272 : i32
    %mul3A_0 = arith.muli %arg1, %mul3A : i32
    %broadcast_in_dim3A = arith.constant 0.000000e+00 : f32
    %broadcast_in_dim3A_1 = vector.broadcast %broadcast_in_dim3A : f32 to vector<16xf32>
    %swap3A = arith.constant 0 : index
    %swap3A_2 = tpu.vector_load %arg29[%swap3A] {strides = array<i32>} : memref<16xf32, #tpu.memory_space<vmem>>, vector<16xf32>,
    tpu.vector_store %arg29[%swap3A], %broadcast_in_dim3A_1 {strides = array<i32>} : memref<16xf32, #tpu.memory_space<vmem>>, vector<16xf32>,
    %scan3A = arith.constant 0 : i32
    %scan3A_3 = arith.constant 0 : i32
    %scan3A_4 = arith.constant 7 : i32
    %scan3A_5 = arith.addi %scan3A_3, %scan3A_4 : i32
    %scan3A_6 = arith.constant 1 : i32
    %scan3A_7 = scf.for %scan3A_83 = %scan3A_3 to %scan3A_5 step %scan3A_6 iter_args(%scan3A_84 = %scan3A) -> (i32)  : i32 {
      %mul3A_85 = arith.constant 896 : i32
      %mul3A_86 = arith.muli %scan3A_83, %mul3A_85 : i32
      %add3A_87 = arith.addi %mul3A_0, %mul3A_86 : i32
      %mul3A_88 = arith.constant 896 : i32
      %mul3A_89 = arith.muli %scan3A_83, %mul3A_88 : i32
      %add3A_90 = arith.addi %mul3A_0, %mul3A_89 : i32
      "tpu.region"() ({
        %run_scoped3A = tpu.sem_alloc : memref<!tpu.dma_semaphore, #tpu.memory_space<semaphore_mem>>
        %dma_start3A_109 = tpu.memref_slice %arg4[%add3A_90] : memref<200704xf32, #tpu.memory_space<hbm>> -> memref<896xf32, #tpu.memory_space<hbm>>
        %dma_start3A_110 = tpu.memref_slice %arg4[%add3A_90] : memref<200704xf32, #tpu.memory_space<hbm>> -> memref<896xf32, #tpu.memory_space<hbm>>
        tpu.enqueue_dma source(%dma_start3A_110 : memref<896xf32, #tpu.memory_space<hbm>>) target(%arg13 : memref<896xf32, #tpu.memory_space<vmem>>) target_semaphore(%run_scoped3A : memref<!tpu.dma_semaphore, #tpu.memory_space<semaphore_mem>>)
        %dma_wait3A_111 = tpu.memref_slice %arg4[%add3A_90] : memref<200704xf32, #tpu.memory_space<hbm>> -> memref<896xf32, #tpu.memory_space<hbm>>
        %dma_wait3A_112 = tpu.memref_slice %arg4[%add3A_90] : memref<200704xf32, #tpu.memory_space<hbm>> -> memref<896xf32, #tpu.memory_space<hbm>>
        tpu.wait_dma2 semaphore(%run_scoped3A : memref<!tpu.dma_semaphore, #tpu.memory_space<semaphore_mem>>) src(%dma_wait3A_112 : memref<896xf32, #tpu.memory_space<hbm>>) dst(%arg13 : memref<896xf32, #tpu.memory_space<vmem>>)
        tpu.yield
      }) : () -> ()
      %add3A_91 = arith.constant 100352 : i32
      %add3A_92 = arith.addi %add3A_91, %mul3A_0 : i32
      %mul3A_93 = arith.constant 896 : i32
      %mul3A_94 = arith.muli %scan3A_83, %mul3A_93 : i32
      %add3A_95 = arith.addi %add3A_92, %mul3A_94 : i32
      "tpu.region"() ({
        %run_scoped3A = tpu.sem_alloc : memref<!tpu.dma_semaphore, #tpu.memory_space<semaphore_mem>>
        %dma_start3A_109 = tpu.memref_slice %arg4[%add3A_95] : memref<200704xf32, #tpu.memory_space<hbm>> -> memref<896xf32, #tpu.memory_space<hbm>>
        %dma_start3A_110 = tpu.memref_slice %arg4[%add3A_95] : memref<200704xf32, #tpu.memory_space<hbm>> -> memref<896xf32, #tpu.memory_space<hbm>>
        tpu.enqueue_dma source(%dma_start3A_110 : memref<896xf32, #tpu.memory_space<hbm>>) target(%arg14 : memref<896xf32, #tpu.memory_space<vmem>>) target_semaphore(%run_scoped3A : memref<!tpu.dma_semaphore, #tpu.memory_space<semaphore_mem>>)
        %dma_wait3A_111 = tpu.memref_slice %arg4[%add3A_95] : memref<200704xf32, #tpu.memory_space<hbm>> -> memref<896xf32, #tpu.memory_space<hbm>>
        %dma_wait3A_112 = tpu.memref_slice %arg4[%add3A_95] : memref<200704xf32, #tpu.memory_space<hbm>> -> memref<896xf32, #tpu.memory_space<hbm>>
        tpu.wait_dma2 semaphore(%run_scoped3A : memref<!tpu.dma_semaphore, #tpu.memory_space<semaphore_mem>>) src(%dma_wait3A_112 : memref<896xf32, #tpu.memory_space<hbm>>) dst(%arg14 : memref<896xf32, #tpu.memory_space<vmem>>)
        tpu.yield
      }) : () -> ()
      "tpu.region"() ({
        %run_scoped3A = tpu.sem_alloc : memref<!tpu.dma_semaphore, #tpu.memory_space<semaphore_mem>>
        %dma_start3A_109 = tpu.memref_slice %arg5[%add3A_87] : memref<100352xf32, #tpu.memory_space<hbm>> -> memref<896xf32, #tpu.memory_space<hbm>>
        %dma_start3A_110 = tpu.memref_slice %arg5[%add3A_87] : memref<100352xf32, #tpu.memory_space<hbm>> -> memref<896xf32, #tpu.memory_space<hbm>>
        tpu.enqueue_dma source(%dma_start3A_110 : memref<896xf32, #tpu.memory_space<hbm>>) target(%arg15 : memref<896xf32, #tpu.memory_space<vmem>>) target_semaphore(%run_scoped3A : memref<!tpu.dma_semaphore, #tpu.memory_space<semaphore_mem>>)
        %dma_wait3A_111 = tpu.memref_slice %arg5[%add3A_87] : memref<100352xf32, #tpu.memory_space<hbm>> -> memref<896xf32, #tpu.memory_space<hbm>>
        %dma_wait3A_112 = tpu.memref_slice %arg5[%add3A_87] : memref<100352xf32, #tpu.memory_space<hbm>> -> memref<896xf32, #tpu.memory_space<hbm>>
        tpu.wait_dma2 semaphore(%run_scoped3A : memref<!tpu.dma_semaphore, #tpu.memory_space<semaphore_mem>>) src(%dma_wait3A_112 : memref<896xf32, #tpu.memory_space<hbm>>) dst(%arg15 : memref<896xf32, #tpu.memory_space<vmem>>)
        tpu.yield
      }) : () -> ()
      "tpu.region"() ({
        %run_scoped3A = tpu.sem_alloc : memref<!tpu.dma_semaphore, #tpu.memory_space<semaphore_mem>>
        %dma_start3A_109 = tpu.memref_slice %arg6[%add3A_87] : memref<100352xf32, #tpu.memory_space<hbm>> -> memref<896xf32, #tpu.memory_space<hbm>>
        %dma_start3A_110 = tpu.memref_slice %arg6[%add3A_87] : memref<100352xf32, #tpu.memory_space<hbm>> -> memref<896xf32, #tpu.memory_space<hbm>>
        tpu.enqueue_dma source(%dma_start3A_110 : memref<896xf32, #tpu.memory_space<hbm>>) target(%arg16 : memref<896xf32, #tpu.memory_space<vmem>>) target_semaphore(%run_scoped3A : memref<!tpu.dma_semaphore, #tpu.memory_space<semaphore_mem>>)
        %dma_wait3A_111 = tpu.memref_slice %arg6[%add3A_87] : memref<100352xf32, #tpu.memory_space<hbm>> -> memref<896xf32, #tpu.memory_space<hbm>>
        %dma_wait3A_112 = tpu.memref_slice %arg6[%add3A_87] : memref<100352xf32, #tpu.memory_space<hbm>> -> memref<896xf32, #tpu.memory_space<hbm>>
        tpu.wait_dma2 semaphore(%run_scoped3A : memref<!tpu.dma_semaphore, #tpu.memory_space<semaphore_mem>>) src(%dma_wait3A_112 : memref<896xf32, #tpu.memory_space<hbm>>) dst(%arg16 : memref<896xf32, #tpu.memory_space<vmem>>)
        tpu.yield
      }) : () -> ()
      %scan3A_96 = arith.constant 0 : i32
      %scan3A_97 = arith.constant 0 : i32
      %scan3A_98 = arith.constant 56 : i32
      %scan3A_99 = arith.addi %scan3A_97, %scan3A_98 : i32
      %scan3A_100 = arith.constant 1 : i32
      %scan3A_101 = scf.for %scan3A_109 = %scan3A_97 to %scan3A_99 step %scan3A_100 iter_args(%scan3A_110 = %scan3A_96) -> (i32)  : i32 {
        %mul3A_111 = arith.constant 16 : i32
        %mul3A_112 = arith.muli %scan3A_109, %mul3A_111 : i32
        %get3A = arith.index_cast %mul3A_112 : i32 to index
        %get3A_113 = tpu.vector_load %arg16[%get3A] {strides = array<i32>} : memref<896xf32, #tpu.memory_space<vmem>>, vector<16xf32>,
        %get3A_114 = arith.index_cast %mul3A_112 : i32 to index
        %get3A_115 = tpu.vector_load %arg13[%get3A_114] {strides = array<i32>} : memref<896xf32, #tpu.memory_space<vmem>>, vector<16xf32>,
        %get3A_116 = arith.index_cast %mul3A_112 : i32 to index
        %get3A_117 = tpu.vector_load %arg14[%get3A_116] {strides = array<i32>} : memref<896xf32, #tpu.memory_space<vmem>>, vector<16xf32>,
        %add3A_118 = arith.addf %get3A_115, %get3A_117 : vector<16xf32>
        %get3A_119 = arith.index_cast %mul3A_112 : i32 to index
        %get3A_120 = tpu.vector_load %arg15[%get3A_119] {strides = array<i32>} : memref<896xf32, #tpu.memory_space<vmem>>, vector<16xf32>,
        %add3A_121 = arith.addf %add3A_118, %get3A_120 : vector<16xf32>
        %mul3A_122 = arith.mulf %get3A_113, %add3A_121 : vector<16xf32>
        %get3A_123 = arith.constant 0 : index
        %get3A_124 = tpu.vector_load %arg29[%get3A_123] {strides = array<i32>} : memref<16xf32, #tpu.memory_space<vmem>>, vector<16xf32>,
        %mul3A_125 = arith.mulf %mul3A_122, %mul3A_122 : vector<16xf32>
        %add3A_126 = arith.addf %get3A_124, %mul3A_125 : vector<16xf32>
        %swap3A_127 = arith.constant 0 : index
        %swap3A_128 = tpu.vector_load %arg29[%swap3A_127] {strides = array<i32>} : memref<16xf32, #tpu.memory_space<vmem>>, vector<16xf32>,
        tpu.vector_store %arg29[%swap3A_127], %add3A_126 {strides = array<i32>} : memref<16xf32, #tpu.memory_space<vmem>>, vector<16xf32>,
        %mul3A_129 = arith.mulf %get3A_113, %mul3A_122 : vector<16xf32>
        %swap3A_130 = arith.index_cast %mul3A_112 : i32 to index
        %swap3A_131 = tpu.vector_load %arg16[%swap3A_130] {strides = array<i32>} : memref<896xf32, #tpu.memory_space<vmem>>, vector<16xf32>,
        tpu.vector_store %arg16[%swap3A_130], %mul3A_129 {strides = array<i32>} : memref<896xf32, #tpu.memory_space<vmem>>, vector<16xf32>,
        %scan3A_132 = arith.constant 0 : i32
        scf.yield %scan3A_132 : i32
      }
      %scan3A_102 = arith.constant 56 : i32
      "tpu.region"() ({
        %run_scoped3A = tpu.sem_alloc : memref<!tpu.dma_semaphore, #tpu.memory_space<semaphore_mem>>
        %dma_start3A_109 = tpu.memref_slice %arg10[%add3A_87] : memref<100352xf32, #tpu.memory_space<vmem_shared>> -> memref<896xf32, #tpu.memory_space<vmem_shared>>
        %dma_start3A_110 = tpu.memref_slice %arg10[%add3A_87] : memref<100352xf32, #tpu.memory_space<vmem_shared>> -> memref<896xf32, #tpu.memory_space<vmem_shared>>
        tpu.enqueue_dma source(%arg16 : memref<896xf32, #tpu.memory_space<vmem>>) target(%dma_start3A_110 : memref<896xf32, #tpu.memory_space<vmem_shared>>) target_semaphore(%run_scoped3A : memref<!tpu.dma_semaphore, #tpu.memory_space<semaphore_mem>>)
        %dma_wait3A_111 = tpu.memref_slice %arg10[%add3A_87] : memref<100352xf32, #tpu.memory_space<vmem_shared>> -> memref<896xf32, #tpu.memory_space<vmem_shared>>
        %dma_wait3A_112 = tpu.memref_slice %arg10[%add3A_87] : memref<100352xf32, #tpu.memory_space<vmem_shared>> -> memref<896xf32, #tpu.memory_space<vmem_shared>>
        tpu.wait_dma2 semaphore(%run_scoped3A : memref<!tpu.dma_semaphore, #tpu.memory_space<semaphore_mem>>) src(%arg16 : memref<896xf32, #tpu.memory_space<vmem>>) dst(%dma_wait3A_112 : memref<896xf32, #tpu.memory_space<vmem_shared>>)
        tpu.yield
      }) : () -> ()
      %eq3A_103 = arith.constant 0 : i32
      %eq3A_104 = arith.cmpi eq, %arg0, %eq3A_103 : i32
      %convert_element_type3A_105 = arith.extui %eq3A_104 : i1 to i32
      %cond3A_106 = arith.constant 0 : i32
      %cond3A_107 = arith.cmpi ne, %convert_element_type3A_105, %cond3A_106 : i32
      scf.if %cond3A_107 {
        "tpu.region"() ({
          %run_scoped3A = tpu.sem_alloc : memref<!tpu.dma_semaphore, #tpu.memory_space<semaphore_mem>>
          %dma_start3A_109 = tpu.memref_slice %arg7[%add3A_87] : memref<100352xf32, #tpu.memory_space<hbm>> -> memref<896xf32, #tpu.memory_space<hbm>>
          %dma_start3A_110 = tpu.memref_slice %arg7[%add3A_87] : memref<100352xf32, #tpu.memory_space<hbm>> -> memref<896xf32, #tpu.memory_space<hbm>>
          tpu.enqueue_dma source(%arg16 : memref<896xf32, #tpu.memory_space<vmem>>) target(%dma_start3A_110 : memref<896xf32, #tpu.memory_space<hbm>>) target_semaphore(%run_scoped3A : memref<!tpu.dma_semaphore, #tpu.memory_space<semaphore_mem>>)
          %dma_wait3A_111 = tpu.memref_slice %arg7[%add3A_87] : memref<100352xf32, #tpu.memory_space<hbm>> -> memref<896xf32, #tpu.memory_space<hbm>>
          %dma_wait3A_112 = tpu.memref_slice %arg7[%add3A_87] : memref<100352xf32, #tpu.memory_space<hbm>> -> memref<896xf32, #tpu.memory_space<hbm>>
          tpu.wait_dma2 semaphore(%run_scoped3A : memref<!tpu.dma_semaphore, #tpu.memory_space<semaphore_mem>>) src(%arg16 : memref<896xf32, #tpu.memory_space<vmem>>) dst(%dma_wait3A_112 : memref<896xf32, #tpu.memory_space<hbm>>)
          tpu.yield
        }) : () -> ()
      } else {
      }
      %scan3A_108 = arith.constant 0 : i32
      scf.yield %scan3A_108 : i32
    }
    %scan3A_8 = arith.constant 7 : i32
    %eq3A = arith.constant 0 : i32
    %eq3A_9 = arith.cmpi eq, %arg0, %eq3A : i32
    %convert_element_type3A = arith.extui %eq3A_9 : i1 to i32
    %cond3A = arith.constant 0 : i32
    %cond3A_10 = arith.cmpi ne, %convert_element_type3A, %cond3A : i32
    scf.if %cond3A_10 {
      "tpu.region"() ({
        %run_scoped3A = tpu.sem_alloc : memref<!tpu.dma_semaphore, #tpu.memory_space<semaphore_mem>>
        %dma_start3A_83 = arith.constant 0 : i32
        %dma_start3A_84 = tpu.memref_slice %arg8[%arg1, %dma_start3A_83] : memref<16x16xf32, #tpu.memory_space<hbm>> -> memref<1x16xf32, #tpu.memory_space<hbm>>
        %dma_start3A_85 = tpu.memref_squeeze %dma_start3A_84 : memref<1x16xf32, #tpu.memory_space<hbm>> -> memref<16xf32, #tpu.memory_space<hbm>>
        %dma_start3A_86 = arith.constant 0 : i32
        %dma_start3A_87 = tpu.memref_slice %arg8[%arg1, %dma_start3A_86] : memref<16x16xf32, #tpu.memory_space<hbm>> -> memref<1x16xf32, #tpu.memory_space<hbm>>
        %dma_start3A_88 = tpu.memref_squeeze %dma_start3A_87 : memref<1x16xf32, #tpu.memory_space<hbm>> -> memref<16xf32, #tpu.memory_space<hbm>>
        tpu.enqueue_dma source(%arg29 : memref<16xf32, #tpu.memory_space<vmem>>) target(%dma_start3A_88 : memref<16xf32, #tpu.memory_space<hbm>>) target_semaphore(%run_scoped3A : memref<!tpu.dma_semaphore, #tpu.memory_space<semaphore_mem>>)
        %dma_wait3A_89 = arith.constant 0 : i32
        %dma_wait3A_90 = tpu.memref_slice %arg8[%arg1, %dma_wait3A_89] : memref<16x16xf32, #tpu.memory_space<hbm>> -> memref<1x16xf32, #tpu.memory_space<hbm>>
        %dma_wait3A_91 = tpu.memref_squeeze %dma_wait3A_90 : memref<1x16xf32, #tpu.memory_space<hbm>> -> memref<16xf32, #tpu.memory_space<hbm>>
        %dma_wait3A_92 = arith.constant 0 : i32
        %dma_wait3A_93 = tpu.memref_slice %arg8[%arg1, %dma_wait3A_92] : memref<16x16xf32, #tpu.memory_space<hbm>> -> memref<1x16xf32, #tpu.memory_space<hbm>>
        %dma_wait3A_94 = tpu.memref_squeeze %dma_wait3A_93 : memref<1x16xf32, #tpu.memory_space<hbm>> -> memref<16xf32, #tpu.memory_space<hbm>>
        tpu.wait_dma2 semaphore(%run_scoped3A : memref<!tpu.dma_semaphore, #tpu.memory_space<semaphore_mem>>) src(%arg29 : memref<16xf32, #tpu.memory_space<vmem>>) dst(%dma_wait3A_94 : memref<16xf32, #tpu.memory_space<hbm>>)
        tpu.yield
      }) : () -> ()
    } else {
    }
    %scan3A_11 = arith.constant 0 : i32
    %scan3A_12 = arith.constant 0 : i32
    %scan3A_13 = arith.constant 56 : i32
    %scan3A_14 = arith.addi %scan3A_12, %scan3A_13 : i32
    %scan3A_15 = arith.constant 1 : i32
    %scan3A_16 = scf.for %scan3A_83 = %scan3A_12 to %scan3A_14 step %scan3A_15 iter_args(%scan3A_84 = %scan3A_11) -> (i32)  : i32 {
      %broadcast_in_dim3A_85 = arith.constant 0.000000e+00 : f32
      %broadcast_in_dim3A_86 = vector.broadcast %broadcast_in_dim3A_85 : f32 to vector<16xf32>
      %mul3A_87 = arith.constant 16 : i32
      %mul3A_88 = arith.muli %scan3A_83, %mul3A_87 : i32
      %swap3A_89 = arith.index_cast %mul3A_88 : i32 to index
      %swap3A_90 = tpu.vector_load %arg13[%swap3A_89] {strides = array<i32>} : memref<896xf32, #tpu.memory_space<vmem>>, vector<16xf32>,
      tpu.vector_store %arg13[%swap3A_89], %broadcast_in_dim3A_86 {strides = array<i32>} : memref<896xf32, #tpu.memory_space<vmem>>, vector<16xf32>,
      %scan3A_91 = arith.constant 0 : i32
      scf.yield %scan3A_91 : i32
    }
    %scan3A_17 = arith.constant 56 : i32
    %scan3A_18 = arith.constant 0 : i32
    %scan3A_19 = arith.constant 0 : i32
    %scan3A_20 = arith.constant 7 : i32
    %scan3A_21 = arith.addi %scan3A_19, %scan3A_20 : i32
    %scan3A_22 = arith.constant 1 : i32
    %scan3A_23 = scf.for %scan3A_83 = %scan3A_19 to %scan3A_21 step %scan3A_22 iter_args(%scan3A_84 = %scan3A_18) -> (i32)  : i32 {
      %mul3A_85 = arith.constant 896 : i32
      %mul3A_86 = arith.muli %scan3A_83, %mul3A_85 : i32
      %add3A_87 = arith.addi %mul3A_0, %mul3A_86 : i32
      "tpu.region"() ({
        %run_scoped3A = tpu.sem_alloc : memref<!tpu.dma_semaphore, #tpu.memory_space<semaphore_mem>>
        %dma_start3A_89 = tpu.memref_slice %arg11[%add3A_87] : memref<100352xf32, #tpu.memory_space<vmem_shared>> -> memref<896xf32, #tpu.memory_space<vmem_shared>>
        %dma_start3A_90 = tpu.memref_slice %arg11[%add3A_87] : memref<100352xf32, #tpu.memory_space<vmem_shared>> -> memref<896xf32, #tpu.memory_space<vmem_shared>>
        tpu.enqueue_dma source(%arg13 : memref<896xf32, #tpu.memory_space<vmem>>) target(%dma_start3A_90 : memref<896xf32, #tpu.memory_space<vmem_shared>>) target_semaphore(%run_scoped3A : memref<!tpu.dma_semaphore, #tpu.memory_space<semaphore_mem>>)
        %dma_wait3A_91 = tpu.memref_slice %arg11[%add3A_87] : memref<100352xf32, #tpu.memory_space<vmem_shared>> -> memref<896xf32, #tpu.memory_space<vmem_shared>>
        %dma_wait3A_92 = tpu.memref_slice %arg11[%add3A_87] : memref<100352xf32, #tpu.memory_space<vmem_shared>> -> memref<896xf32, #tpu.memory_space<vmem_shared>>
        tpu.wait_dma2 semaphore(%run_scoped3A : memref<!tpu.dma_semaphore, #tpu.memory_space<semaphore_mem>>) src(%arg13 : memref<896xf32, #tpu.memory_space<vmem>>) dst(%dma_wait3A_92 : memref<896xf32, #tpu.memory_space<vmem_shared>>)
        tpu.yield
      }) : () -> ()
      %scan3A_88 = arith.constant 0 : i32
      scf.yield %scan3A_88 : i32
    }
    %scan3A_24 = arith.constant 7 : i32
    %barrier3A = arith.constant 0 : index
    tpu.barrier barrier_id(%barrier3A)
    %scan3A_25 = arith.constant 0 : i32
    %scan3A_26 = arith.constant 0 : i32
    %scan3A_27 = arith.constant 25 : i32
    %scan3A_28 = arith.addi %scan3A_26, %scan3A_27 : i32
    %scan3A_29 = arith.constant 1 : i32
    %scan3A_30 = scf.for %scan3A_83 = %scan3A_26 to %scan3A_28 step %scan3A_29 iter_args(%scan3A_84 = %scan3A_25) -> (i32)  : i32 {
      %mul3A_85 = arith.constant 4000 : i32
      %mul3A_86 = arith.muli %scan3A_83, %mul3A_85 : i32
      "tpu.region"() ({
        %run_scoped3A = tpu.sem_alloc : memref<!tpu.dma_semaphore, #tpu.memory_space<semaphore_mem>>
        %dma_start3A_88 = tpu.memref_slice %arg12[%mul3A_86] : memref<100000xf32, #tpu.memory_space<vmem>> -> memref<4000xf32, #tpu.memory_space<vmem>>
        %dma_start3A_89 = tpu.memref_slice %arg10[%mul3A_86] : memref<100352xf32, #tpu.memory_space<vmem_shared>> -> memref<4000xf32, #tpu.memory_space<vmem_shared>>
        %dma_start3A_90 = tpu.memref_slice %arg12[%mul3A_86] : memref<100000xf32, #tpu.memory_space<vmem>> -> memref<4000xf32, #tpu.memory_space<vmem>>
        %dma_start3A_91 = tpu.memref_slice %arg10[%mul3A_86] : memref<100352xf32, #tpu.memory_space<vmem_shared>> -> memref<4000xf32, #tpu.memory_space<vmem_shared>>
        tpu.enqueue_dma source(%dma_start3A_91 : memref<4000xf32, #tpu.memory_space<vmem_shared>>) target(%dma_start3A_90 : memref<4000xf32, #tpu.memory_space<vmem>>) target_semaphore(%run_scoped3A : memref<!tpu.dma_semaphore, #tpu.memory_space<semaphore_mem>>)
        %dma_wait3A_92 = tpu.memref_slice %arg12[%mul3A_86] : memref<100000xf32, #tpu.memory_space<vmem>> -> memref<4000xf32, #tpu.memory_space<vmem>>
        %dma_wait3A_93 = tpu.memref_slice %arg10[%mul3A_86] : memref<100352xf32, #tpu.memory_space<vmem_shared>> -> memref<4000xf32, #tpu.memory_space<vmem_shared>>
        %dma_wait3A_94 = tpu.memref_slice %arg12[%mul3A_86] : memref<100000xf32, #tpu.memory_space<vmem>> -> memref<4000xf32, #tpu.memory_space<vmem>>
        %dma_wait3A_95 = tpu.memref_slice %arg10[%mul3A_86] : memref<100352xf32, #tpu.memory_space<vmem_shared>> -> memref<4000xf32, #tpu.memory_space<vmem_shared>>
        tpu.wait_dma2 semaphore(%run_scoped3A : memref<!tpu.dma_semaphore, #tpu.memory_space<semaphore_mem>>) src(%dma_wait3A_95 : memref<4000xf32, #tpu.memory_space<vmem_shared>>) dst(%dma_wait3A_94 : memref<4000xf32, #tpu.memory_space<vmem>>)
        tpu.yield
      }) : () -> ()
      %scan3A_87 = arith.constant 0 : i32
      scf.yield %scan3A_87 : i32
    }
    %scan3A_31 = arith.constant 25 : i32
    %mul3A_32 = arith.constant 16 : i32
    %mul3A_33 = arith.muli %arg0, %mul3A_32 : i32
    %add3A = arith.addi %mul3A_33, %arg1 : i32
    %mul3A_34 = arith.constant 200 : i32
    %mul3A_35 = arith.muli %add3A, %mul3A_34 : i32
    %add3A_36 = arith.constant 0 : i32
    %add3A_37 = arith.addi %mul3A_35, %add3A_36 : i32
    %mul3A_38 = arith.constant 1024 : i32
    %mul3A_39 = arith.muli %add3A_37, %mul3A_38 : i32
    %dma_start3A = tpu.memref_slice %arg2[%mul3A_39] : memref<6553600xi32, #tpu.memory_space<hbm>> -> memref<1024xi32, #tpu.memory_space<hbm>>
    %dma_start3A_40 = tpu.memref_slice %arg2[%mul3A_39] : memref<6553600xi32, #tpu.memory_space<hbm>> -> memref<1024xi32, #tpu.memory_space<hbm>>
    tpu.enqueue_dma source(%dma_start3A_40 : memref<1024xi32, #tpu.memory_space<hbm>>) target(%arg17 : memref<1024xi32, #tpu.memory_space<vmem>>) target_semaphore(%arg30 : memref<!tpu.dma_semaphore, #tpu.memory_space<semaphore_mem>>)
    %dma_start3A_41 = tpu.memref_slice %arg3[%mul3A_39] : memref<6553600xi32, #tpu.memory_space<hbm>> -> memref<1024xi32, #tpu.memory_space<hbm>>
    %dma_start3A_42 = tpu.memref_slice %arg3[%mul3A_39] : memref<6553600xi32, #tpu.memory_space<hbm>> -> memref<1024xi32, #tpu.memory_space<hbm>>
    tpu.enqueue_dma source(%dma_start3A_42 : memref<1024xi32, #tpu.memory_space<hbm>>) target(%arg21 : memref<1024xi32, #tpu.memory_space<vmem>>) target_semaphore(%arg30 : memref<!tpu.dma_semaphore, #tpu.memory_space<semaphore_mem>>)
    %add3A_43 = arith.constant 1 : i32
    %add3A_44 = arith.addi %mul3A_35, %add3A_43 : i32
    %mul3A_45 = arith.constant 1024 : i32
    %mul3A_46 = arith.muli %add3A_44, %mul3A_45 : i32
    %dma_start3A_47 = tpu.memref_slice %arg2[%mul3A_46] : memref<6553600xi32, #tpu.memory_space<hbm>> -> memref<1024xi32, #tpu.memory_space<hbm>>
    %dma_start3A_48 = tpu.memref_slice %arg2[%mul3A_46] : memref<6553600xi32, #tpu.memory_space<hbm>> -> memref<1024xi32, #tpu.memory_space<hbm>>
    tpu.enqueue_dma source(%dma_start3A_48 : memref<1024xi32, #tpu.memory_space<hbm>>) target(%arg18 : memref<1024xi32, #tpu.memory_space<vmem>>) target_semaphore(%arg31 : memref<!tpu.dma_semaphore, #tpu.memory_space<semaphore_mem>>)
    %dma_start3A_49 = tpu.memref_slice %arg3[%mul3A_46] : memref<6553600xi32, #tpu.memory_space<hbm>> -> memref<1024xi32, #tpu.memory_space<hbm>>
    %dma_start3A_50 = tpu.memref_slice %arg3[%mul3A_46] : memref<6553600xi32, #tpu.memory_space<hbm>> -> memref<1024xi32, #tpu.memory_space<hbm>>
    tpu.enqueue_dma source(%dma_start3A_50 : memref<1024xi32, #tpu.memory_space<hbm>>) target(%arg22 : memref<1024xi32, #tpu.memory_space<vmem>>) target_semaphore(%arg31 : memref<!tpu.dma_semaphore, #tpu.memory_space<semaphore_mem>>)
    %add3A_51 = arith.constant 2 : i32
    %add3A_52 = arith.addi %mul3A_35, %add3A_51 : i32
    %mul3A_53 = arith.constant 1024 : i32
    %mul3A_54 = arith.muli %add3A_52, %mul3A_53 : i32
    %dma_start3A_55 = tpu.memref_slice %arg2[%mul3A_54] : memref<6553600xi32, #tpu.memory_space<hbm>> -> memref<1024xi32, #tpu.memory_space<hbm>>
    %dma_start3A_56 = tpu.memref_slice %arg2[%mul3A_54] : memref<6553600xi32, #tpu.memory_space<hbm>> -> memref<1024xi32, #tpu.memory_space<hbm>>
    tpu.enqueue_dma source(%dma_start3A_56 : memref<1024xi32, #tpu.memory_space<hbm>>) target(%arg19 : memref<1024xi32, #tpu.memory_space<vmem>>) target_semaphore(%arg32 : memref<!tpu.dma_semaphore, #tpu.memory_space<semaphore_mem>>)
    %dma_start3A_57 = tpu.memref_slice %arg3[%mul3A_54] : memref<6553600xi32, #tpu.memory_space<hbm>> -> memref<1024xi32, #tpu.memory_space<hbm>>
    %dma_start3A_58 = tpu.memref_slice %arg3[%mul3A_54] : memref<6553600xi32, #tpu.memory_space<hbm>> -> memref<1024xi32, #tpu.memory_space<hbm>>
    tpu.enqueue_dma source(%dma_start3A_58 : memref<1024xi32, #tpu.memory_space<hbm>>) target(%arg23 : memref<1024xi32, #tpu.memory_space<vmem>>) target_semaphore(%arg32 : memref<!tpu.dma_semaphore, #tpu.memory_space<semaphore_mem>>)
    %add3A_59 = arith.constant 3 : i32
    %add3A_60 = arith.addi %mul3A_35, %add3A_59 : i32
    %mul3A_61 = arith.constant 1024 : i32
    %mul3A_62 = arith.muli %add3A_60, %mul3A_61 : i32
    %dma_start3A_63 = tpu.memref_slice %arg2[%mul3A_62] : memref<6553600xi32, #tpu.memory_space<hbm>> -> memref<1024xi32, #tpu.memory_space<hbm>>
    %dma_start3A_64 = tpu.memref_slice %arg2[%mul3A_62] : memref<6553600xi32, #tpu.memory_space<hbm>> -> memref<1024xi32, #tpu.memory_space<hbm>>
    tpu.enqueue_dma source(%dma_start3A_64 : memref<1024xi32, #tpu.memory_space<hbm>>) target(%arg20 : memref<1024xi32, #tpu.memory_space<vmem>>) target_semaphore(%arg33 : memref<!tpu.dma_semaphore, #tpu.memory_space<semaphore_mem>>)
    %dma_start3A_65 = tpu.memref_slice %arg3[%mul3A_62] : memref<6553600xi32, #tpu.memory_space<hbm>> -> memref<1024xi32, #tpu.memory_space<hbm>>
    %dma_start3A_66 = tpu.memref_slice %arg3[%mul3A_62] : memref<6553600xi32, #tpu.memory_space<hbm>> -> memref<1024xi32, #tpu.memory_space<hbm>>
    tpu.enqueue_dma source(%dma_start3A_66 : memref<1024xi32, #tpu.memory_space<hbm>>) target(%arg24 : memref<1024xi32, #tpu.memory_space<vmem>>) target_semaphore(%arg33 : memref<!tpu.dma_semaphore, #tpu.memory_space<semaphore_mem>>)
    %scan3A_67 = arith.constant 0 : i32
    %scan3A_68 = arith.constant 0 : i32
    %scan3A_69 = arith.constant 50 : i32
    %scan3A_70 = arith.addi %scan3A_68, %scan3A_69 : i32
    %scan3A_71 = arith.constant 1 : i32
    %scan3A_72 = scf.for %scan3A_83 = %scan3A_68 to %scan3A_70 step %scan3A_71 iter_args(%scan3A_84 = %scan3A_67) -> (i32)  : i32 {
      %mul3A_85 = arith.constant 4 : i32
      %mul3A_86 = arith.muli %mul3A_85, %scan3A_83 : i32
      %add3A_87 = arith.constant 0 : i32
      %add3A_88 = arith.addi %mul3A_86, %add3A_87 : i32
      %ge3A = arith.constant 3 : i32
      %ge3A_89 = arith.cmpi sge, %add3A_88, %ge3A : i32
      %convert_element_type3A_90 = arith.extui %ge3A_89 : i1 to i32
      %cond3A_91 = arith.constant 0 : i32
      %cond3A_92 = arith.cmpi ne, %convert_element_type3A_90, %cond3A_91 : i32
      scf.if %cond3A_92 {
        %dma_wait3A_223 = arith.constant 0 : i32
        %dma_wait3A_224 = tpu.memref_slice %arg11[%dma_wait3A_223] : memref<100352xf32, #tpu.memory_space<vmem_shared>> -> memref<100352xf32, #tpu.memory_space<vmem_shared>>
        tpu.wait_indirect_dma semaphore(%arg35 : memref<!tpu.dma_semaphore, #tpu.memory_space<semaphore_mem>>) src(%arg26 : memref<1024xf32, #tpu.memory_space<vmem>>) dst(%dma_wait3A_224 : memref<100352xf32, #tpu.memory_space<vmem_shared>>)
      } else {
      }
      %add3A_93 = arith.constant 1 : i32
      %add3A_94 = arith.addi %add3A_88, %add3A_93 : i32
      %ge3A_95 = arith.constant 4 : i32
      %ge3A_96 = arith.cmpi sge, %add3A_94, %ge3A_95 : i32
      %lt3A = arith.constant 200 : i32
      %lt3A_97 = arith.cmpi slt, %add3A_94, %lt3A : i32
      %and3A = arith.andi %ge3A_96, %lt3A_97 : i1
      %convert_element_type3A_98 = arith.extui %and3A : i1 to i32
      %cond3A_99 = arith.constant 0 : i32
      %cond3A_100 = arith.cmpi ne, %convert_element_type3A_98, %cond3A_99 : i32
      scf.if %cond3A_100 {
        %add3A_223 = arith.addi %mul3A_35, %add3A_94 : i32
        %mul3A_224 = arith.constant 1024 : i32
        %mul3A_225 = arith.muli %add3A_223, %mul3A_224 : i32
        %dma_start3A_226 = tpu.memref_slice %arg2[%mul3A_225] : memref<6553600xi32, #tpu.memory_space<hbm>> -> memref<1024xi32, #tpu.memory_space<hbm>>
        %dma_start3A_227 = tpu.memref_slice %arg2[%mul3A_225] : memref<6553600xi32, #tpu.memory_space<hbm>> -> memref<1024xi32, #tpu.memory_space<hbm>>
        tpu.enqueue_dma source(%dma_start3A_227 : memref<1024xi32, #tpu.memory_space<hbm>>) target(%arg18 : memref<1024xi32, #tpu.memory_space<vmem>>) target_semaphore(%arg31 : memref<!tpu.dma_semaphore, #tpu.memory_space<semaphore_mem>>)
        %dma_start3A_228 = tpu.memref_slice %arg3[%mul3A_225] : memref<6553600xi32, #tpu.memory_space<hbm>> -> memref<1024xi32, #tpu.memory_space<hbm>>
        %dma_start3A_229 = tpu.memref_slice %arg3[%mul3A_225] : memref<6553600xi32, #tpu.memory_space<hbm>> -> memref<1024xi32, #tpu.memory_space<hbm>>
        tpu.enqueue_dma source(%dma_start3A_229 : memref<1024xi32, #tpu.memory_space<hbm>>) target(%arg22 : memref<1024xi32, #tpu.memory_space<vmem>>) target_semaphore(%arg31 : memref<!tpu.dma_semaphore, #tpu.memory_space<semaphore_mem>>)
      } else {
      }
      %add3A_101 = arith.addi %mul3A_35, %add3A_88 : i32
      %mul3A_102 = arith.constant 1024 : i32
      %mul3A_103 = arith.muli %add3A_101, %mul3A_102 : i32
      %dma_wait3A_104 = tpu.memref_slice %arg2[%mul3A_103] : memref<6553600xi32, #tpu.memory_space<hbm>> -> memref<1024xi32, #tpu.memory_space<hbm>>
      %dma_wait3A_105 = tpu.memref_slice %arg2[%mul3A_103] : memref<6553600xi32, #tpu.memory_space<hbm>> -> memref<1024xi32, #tpu.memory_space<hbm>>
      tpu.wait_dma2 semaphore(%arg30 : memref<!tpu.dma_semaphore, #tpu.memory_space<semaphore_mem>>) src(%dma_wait3A_105 : memref<1024xi32, #tpu.memory_space<hbm>>) dst(%arg17 : memref<1024xi32, #tpu.memory_space<vmem>>)
      %dma_wait3A_106 = tpu.memref_slice %arg3[%mul3A_103] : memref<6553600xi32, #tpu.memory_space<hbm>> -> memref<1024xi32, #tpu.memory_space<hbm>>
      %dma_wait3A_107 = tpu.memref_slice %arg3[%mul3A_103] : memref<6553600xi32, #tpu.memory_space<hbm>> -> memref<1024xi32, #tpu.memory_space<hbm>>
      tpu.wait_dma2 semaphore(%arg30 : memref<!tpu.dma_semaphore, #tpu.memory_space<semaphore_mem>>) src(%dma_wait3A_107 : memref<1024xi32, #tpu.memory_space<hbm>>) dst(%arg21 : memref<1024xi32, #tpu.memory_space<vmem>>)
      %scan3A_108 = arith.constant 0 : i32
      %scan3A_109 = arith.constant 0 : i32
      %scan3A_110 = arith.constant 64 : i32
      %scan3A_111 = arith.addi %scan3A_109, %scan3A_110 : i32
      %scan3A_112 = arith.constant 1 : i32
      %scan3A_113 = scf.for %scan3A_223 = %scan3A_109 to %scan3A_111 step %scan3A_112 iter_args(%scan3A_224 = %scan3A_108) -> (i32)  : i32 {
        %mul3A_225 = arith.constant 16 : i32
        %mul3A_226 = arith.muli %scan3A_223, %mul3A_225 : i32
        %get3A = arith.index_cast %mul3A_226 : i32 to index
        %get3A_227 = tpu.vector_load %arg17[%get3A] {strides = array<i32>} : memref<1024xi32, #tpu.memory_space<vmem>>, vector<16xi32>,
        %gather3A = tpu.vector_load_idx %arg12[%get3A_227] : memref<100000xf32, #tpu.memory_space<vmem>>[vector<16xi32>], vector<16xf32>,
        %swap3A_228 = arith.index_cast %mul3A_226 : i32 to index
        %swap3A_229 = tpu.vector_load %arg25[%swap3A_228] {strides = array<i32>} : memref<1024xf32, #tpu.memory_space<vmem>>, vector<16xf32>,
        %swap3A_230 = vector.shape_cast %swap3A_229 : vector<16xf32> to vector<16xf32>
        %swap3A_231 = vector.shape_cast %gather3A : vector<16xf32> to vector<16xf32>
        tpu.vector_store %arg25[%swap3A_228], %swap3A_231 {strides = array<i32>} : memref<1024xf32, #tpu.memory_space<vmem>>, vector<16xf32>,
        %scan3A_232 = arith.constant 0 : i32
        scf.yield %scan3A_232 : i32
      }
      %scan3A_114 = arith.constant 64 : i32
      %dma_start3A_115 = arith.constant 0 : i32
      %dma_start3A_116 = tpu.memref_slice %arg11[%dma_start3A_115] : memref<100352xf32, #tpu.memory_space<vmem_shared>> -> memref<100352xf32, #tpu.memory_space<vmem_shared>>
      tpu.enqueue_indirect_dma source(%arg25 : memref<1024xf32, #tpu.memory_space<vmem>>) target(%dma_start3A_116 : memref<100352xf32, #tpu.memory_space<vmem_shared>>) offsets(%arg21 : memref<1024xi32, #tpu.memory_space<vmem>>) semaphore(%arg34 : memref<!tpu.dma_semaphore, #tpu.memory_space<semaphore_mem>>) {add = true}
      %mul3A_117 = arith.constant 4 : i32
      %mul3A_118 = arith.muli %mul3A_117, %scan3A_83 : i32
      %add3A_119 = arith.constant 1 : i32
      %add3A_120 = arith.addi %mul3A_118, %add3A_119 : i32
      %ge3A_121 = arith.constant 3 : i32
      %ge3A_122 = arith.cmpi sge, %add3A_120, %ge3A_121 : i32
      %convert_element_type3A_123 = arith.extui %ge3A_122 : i1 to i32
      %cond3A_124 = arith.constant 0 : i32
      %cond3A_125 = arith.cmpi ne, %convert_element_type3A_123, %cond3A_124 : i32
      scf.if %cond3A_125 {
        %dma_wait3A_223 = arith.constant 0 : i32
        %dma_wait3A_224 = tpu.memref_slice %arg11[%dma_wait3A_223] : memref<100352xf32, #tpu.memory_space<vmem_shared>> -> memref<100352xf32, #tpu.memory_space<vmem_shared>>
        tpu.wait_indirect_dma semaphore(%arg36 : memref<!tpu.dma_semaphore, #tpu.memory_space<semaphore_mem>>) src(%arg27 : memref<1024xf32, #tpu.memory_space<vmem>>) dst(%dma_wait3A_224 : memref<100352xf32, #tpu.memory_space<vmem_shared>>)
      } else {
      }
      %add3A_126 = arith.constant 1 : i32
      %add3A_127 = arith.addi %add3A_120, %add3A_126 : i32
      %ge3A_128 = arith.constant 4 : i32
      %ge3A_129 = arith.cmpi sge, %add3A_127, %ge3A_128 : i32
      %lt3A_130 = arith.constant 200 : i32
      %lt3A_131 = arith.cmpi slt, %add3A_127, %lt3A_130 : i32
      %and3A_132 = arith.andi %ge3A_129, %lt3A_131 : i1
      %convert_element_type3A_133 = arith.extui %and3A_132 : i1 to i32
      %cond3A_134 = arith.constant 0 : i32
      %cond3A_135 = arith.cmpi ne, %convert_element_type3A_133, %cond3A_134 : i32
      scf.if %cond3A_135 {
        %add3A_223 = arith.addi %mul3A_35, %add3A_127 : i32
        %mul3A_224 = arith.constant 1024 : i32
        %mul3A_225 = arith.muli %add3A_223, %mul3A_224 : i32
        %dma_start3A_226 = tpu.memref_slice %arg2[%mul3A_225] : memref<6553600xi32, #tpu.memory_space<hbm>> -> memref<1024xi32, #tpu.memory_space<hbm>>
        %dma_start3A_227 = tpu.memref_slice %arg2[%mul3A_225] : memref<6553600xi32, #tpu.memory_space<hbm>> -> memref<1024xi32, #tpu.memory_space<hbm>>
        tpu.enqueue_dma source(%dma_start3A_227 : memref<1024xi32, #tpu.memory_space<hbm>>) target(%arg19 : memref<1024xi32, #tpu.memory_space<vmem>>) target_semaphore(%arg32 : memref<!tpu.dma_semaphore, #tpu.memory_space<semaphore_mem>>)
        %dma_start3A_228 = tpu.memref_slice %arg3[%mul3A_225] : memref<6553600xi32, #tpu.memory_space<hbm>> -> memref<1024xi32, #tpu.memory_space<hbm>>
        %dma_start3A_229 = tpu.memref_slice %arg3[%mul3A_225] : memref<6553600xi32, #tpu.memory_space<hbm>> -> memref<1024xi32, #tpu.memory_space<hbm>>
        tpu.enqueue_dma source(%dma_start3A_229 : memref<1024xi32, #tpu.memory_space<hbm>>) target(%arg23 : memref<1024xi32, #tpu.memory_space<vmem>>) target_semaphore(%arg32 : memref<!tpu.dma_semaphore, #tpu.memory_space<semaphore_mem>>)
      } else {
      }
      %add3A_136 = arith.addi %mul3A_35, %add3A_120 : i32
      %mul3A_137 = arith.constant 1024 : i32
      %mul3A_138 = arith.muli %add3A_136, %mul3A_137 : i32
      %dma_wait3A_139 = tpu.memref_slice %arg2[%mul3A_138] : memref<6553600xi32, #tpu.memory_space<hbm>> -> memref<1024xi32, #tpu.memory_space<hbm>>
      %dma_wait3A_140 = tpu.memref_slice %arg2[%mul3A_138] : memref<6553600xi32, #tpu.memory_space<hbm>> -> memref<1024xi32, #tpu.memory_space<hbm>>
      tpu.wait_dma2 semaphore(%arg31 : memref<!tpu.dma_semaphore, #tpu.memory_space<semaphore_mem>>) src(%dma_wait3A_140 : memref<1024xi32, #tpu.memory_space<hbm>>) dst(%arg18 : memref<1024xi32, #tpu.memory_space<vmem>>)
      %dma_wait3A_141 = tpu.memref_slice %arg3[%mul3A_138] : memref<6553600xi32, #tpu.memory_space<hbm>> -> memref<1024xi32, #tpu.memory_space<hbm>>
      %dma_wait3A_142 = tpu.memref_slice %arg3[%mul3A_138] : memref<6553600xi32, #tpu.memory_space<hbm>> -> memref<1024xi32, #tpu.memory_space<hbm>>
      tpu.wait_dma2 semaphore(%arg31 : memref<!tpu.dma_semaphore, #tpu.memory_space<semaphore_mem>>) src(%dma_wait3A_142 : memref<1024xi32, #tpu.memory_space<hbm>>) dst(%arg22 : memref<1024xi32, #tpu.memory_space<vmem>>)
      %scan3A_143 = arith.constant 0 : i32
      %scan3A_144 = arith.constant 0 : i32
      %scan3A_145 = arith.constant 64 : i32
      %scan3A_146 = arith.addi %scan3A_144, %scan3A_145 : i32
      %scan3A_147 = arith.constant 1 : i32
      %scan3A_148 = scf.for %scan3A_223 = %scan3A_144 to %scan3A_146 step %scan3A_147 iter_args(%scan3A_224 = %scan3A_143) -> (i32)  : i32 {
        %mul3A_225 = arith.constant 16 : i32
        %mul3A_226 = arith.muli %scan3A_223, %mul3A_225 : i32
        %get3A = arith.index_cast %mul3A_226 : i32 to index
        %get3A_227 = tpu.vector_load %arg18[%get3A] {strides = array<i32>} : memref<1024xi32, #tpu.memory_space<vmem>>, vector<16xi32>,
        %gather3A = tpu.vector_load_idx %arg12[%get3A_227] : memref<100000xf32, #tpu.memory_space<vmem>>[vector<16xi32>], vector<16xf32>,
        %swap3A_228 = arith.index_cast %mul3A_226 : i32 to index
        %swap3A_229 = tpu.vector_load %arg26[%swap3A_228] {strides = array<i32>} : memref<1024xf32, #tpu.memory_space<vmem>>, vector<16xf32>,
        %swap3A_230 = vector.shape_cast %swap3A_229 : vector<16xf32> to vector<16xf32>
        %swap3A_231 = vector.shape_cast %gather3A : vector<16xf32> to vector<16xf32>
        tpu.vector_store %arg26[%swap3A_228], %swap3A_231 {strides = array<i32>} : memref<1024xf32, #tpu.memory_space<vmem>>, vector<16xf32>,
        %scan3A_232 = arith.constant 0 : i32
        scf.yield %scan3A_232 : i32
      }
      %scan3A_149 = arith.constant 64 : i32
      %dma_start3A_150 = arith.constant 0 : i32
      %dma_start3A_151 = tpu.memref_slice %arg11[%dma_start3A_150] : memref<100352xf32, #tpu.memory_space<vmem_shared>> -> memref<100352xf32, #tpu.memory_space<vmem_shared>>
      tpu.enqueue_indirect_dma source(%arg26 : memref<1024xf32, #tpu.memory_space<vmem>>) target(%dma_start3A_151 : memref<100352xf32, #tpu.memory_space<vmem_shared>>) offsets(%arg22 : memref<1024xi32, #tpu.memory_space<vmem>>) semaphore(%arg35 : memref<!tpu.dma_semaphore, #tpu.memory_space<semaphore_mem>>) {add = true}
      %mul3A_152 = arith.constant 4 : i32
      %mul3A_153 = arith.muli %mul3A_152, %scan3A_83 : i32
      %add3A_154 = arith.constant 2 : i32
      %add3A_155 = arith.addi %mul3A_153, %add3A_154 : i32
      %ge3A_156 = arith.constant 3 : i32
      %ge3A_157 = arith.cmpi sge, %add3A_155, %ge3A_156 : i32
      %convert_element_type3A_158 = arith.extui %ge3A_157 : i1 to i32
      %cond3A_159 = arith.constant 0 : i32
      %cond3A_160 = arith.cmpi ne, %convert_element_type3A_158, %cond3A_159 : i32
      scf.if %cond3A_160 {
        %dma_wait3A_223 = arith.constant 0 : i32
        %dma_wait3A_224 = tpu.memref_slice %arg11[%dma_wait3A_223] : memref<100352xf32, #tpu.memory_space<vmem_shared>> -> memref<100352xf32, #tpu.memory_space<vmem_shared>>
        tpu.wait_indirect_dma semaphore(%arg37 : memref<!tpu.dma_semaphore, #tpu.memory_space<semaphore_mem>>) src(%arg28 : memref<1024xf32, #tpu.memory_space<vmem>>) dst(%dma_wait3A_224 : memref<100352xf32, #tpu.memory_space<vmem_shared>>)
      } else {
      }
      %add3A_161 = arith.constant 1 : i32
      %add3A_162 = arith.addi %add3A_155, %add3A_161 : i32
      %ge3A_163 = arith.constant 4 : i32
      %ge3A_164 = arith.cmpi sge, %add3A_162, %ge3A_163 : i32
      %lt3A_165 = arith.constant 200 : i32
      %lt3A_166 = arith.cmpi slt, %add3A_162, %lt3A_165 : i32
      %and3A_167 = arith.andi %ge3A_164, %lt3A_166 : i1
      %convert_element_type3A_168 = arith.extui %and3A_167 : i1 to i32
      %cond3A_169 = arith.constant 0 : i32
      %cond3A_170 = arith.cmpi ne, %convert_element_type3A_168, %cond3A_169 : i32
      scf.if %cond3A_170 {
        %add3A_223 = arith.addi %mul3A_35, %add3A_162 : i32
        %mul3A_224 = arith.constant 1024 : i32
        %mul3A_225 = arith.muli %add3A_223, %mul3A_224 : i32
        %dma_start3A_226 = tpu.memref_slice %arg2[%mul3A_225] : memref<6553600xi32, #tpu.memory_space<hbm>> -> memref<1024xi32, #tpu.memory_space<hbm>>
        %dma_start3A_227 = tpu.memref_slice %arg2[%mul3A_225] : memref<6553600xi32, #tpu.memory_space<hbm>> -> memref<1024xi32, #tpu.memory_space<hbm>>
        tpu.enqueue_dma source(%dma_start3A_227 : memref<1024xi32, #tpu.memory_space<hbm>>) target(%arg20 : memref<1024xi32, #tpu.memory_space<vmem>>) target_semaphore(%arg33 : memref<!tpu.dma_semaphore, #tpu.memory_space<semaphore_mem>>)
        %dma_start3A_228 = tpu.memref_slice %arg3[%mul3A_225] : memref<6553600xi32, #tpu.memory_space<hbm>> -> memref<1024xi32, #tpu.memory_space<hbm>>
        %dma_start3A_229 = tpu.memref_slice %arg3[%mul3A_225] : memref<6553600xi32, #tpu.memory_space<hbm>> -> memref<1024xi32, #tpu.memory_space<hbm>>
        tpu.enqueue_dma source(%dma_start3A_229 : memref<1024xi32, #tpu.memory_space<hbm>>) target(%arg24 : memref<1024xi32, #tpu.memory_space<vmem>>) target_semaphore(%arg33 : memref<!tpu.dma_semaphore, #tpu.memory_space<semaphore_mem>>)
      } else {
      }
      %add3A_171 = arith.addi %mul3A_35, %add3A_155 : i32
      %mul3A_172 = arith.constant 1024 : i32
      %mul3A_173 = arith.muli %add3A_171, %mul3A_172 : i32
      %dma_wait3A_174 = tpu.memref_slice %arg2[%mul3A_173] : memref<6553600xi32, #tpu.memory_space<hbm>> -> memref<1024xi32, #tpu.memory_space<hbm>>
      %dma_wait3A_175 = tpu.memref_slice %arg2[%mul3A_173] : memref<6553600xi32, #tpu.memory_space<hbm>> -> memref<1024xi32, #tpu.memory_space<hbm>>
      tpu.wait_dma2 semaphore(%arg32 : memref<!tpu.dma_semaphore, #tpu.memory_space<semaphore_mem>>) src(%dma_wait3A_175 : memref<1024xi32, #tpu.memory_space<hbm>>) dst(%arg19 : memref<1024xi32, #tpu.memory_space<vmem>>)
      %dma_wait3A_176 = tpu.memref_slice %arg3[%mul3A_173] : memref<6553600xi32, #tpu.memory_space<hbm>> -> memref<1024xi32, #tpu.memory_space<hbm>>
      %dma_wait3A_177 = tpu.memref_slice %arg3[%mul3A_173] : memref<6553600xi32, #tpu.memory_space<hbm>> -> memref<1024xi32, #tpu.memory_space<hbm>>
      tpu.wait_dma2 semaphore(%arg32 : memref<!tpu.dma_semaphore, #tpu.memory_space<semaphore_mem>>) src(%dma_wait3A_177 : memref<1024xi32, #tpu.memory_space<hbm>>) dst(%arg23 : memref<1024xi32, #tpu.memory_space<vmem>>)
      %scan3A_178 = arith.constant 0 : i32
      %scan3A_179 = arith.constant 0 : i32
      %scan3A_180 = arith.constant 64 : i32
      %scan3A_181 = arith.addi %scan3A_179, %scan3A_180 : i32
      %scan3A_182 = arith.constant 1 : i32
      %scan3A_183 = scf.for %scan3A_223 = %scan3A_179 to %scan3A_181 step %scan3A_182 iter_args(%scan3A_224 = %scan3A_178) -> (i32)  : i32 {
        %mul3A_225 = arith.constant 16 : i32
        %mul3A_226 = arith.muli %scan3A_223, %mul3A_225 : i32
        %get3A = arith.index_cast %mul3A_226 : i32 to index
        %get3A_227 = tpu.vector_load %arg19[%get3A] {strides = array<i32>} : memref<1024xi32, #tpu.memory_space<vmem>>, vector<16xi32>,
        %gather3A = tpu.vector_load_idx %arg12[%get3A_227] : memref<100000xf32, #tpu.memory_space<vmem>>[vector<16xi32>], vector<16xf32>,
        %swap3A_228 = arith.index_cast %mul3A_226 : i32 to index
        %swap3A_229 = tpu.vector_load %arg27[%swap3A_228] {strides = array<i32>} : memref<1024xf32, #tpu.memory_space<vmem>>, vector<16xf32>,
        %swap3A_230 = vector.shape_cast %swap3A_229 : vector<16xf32> to vector<16xf32>
        %swap3A_231 = vector.shape_cast %gather3A : vector<16xf32> to vector<16xf32>
        tpu.vector_store %arg27[%swap3A_228], %swap3A_231 {strides = array<i32>} : memref<1024xf32, #tpu.memory_space<vmem>>, vector<16xf32>,
        %scan3A_232 = arith.constant 0 : i32
        scf.yield %scan3A_232 : i32
      }
      %scan3A_184 = arith.constant 64 : i32
      %dma_start3A_185 = arith.constant 0 : i32
      %dma_start3A_186 = tpu.memref_slice %arg11[%dma_start3A_185] : memref<100352xf32, #tpu.memory_space<vmem_shared>> -> memref<100352xf32, #tpu.memory_space<vmem_shared>>
      tpu.enqueue_indirect_dma source(%arg27 : memref<1024xf32, #tpu.memory_space<vmem>>) target(%dma_start3A_186 : memref<100352xf32, #tpu.memory_space<vmem_shared>>) offsets(%arg23 : memref<1024xi32, #tpu.memory_space<vmem>>) semaphore(%arg36 : memref<!tpu.dma_semaphore, #tpu.memory_space<semaphore_mem>>) {add = true}
      %mul3A_187 = arith.constant 4 : i32
      %mul3A_188 = arith.muli %mul3A_187, %scan3A_83 : i32
      %add3A_189 = arith.constant 3 : i32
      %add3A_190 = arith.addi %mul3A_188, %add3A_189 : i32
      %ge3A_191 = arith.constant 3 : i32
      %ge3A_192 = arith.cmpi sge, %add3A_190, %ge3A_191 : i32
      %convert_element_type3A_193 = arith.extui %ge3A_192 : i1 to i32
      %cond3A_194 = arith.constant 0 : i32
      %cond3A_195 = arith.cmpi ne, %convert_element_type3A_193, %cond3A_194 : i32
      scf.if %cond3A_195 {
        %dma_wait3A_223 = arith.constant 0 : i32
        %dma_wait3A_224 = tpu.memref_slice %arg11[%dma_wait3A_223] : memref<100352xf32, #tpu.memory_space<vmem_shared>> -> memref<100352xf32, #tpu.memory_space<vmem_shared>>
        tpu.wait_indirect_dma semaphore(%arg34 : memref<!tpu.dma_semaphore, #tpu.memory_space<semaphore_mem>>) src(%arg25 : memref<1024xf32, #tpu.memory_space<vmem>>) dst(%dma_wait3A_224 : memref<100352xf32, #tpu.memory_space<vmem_shared>>)
      } else {
      }
      %add3A_196 = arith.constant 1 : i32
      %add3A_197 = arith.addi %add3A_190, %add3A_196 : i32
      %ge3A_198 = arith.constant 4 : i32
      %ge3A_199 = arith.cmpi sge, %add3A_197, %ge3A_198 : i32
      %lt3A_200 = arith.constant 200 : i32
      %lt3A_201 = arith.cmpi slt, %add3A_197, %lt3A_200 : i32
      %and3A_202 = arith.andi %ge3A_199, %lt3A_201 : i1
      %convert_element_type3A_203 = arith.extui %and3A_202 : i1 to i32
      %cond3A_204 = arith.constant 0 : i32
      %cond3A_205 = arith.cmpi ne, %convert_element_type3A_203, %cond3A_204 : i32
      scf.if %cond3A_205 {
        %add3A_223 = arith.addi %mul3A_35, %add3A_197 : i32
        %mul3A_224 = arith.constant 1024 : i32
        %mul3A_225 = arith.muli %add3A_223, %mul3A_224 : i32
        %dma_start3A_226 = tpu.memref_slice %arg2[%mul3A_225] : memref<6553600xi32, #tpu.memory_space<hbm>> -> memref<1024xi32, #tpu.memory_space<hbm>>
        %dma_start3A_227 = tpu.memref_slice %arg2[%mul3A_225] : memref<6553600xi32, #tpu.memory_space<hbm>> -> memref<1024xi32, #tpu.memory_space<hbm>>
        tpu.enqueue_dma source(%dma_start3A_227 : memref<1024xi32, #tpu.memory_space<hbm>>) target(%arg17 : memref<1024xi32, #tpu.memory_space<vmem>>) target_semaphore(%arg30 : memref<!tpu.dma_semaphore, #tpu.memory_space<semaphore_mem>>)
        %dma_start3A_228 = tpu.memref_slice %arg3[%mul3A_225] : memref<6553600xi32, #tpu.memory_space<hbm>> -> memref<1024xi32, #tpu.memory_space<hbm>>
        %dma_start3A_229 = tpu.memref_slice %arg3[%mul3A_225] : memref<6553600xi32, #tpu.memory_space<hbm>> -> memref<1024xi32, #tpu.memory_space<hbm>>
        tpu.enqueue_dma source(%dma_start3A_229 : memref<1024xi32, #tpu.memory_space<hbm>>) target(%arg21 : memref<1024xi32, #tpu.memory_space<vmem>>) target_semaphore(%arg30 : memref<!tpu.dma_semaphore, #tpu.memory_space<semaphore_mem>>)
      } else {
      }
      %add3A_206 = arith.addi %mul3A_35, %add3A_190 : i32
      %mul3A_207 = arith.constant 1024 : i32
      %mul3A_208 = arith.muli %add3A_206, %mul3A_207 : i32
      %dma_wait3A_209 = tpu.memref_slice %arg2[%mul3A_208] : memref<6553600xi32, #tpu.memory_space<hbm>> -> memref<1024xi32, #tpu.memory_space<hbm>>
      %dma_wait3A_210 = tpu.memref_slice %arg2[%mul3A_208] : memref<6553600xi32, #tpu.memory_space<hbm>> -> memref<1024xi32, #tpu.memory_space<hbm>>
      tpu.wait_dma2 semaphore(%arg33 : memref<!tpu.dma_semaphore, #tpu.memory_space<semaphore_mem>>) src(%dma_wait3A_210 : memref<1024xi32, #tpu.memory_space<hbm>>) dst(%arg20 : memref<1024xi32, #tpu.memory_space<vmem>>)
      %dma_wait3A_211 = tpu.memref_slice %arg3[%mul3A_208] : memref<6553600xi32, #tpu.memory_space<hbm>> -> memref<1024xi32, #tpu.memory_space<hbm>>
      %dma_wait3A_212 = tpu.memref_slice %arg3[%mul3A_208] : memref<6553600xi32, #tpu.memory_space<hbm>> -> memref<1024xi32, #tpu.memory_space<hbm>>
      tpu.wait_dma2 semaphore(%arg33 : memref<!tpu.dma_semaphore, #tpu.memory_space<semaphore_mem>>) src(%dma_wait3A_212 : memref<1024xi32, #tpu.memory_space<hbm>>) dst(%arg24 : memref<1024xi32, #tpu.memory_space<vmem>>)
      %scan3A_213 = arith.constant 0 : i32
      %scan3A_214 = arith.constant 0 : i32
      %scan3A_215 = arith.constant 64 : i32
      %scan3A_216 = arith.addi %scan3A_214, %scan3A_215 : i32
      %scan3A_217 = arith.constant 1 : i32
      %scan3A_218 = scf.for %scan3A_223 = %scan3A_214 to %scan3A_216 step %scan3A_217 iter_args(%scan3A_224 = %scan3A_213) -> (i32)  : i32 {
        %mul3A_225 = arith.constant 16 : i32
        %mul3A_226 = arith.muli %scan3A_223, %mul3A_225 : i32
        %get3A = arith.index_cast %mul3A_226 : i32 to index
        %get3A_227 = tpu.vector_load %arg20[%get3A] {strides = array<i32>} : memref<1024xi32, #tpu.memory_space<vmem>>, vector<16xi32>,
        %gather3A = tpu.vector_load_idx %arg12[%get3A_227] : memref<100000xf32, #tpu.memory_space<vmem>>[vector<16xi32>], vector<16xf32>,
        %swap3A_228 = arith.index_cast %mul3A_226 : i32 to index
        %swap3A_229 = tpu.vector_load %arg28[%swap3A_228] {strides = array<i32>} : memref<1024xf32, #tpu.memory_space<vmem>>, vector<16xf32>,
        %swap3A_230 = vector.shape_cast %swap3A_229 : vector<16xf32> to vector<16xf32>
        %swap3A_231 = vector.shape_cast %gather3A : vector<16xf32> to vector<16xf32>
        tpu.vector_store %arg28[%swap3A_228], %swap3A_231 {strides = array<i32>} : memref<1024xf32, #tpu.memory_space<vmem>>, vector<16xf32>,
        %scan3A_232 = arith.constant 0 : i32
        scf.yield %scan3A_232 : i32
      }
      %scan3A_219 = arith.constant 64 : i32
      %dma_start3A_220 = arith.constant 0 : i32
      %dma_start3A_221 = tpu.memref_slice %arg11[%dma_start3A_220] : memref<100352xf32, #tpu.memory_space<vmem_shared>> -> memref<100352xf32, #tpu.memory_space<vmem_shared>>
      tpu.enqueue_indirect_dma source(%arg28 : memref<1024xf32, #tpu.memory_space<vmem>>) target(%dma_start3A_221 : memref<100352xf32, #tpu.memory_space<vmem_shared>>) offsets(%arg24 : memref<1024xi32, #tpu.memory_space<vmem>>) semaphore(%arg37 : memref<!tpu.dma_semaphore, #tpu.memory_space<semaphore_mem>>) {add = true}
      %scan3A_222 = arith.constant 0 : i32
      scf.yield %scan3A_222 : i32
    }
    %scan3A_73 = arith.constant 50 : i32
    %dma_wait3A = arith.constant 0 : i32
    %dma_wait3A_74 = tpu.memref_slice %arg11[%dma_wait3A] : memref<100352xf32, #tpu.memory_space<vmem_shared>> -> memref<100352xf32, #tpu.memory_space<vmem_shared>>
    tpu.wait_indirect_dma semaphore(%arg35 : memref<!tpu.dma_semaphore, #tpu.memory_space<semaphore_mem>>) src(%arg26 : memref<1024xf32, #tpu.memory_space<vmem>>) dst(%dma_wait3A_74 : memref<100352xf32, #tpu.memory_space<vmem_shared>>)
    %dma_wait3A_75 = arith.constant 0 : i32
    %dma_wait3A_76 = tpu.memref_slice %arg11[%dma_wait3A_75] : memref<100352xf32, #tpu.memory_space<vmem_shared>> -> memref<100352xf32, #tpu.memory_space<vmem_shared>>
    tpu.wait_indirect_dma semaphore(%arg36 : memref<!tpu.dma_semaphore, #tpu.memory_space<semaphore_mem>>) src(%arg27 : memref<1024xf32, #tpu.memory_space<vmem>>) dst(%dma_wait3A_76 : memref<100352xf32, #tpu.memory_space<vmem_shared>>)
    %dma_wait3A_77 = arith.constant 0 : i32
    %dma_wait3A_78 = tpu.memref_slice %arg11[%dma_wait3A_77] : memref<100352xf32, #tpu.memory_space<vmem_shared>> -> memref<100352xf32, #tpu.memory_space<vmem_shared>>
    tpu.wait_indirect_dma semaphore(%arg37 : memref<!tpu.dma_semaphore, #tpu.memory_space<semaphore_mem>>) src(%arg28 : memref<1024xf32, #tpu.memory_space<vmem>>) dst(%dma_wait3A_78 : memref<100352xf32, #tpu.memory_space<vmem_shared>>)
    %barrier3A_79 = arith.constant 0 : index
    tpu.barrier barrier_id(%barrier3A_79)
    %mul3A_80 = arith.constant 100352 : i32
    %mul3A_81 = arith.muli %arg0, %mul3A_80 : i32
    %add3A_82 = arith.addi %mul3A_81, %mul3A_0 : i32
    "tpu.region"() ({
      %run_scoped3A = tpu.sem_alloc : memref<!tpu.dma_semaphore, #tpu.memory_space<semaphore_mem>>
      %dma_start3A_83 = tpu.memref_slice %arg9[%add3A_82] : memref<200704xf32, #tpu.memory_space<hbm>> -> memref<6272xf32, #tpu.memory_space<hbm>>
      %dma_start3A_84 = tpu.memref_slice %arg11[%mul3A_0] : memref<100352xf32, #tpu.memory_space<vmem_shared>> -> memref<6272xf32, #tpu.memory_space<vmem_shared>>
      tpu.enqueue_dma source(%dma_start3A_84 : memref<6272xf32, #tpu.memory_space<vmem_shared>>) target(%dma_start3A_83 : memref<6272xf32, #tpu.memory_space<hbm>>) target_semaphore(%run_scoped3A : memref<!tpu.dma_semaphore, #tpu.memory_space<semaphore_mem>>)
      %dma_wait3A_85 = tpu.memref_slice %arg9[%add3A_82] : memref<200704xf32, #tpu.memory_space<hbm>> -> memref<6272xf32, #tpu.memory_space<hbm>>
      %dma_wait3A_86 = tpu.memref_slice %arg11[%mul3A_0] : memref<100352xf32, #tpu.memory_space<vmem_shared>> -> memref<6272xf32, #tpu.memory_space<vmem_shared>>
      tpu.wait_dma2 semaphore(%run_scoped3A : memref<!tpu.dma_semaphore, #tpu.memory_space<semaphore_mem>>) src(%dma_wait3A_86 : memref<6272xf32, #tpu.memory_space<vmem_shared>>) dst(%dma_wait3A_85 : memref<6272xf32, #tpu.memory_space<hbm>>)
      tpu.yield
    }) : () -> ()
    return
  }
}

#map = affine_map<(d0, d1) -> (0)>
#map1 = affine_map<(d0, d1) -> (0, 0)>
module attributes {stable_mosaic.version = 14 : i64} {
  func.func @_layer_body(%arg0: i32, %arg1: i32, %arg2: memref<6553600xi32, #tpu.memory_space<hbm>>, %arg3: memref<6553600xi32, #tpu.memory_space<hbm>>, %arg4: memref<200704xf32, #tpu.memory_space<hbm>>, %arg5: memref<100352xf32, #tpu.memory_space<hbm>>, %arg6: memref<100352xf32, #tpu.memory_space<hbm>>, %arg7: memref<100352xf32, #tpu.memory_space<hbm>>, %arg8: memref<16x16xf32, #tpu.memory_space<hbm>>, %arg9: memref<200704xf32, #tpu.memory_space<hbm>>, %arg10: memref<100352xf32, #tpu.memory_space<vmem_shared>>, %arg11: memref<100352xf32, #tpu.memory_space<vmem_shared>>, %arg12: memref<100000xf32, #tpu.memory_space<vmem>>, %arg13: memref<896xf32, #tpu.memory_space<vmem>>, %arg14: memref<896xf32, #tpu.memory_space<vmem>>, %arg15: memref<896xf32, #tpu.memory_space<vmem>>, %arg16: memref<896xf32, #tpu.memory_space<vmem>>, %arg17: memref<1024xi32, #tpu.memory_space<vmem>>, %arg18: memref<1024xi32, #tpu.memory_space<vmem>>, %arg19: memref<1024xi32, #tpu.memory_space<vmem>>, %arg20: memref<1024xi32, #tpu.memory_space<vmem>>, %arg21: memref<1024xi32, #tpu.memory_space<vmem>>, %arg22: memref<1024xi32, #tpu.memory_space<vmem>>, %arg23: memref<1024xi32, #tpu.memory_space<vmem>>, %arg24: memref<1024xi32, #tpu.memory_space<vmem>>, %arg25: memref<1024xf32, #tpu.memory_space<vmem>>, %arg26: memref<1024xf32, #tpu.memory_space<vmem>>, %arg27: memref<1024xf32, #tpu.memory_space<vmem>>, %arg28: memref<1024xf32, #tpu.memory_space<vmem>>, %arg29: memref<16xf32, #tpu.memory_space<vmem>>, %arg30: memref<!tpu.dma_semaphore, #tpu.memory_space<semaphore_mem>>, %arg31: memref<!tpu.dma_semaphore, #tpu.memory_space<semaphore_mem>>, %arg32: memref<!tpu.dma_semaphore, #tpu.memory_space<semaphore_mem>>, %arg33: memref<!tpu.dma_semaphore, #tpu.memory_space<semaphore_mem>>, %arg34: memref<!tpu.dma_semaphore, #tpu.memory_space<semaphore_mem>>, %arg35: memref<!tpu.dma_semaphore, #tpu.memory_space<semaphore_mem>>, %arg36: memref<!tpu.dma_semaphore, #tpu.memory_space<semaphore_mem>>, %arg37: memref<!tpu.dma_semaphore, #tpu.memory_space<semaphore_mem>>, %arg38: memref<!tpu.dma_semaphore, #tpu.memory_space<semaphore_mem>>) attributes {dimension_semantics = [#tpu.dimension_semantics<core_parallel>, #tpu.dimension_semantics<subcore_parallel>], iteration_bounds = array<i64: 2, 16>, scalar_prefetch = 0 : i64, scratch_operands = 29 : i64, tpu.core_type = #tpu.core_type<sc_vector_subcore>, window_params = [{transform_indices = #map}, {transform_indices = #map}, {transform_indices = #map}, {transform_indices = #map}, {transform_indices = #map}, {transform_indices = #map}, {transform_indices = #map1}, {transform_indices = #map}]} {
    %mul3A = arith.constant 6272 : i32
    %mul3A_0 = arith.muli %arg1, %mul3A : i32
    %broadcast_in_dim3A = arith.constant 0.000000e+00 : f32
    %broadcast_in_dim3A_1 = vector.broadcast %broadcast_in_dim3A : f32 to vector<16xf32>
    %swap3A = arith.constant 0 : index
    %swap3A_2 = tpu.vector_load %arg29[%swap3A] {strides = array<i32>} : memref<16xf32, #tpu.memory_space<vmem>>, vector<16xf32>,
    tpu.vector_store %arg29[%swap3A], %broadcast_in_dim3A_1 {strides = array<i32>} : memref<16xf32, #tpu.memory_space<vmem>>, vector<16xf32>,
    %scan3A = arith.constant 0 : i32
    %scan3A_3 = arith.constant 0 : i32
    %scan3A_4 = arith.constant 7 : i32
    %scan3A_5 = arith.addi %scan3A_3, %scan3A_4 : i32
    %scan3A_6 = arith.constant 1 : i32
    %scan3A_7 = scf.for %scan3A_83 = %scan3A_3 to %scan3A_5 step %scan3A_6 iter_args(%scan3A_84 = %scan3A) -> (i32)  : i32 {
      %mul3A_85 = arith.constant 896 : i32
      %mul3A_86 = arith.muli %scan3A_83, %mul3A_85 : i32
      %add3A_87 = arith.addi %mul3A_0, %mul3A_86 : i32
      %mul3A_88 = arith.constant 896 : i32
      %mul3A_89 = arith.muli %scan3A_83, %mul3A_88 : i32
      %add3A_90 = arith.addi %mul3A_0, %mul3A_89 : i32
      "tpu.region"() ({
        %run_scoped3A = tpu.sem_alloc : memref<!tpu.dma_semaphore, #tpu.memory_space<semaphore_mem>>
        %dma_start3A_109 = tpu.memref_slice %arg4[%add3A_90] : memref<200704xf32, #tpu.memory_space<hbm>> -> memref<896xf32, #tpu.memory_space<hbm>>
        %dma_start3A_110 = tpu.memref_slice %arg4[%add3A_90] : memref<200704xf32, #tpu.memory_space<hbm>> -> memref<896xf32, #tpu.memory_space<hbm>>
        tpu.enqueue_dma source(%dma_start3A_110 : memref<896xf32, #tpu.memory_space<hbm>>) target(%arg13 : memref<896xf32, #tpu.memory_space<vmem>>) target_semaphore(%run_scoped3A : memref<!tpu.dma_semaphore, #tpu.memory_space<semaphore_mem>>)
        %dma_wait3A_111 = tpu.memref_slice %arg4[%add3A_90] : memref<200704xf32, #tpu.memory_space<hbm>> -> memref<896xf32, #tpu.memory_space<hbm>>
        %dma_wait3A_112 = tpu.memref_slice %arg4[%add3A_90] : memref<200704xf32, #tpu.memory_space<hbm>> -> memref<896xf32, #tpu.memory_space<hbm>>
        tpu.wait_dma2 semaphore(%run_scoped3A : memref<!tpu.dma_semaphore, #tpu.memory_space<semaphore_mem>>) src(%dma_wait3A_112 : memref<896xf32, #tpu.memory_space<hbm>>) dst(%arg13 : memref<896xf32, #tpu.memory_space<vmem>>)
        tpu.yield
      }) : () -> ()
      %add3A_91 = arith.constant 100352 : i32
      %add3A_92 = arith.addi %add3A_91, %mul3A_0 : i32
      %mul3A_93 = arith.constant 896 : i32
      %mul3A_94 = arith.muli %scan3A_83, %mul3A_93 : i32
      %add3A_95 = arith.addi %add3A_92, %mul3A_94 : i32
      "tpu.region"() ({
        %run_scoped3A = tpu.sem_alloc : memref<!tpu.dma_semaphore, #tpu.memory_space<semaphore_mem>>
        %dma_start3A_109 = tpu.memref_slice %arg4[%add3A_95] : memref<200704xf32, #tpu.memory_space<hbm>> -> memref<896xf32, #tpu.memory_space<hbm>>
        %dma_start3A_110 = tpu.memref_slice %arg4[%add3A_95] : memref<200704xf32, #tpu.memory_space<hbm>> -> memref<896xf32, #tpu.memory_space<hbm>>
        tpu.enqueue_dma source(%dma_start3A_110 : memref<896xf32, #tpu.memory_space<hbm>>) target(%arg14 : memref<896xf32, #tpu.memory_space<vmem>>) target_semaphore(%run_scoped3A : memref<!tpu.dma_semaphore, #tpu.memory_space<semaphore_mem>>)
        %dma_wait3A_111 = tpu.memref_slice %arg4[%add3A_95] : memref<200704xf32, #tpu.memory_space<hbm>> -> memref<896xf32, #tpu.memory_space<hbm>>
        %dma_wait3A_112 = tpu.memref_slice %arg4[%add3A_95] : memref<200704xf32, #tpu.memory_space<hbm>> -> memref<896xf32, #tpu.memory_space<hbm>>
        tpu.wait_dma2 semaphore(%run_scoped3A : memref<!tpu.dma_semaphore, #tpu.memory_space<semaphore_mem>>) src(%dma_wait3A_112 : memref<896xf32, #tpu.memory_space<hbm>>) dst(%arg14 : memref<896xf32, #tpu.memory_space<vmem>>)
        tpu.yield
      }) : () -> ()
      "tpu.region"() ({
        %run_scoped3A = tpu.sem_alloc : memref<!tpu.dma_semaphore, #tpu.memory_space<semaphore_mem>>
        %dma_start3A_109 = tpu.memref_slice %arg5[%add3A_87] : memref<100352xf32, #tpu.memory_space<hbm>> -> memref<896xf32, #tpu.memory_space<hbm>>
        %dma_start3A_110 = tpu.memref_slice %arg5[%add3A_87] : memref<100352xf32, #tpu.memory_space<hbm>> -> memref<896xf32, #tpu.memory_space<hbm>>
        tpu.enqueue_dma source(%dma_start3A_110 : memref<896xf32, #tpu.memory_space<hbm>>) target(%arg15 : memref<896xf32, #tpu.memory_space<vmem>>) target_semaphore(%run_scoped3A : memref<!tpu.dma_semaphore, #tpu.memory_space<semaphore_mem>>)
        %dma_wait3A_111 = tpu.memref_slice %arg5[%add3A_87] : memref<100352xf32, #tpu.memory_space<hbm>> -> memref<896xf32, #tpu.memory_space<hbm>>
        %dma_wait3A_112 = tpu.memref_slice %arg5[%add3A_87] : memref<100352xf32, #tpu.memory_space<hbm>> -> memref<896xf32, #tpu.memory_space<hbm>>
        tpu.wait_dma2 semaphore(%run_scoped3A : memref<!tpu.dma_semaphore, #tpu.memory_space<semaphore_mem>>) src(%dma_wait3A_112 : memref<896xf32, #tpu.memory_space<hbm>>) dst(%arg15 : memref<896xf32, #tpu.memory_space<vmem>>)
        tpu.yield
      }) : () -> ()
      "tpu.region"() ({
        %run_scoped3A = tpu.sem_alloc : memref<!tpu.dma_semaphore, #tpu.memory_space<semaphore_mem>>
        %dma_start3A_109 = tpu.memref_slice %arg6[%add3A_87] : memref<100352xf32, #tpu.memory_space<hbm>> -> memref<896xf32, #tpu.memory_space<hbm>>
        %dma_start3A_110 = tpu.memref_slice %arg6[%add3A_87] : memref<100352xf32, #tpu.memory_space<hbm>> -> memref<896xf32, #tpu.memory_space<hbm>>
        tpu.enqueue_dma source(%dma_start3A_110 : memref<896xf32, #tpu.memory_space<hbm>>) target(%arg16 : memref<896xf32, #tpu.memory_space<vmem>>) target_semaphore(%run_scoped3A : memref<!tpu.dma_semaphore, #tpu.memory_space<semaphore_mem>>)
        %dma_wait3A_111 = tpu.memref_slice %arg6[%add3A_87] : memref<100352xf32, #tpu.memory_space<hbm>> -> memref<896xf32, #tpu.memory_space<hbm>>
        %dma_wait3A_112 = tpu.memref_slice %arg6[%add3A_87] : memref<100352xf32, #tpu.memory_space<hbm>> -> memref<896xf32, #tpu.memory_space<hbm>>
        tpu.wait_dma2 semaphore(%run_scoped3A : memref<!tpu.dma_semaphore, #tpu.memory_space<semaphore_mem>>) src(%dma_wait3A_112 : memref<896xf32, #tpu.memory_space<hbm>>) dst(%arg16 : memref<896xf32, #tpu.memory_space<vmem>>)
        tpu.yield
      }) : () -> ()
      %scan3A_96 = arith.constant 0 : i32
      %scan3A_97 = arith.constant 0 : i32
      %scan3A_98 = arith.constant 56 : i32
      %scan3A_99 = arith.addi %scan3A_97, %scan3A_98 : i32
      %scan3A_100 = arith.constant 1 : i32
      %scan3A_101 = scf.for %scan3A_109 = %scan3A_97 to %scan3A_99 step %scan3A_100 iter_args(%scan3A_110 = %scan3A_96) -> (i32)  : i32 {
        %mul3A_111 = arith.constant 16 : i32
        %mul3A_112 = arith.muli %scan3A_109, %mul3A_111 : i32
        %get3A = arith.index_cast %mul3A_112 : i32 to index
        %get3A_113 = tpu.vector_load %arg16[%get3A] {strides = array<i32>} : memref<896xf32, #tpu.memory_space<vmem>>, vector<16xf32>,
        %get3A_114 = arith.index_cast %mul3A_112 : i32 to index
        %get3A_115 = tpu.vector_load %arg13[%get3A_114] {strides = array<i32>} : memref<896xf32, #tpu.memory_space<vmem>>, vector<16xf32>,
        %get3A_116 = arith.index_cast %mul3A_112 : i32 to index
        %get3A_117 = tpu.vector_load %arg14[%get3A_116] {strides = array<i32>} : memref<896xf32, #tpu.memory_space<vmem>>, vector<16xf32>,
        %add3A_118 = arith.addf %get3A_115, %get3A_117 : vector<16xf32>
        %get3A_119 = arith.index_cast %mul3A_112 : i32 to index
        %get3A_120 = tpu.vector_load %arg15[%get3A_119] {strides = array<i32>} : memref<896xf32, #tpu.memory_space<vmem>>, vector<16xf32>,
        %add3A_121 = arith.addf %add3A_118, %get3A_120 : vector<16xf32>
        %mul3A_122 = arith.mulf %get3A_113, %add3A_121 : vector<16xf32>
        %get3A_123 = arith.constant 0 : index
        %get3A_124 = tpu.vector_load %arg29[%get3A_123] {strides = array<i32>} : memref<16xf32, #tpu.memory_space<vmem>>, vector<16xf32>,
        %mul3A_125 = arith.mulf %mul3A_122, %mul3A_122 : vector<16xf32>
        %add3A_126 = arith.addf %get3A_124, %mul3A_125 : vector<16xf32>
        %swap3A_127 = arith.constant 0 : index
        %swap3A_128 = tpu.vector_load %arg29[%swap3A_127] {strides = array<i32>} : memref<16xf32, #tpu.memory_space<vmem>>, vector<16xf32>,
        tpu.vector_store %arg29[%swap3A_127], %add3A_126 {strides = array<i32>} : memref<16xf32, #tpu.memory_space<vmem>>, vector<16xf32>,
        %mul3A_129 = arith.mulf %get3A_113, %mul3A_122 : vector<16xf32>
        %swap3A_130 = arith.index_cast %mul3A_112 : i32 to index
        %swap3A_131 = tpu.vector_load %arg16[%swap3A_130] {strides = array<i32>} : memref<896xf32, #tpu.memory_space<vmem>>, vector<16xf32>,
        tpu.vector_store %arg16[%swap3A_130], %mul3A_129 {strides = array<i32>} : memref<896xf32, #tpu.memory_space<vmem>>, vector<16xf32>,
        %scan3A_132 = arith.constant 0 : i32
        scf.yield %scan3A_132 : i32
      }
      %scan3A_102 = arith.constant 56 : i32
      "tpu.region"() ({
        %run_scoped3A = tpu.sem_alloc : memref<!tpu.dma_semaphore, #tpu.memory_space<semaphore_mem>>
        %dma_start3A_109 = tpu.memref_slice %arg10[%add3A_87] : memref<100352xf32, #tpu.memory_space<vmem_shared>> -> memref<896xf32, #tpu.memory_space<vmem_shared>>
        %dma_start3A_110 = tpu.memref_slice %arg10[%add3A_87] : memref<100352xf32, #tpu.memory_space<vmem_shared>> -> memref<896xf32, #tpu.memory_space<vmem_shared>>
        tpu.enqueue_dma source(%arg16 : memref<896xf32, #tpu.memory_space<vmem>>) target(%dma_start3A_110 : memref<896xf32, #tpu.memory_space<vmem_shared>>) target_semaphore(%run_scoped3A : memref<!tpu.dma_semaphore, #tpu.memory_space<semaphore_mem>>)
        %dma_wait3A_111 = tpu.memref_slice %arg10[%add3A_87] : memref<100352xf32, #tpu.memory_space<vmem_shared>> -> memref<896xf32, #tpu.memory_space<vmem_shared>>
        %dma_wait3A_112 = tpu.memref_slice %arg10[%add3A_87] : memref<100352xf32, #tpu.memory_space<vmem_shared>> -> memref<896xf32, #tpu.memory_space<vmem_shared>>
        tpu.wait_dma2 semaphore(%run_scoped3A : memref<!tpu.dma_semaphore, #tpu.memory_space<semaphore_mem>>) src(%arg16 : memref<896xf32, #tpu.memory_space<vmem>>) dst(%dma_wait3A_112 : memref<896xf32, #tpu.memory_space<vmem_shared>>)
        tpu.yield
      }) : () -> ()
      %eq3A_103 = arith.constant 0 : i32
      %eq3A_104 = arith.cmpi eq, %arg0, %eq3A_103 : i32
      %convert_element_type3A_105 = arith.extui %eq3A_104 : i1 to i32
      %cond3A_106 = arith.constant 0 : i32
      %cond3A_107 = arith.cmpi ne, %convert_element_type3A_105, %cond3A_106 : i32
      scf.if %cond3A_107 {
        "tpu.region"() ({
          %run_scoped3A = tpu.sem_alloc : memref<!tpu.dma_semaphore, #tpu.memory_space<semaphore_mem>>
          %dma_start3A_109 = tpu.memref_slice %arg7[%add3A_87] : memref<100352xf32, #tpu.memory_space<hbm>> -> memref<896xf32, #tpu.memory_space<hbm>>
          %dma_start3A_110 = tpu.memref_slice %arg7[%add3A_87] : memref<100352xf32, #tpu.memory_space<hbm>> -> memref<896xf32, #tpu.memory_space<hbm>>
          tpu.enqueue_dma source(%arg16 : memref<896xf32, #tpu.memory_space<vmem>>) target(%dma_start3A_110 : memref<896xf32, #tpu.memory_space<hbm>>) target_semaphore(%run_scoped3A : memref<!tpu.dma_semaphore, #tpu.memory_space<semaphore_mem>>)
          %dma_wait3A_111 = tpu.memref_slice %arg7[%add3A_87] : memref<100352xf32, #tpu.memory_space<hbm>> -> memref<896xf32, #tpu.memory_space<hbm>>
          %dma_wait3A_112 = tpu.memref_slice %arg7[%add3A_87] : memref<100352xf32, #tpu.memory_space<hbm>> -> memref<896xf32, #tpu.memory_space<hbm>>
          tpu.wait_dma2 semaphore(%run_scoped3A : memref<!tpu.dma_semaphore, #tpu.memory_space<semaphore_mem>>) src(%arg16 : memref<896xf32, #tpu.memory_space<vmem>>) dst(%dma_wait3A_112 : memref<896xf32, #tpu.memory_space<hbm>>)
          tpu.yield
        }) : () -> ()
      } else {
      }
      %scan3A_108 = arith.constant 0 : i32
      scf.yield %scan3A_108 : i32
    }
    %scan3A_8 = arith.constant 7 : i32
    %eq3A = arith.constant 0 : i32
    %eq3A_9 = arith.cmpi eq, %arg0, %eq3A : i32
    %convert_element_type3A = arith.extui %eq3A_9 : i1 to i32
    %cond3A = arith.constant 0 : i32
    %cond3A_10 = arith.cmpi ne, %convert_element_type3A, %cond3A : i32
    scf.if %cond3A_10 {
      "tpu.region"() ({
        %run_scoped3A = tpu.sem_alloc : memref<!tpu.dma_semaphore, #tpu.memory_space<semaphore_mem>>
        %dma_start3A_83 = arith.constant 0 : i32
        %dma_start3A_84 = tpu.memref_slice %arg8[%arg1, %dma_start3A_83] : memref<16x16xf32, #tpu.memory_space<hbm>> -> memref<1x16xf32, #tpu.memory_space<hbm>>
        %dma_start3A_85 = tpu.memref_squeeze %dma_start3A_84 : memref<1x16xf32, #tpu.memory_space<hbm>> -> memref<16xf32, #tpu.memory_space<hbm>>
        %dma_start3A_86 = arith.constant 0 : i32
        %dma_start3A_87 = tpu.memref_slice %arg8[%arg1, %dma_start3A_86] : memref<16x16xf32, #tpu.memory_space<hbm>> -> memref<1x16xf32, #tpu.memory_space<hbm>>
        %dma_start3A_88 = tpu.memref_squeeze %dma_start3A_87 : memref<1x16xf32, #tpu.memory_space<hbm>> -> memref<16xf32, #tpu.memory_space<hbm>>
        tpu.enqueue_dma source(%arg29 : memref<16xf32, #tpu.memory_space<vmem>>) target(%dma_start3A_88 : memref<16xf32, #tpu.memory_space<hbm>>) target_semaphore(%run_scoped3A : memref<!tpu.dma_semaphore, #tpu.memory_space<semaphore_mem>>)
        %dma_wait3A_89 = arith.constant 0 : i32
        %dma_wait3A_90 = tpu.memref_slice %arg8[%arg1, %dma_wait3A_89] : memref<16x16xf32, #tpu.memory_space<hbm>> -> memref<1x16xf32, #tpu.memory_space<hbm>>
        %dma_wait3A_91 = tpu.memref_squeeze %dma_wait3A_90 : memref<1x16xf32, #tpu.memory_space<hbm>> -> memref<16xf32, #tpu.memory_space<hbm>>
        %dma_wait3A_92 = arith.constant 0 : i32
        %dma_wait3A_93 = tpu.memref_slice %arg8[%arg1, %dma_wait3A_92] : memref<16x16xf32, #tpu.memory_space<hbm>> -> memref<1x16xf32, #tpu.memory_space<hbm>>
        %dma_wait3A_94 = tpu.memref_squeeze %dma_wait3A_93 : memref<1x16xf32, #tpu.memory_space<hbm>> -> memref<16xf32, #tpu.memory_space<hbm>>
        tpu.wait_dma2 semaphore(%run_scoped3A : memref<!tpu.dma_semaphore, #tpu.memory_space<semaphore_mem>>) src(%arg29 : memref<16xf32, #tpu.memory_space<vmem>>) dst(%dma_wait3A_94 : memref<16xf32, #tpu.memory_space<hbm>>)
        tpu.yield
      }) : () -> ()
    } else {
    }
    %scan3A_11 = arith.constant 0 : i32
    %scan3A_12 = arith.constant 0 : i32
    %scan3A_13 = arith.constant 56 : i32
    %scan3A_14 = arith.addi %scan3A_12, %scan3A_13 : i32
    %scan3A_15 = arith.constant 1 : i32
    %scan3A_16 = scf.for %scan3A_83 = %scan3A_12 to %scan3A_14 step %scan3A_15 iter_args(%scan3A_84 = %scan3A_11) -> (i32)  : i32 {
      %broadcast_in_dim3A_85 = arith.constant 0.000000e+00 : f32
      %broadcast_in_dim3A_86 = vector.broadcast %broadcast_in_dim3A_85 : f32 to vector<16xf32>
      %mul3A_87 = arith.constant 16 : i32
      %mul3A_88 = arith.muli %scan3A_83, %mul3A_87 : i32
      %swap3A_89 = arith.index_cast %mul3A_88 : i32 to index
      %swap3A_90 = tpu.vector_load %arg13[%swap3A_89] {strides = array<i32>} : memref<896xf32, #tpu.memory_space<vmem>>, vector<16xf32>,
      tpu.vector_store %arg13[%swap3A_89], %broadcast_in_dim3A_86 {strides = array<i32>} : memref<896xf32, #tpu.memory_space<vmem>>, vector<16xf32>,
      %scan3A_91 = arith.constant 0 : i32
      scf.yield %scan3A_91 : i32
    }
    %scan3A_17 = arith.constant 56 : i32
    %scan3A_18 = arith.constant 0 : i32
    %scan3A_19 = arith.constant 0 : i32
    %scan3A_20 = arith.constant 7 : i32
    %scan3A_21 = arith.addi %scan3A_19, %scan3A_20 : i32
    %scan3A_22 = arith.constant 1 : i32
    %scan3A_23 = scf.for %scan3A_83 = %scan3A_19 to %scan3A_21 step %scan3A_22 iter_args(%scan3A_84 = %scan3A_18) -> (i32)  : i32 {
      %mul3A_85 = arith.constant 896 : i32
      %mul3A_86 = arith.muli %scan3A_83, %mul3A_85 : i32
      %add3A_87 = arith.addi %mul3A_0, %mul3A_86 : i32
      "tpu.region"() ({
        %run_scoped3A = tpu.sem_alloc : memref<!tpu.dma_semaphore, #tpu.memory_space<semaphore_mem>>
        %dma_start3A_89 = tpu.memref_slice %arg11[%add3A_87] : memref<100352xf32, #tpu.memory_space<vmem_shared>> -> memref<896xf32, #tpu.memory_space<vmem_shared>>
        %dma_start3A_90 = tpu.memref_slice %arg11[%add3A_87] : memref<100352xf32, #tpu.memory_space<vmem_shared>> -> memref<896xf32, #tpu.memory_space<vmem_shared>>
        tpu.enqueue_dma source(%arg13 : memref<896xf32, #tpu.memory_space<vmem>>) target(%dma_start3A_90 : memref<896xf32, #tpu.memory_space<vmem_shared>>) target_semaphore(%run_scoped3A : memref<!tpu.dma_semaphore, #tpu.memory_space<semaphore_mem>>)
        %dma_wait3A_91 = tpu.memref_slice %arg11[%add3A_87] : memref<100352xf32, #tpu.memory_space<vmem_shared>> -> memref<896xf32, #tpu.memory_space<vmem_shared>>
        %dma_wait3A_92 = tpu.memref_slice %arg11[%add3A_87] : memref<100352xf32, #tpu.memory_space<vmem_shared>> -> memref<896xf32, #tpu.memory_space<vmem_shared>>
        tpu.wait_dma2 semaphore(%run_scoped3A : memref<!tpu.dma_semaphore, #tpu.memory_space<semaphore_mem>>) src(%arg13 : memref<896xf32, #tpu.memory_space<vmem>>) dst(%dma_wait3A_92 : memref<896xf32, #tpu.memory_space<vmem_shared>>)
        tpu.yield
      }) : () -> ()
      %scan3A_88 = arith.constant 0 : i32
      scf.yield %scan3A_88 : i32
    }
    %scan3A_24 = arith.constant 7 : i32
    %barrier3A = arith.constant 0 : index
    tpu.barrier barrier_id(%barrier3A)
    %scan3A_25 = arith.constant 0 : i32
    %scan3A_26 = arith.constant 0 : i32
    %scan3A_27 = arith.constant 25 : i32
    %scan3A_28 = arith.addi %scan3A_26, %scan3A_27 : i32
    %scan3A_29 = arith.constant 1 : i32
    %scan3A_30 = scf.for %scan3A_83 = %scan3A_26 to %scan3A_28 step %scan3A_29 iter_args(%scan3A_84 = %scan3A_25) -> (i32)  : i32 {
      %mul3A_85 = arith.constant 4000 : i32
      %mul3A_86 = arith.muli %scan3A_83, %mul3A_85 : i32
      "tpu.region"() ({
        %run_scoped3A = tpu.sem_alloc : memref<!tpu.dma_semaphore, #tpu.memory_space<semaphore_mem>>
        %dma_start3A_88 = tpu.memref_slice %arg12[%mul3A_86] : memref<100000xf32, #tpu.memory_space<vmem>> -> memref<4000xf32, #tpu.memory_space<vmem>>
        %dma_start3A_89 = tpu.memref_slice %arg10[%mul3A_86] : memref<100352xf32, #tpu.memory_space<vmem_shared>> -> memref<4000xf32, #tpu.memory_space<vmem_shared>>
        %dma_start3A_90 = tpu.memref_slice %arg12[%mul3A_86] : memref<100000xf32, #tpu.memory_space<vmem>> -> memref<4000xf32, #tpu.memory_space<vmem>>
        %dma_start3A_91 = tpu.memref_slice %arg10[%mul3A_86] : memref<100352xf32, #tpu.memory_space<vmem_shared>> -> memref<4000xf32, #tpu.memory_space<vmem_shared>>
        tpu.enqueue_dma source(%dma_start3A_91 : memref<4000xf32, #tpu.memory_space<vmem_shared>>) target(%dma_start3A_90 : memref<4000xf32, #tpu.memory_space<vmem>>) target_semaphore(%run_scoped3A : memref<!tpu.dma_semaphore, #tpu.memory_space<semaphore_mem>>)
        %dma_wait3A_92 = tpu.memref_slice %arg12[%mul3A_86] : memref<100000xf32, #tpu.memory_space<vmem>> -> memref<4000xf32, #tpu.memory_space<vmem>>
        %dma_wait3A_93 = tpu.memref_slice %arg10[%mul3A_86] : memref<100352xf32, #tpu.memory_space<vmem_shared>> -> memref<4000xf32, #tpu.memory_space<vmem_shared>>
        %dma_wait3A_94 = tpu.memref_slice %arg12[%mul3A_86] : memref<100000xf32, #tpu.memory_space<vmem>> -> memref<4000xf32, #tpu.memory_space<vmem>>
        %dma_wait3A_95 = tpu.memref_slice %arg10[%mul3A_86] : memref<100352xf32, #tpu.memory_space<vmem_shared>> -> memref<4000xf32, #tpu.memory_space<vmem_shared>>
        tpu.wait_dma2 semaphore(%run_scoped3A : memref<!tpu.dma_semaphore, #tpu.memory_space<semaphore_mem>>) src(%dma_wait3A_95 : memref<4000xf32, #tpu.memory_space<vmem_shared>>) dst(%dma_wait3A_94 : memref<4000xf32, #tpu.memory_space<vmem>>)
        tpu.yield
      }) : () -> ()
      %scan3A_87 = arith.constant 0 : i32
      scf.yield %scan3A_87 : i32
    }
    %scan3A_31 = arith.constant 25 : i32
    %mul3A_32 = arith.constant 16 : i32
    %mul3A_33 = arith.muli %arg0, %mul3A_32 : i32
    %add3A = arith.addi %mul3A_33, %arg1 : i32
    %mul3A_34 = arith.constant 200 : i32
    %mul3A_35 = arith.muli %add3A, %mul3A_34 : i32
    %add3A_36 = arith.constant 0 : i32
    %add3A_37 = arith.addi %mul3A_35, %add3A_36 : i32
    %mul3A_38 = arith.constant 1024 : i32
    %mul3A_39 = arith.muli %add3A_37, %mul3A_38 : i32
    %dma_start3A = tpu.memref_slice %arg2[%mul3A_39] : memref<6553600xi32, #tpu.memory_space<hbm>> -> memref<1024xi32, #tpu.memory_space<hbm>>
    %dma_start3A_40 = tpu.memref_slice %arg2[%mul3A_39] : memref<6553600xi32, #tpu.memory_space<hbm>> -> memref<1024xi32, #tpu.memory_space<hbm>>
    tpu.enqueue_dma source(%dma_start3A_40 : memref<1024xi32, #tpu.memory_space<hbm>>) target(%arg17 : memref<1024xi32, #tpu.memory_space<vmem>>) target_semaphore(%arg30 : memref<!tpu.dma_semaphore, #tpu.memory_space<semaphore_mem>>)
    %dma_start3A_41 = tpu.memref_slice %arg3[%mul3A_39] : memref<6553600xi32, #tpu.memory_space<hbm>> -> memref<1024xi32, #tpu.memory_space<hbm>>
    %dma_start3A_42 = tpu.memref_slice %arg3[%mul3A_39] : memref<6553600xi32, #tpu.memory_space<hbm>> -> memref<1024xi32, #tpu.memory_space<hbm>>
    tpu.enqueue_dma source(%dma_start3A_42 : memref<1024xi32, #tpu.memory_space<hbm>>) target(%arg21 : memref<1024xi32, #tpu.memory_space<vmem>>) target_semaphore(%arg30 : memref<!tpu.dma_semaphore, #tpu.memory_space<semaphore_mem>>)
    %add3A_43 = arith.constant 1 : i32
    %add3A_44 = arith.addi %mul3A_35, %add3A_43 : i32
    %mul3A_45 = arith.constant 1024 : i32
    %mul3A_46 = arith.muli %add3A_44, %mul3A_45 : i32
    %dma_start3A_47 = tpu.memref_slice %arg2[%mul3A_46] : memref<6553600xi32, #tpu.memory_space<hbm>> -> memref<1024xi32, #tpu.memory_space<hbm>>
    %dma_start3A_48 = tpu.memref_slice %arg2[%mul3A_46] : memref<6553600xi32, #tpu.memory_space<hbm>> -> memref<1024xi32, #tpu.memory_space<hbm>>
    tpu.enqueue_dma source(%dma_start3A_48 : memref<1024xi32, #tpu.memory_space<hbm>>) target(%arg18 : memref<1024xi32, #tpu.memory_space<vmem>>) target_semaphore(%arg31 : memref<!tpu.dma_semaphore, #tpu.memory_space<semaphore_mem>>)
    %dma_start3A_49 = tpu.memref_slice %arg3[%mul3A_46] : memref<6553600xi32, #tpu.memory_space<hbm>> -> memref<1024xi32, #tpu.memory_space<hbm>>
    %dma_start3A_50 = tpu.memref_slice %arg3[%mul3A_46] : memref<6553600xi32, #tpu.memory_space<hbm>> -> memref<1024xi32, #tpu.memory_space<hbm>>
    tpu.enqueue_dma source(%dma_start3A_50 : memref<1024xi32, #tpu.memory_space<hbm>>) target(%arg22 : memref<1024xi32, #tpu.memory_space<vmem>>) target_semaphore(%arg31 : memref<!tpu.dma_semaphore, #tpu.memory_space<semaphore_mem>>)
    %add3A_51 = arith.constant 2 : i32
    %add3A_52 = arith.addi %mul3A_35, %add3A_51 : i32
    %mul3A_53 = arith.constant 1024 : i32
    %mul3A_54 = arith.muli %add3A_52, %mul3A_53 : i32
    %dma_start3A_55 = tpu.memref_slice %arg2[%mul3A_54] : memref<6553600xi32, #tpu.memory_space<hbm>> -> memref<1024xi32, #tpu.memory_space<hbm>>
    %dma_start3A_56 = tpu.memref_slice %arg2[%mul3A_54] : memref<6553600xi32, #tpu.memory_space<hbm>> -> memref<1024xi32, #tpu.memory_space<hbm>>
    tpu.enqueue_dma source(%dma_start3A_56 : memref<1024xi32, #tpu.memory_space<hbm>>) target(%arg19 : memref<1024xi32, #tpu.memory_space<vmem>>) target_semaphore(%arg32 : memref<!tpu.dma_semaphore, #tpu.memory_space<semaphore_mem>>)
    %dma_start3A_57 = tpu.memref_slice %arg3[%mul3A_54] : memref<6553600xi32, #tpu.memory_space<hbm>> -> memref<1024xi32, #tpu.memory_space<hbm>>
    %dma_start3A_58 = tpu.memref_slice %arg3[%mul3A_54] : memref<6553600xi32, #tpu.memory_space<hbm>> -> memref<1024xi32, #tpu.memory_space<hbm>>
    tpu.enqueue_dma source(%dma_start3A_58 : memref<1024xi32, #tpu.memory_space<hbm>>) target(%arg23 : memref<1024xi32, #tpu.memory_space<vmem>>) target_semaphore(%arg32 : memref<!tpu.dma_semaphore, #tpu.memory_space<semaphore_mem>>)
    %add3A_59 = arith.constant 3 : i32
    %add3A_60 = arith.addi %mul3A_35, %add3A_59 : i32
    %mul3A_61 = arith.constant 1024 : i32
    %mul3A_62 = arith.muli %add3A_60, %mul3A_61 : i32
    %dma_start3A_63 = tpu.memref_slice %arg2[%mul3A_62] : memref<6553600xi32, #tpu.memory_space<hbm>> -> memref<1024xi32, #tpu.memory_space<hbm>>
    %dma_start3A_64 = tpu.memref_slice %arg2[%mul3A_62] : memref<6553600xi32, #tpu.memory_space<hbm>> -> memref<1024xi32, #tpu.memory_space<hbm>>
    tpu.enqueue_dma source(%dma_start3A_64 : memref<1024xi32, #tpu.memory_space<hbm>>) target(%arg20 : memref<1024xi32, #tpu.memory_space<vmem>>) target_semaphore(%arg33 : memref<!tpu.dma_semaphore, #tpu.memory_space<semaphore_mem>>)
    %dma_start3A_65 = tpu.memref_slice %arg3[%mul3A_62] : memref<6553600xi32, #tpu.memory_space<hbm>> -> memref<1024xi32, #tpu.memory_space<hbm>>
    %dma_start3A_66 = tpu.memref_slice %arg3[%mul3A_62] : memref<6553600xi32, #tpu.memory_space<hbm>> -> memref<1024xi32, #tpu.memory_space<hbm>>
    tpu.enqueue_dma source(%dma_start3A_66 : memref<1024xi32, #tpu.memory_space<hbm>>) target(%arg24 : memref<1024xi32, #tpu.memory_space<vmem>>) target_semaphore(%arg33 : memref<!tpu.dma_semaphore, #tpu.memory_space<semaphore_mem>>)
    %scan3A_67 = arith.constant 0 : i32
    %scan3A_68 = arith.constant 0 : i32
    %scan3A_69 = arith.constant 50 : i32
    %scan3A_70 = arith.addi %scan3A_68, %scan3A_69 : i32
    %scan3A_71 = arith.constant 1 : i32
    %scan3A_72 = scf.for %scan3A_83 = %scan3A_68 to %scan3A_70 step %scan3A_71 iter_args(%scan3A_84 = %scan3A_67) -> (i32)  : i32 {
      %mul3A_85 = arith.constant 4 : i32
      %mul3A_86 = arith.muli %mul3A_85, %scan3A_83 : i32
      %add3A_87 = arith.constant 0 : i32
      %add3A_88 = arith.addi %mul3A_86, %add3A_87 : i32
      %ge3A = arith.constant 3 : i32
      %ge3A_89 = arith.cmpi sge, %add3A_88, %ge3A : i32
      %convert_element_type3A_90 = arith.extui %ge3A_89 : i1 to i32
      %cond3A_91 = arith.constant 0 : i32
      %cond3A_92 = arith.cmpi ne, %convert_element_type3A_90, %cond3A_91 : i32
      scf.if %cond3A_92 {
        %dma_wait3A_223 = arith.constant 0 : i32
        %dma_wait3A_224 = tpu.memref_slice %arg11[%dma_wait3A_223] : memref<100352xf32, #tpu.memory_space<vmem_shared>> -> memref<100352xf32, #tpu.memory_space<vmem_shared>>
        tpu.wait_indirect_dma semaphore(%arg35 : memref<!tpu.dma_semaphore, #tpu.memory_space<semaphore_mem>>) src(%arg26 : memref<1024xf32, #tpu.memory_space<vmem>>) dst(%dma_wait3A_224 : memref<100352xf32, #tpu.memory_space<vmem_shared>>)
      } else {
      }
      %add3A_93 = arith.constant 1 : i32
      %add3A_94 = arith.addi %add3A_88, %add3A_93 : i32
      %ge3A_95 = arith.constant 4 : i32
      %ge3A_96 = arith.cmpi sge, %add3A_94, %ge3A_95 : i32
      %lt3A = arith.constant 200 : i32
      %lt3A_97 = arith.cmpi slt, %add3A_94, %lt3A : i32
      %and3A = arith.andi %ge3A_96, %lt3A_97 : i1
      %convert_element_type3A_98 = arith.extui %and3A : i1 to i32
      %cond3A_99 = arith.constant 0 : i32
      %cond3A_100 = arith.cmpi ne, %convert_element_type3A_98, %cond3A_99 : i32
      scf.if %cond3A_100 {
        %add3A_223 = arith.addi %mul3A_35, %add3A_94 : i32
        %mul3A_224 = arith.constant 1024 : i32
        %mul3A_225 = arith.muli %add3A_223, %mul3A_224 : i32
        %dma_start3A_226 = tpu.memref_slice %arg2[%mul3A_225] : memref<6553600xi32, #tpu.memory_space<hbm>> -> memref<1024xi32, #tpu.memory_space<hbm>>
        %dma_start3A_227 = tpu.memref_slice %arg2[%mul3A_225] : memref<6553600xi32, #tpu.memory_space<hbm>> -> memref<1024xi32, #tpu.memory_space<hbm>>
        tpu.enqueue_dma source(%dma_start3A_227 : memref<1024xi32, #tpu.memory_space<hbm>>) target(%arg18 : memref<1024xi32, #tpu.memory_space<vmem>>) target_semaphore(%arg31 : memref<!tpu.dma_semaphore, #tpu.memory_space<semaphore_mem>>)
        %dma_start3A_228 = tpu.memref_slice %arg3[%mul3A_225] : memref<6553600xi32, #tpu.memory_space<hbm>> -> memref<1024xi32, #tpu.memory_space<hbm>>
        %dma_start3A_229 = tpu.memref_slice %arg3[%mul3A_225] : memref<6553600xi32, #tpu.memory_space<hbm>> -> memref<1024xi32, #tpu.memory_space<hbm>>
        tpu.enqueue_dma source(%dma_start3A_229 : memref<1024xi32, #tpu.memory_space<hbm>>) target(%arg22 : memref<1024xi32, #tpu.memory_space<vmem>>) target_semaphore(%arg31 : memref<!tpu.dma_semaphore, #tpu.memory_space<semaphore_mem>>)
      } else {
      }
      %add3A_101 = arith.addi %mul3A_35, %add3A_88 : i32
      %mul3A_102 = arith.constant 1024 : i32
      %mul3A_103 = arith.muli %add3A_101, %mul3A_102 : i32
      %dma_wait3A_104 = tpu.memref_slice %arg2[%mul3A_103] : memref<6553600xi32, #tpu.memory_space<hbm>> -> memref<1024xi32, #tpu.memory_space<hbm>>
      %dma_wait3A_105 = tpu.memref_slice %arg2[%mul3A_103] : memref<6553600xi32, #tpu.memory_space<hbm>> -> memref<1024xi32, #tpu.memory_space<hbm>>
      tpu.wait_dma2 semaphore(%arg30 : memref<!tpu.dma_semaphore, #tpu.memory_space<semaphore_mem>>) src(%dma_wait3A_105 : memref<1024xi32, #tpu.memory_space<hbm>>) dst(%arg17 : memref<1024xi32, #tpu.memory_space<vmem>>)
      %dma_wait3A_106 = tpu.memref_slice %arg3[%mul3A_103] : memref<6553600xi32, #tpu.memory_space<hbm>> -> memref<1024xi32, #tpu.memory_space<hbm>>
      %dma_wait3A_107 = tpu.memref_slice %arg3[%mul3A_103] : memref<6553600xi32, #tpu.memory_space<hbm>> -> memref<1024xi32, #tpu.memory_space<hbm>>
      tpu.wait_dma2 semaphore(%arg30 : memref<!tpu.dma_semaphore, #tpu.memory_space<semaphore_mem>>) src(%dma_wait3A_107 : memref<1024xi32, #tpu.memory_space<hbm>>) dst(%arg21 : memref<1024xi32, #tpu.memory_space<vmem>>)
      %scan3A_108 = arith.constant 0 : i32
      %scan3A_109 = arith.constant 0 : i32
      %scan3A_110 = arith.constant 64 : i32
      %scan3A_111 = arith.addi %scan3A_109, %scan3A_110 : i32
      %scan3A_112 = arith.constant 1 : i32
      %scan3A_113 = scf.for %scan3A_223 = %scan3A_109 to %scan3A_111 step %scan3A_112 iter_args(%scan3A_224 = %scan3A_108) -> (i32)  : i32 {
        %mul3A_225 = arith.constant 16 : i32
        %mul3A_226 = arith.muli %scan3A_223, %mul3A_225 : i32
        %get3A = arith.index_cast %mul3A_226 : i32 to index
        %get3A_227 = tpu.vector_load %arg17[%get3A] {strides = array<i32>} : memref<1024xi32, #tpu.memory_space<vmem>>, vector<16xi32>,
        %gather3A = tpu.vector_load_idx %arg12[%get3A_227] : memref<100000xf32, #tpu.memory_space<vmem>>[vector<16xi32>], vector<16xf32>,
        %swap3A_228 = arith.index_cast %mul3A_226 : i32 to index
        %swap3A_229 = tpu.vector_load %arg25[%swap3A_228] {strides = array<i32>} : memref<1024xf32, #tpu.memory_space<vmem>>, vector<16xf32>,
        %swap3A_230 = vector.shape_cast %swap3A_229 : vector<16xf32> to vector<16xf32>
        %swap3A_231 = vector.shape_cast %gather3A : vector<16xf32> to vector<16xf32>
        tpu.vector_store %arg25[%swap3A_228], %swap3A_231 {strides = array<i32>} : memref<1024xf32, #tpu.memory_space<vmem>>, vector<16xf32>,
        %scan3A_232 = arith.constant 0 : i32
        scf.yield %scan3A_232 : i32
      }
      %scan3A_114 = arith.constant 64 : i32
      %dma_start3A_115 = arith.constant 0 : i32
      %dma_start3A_116 = tpu.memref_slice %arg11[%dma_start3A_115] : memref<100352xf32, #tpu.memory_space<vmem_shared>> -> memref<100352xf32, #tpu.memory_space<vmem_shared>>
      tpu.enqueue_indirect_dma source(%arg25 : memref<1024xf32, #tpu.memory_space<vmem>>) target(%dma_start3A_116 : memref<100352xf32, #tpu.memory_space<vmem_shared>>) offsets(%arg21 : memref<1024xi32, #tpu.memory_space<vmem>>) semaphore(%arg34 : memref<!tpu.dma_semaphore, #tpu.memory_space<semaphore_mem>>) {add = true}
      %mul3A_117 = arith.constant 4 : i32
      %mul3A_118 = arith.muli %mul3A_117, %scan3A_83 : i32
      %add3A_119 = arith.constant 1 : i32
      %add3A_120 = arith.addi %mul3A_118, %add3A_119 : i32
      %ge3A_121 = arith.constant 3 : i32
      %ge3A_122 = arith.cmpi sge, %add3A_120, %ge3A_121 : i32
      %convert_element_type3A_123 = arith.extui %ge3A_122 : i1 to i32
      %cond3A_124 = arith.constant 0 : i32
      %cond3A_125 = arith.cmpi ne, %convert_element_type3A_123, %cond3A_124 : i32
      scf.if %cond3A_125 {
        %dma_wait3A_223 = arith.constant 0 : i32
        %dma_wait3A_224 = tpu.memref_slice %arg11[%dma_wait3A_223] : memref<100352xf32, #tpu.memory_space<vmem_shared>> -> memref<100352xf32, #tpu.memory_space<vmem_shared>>
        tpu.wait_indirect_dma semaphore(%arg36 : memref<!tpu.dma_semaphore, #tpu.memory_space<semaphore_mem>>) src(%arg27 : memref<1024xf32, #tpu.memory_space<vmem>>) dst(%dma_wait3A_224 : memref<100352xf32, #tpu.memory_space<vmem_shared>>)
      } else {
      }
      %add3A_126 = arith.constant 1 : i32
      %add3A_127 = arith.addi %add3A_120, %add3A_126 : i32
      %ge3A_128 = arith.constant 4 : i32
      %ge3A_129 = arith.cmpi sge, %add3A_127, %ge3A_128 : i32
      %lt3A_130 = arith.constant 200 : i32
      %lt3A_131 = arith.cmpi slt, %add3A_127, %lt3A_130 : i32
      %and3A_132 = arith.andi %ge3A_129, %lt3A_131 : i1
      %convert_element_type3A_133 = arith.extui %and3A_132 : i1 to i32
      %cond3A_134 = arith.constant 0 : i32
      %cond3A_135 = arith.cmpi ne, %convert_element_type3A_133, %cond3A_134 : i32
      scf.if %cond3A_135 {
        %add3A_223 = arith.addi %mul3A_35, %add3A_127 : i32
        %mul3A_224 = arith.constant 1024 : i32
        %mul3A_225 = arith.muli %add3A_223, %mul3A_224 : i32
        %dma_start3A_226 = tpu.memref_slice %arg2[%mul3A_225] : memref<6553600xi32, #tpu.memory_space<hbm>> -> memref<1024xi32, #tpu.memory_space<hbm>>
        %dma_start3A_227 = tpu.memref_slice %arg2[%mul3A_225] : memref<6553600xi32, #tpu.memory_space<hbm>> -> memref<1024xi32, #tpu.memory_space<hbm>>
        tpu.enqueue_dma source(%dma_start3A_227 : memref<1024xi32, #tpu.memory_space<hbm>>) target(%arg19 : memref<1024xi32, #tpu.memory_space<vmem>>) target_semaphore(%arg32 : memref<!tpu.dma_semaphore, #tpu.memory_space<semaphore_mem>>)
        %dma_start3A_228 = tpu.memref_slice %arg3[%mul3A_225] : memref<6553600xi32, #tpu.memory_space<hbm>> -> memref<1024xi32, #tpu.memory_space<hbm>>
        %dma_start3A_229 = tpu.memref_slice %arg3[%mul3A_225] : memref<6553600xi32, #tpu.memory_space<hbm>> -> memref<1024xi32, #tpu.memory_space<hbm>>
        tpu.enqueue_dma source(%dma_start3A_229 : memref<1024xi32, #tpu.memory_space<hbm>>) target(%arg23 : memref<1024xi32, #tpu.memory_space<vmem>>) target_semaphore(%arg32 : memref<!tpu.dma_semaphore, #tpu.memory_space<semaphore_mem>>)
      } else {
      }
      %add3A_136 = arith.addi %mul3A_35, %add3A_120 : i32
      %mul3A_137 = arith.constant 1024 : i32
      %mul3A_138 = arith.muli %add3A_136, %mul3A_137 : i32
      %dma_wait3A_139 = tpu.memref_slice %arg2[%mul3A_138] : memref<6553600xi32, #tpu.memory_space<hbm>> -> memref<1024xi32, #tpu.memory_space<hbm>>
      %dma_wait3A_140 = tpu.memref_slice %arg2[%mul3A_138] : memref<6553600xi32, #tpu.memory_space<hbm>> -> memref<1024xi32, #tpu.memory_space<hbm>>
      tpu.wait_dma2 semaphore(%arg31 : memref<!tpu.dma_semaphore, #tpu.memory_space<semaphore_mem>>) src(%dma_wait3A_140 : memref<1024xi32, #tpu.memory_space<hbm>>) dst(%arg18 : memref<1024xi32, #tpu.memory_space<vmem>>)
      %dma_wait3A_141 = tpu.memref_slice %arg3[%mul3A_138] : memref<6553600xi32, #tpu.memory_space<hbm>> -> memref<1024xi32, #tpu.memory_space<hbm>>
      %dma_wait3A_142 = tpu.memref_slice %arg3[%mul3A_138] : memref<6553600xi32, #tpu.memory_space<hbm>> -> memref<1024xi32, #tpu.memory_space<hbm>>
      tpu.wait_dma2 semaphore(%arg31 : memref<!tpu.dma_semaphore, #tpu.memory_space<semaphore_mem>>) src(%dma_wait3A_142 : memref<1024xi32, #tpu.memory_space<hbm>>) dst(%arg22 : memref<1024xi32, #tpu.memory_space<vmem>>)
      %scan3A_143 = arith.constant 0 : i32
      %scan3A_144 = arith.constant 0 : i32
      %scan3A_145 = arith.constant 64 : i32
      %scan3A_146 = arith.addi %scan3A_144, %scan3A_145 : i32
      %scan3A_147 = arith.constant 1 : i32
      %scan3A_148 = scf.for %scan3A_223 = %scan3A_144 to %scan3A_146 step %scan3A_147 iter_args(%scan3A_224 = %scan3A_143) -> (i32)  : i32 {
        %mul3A_225 = arith.constant 16 : i32
        %mul3A_226 = arith.muli %scan3A_223, %mul3A_225 : i32
        %get3A = arith.index_cast %mul3A_226 : i32 to index
        %get3A_227 = tpu.vector_load %arg18[%get3A] {strides = array<i32>} : memref<1024xi32, #tpu.memory_space<vmem>>, vector<16xi32>,
        %gather3A = tpu.vector_load_idx %arg12[%get3A_227] : memref<100000xf32, #tpu.memory_space<vmem>>[vector<16xi32>], vector<16xf32>,
        %swap3A_228 = arith.index_cast %mul3A_226 : i32 to index
        %swap3A_229 = tpu.vector_load %arg26[%swap3A_228] {strides = array<i32>} : memref<1024xf32, #tpu.memory_space<vmem>>, vector<16xf32>,
        %swap3A_230 = vector.shape_cast %swap3A_229 : vector<16xf32> to vector<16xf32>
        %swap3A_231 = vector.shape_cast %gather3A : vector<16xf32> to vector<16xf32>
        tpu.vector_store %arg26[%swap3A_228], %swap3A_231 {strides = array<i32>} : memref<1024xf32, #tpu.memory_space<vmem>>, vector<16xf32>,
        %scan3A_232 = arith.constant 0 : i32
        scf.yield %scan3A_232 : i32
      }
      %scan3A_149 = arith.constant 64 : i32
      %dma_start3A_150 = arith.constant 0 : i32
      %dma_start3A_151 = tpu.memref_slice %arg11[%dma_start3A_150] : memref<100352xf32, #tpu.memory_space<vmem_shared>> -> memref<100352xf32, #tpu.memory_space<vmem_shared>>
      tpu.enqueue_indirect_dma source(%arg26 : memref<1024xf32, #tpu.memory_space<vmem>>) target(%dma_start3A_151 : memref<100352xf32, #tpu.memory_space<vmem_shared>>) offsets(%arg22 : memref<1024xi32, #tpu.memory_space<vmem>>) semaphore(%arg35 : memref<!tpu.dma_semaphore, #tpu.memory_space<semaphore_mem>>) {add = true}
      %mul3A_152 = arith.constant 4 : i32
      %mul3A_153 = arith.muli %mul3A_152, %scan3A_83 : i32
      %add3A_154 = arith.constant 2 : i32
      %add3A_155 = arith.addi %mul3A_153, %add3A_154 : i32
      %ge3A_156 = arith.constant 3 : i32
      %ge3A_157 = arith.cmpi sge, %add3A_155, %ge3A_156 : i32
      %convert_element_type3A_158 = arith.extui %ge3A_157 : i1 to i32
      %cond3A_159 = arith.constant 0 : i32
      %cond3A_160 = arith.cmpi ne, %convert_element_type3A_158, %cond3A_159 : i32
      scf.if %cond3A_160 {
        %dma_wait3A_223 = arith.constant 0 : i32
        %dma_wait3A_224 = tpu.memref_slice %arg11[%dma_wait3A_223] : memref<100352xf32, #tpu.memory_space<vmem_shared>> -> memref<100352xf32, #tpu.memory_space<vmem_shared>>
        tpu.wait_indirect_dma semaphore(%arg37 : memref<!tpu.dma_semaphore, #tpu.memory_space<semaphore_mem>>) src(%arg28 : memref<1024xf32, #tpu.memory_space<vmem>>) dst(%dma_wait3A_224 : memref<100352xf32, #tpu.memory_space<vmem_shared>>)
      } else {
      }
      %add3A_161 = arith.constant 1 : i32
      %add3A_162 = arith.addi %add3A_155, %add3A_161 : i32
      %ge3A_163 = arith.constant 4 : i32
      %ge3A_164 = arith.cmpi sge, %add3A_162, %ge3A_163 : i32
      %lt3A_165 = arith.constant 200 : i32
      %lt3A_166 = arith.cmpi slt, %add3A_162, %lt3A_165 : i32
      %and3A_167 = arith.andi %ge3A_164, %lt3A_166 : i1
      %convert_element_type3A_168 = arith.extui %and3A_167 : i1 to i32
      %cond3A_169 = arith.constant 0 : i32
      %cond3A_170 = arith.cmpi ne, %convert_element_type3A_168, %cond3A_169 : i32
      scf.if %cond3A_170 {
        %add3A_223 = arith.addi %mul3A_35, %add3A_162 : i32
        %mul3A_224 = arith.constant 1024 : i32
        %mul3A_225 = arith.muli %add3A_223, %mul3A_224 : i32
        %dma_start3A_226 = tpu.memref_slice %arg2[%mul3A_225] : memref<6553600xi32, #tpu.memory_space<hbm>> -> memref<1024xi32, #tpu.memory_space<hbm>>
        %dma_start3A_227 = tpu.memref_slice %arg2[%mul3A_225] : memref<6553600xi32, #tpu.memory_space<hbm>> -> memref<1024xi32, #tpu.memory_space<hbm>>
        tpu.enqueue_dma source(%dma_start3A_227 : memref<1024xi32, #tpu.memory_space<hbm>>) target(%arg20 : memref<1024xi32, #tpu.memory_space<vmem>>) target_semaphore(%arg33 : memref<!tpu.dma_semaphore, #tpu.memory_space<semaphore_mem>>)
        %dma_start3A_228 = tpu.memref_slice %arg3[%mul3A_225] : memref<6553600xi32, #tpu.memory_space<hbm>> -> memref<1024xi32, #tpu.memory_space<hbm>>
        %dma_start3A_229 = tpu.memref_slice %arg3[%mul3A_225] : memref<6553600xi32, #tpu.memory_space<hbm>> -> memref<1024xi32, #tpu.memory_space<hbm>>
        tpu.enqueue_dma source(%dma_start3A_229 : memref<1024xi32, #tpu.memory_space<hbm>>) target(%arg24 : memref<1024xi32, #tpu.memory_space<vmem>>) target_semaphore(%arg33 : memref<!tpu.dma_semaphore, #tpu.memory_space<semaphore_mem>>)
      } else {
      }
      %add3A_171 = arith.addi %mul3A_35, %add3A_155 : i32
      %mul3A_172 = arith.constant 1024 : i32
      %mul3A_173 = arith.muli %add3A_171, %mul3A_172 : i32
      %dma_wait3A_174 = tpu.memref_slice %arg2[%mul3A_173] : memref<6553600xi32, #tpu.memory_space<hbm>> -> memref<1024xi32, #tpu.memory_space<hbm>>
      %dma_wait3A_175 = tpu.memref_slice %arg2[%mul3A_173] : memref<6553600xi32, #tpu.memory_space<hbm>> -> memref<1024xi32, #tpu.memory_space<hbm>>
      tpu.wait_dma2 semaphore(%arg32 : memref<!tpu.dma_semaphore, #tpu.memory_space<semaphore_mem>>) src(%dma_wait3A_175 : memref<1024xi32, #tpu.memory_space<hbm>>) dst(%arg19 : memref<1024xi32, #tpu.memory_space<vmem>>)
      %dma_wait3A_176 = tpu.memref_slice %arg3[%mul3A_173] : memref<6553600xi32, #tpu.memory_space<hbm>> -> memref<1024xi32, #tpu.memory_space<hbm>>
      %dma_wait3A_177 = tpu.memref_slice %arg3[%mul3A_173] : memref<6553600xi32, #tpu.memory_space<hbm>> -> memref<1024xi32, #tpu.memory_space<hbm>>
      tpu.wait_dma2 semaphore(%arg32 : memref<!tpu.dma_semaphore, #tpu.memory_space<semaphore_mem>>) src(%dma_wait3A_177 : memref<1024xi32, #tpu.memory_space<hbm>>) dst(%arg23 : memref<1024xi32, #tpu.memory_space<vmem>>)
      %scan3A_178 = arith.constant 0 : i32
      %scan3A_179 = arith.constant 0 : i32
      %scan3A_180 = arith.constant 64 : i32
      %scan3A_181 = arith.addi %scan3A_179, %scan3A_180 : i32
      %scan3A_182 = arith.constant 1 : i32
      %scan3A_183 = scf.for %scan3A_223 = %scan3A_179 to %scan3A_181 step %scan3A_182 iter_args(%scan3A_224 = %scan3A_178) -> (i32)  : i32 {
        %mul3A_225 = arith.constant 16 : i32
        %mul3A_226 = arith.muli %scan3A_223, %mul3A_225 : i32
        %get3A = arith.index_cast %mul3A_226 : i32 to index
        %get3A_227 = tpu.vector_load %arg19[%get3A] {strides = array<i32>} : memref<1024xi32, #tpu.memory_space<vmem>>, vector<16xi32>,
        %gather3A = tpu.vector_load_idx %arg12[%get3A_227] : memref<100000xf32, #tpu.memory_space<vmem>>[vector<16xi32>], vector<16xf32>,
        %swap3A_228 = arith.index_cast %mul3A_226 : i32 to index
        %swap3A_229 = tpu.vector_load %arg27[%swap3A_228] {strides = array<i32>} : memref<1024xf32, #tpu.memory_space<vmem>>, vector<16xf32>,
        %swap3A_230 = vector.shape_cast %swap3A_229 : vector<16xf32> to vector<16xf32>
        %swap3A_231 = vector.shape_cast %gather3A : vector<16xf32> to vector<16xf32>
        tpu.vector_store %arg27[%swap3A_228], %swap3A_231 {strides = array<i32>} : memref<1024xf32, #tpu.memory_space<vmem>>, vector<16xf32>,
        %scan3A_232 = arith.constant 0 : i32
        scf.yield %scan3A_232 : i32
      }
      %scan3A_184 = arith.constant 64 : i32
      %dma_start3A_185 = arith.constant 0 : i32
      %dma_start3A_186 = tpu.memref_slice %arg11[%dma_start3A_185] : memref<100352xf32, #tpu.memory_space<vmem_shared>> -> memref<100352xf32, #tpu.memory_space<vmem_shared>>
      tpu.enqueue_indirect_dma source(%arg27 : memref<1024xf32, #tpu.memory_space<vmem>>) target(%dma_start3A_186 : memref<100352xf32, #tpu.memory_space<vmem_shared>>) offsets(%arg23 : memref<1024xi32, #tpu.memory_space<vmem>>) semaphore(%arg36 : memref<!tpu.dma_semaphore, #tpu.memory_space<semaphore_mem>>) {add = true}
      %mul3A_187 = arith.constant 4 : i32
      %mul3A_188 = arith.muli %mul3A_187, %scan3A_83 : i32
      %add3A_189 = arith.constant 3 : i32
      %add3A_190 = arith.addi %mul3A_188, %add3A_189 : i32
      %ge3A_191 = arith.constant 3 : i32
      %ge3A_192 = arith.cmpi sge, %add3A_190, %ge3A_191 : i32
      %convert_element_type3A_193 = arith.extui %ge3A_192 : i1 to i32
      %cond3A_194 = arith.constant 0 : i32
      %cond3A_195 = arith.cmpi ne, %convert_element_type3A_193, %cond3A_194 : i32
      scf.if %cond3A_195 {
        %dma_wait3A_223 = arith.constant 0 : i32
        %dma_wait3A_224 = tpu.memref_slice %arg11[%dma_wait3A_223] : memref<100352xf32, #tpu.memory_space<vmem_shared>> -> memref<100352xf32, #tpu.memory_space<vmem_shared>>
        tpu.wait_indirect_dma semaphore(%arg34 : memref<!tpu.dma_semaphore, #tpu.memory_space<semaphore_mem>>) src(%arg25 : memref<1024xf32, #tpu.memory_space<vmem>>) dst(%dma_wait3A_224 : memref<100352xf32, #tpu.memory_space<vmem_shared>>)
      } else {
      }
      %add3A_196 = arith.constant 1 : i32
      %add3A_197 = arith.addi %add3A_190, %add3A_196 : i32
      %ge3A_198 = arith.constant 4 : i32
      %ge3A_199 = arith.cmpi sge, %add3A_197, %ge3A_198 : i32
      %lt3A_200 = arith.constant 200 : i32
      %lt3A_201 = arith.cmpi slt, %add3A_197, %lt3A_200 : i32
      %and3A_202 = arith.andi %ge3A_199, %lt3A_201 : i1
      %convert_element_type3A_203 = arith.extui %and3A_202 : i1 to i32
      %cond3A_204 = arith.constant 0 : i32
      %cond3A_205 = arith.cmpi ne, %convert_element_type3A_203, %cond3A_204 : i32
      scf.if %cond3A_205 {
        %add3A_223 = arith.addi %mul3A_35, %add3A_197 : i32
        %mul3A_224 = arith.constant 1024 : i32
        %mul3A_225 = arith.muli %add3A_223, %mul3A_224 : i32
        %dma_start3A_226 = tpu.memref_slice %arg2[%mul3A_225] : memref<6553600xi32, #tpu.memory_space<hbm>> -> memref<1024xi32, #tpu.memory_space<hbm>>
        %dma_start3A_227 = tpu.memref_slice %arg2[%mul3A_225] : memref<6553600xi32, #tpu.memory_space<hbm>> -> memref<1024xi32, #tpu.memory_space<hbm>>
        tpu.enqueue_dma source(%dma_start3A_227 : memref<1024xi32, #tpu.memory_space<hbm>>) target(%arg17 : memref<1024xi32, #tpu.memory_space<vmem>>) target_semaphore(%arg30 : memref<!tpu.dma_semaphore, #tpu.memory_space<semaphore_mem>>)
        %dma_start3A_228 = tpu.memref_slice %arg3[%mul3A_225] : memref<6553600xi32, #tpu.memory_space<hbm>> -> memref<1024xi32, #tpu.memory_space<hbm>>
        %dma_start3A_229 = tpu.memref_slice %arg3[%mul3A_225] : memref<6553600xi32, #tpu.memory_space<hbm>> -> memref<1024xi32, #tpu.memory_space<hbm>>
        tpu.enqueue_dma source(%dma_start3A_229 : memref<1024xi32, #tpu.memory_space<hbm>>) target(%arg21 : memref<1024xi32, #tpu.memory_space<vmem>>) target_semaphore(%arg30 : memref<!tpu.dma_semaphore, #tpu.memory_space<semaphore_mem>>)
      } else {
      }
      %add3A_206 = arith.addi %mul3A_35, %add3A_190 : i32
      %mul3A_207 = arith.constant 1024 : i32
      %mul3A_208 = arith.muli %add3A_206, %mul3A_207 : i32
      %dma_wait3A_209 = tpu.memref_slice %arg2[%mul3A_208] : memref<6553600xi32, #tpu.memory_space<hbm>> -> memref<1024xi32, #tpu.memory_space<hbm>>
      %dma_wait3A_210 = tpu.memref_slice %arg2[%mul3A_208] : memref<6553600xi32, #tpu.memory_space<hbm>> -> memref<1024xi32, #tpu.memory_space<hbm>>
      tpu.wait_dma2 semaphore(%arg33 : memref<!tpu.dma_semaphore, #tpu.memory_space<semaphore_mem>>) src(%dma_wait3A_210 : memref<1024xi32, #tpu.memory_space<hbm>>) dst(%arg20 : memref<1024xi32, #tpu.memory_space<vmem>>)
      %dma_wait3A_211 = tpu.memref_slice %arg3[%mul3A_208] : memref<6553600xi32, #tpu.memory_space<hbm>> -> memref<1024xi32, #tpu.memory_space<hbm>>
      %dma_wait3A_212 = tpu.memref_slice %arg3[%mul3A_208] : memref<6553600xi32, #tpu.memory_space<hbm>> -> memref<1024xi32, #tpu.memory_space<hbm>>
      tpu.wait_dma2 semaphore(%arg33 : memref<!tpu.dma_semaphore, #tpu.memory_space<semaphore_mem>>) src(%dma_wait3A_212 : memref<1024xi32, #tpu.memory_space<hbm>>) dst(%arg24 : memref<1024xi32, #tpu.memory_space<vmem>>)
      %scan3A_213 = arith.constant 0 : i32
      %scan3A_214 = arith.constant 0 : i32
      %scan3A_215 = arith.constant 64 : i32
      %scan3A_216 = arith.addi %scan3A_214, %scan3A_215 : i32
      %scan3A_217 = arith.constant 1 : i32
      %scan3A_218 = scf.for %scan3A_223 = %scan3A_214 to %scan3A_216 step %scan3A_217 iter_args(%scan3A_224 = %scan3A_213) -> (i32)  : i32 {
        %mul3A_225 = arith.constant 16 : i32
        %mul3A_226 = arith.muli %scan3A_223, %mul3A_225 : i32
        %get3A = arith.index_cast %mul3A_226 : i32 to index
        %get3A_227 = tpu.vector_load %arg20[%get3A] {strides = array<i32>} : memref<1024xi32, #tpu.memory_space<vmem>>, vector<16xi32>,
        %gather3A = tpu.vector_load_idx %arg12[%get3A_227] : memref<100000xf32, #tpu.memory_space<vmem>>[vector<16xi32>], vector<16xf32>,
        %swap3A_228 = arith.index_cast %mul3A_226 : i32 to index
        %swap3A_229 = tpu.vector_load %arg28[%swap3A_228] {strides = array<i32>} : memref<1024xf32, #tpu.memory_space<vmem>>, vector<16xf32>,
        %swap3A_230 = vector.shape_cast %swap3A_229 : vector<16xf32> to vector<16xf32>
        %swap3A_231 = vector.shape_cast %gather3A : vector<16xf32> to vector<16xf32>
        tpu.vector_store %arg28[%swap3A_228], %swap3A_231 {strides = array<i32>} : memref<1024xf32, #tpu.memory_space<vmem>>, vector<16xf32>,
        %scan3A_232 = arith.constant 0 : i32
        scf.yield %scan3A_232 : i32
      }
      %scan3A_219 = arith.constant 64 : i32
      %dma_start3A_220 = arith.constant 0 : i32
      %dma_start3A_221 = tpu.memref_slice %arg11[%dma_start3A_220] : memref<100352xf32, #tpu.memory_space<vmem_shared>> -> memref<100352xf32, #tpu.memory_space<vmem_shared>>
      tpu.enqueue_indirect_dma source(%arg28 : memref<1024xf32, #tpu.memory_space<vmem>>) target(%dma_start3A_221 : memref<100352xf32, #tpu.memory_space<vmem_shared>>) offsets(%arg24 : memref<1024xi32, #tpu.memory_space<vmem>>) semaphore(%arg37 : memref<!tpu.dma_semaphore, #tpu.memory_space<semaphore_mem>>) {add = true}
      %scan3A_222 = arith.constant 0 : i32
      scf.yield %scan3A_222 : i32
    }
    %scan3A_73 = arith.constant 50 : i32
    %dma_wait3A = arith.constant 0 : i32
    %dma_wait3A_74 = tpu.memref_slice %arg11[%dma_wait3A] : memref<100352xf32, #tpu.memory_space<vmem_shared>> -> memref<100352xf32, #tpu.memory_space<vmem_shared>>
    tpu.wait_indirect_dma semaphore(%arg35 : memref<!tpu.dma_semaphore, #tpu.memory_space<semaphore_mem>>) src(%arg26 : memref<1024xf32, #tpu.memory_space<vmem>>) dst(%dma_wait3A_74 : memref<100352xf32, #tpu.memory_space<vmem_shared>>)
    %dma_wait3A_75 = arith.constant 0 : i32
    %dma_wait3A_76 = tpu.memref_slice %arg11[%dma_wait3A_75] : memref<100352xf32, #tpu.memory_space<vmem_shared>> -> memref<100352xf32, #tpu.memory_space<vmem_shared>>
    tpu.wait_indirect_dma semaphore(%arg36 : memref<!tpu.dma_semaphore, #tpu.memory_space<semaphore_mem>>) src(%arg27 : memref<1024xf32, #tpu.memory_space<vmem>>) dst(%dma_wait3A_76 : memref<100352xf32, #tpu.memory_space<vmem_shared>>)
    %dma_wait3A_77 = arith.constant 0 : i32
    %dma_wait3A_78 = tpu.memref_slice %arg11[%dma_wait3A_77] : memref<100352xf32, #tpu.memory_space<vmem_shared>> -> memref<100352xf32, #tpu.memory_space<vmem_shared>>
    tpu.wait_indirect_dma semaphore(%arg37 : memref<!tpu.dma_semaphore, #tpu.memory_space<semaphore_mem>>) src(%arg28 : memref<1024xf32, #tpu.memory_space<vmem>>) dst(%dma_wait3A_78 : memref<100352xf32, #tpu.memory_space<vmem_shared>>)
    %barrier3A_79 = arith.constant 0 : index
    tpu.barrier barrier_id(%barrier3A_79)
    %mul3A_80 = arith.constant 100352 : i32
    %mul3A_81 = arith.muli %arg0, %mul3A_80 : i32
    %add3A_82 = arith.addi %mul3A_81, %mul3A_0 : i32
    "tpu.region"() ({
      %run_scoped3A = tpu.sem_alloc : memref<!tpu.dma_semaphore, #tpu.memory_space<semaphore_mem>>
      %dma_start3A_83 = tpu.memref_slice %arg9[%add3A_82] : memref<200704xf32, #tpu.memory_space<hbm>> -> memref<6272xf32, #tpu.memory_space<hbm>>
      %dma_start3A_84 = tpu.memref_slice %arg11[%mul3A_0] : memref<100352xf32, #tpu.memory_space<vmem_shared>> -> memref<6272xf32, #tpu.memory_space<vmem_shared>>
      tpu.enqueue_dma source(%dma_start3A_84 : memref<6272xf32, #tpu.memory_space<vmem_shared>>) target(%dma_start3A_83 : memref<6272xf32, #tpu.memory_space<hbm>>) target_semaphore(%run_scoped3A : memref<!tpu.dma_semaphore, #tpu.memory_space<semaphore_mem>>)
      %dma_wait3A_85 = tpu.memref_slice %arg9[%add3A_82] : memref<200704xf32, #tpu.memory_space<hbm>> -> memref<6272xf32, #tpu.memory_space<hbm>>
      %dma_wait3A_86 = tpu.memref_slice %arg11[%mul3A_0] : memref<100352xf32, #tpu.memory_space<vmem_shared>> -> memref<6272xf32, #tpu.memory_space<vmem_shared>>
      tpu.wait_dma2 semaphore(%run_scoped3A : memref<!tpu.dma_semaphore, #tpu.memory_space<semaphore_mem>>) src(%dma_wait3A_86 : memref<6272xf32, #tpu.memory_space<vmem_shared>>) dst(%dma_wait3A_85 : memref<6272xf32, #tpu.memory_space<hbm>>)
      tpu.yield
    }) : () -> ()
    return
  }
}

#map = affine_map<(d0, d1) -> (0)>
module attributes {stable_mosaic.version = 14 : i64} {
  func.func @_hist_body(%arg0: i32, %arg1: i32, %arg2: memref<6553600xi32, #tpu.memory_space<hbm>>, %arg3: memref<200704xf32, #tpu.memory_space<hbm>>, %arg4: memref<100352xf32, #tpu.memory_space<vmem_shared>>, %arg5: memref<6272xf32, #tpu.memory_space<vmem>>, %arg6: memref<1024xi32, #tpu.memory_space<vmem>>, %arg7: memref<1024xi32, #tpu.memory_space<vmem>>, %arg8: memref<1024xi32, #tpu.memory_space<vmem>>, %arg9: memref<1024xi32, #tpu.memory_space<vmem>>, %arg10: memref<1024xf32, #tpu.memory_space<vmem>>, %arg11: memref<!tpu.dma_semaphore, #tpu.memory_space<semaphore_mem>>, %arg12: memref<!tpu.dma_semaphore, #tpu.memory_space<semaphore_mem>>, %arg13: memref<!tpu.dma_semaphore, #tpu.memory_space<semaphore_mem>>, %arg14: memref<!tpu.dma_semaphore, #tpu.memory_space<semaphore_mem>>, %arg15: memref<!tpu.dma_semaphore, #tpu.memory_space<semaphore_mem>>, %arg16: memref<!tpu.dma_semaphore, #tpu.memory_space<semaphore_mem>>, %arg17: memref<!tpu.dma_semaphore, #tpu.memory_space<semaphore_mem>>, %arg18: memref<!tpu.dma_semaphore, #tpu.memory_space<semaphore_mem>>) attributes {dimension_semantics = [#tpu.dimension_semantics<core_parallel>, #tpu.dimension_semantics<subcore_parallel>], iteration_bounds = array<i64: 2, 16>, scalar_prefetch = 0 : i64, scratch_operands = 15 : i64, tpu.core_type = #tpu.core_type<sc_vector_subcore>, window_params = [{transform_indices = #map}, {transform_indices = #map}]} {
    %mul3A = arith.constant 6272 : i32
    %mul3A_0 = arith.muli %arg1, %mul3A : i32
    %scan3A = arith.constant 0 : i32
    %scan3A_1 = arith.constant 0 : i32
    %scan3A_2 = arith.constant 392 : i32
    %scan3A_3 = arith.addi %scan3A_1, %scan3A_2 : i32
    %scan3A_4 = arith.constant 1 : i32
    %scan3A_5 = scf.for %scan3A_57 = %scan3A_1 to %scan3A_3 step %scan3A_4 iter_args(%scan3A_58 = %scan3A) -> (i32)  : i32 {
      %broadcast_in_dim3A = arith.constant 0.000000e+00 : f32
      %broadcast_in_dim3A_59 = vector.broadcast %broadcast_in_dim3A : f32 to vector<16xf32>
      %mul3A_60 = arith.constant 16 : i32
      %mul3A_61 = arith.muli %scan3A_57, %mul3A_60 : i32
      %swap3A = arith.index_cast %mul3A_61 : i32 to index
      %swap3A_62 = tpu.vector_load %arg5[%swap3A] {strides = array<i32>} : memref<6272xf32, #tpu.memory_space<vmem>>, vector<16xf32>,
      %swap3A_63 = vector.shape_cast %swap3A_62 : vector<16xf32> to vector<16xf32>
      %swap3A_64 = vector.shape_cast %broadcast_in_dim3A_59 : vector<16xf32> to vector<16xf32>
      tpu.vector_store %arg5[%swap3A], %swap3A_64 {strides = array<i32>} : memref<6272xf32, #tpu.memory_space<vmem>>, vector<16xf32>,
      %scan3A_65 = arith.constant 0 : i32
      scf.yield %scan3A_65 : i32
    }
    %scan3A_6 = arith.constant 392 : i32
    %scan3A_7 = arith.constant 0 : i32
    %scan3A_8 = arith.constant 0 : i32
    %scan3A_9 = arith.constant 64 : i32
    %scan3A_10 = arith.addi %scan3A_8, %scan3A_9 : i32
    %scan3A_11 = arith.constant 1 : i32
    %scan3A_12 = scf.for %scan3A_57 = %scan3A_8 to %scan3A_10 step %scan3A_11 iter_args(%scan3A_58 = %scan3A_7) -> (i32)  : i32 {
      %broadcast_in_dim3A = arith.constant 1.000000e+00 : f32
      %broadcast_in_dim3A_59 = vector.broadcast %broadcast_in_dim3A : f32 to vector<16xf32>
      %mul3A_60 = arith.constant 16 : i32
      %mul3A_61 = arith.muli %scan3A_57, %mul3A_60 : i32
      %swap3A = arith.index_cast %mul3A_61 : i32 to index
      %swap3A_62 = tpu.vector_load %arg10[%swap3A] {strides = array<i32>} : memref<1024xf32, #tpu.memory_space<vmem>>, vector<16xf32>,
      %swap3A_63 = vector.shape_cast %swap3A_62 : vector<16xf32> to vector<16xf32>
      %swap3A_64 = vector.shape_cast %broadcast_in_dim3A_59 : vector<16xf32> to vector<16xf32>
      tpu.vector_store %arg10[%swap3A], %swap3A_64 {strides = array<i32>} : memref<1024xf32, #tpu.memory_space<vmem>>, vector<16xf32>,
      %scan3A_65 = arith.constant 0 : i32
      scf.yield %scan3A_65 : i32
    }
    %scan3A_13 = arith.constant 64 : i32
    "tpu.region"() ({
      %run_scoped3A = tpu.sem_alloc : memref<!tpu.dma_semaphore, #tpu.memory_space<semaphore_mem>>
      %dma_start3A_57 = tpu.memref_slice %arg4[%mul3A_0] : memref<100352xf32, #tpu.memory_space<vmem_shared>> -> memref<6272xf32, #tpu.memory_space<vmem_shared>>
      %dma_start3A_58 = tpu.memref_slice %arg4[%mul3A_0] : memref<100352xf32, #tpu.memory_space<vmem_shared>> -> memref<6272xf32, #tpu.memory_space<vmem_shared>>
      tpu.enqueue_dma source(%arg5 : memref<6272xf32, #tpu.memory_space<vmem>>) target(%dma_start3A_58 : memref<6272xf32, #tpu.memory_space<vmem_shared>>) target_semaphore(%run_scoped3A : memref<!tpu.dma_semaphore, #tpu.memory_space<semaphore_mem>>)
      %dma_wait3A_59 = tpu.memref_slice %arg4[%mul3A_0] : memref<100352xf32, #tpu.memory_space<vmem_shared>> -> memref<6272xf32, #tpu.memory_space<vmem_shared>>
      %dma_wait3A_60 = tpu.memref_slice %arg4[%mul3A_0] : memref<100352xf32, #tpu.memory_space<vmem_shared>> -> memref<6272xf32, #tpu.memory_space<vmem_shared>>
      tpu.wait_dma2 semaphore(%run_scoped3A : memref<!tpu.dma_semaphore, #tpu.memory_space<semaphore_mem>>) src(%arg5 : memref<6272xf32, #tpu.memory_space<vmem>>) dst(%dma_wait3A_60 : memref<6272xf32, #tpu.memory_space<vmem_shared>>)
      tpu.yield
    }) : () -> ()
    %barrier3A = arith.constant 0 : index
    tpu.barrier barrier_id(%barrier3A)
    %mul3A_14 = arith.constant 16 : i32
    %mul3A_15 = arith.muli %arg0, %mul3A_14 : i32
    %add3A = arith.addi %mul3A_15, %arg1 : i32
    %mul3A_16 = arith.constant 200 : i32
    %mul3A_17 = arith.muli %add3A, %mul3A_16 : i32
    %add3A_18 = arith.constant 0 : i32
    %add3A_19 = arith.addi %mul3A_17, %add3A_18 : i32
    %mul3A_20 = arith.constant 1024 : i32
    %mul3A_21 = arith.muli %add3A_19, %mul3A_20 : i32
    %dma_start3A = tpu.memref_slice %arg2[%mul3A_21] : memref<6553600xi32, #tpu.memory_space<hbm>> -> memref<1024xi32, #tpu.memory_space<hbm>>
    %dma_start3A_22 = tpu.memref_slice %arg2[%mul3A_21] : memref<6553600xi32, #tpu.memory_space<hbm>> -> memref<1024xi32, #tpu.memory_space<hbm>>
    tpu.enqueue_dma source(%dma_start3A_22 : memref<1024xi32, #tpu.memory_space<hbm>>) target(%arg6 : memref<1024xi32, #tpu.memory_space<vmem>>) target_semaphore(%arg11 : memref<!tpu.dma_semaphore, #tpu.memory_space<semaphore_mem>>)
    %add3A_23 = arith.constant 1 : i32
    %add3A_24 = arith.addi %mul3A_17, %add3A_23 : i32
    %mul3A_25 = arith.constant 1024 : i32
    %mul3A_26 = arith.muli %add3A_24, %mul3A_25 : i32
    %dma_start3A_27 = tpu.memref_slice %arg2[%mul3A_26] : memref<6553600xi32, #tpu.memory_space<hbm>> -> memref<1024xi32, #tpu.memory_space<hbm>>
    %dma_start3A_28 = tpu.memref_slice %arg2[%mul3A_26] : memref<6553600xi32, #tpu.memory_space<hbm>> -> memref<1024xi32, #tpu.memory_space<hbm>>
    tpu.enqueue_dma source(%dma_start3A_28 : memref<1024xi32, #tpu.memory_space<hbm>>) target(%arg7 : memref<1024xi32, #tpu.memory_space<vmem>>) target_semaphore(%arg12 : memref<!tpu.dma_semaphore, #tpu.memory_space<semaphore_mem>>)
    %add3A_29 = arith.constant 2 : i32
    %add3A_30 = arith.addi %mul3A_17, %add3A_29 : i32
    %mul3A_31 = arith.constant 1024 : i32
    %mul3A_32 = arith.muli %add3A_30, %mul3A_31 : i32
    %dma_start3A_33 = tpu.memref_slice %arg2[%mul3A_32] : memref<6553600xi32, #tpu.memory_space<hbm>> -> memref<1024xi32, #tpu.memory_space<hbm>>
    %dma_start3A_34 = tpu.memref_slice %arg2[%mul3A_32] : memref<6553600xi32, #tpu.memory_space<hbm>> -> memref<1024xi32, #tpu.memory_space<hbm>>
    tpu.enqueue_dma source(%dma_start3A_34 : memref<1024xi32, #tpu.memory_space<hbm>>) target(%arg8 : memref<1024xi32, #tpu.memory_space<vmem>>) target_semaphore(%arg13 : memref<!tpu.dma_semaphore, #tpu.memory_space<semaphore_mem>>)
    %add3A_35 = arith.constant 3 : i32
    %add3A_36 = arith.addi %mul3A_17, %add3A_35 : i32
    %mul3A_37 = arith.constant 1024 : i32
    %mul3A_38 = arith.muli %add3A_36, %mul3A_37 : i32
    %dma_start3A_39 = tpu.memref_slice %arg2[%mul3A_38] : memref<6553600xi32, #tpu.memory_space<hbm>> -> memref<1024xi32, #tpu.memory_space<hbm>>
    %dma_start3A_40 = tpu.memref_slice %arg2[%mul3A_38] : memref<6553600xi32, #tpu.memory_space<hbm>> -> memref<1024xi32, #tpu.memory_space<hbm>>
    tpu.enqueue_dma source(%dma_start3A_40 : memref<1024xi32, #tpu.memory_space<hbm>>) target(%arg9 : memref<1024xi32, #tpu.memory_space<vmem>>) target_semaphore(%arg14 : memref<!tpu.dma_semaphore, #tpu.memory_space<semaphore_mem>>)
    %scan3A_41 = arith.constant 0 : i32
    %scan3A_42 = arith.constant 0 : i32
    %scan3A_43 = arith.constant 50 : i32
    %scan3A_44 = arith.addi %scan3A_42, %scan3A_43 : i32
    %scan3A_45 = arith.constant 1 : i32
    %scan3A_46 = scf.for %scan3A_57 = %scan3A_42 to %scan3A_44 step %scan3A_45 iter_args(%scan3A_58 = %scan3A_41) -> (i32)  : i32 {
      %mul3A_59 = arith.constant 4 : i32
      %mul3A_60 = arith.muli %mul3A_59, %scan3A_57 : i32
      %add3A_61 = arith.constant 0 : i32
      %add3A_62 = arith.addi %mul3A_60, %add3A_61 : i32
      %ge3A = arith.constant 3 : i32
      %ge3A_63 = arith.cmpi sge, %add3A_62, %ge3A : i32
      %convert_element_type3A = arith.extui %ge3A_63 : i1 to i32
      %cond3A = arith.constant 0 : i32
      %cond3A_64 = arith.cmpi ne, %convert_element_type3A, %cond3A : i32
      scf.if %cond3A_64 {
        %dma_wait3A_159 = arith.constant 0 : i32
        %dma_wait3A_160 = tpu.memref_slice %arg4[%dma_wait3A_159] : memref<100352xf32, #tpu.memory_space<vmem_shared>> -> memref<100352xf32, #tpu.memory_space<vmem_shared>>
        tpu.wait_indirect_dma semaphore(%arg16 : memref<!tpu.dma_semaphore, #tpu.memory_space<semaphore_mem>>) src(%arg10 : memref<1024xf32, #tpu.memory_space<vmem>>) dst(%dma_wait3A_160 : memref<100352xf32, #tpu.memory_space<vmem_shared>>)
      } else {
      }
      %add3A_65 = arith.constant 1 : i32
      %add3A_66 = arith.addi %add3A_62, %add3A_65 : i32
      %ge3A_67 = arith.constant 4 : i32
      %ge3A_68 = arith.cmpi sge, %add3A_66, %ge3A_67 : i32
      %lt3A = arith.constant 200 : i32
      %lt3A_69 = arith.cmpi slt, %add3A_66, %lt3A : i32
      %and3A = arith.andi %ge3A_68, %lt3A_69 : i1
      %convert_element_type3A_70 = arith.extui %and3A : i1 to i32
      %cond3A_71 = arith.constant 0 : i32
      %cond3A_72 = arith.cmpi ne, %convert_element_type3A_70, %cond3A_71 : i32
      scf.if %cond3A_72 {
        %add3A_159 = arith.addi %mul3A_17, %add3A_66 : i32
        %mul3A_160 = arith.constant 1024 : i32
        %mul3A_161 = arith.muli %add3A_159, %mul3A_160 : i32
        %dma_start3A_162 = tpu.memref_slice %arg2[%mul3A_161] : memref<6553600xi32, #tpu.memory_space<hbm>> -> memref<1024xi32, #tpu.memory_space<hbm>>
        %dma_start3A_163 = tpu.memref_slice %arg2[%mul3A_161] : memref<6553600xi32, #tpu.memory_space<hbm>> -> memref<1024xi32, #tpu.memory_space<hbm>>
        tpu.enqueue_dma source(%dma_start3A_163 : memref<1024xi32, #tpu.memory_space<hbm>>) target(%arg7 : memref<1024xi32, #tpu.memory_space<vmem>>) target_semaphore(%arg12 : memref<!tpu.dma_semaphore, #tpu.memory_space<semaphore_mem>>)
      } else {
      }
      %add3A_73 = arith.addi %mul3A_17, %add3A_62 : i32
      %mul3A_74 = arith.constant 1024 : i32
      %mul3A_75 = arith.muli %add3A_73, %mul3A_74 : i32
      %dma_wait3A_76 = tpu.memref_slice %arg2[%mul3A_75] : memref<6553600xi32, #tpu.memory_space<hbm>> -> memref<1024xi32, #tpu.memory_space<hbm>>
      %dma_wait3A_77 = tpu.memref_slice %arg2[%mul3A_75] : memref<6553600xi32, #tpu.memory_space<hbm>> -> memref<1024xi32, #tpu.memory_space<hbm>>
      tpu.wait_dma2 semaphore(%arg11 : memref<!tpu.dma_semaphore, #tpu.memory_space<semaphore_mem>>) src(%dma_wait3A_77 : memref<1024xi32, #tpu.memory_space<hbm>>) dst(%arg6 : memref<1024xi32, #tpu.memory_space<vmem>>)
      %dma_start3A_78 = arith.constant 0 : i32
      %dma_start3A_79 = tpu.memref_slice %arg4[%dma_start3A_78] : memref<100352xf32, #tpu.memory_space<vmem_shared>> -> memref<100352xf32, #tpu.memory_space<vmem_shared>>
      tpu.enqueue_indirect_dma source(%arg10 : memref<1024xf32, #tpu.memory_space<vmem>>) target(%dma_start3A_79 : memref<100352xf32, #tpu.memory_space<vmem_shared>>) offsets(%arg6 : memref<1024xi32, #tpu.memory_space<vmem>>) semaphore(%arg15 : memref<!tpu.dma_semaphore, #tpu.memory_space<semaphore_mem>>) {add = true}
      %mul3A_80 = arith.constant 4 : i32
      %mul3A_81 = arith.muli %mul3A_80, %scan3A_57 : i32
      %add3A_82 = arith.constant 1 : i32
      %add3A_83 = arith.addi %mul3A_81, %add3A_82 : i32
      %ge3A_84 = arith.constant 3 : i32
      %ge3A_85 = arith.cmpi sge, %add3A_83, %ge3A_84 : i32
      %convert_element_type3A_86 = arith.extui %ge3A_85 : i1 to i32
      %cond3A_87 = arith.constant 0 : i32
      %cond3A_88 = arith.cmpi ne, %convert_element_type3A_86, %cond3A_87 : i32
      scf.if %cond3A_88 {
        %dma_wait3A_159 = arith.constant 0 : i32
        %dma_wait3A_160 = tpu.memref_slice %arg4[%dma_wait3A_159] : memref<100352xf32, #tpu.memory_space<vmem_shared>> -> memref<100352xf32, #tpu.memory_space<vmem_shared>>
        tpu.wait_indirect_dma semaphore(%arg17 : memref<!tpu.dma_semaphore, #tpu.memory_space<semaphore_mem>>) src(%arg10 : memref<1024xf32, #tpu.memory_space<vmem>>) dst(%dma_wait3A_160 : memref<100352xf32, #tpu.memory_space<vmem_shared>>)
      } else {
      }
      %add3A_89 = arith.constant 1 : i32
      %add3A_90 = arith.addi %add3A_83, %add3A_89 : i32
      %ge3A_91 = arith.constant 4 : i32
      %ge3A_92 = arith.cmpi sge, %add3A_90, %ge3A_91 : i32
      %lt3A_93 = arith.constant 200 : i32
      %lt3A_94 = arith.cmpi slt, %add3A_90, %lt3A_93 : i32
      %and3A_95 = arith.andi %ge3A_92, %lt3A_94 : i1
      %convert_element_type3A_96 = arith.extui %and3A_95 : i1 to i32
      %cond3A_97 = arith.constant 0 : i32
      %cond3A_98 = arith.cmpi ne, %convert_element_type3A_96, %cond3A_97 : i32
      scf.if %cond3A_98 {
        %add3A_159 = arith.addi %mul3A_17, %add3A_90 : i32
        %mul3A_160 = arith.constant 1024 : i32
        %mul3A_161 = arith.muli %add3A_159, %mul3A_160 : i32
        %dma_start3A_162 = tpu.memref_slice %arg2[%mul3A_161] : memref<6553600xi32, #tpu.memory_space<hbm>> -> memref<1024xi32, #tpu.memory_space<hbm>>
        %dma_start3A_163 = tpu.memref_slice %arg2[%mul3A_161] : memref<6553600xi32, #tpu.memory_space<hbm>> -> memref<1024xi32, #tpu.memory_space<hbm>>
        tpu.enqueue_dma source(%dma_start3A_163 : memref<1024xi32, #tpu.memory_space<hbm>>) target(%arg8 : memref<1024xi32, #tpu.memory_space<vmem>>) target_semaphore(%arg13 : memref<!tpu.dma_semaphore, #tpu.memory_space<semaphore_mem>>)
      } else {
      }
      %add3A_99 = arith.addi %mul3A_17, %add3A_83 : i32
      %mul3A_100 = arith.constant 1024 : i32
      %mul3A_101 = arith.muli %add3A_99, %mul3A_100 : i32
      %dma_wait3A_102 = tpu.memref_slice %arg2[%mul3A_101] : memref<6553600xi32, #tpu.memory_space<hbm>> -> memref<1024xi32, #tpu.memory_space<hbm>>
      %dma_wait3A_103 = tpu.memref_slice %arg2[%mul3A_101] : memref<6553600xi32, #tpu.memory_space<hbm>> -> memref<1024xi32, #tpu.memory_space<hbm>>
      tpu.wait_dma2 semaphore(%arg12 : memref<!tpu.dma_semaphore, #tpu.memory_space<semaphore_mem>>) src(%dma_wait3A_103 : memref<1024xi32, #tpu.memory_space<hbm>>) dst(%arg7 : memref<1024xi32, #tpu.memory_space<vmem>>)
      %dma_start3A_104 = arith.constant 0 : i32
      %dma_start3A_105 = tpu.memref_slice %arg4[%dma_start3A_104] : memref<100352xf32, #tpu.memory_space<vmem_shared>> -> memref<100352xf32, #tpu.memory_space<vmem_shared>>
      tpu.enqueue_indirect_dma source(%arg10 : memref<1024xf32, #tpu.memory_space<vmem>>) target(%dma_start3A_105 : memref<100352xf32, #tpu.memory_space<vmem_shared>>) offsets(%arg7 : memref<1024xi32, #tpu.memory_space<vmem>>) semaphore(%arg16 : memref<!tpu.dma_semaphore, #tpu.memory_space<semaphore_mem>>) {add = true}
      %mul3A_106 = arith.constant 4 : i32
      %mul3A_107 = arith.muli %mul3A_106, %scan3A_57 : i32
      %add3A_108 = arith.constant 2 : i32
      %add3A_109 = arith.addi %mul3A_107, %add3A_108 : i32
      %ge3A_110 = arith.constant 3 : i32
      %ge3A_111 = arith.cmpi sge, %add3A_109, %ge3A_110 : i32
      %convert_element_type3A_112 = arith.extui %ge3A_111 : i1 to i32
      %cond3A_113 = arith.constant 0 : i32
      %cond3A_114 = arith.cmpi ne, %convert_element_type3A_112, %cond3A_113 : i32
      scf.if %cond3A_114 {
        %dma_wait3A_159 = arith.constant 0 : i32
        %dma_wait3A_160 = tpu.memref_slice %arg4[%dma_wait3A_159] : memref<100352xf32, #tpu.memory_space<vmem_shared>> -> memref<100352xf32, #tpu.memory_space<vmem_shared>>
        tpu.wait_indirect_dma semaphore(%arg18 : memref<!tpu.dma_semaphore, #tpu.memory_space<semaphore_mem>>) src(%arg10 : memref<1024xf32, #tpu.memory_space<vmem>>) dst(%dma_wait3A_160 : memref<100352xf32, #tpu.memory_space<vmem_shared>>)
      } else {
      }
      %add3A_115 = arith.constant 1 : i32
      %add3A_116 = arith.addi %add3A_109, %add3A_115 : i32
      %ge3A_117 = arith.constant 4 : i32
      %ge3A_118 = arith.cmpi sge, %add3A_116, %ge3A_117 : i32
      %lt3A_119 = arith.constant 200 : i32
      %lt3A_120 = arith.cmpi slt, %add3A_116, %lt3A_119 : i32
      %and3A_121 = arith.andi %ge3A_118, %lt3A_120 : i1
      %convert_element_type3A_122 = arith.extui %and3A_121 : i1 to i32
      %cond3A_123 = arith.constant 0 : i32
      %cond3A_124 = arith.cmpi ne, %convert_element_type3A_122, %cond3A_123 : i32
      scf.if %cond3A_124 {
        %add3A_159 = arith.addi %mul3A_17, %add3A_116 : i32
        %mul3A_160 = arith.constant 1024 : i32
        %mul3A_161 = arith.muli %add3A_159, %mul3A_160 : i32
        %dma_start3A_162 = tpu.memref_slice %arg2[%mul3A_161] : memref<6553600xi32, #tpu.memory_space<hbm>> -> memref<1024xi32, #tpu.memory_space<hbm>>
        %dma_start3A_163 = tpu.memref_slice %arg2[%mul3A_161] : memref<6553600xi32, #tpu.memory_space<hbm>> -> memref<1024xi32, #tpu.memory_space<hbm>>
        tpu.enqueue_dma source(%dma_start3A_163 : memref<1024xi32, #tpu.memory_space<hbm>>) target(%arg9 : memref<1024xi32, #tpu.memory_space<vmem>>) target_semaphore(%arg14 : memref<!tpu.dma_semaphore, #tpu.memory_space<semaphore_mem>>)
      } else {
      }
      %add3A_125 = arith.addi %mul3A_17, %add3A_109 : i32
      %mul3A_126 = arith.constant 1024 : i32
      %mul3A_127 = arith.muli %add3A_125, %mul3A_126 : i32
      %dma_wait3A_128 = tpu.memref_slice %arg2[%mul3A_127] : memref<6553600xi32, #tpu.memory_space<hbm>> -> memref<1024xi32, #tpu.memory_space<hbm>>
      %dma_wait3A_129 = tpu.memref_slice %arg2[%mul3A_127] : memref<6553600xi32, #tpu.memory_space<hbm>> -> memref<1024xi32, #tpu.memory_space<hbm>>
      tpu.wait_dma2 semaphore(%arg13 : memref<!tpu.dma_semaphore, #tpu.memory_space<semaphore_mem>>) src(%dma_wait3A_129 : memref<1024xi32, #tpu.memory_space<hbm>>) dst(%arg8 : memref<1024xi32, #tpu.memory_space<vmem>>)
      %dma_start3A_130 = arith.constant 0 : i32
      %dma_start3A_131 = tpu.memref_slice %arg4[%dma_start3A_130] : memref<100352xf32, #tpu.memory_space<vmem_shared>> -> memref<100352xf32, #tpu.memory_space<vmem_shared>>
      tpu.enqueue_indirect_dma source(%arg10 : memref<1024xf32, #tpu.memory_space<vmem>>) target(%dma_start3A_131 : memref<100352xf32, #tpu.memory_space<vmem_shared>>) offsets(%arg8 : memref<1024xi32, #tpu.memory_space<vmem>>) semaphore(%arg17 : memref<!tpu.dma_semaphore, #tpu.memory_space<semaphore_mem>>) {add = true}
      %mul3A_132 = arith.constant 4 : i32
      %mul3A_133 = arith.muli %mul3A_132, %scan3A_57 : i32
      %add3A_134 = arith.constant 3 : i32
      %add3A_135 = arith.addi %mul3A_133, %add3A_134 : i32
      %ge3A_136 = arith.constant 3 : i32
      %ge3A_137 = arith.cmpi sge, %add3A_135, %ge3A_136 : i32
      %convert_element_type3A_138 = arith.extui %ge3A_137 : i1 to i32
      %cond3A_139 = arith.constant 0 : i32
      %cond3A_140 = arith.cmpi ne, %convert_element_type3A_138, %cond3A_139 : i32
      scf.if %cond3A_140 {
        %dma_wait3A_159 = arith.constant 0 : i32
        %dma_wait3A_160 = tpu.memref_slice %arg4[%dma_wait3A_159] : memref<100352xf32, #tpu.memory_space<vmem_shared>> -> memref<100352xf32, #tpu.memory_space<vmem_shared>>
        tpu.wait_indirect_dma semaphore(%arg15 : memref<!tpu.dma_semaphore, #tpu.memory_space<semaphore_mem>>) src(%arg10 : memref<1024xf32, #tpu.memory_space<vmem>>) dst(%dma_wait3A_160 : memref<100352xf32, #tpu.memory_space<vmem_shared>>)
      } else {
      }
      %add3A_141 = arith.constant 1 : i32
      %add3A_142 = arith.addi %add3A_135, %add3A_141 : i32
      %ge3A_143 = arith.constant 4 : i32
      %ge3A_144 = arith.cmpi sge, %add3A_142, %ge3A_143 : i32
      %lt3A_145 = arith.constant 200 : i32
      %lt3A_146 = arith.cmpi slt, %add3A_142, %lt3A_145 : i32
      %and3A_147 = arith.andi %ge3A_144, %lt3A_146 : i1
      %convert_element_type3A_148 = arith.extui %and3A_147 : i1 to i32
      %cond3A_149 = arith.constant 0 : i32
      %cond3A_150 = arith.cmpi ne, %convert_element_type3A_148, %cond3A_149 : i32
      scf.if %cond3A_150 {
        %add3A_159 = arith.addi %mul3A_17, %add3A_142 : i32
        %mul3A_160 = arith.constant 1024 : i32
        %mul3A_161 = arith.muli %add3A_159, %mul3A_160 : i32
        %dma_start3A_162 = tpu.memref_slice %arg2[%mul3A_161] : memref<6553600xi32, #tpu.memory_space<hbm>> -> memref<1024xi32, #tpu.memory_space<hbm>>
        %dma_start3A_163 = tpu.memref_slice %arg2[%mul3A_161] : memref<6553600xi32, #tpu.memory_space<hbm>> -> memref<1024xi32, #tpu.memory_space<hbm>>
        tpu.enqueue_dma source(%dma_start3A_163 : memref<1024xi32, #tpu.memory_space<hbm>>) target(%arg6 : memref<1024xi32, #tpu.memory_space<vmem>>) target_semaphore(%arg11 : memref<!tpu.dma_semaphore, #tpu.memory_space<semaphore_mem>>)
      } else {
      }
      %add3A_151 = arith.addi %mul3A_17, %add3A_135 : i32
      %mul3A_152 = arith.constant 1024 : i32
      %mul3A_153 = arith.muli %add3A_151, %mul3A_152 : i32
      %dma_wait3A_154 = tpu.memref_slice %arg2[%mul3A_153] : memref<6553600xi32, #tpu.memory_space<hbm>> -> memref<1024xi32, #tpu.memory_space<hbm>>
      %dma_wait3A_155 = tpu.memref_slice %arg2[%mul3A_153] : memref<6553600xi32, #tpu.memory_space<hbm>> -> memref<1024xi32, #tpu.memory_space<hbm>>
      tpu.wait_dma2 semaphore(%arg14 : memref<!tpu.dma_semaphore, #tpu.memory_space<semaphore_mem>>) src(%dma_wait3A_155 : memref<1024xi32, #tpu.memory_space<hbm>>) dst(%arg9 : memref<1024xi32, #tpu.memory_space<vmem>>)
      %dma_start3A_156 = arith.constant 0 : i32
      %dma_start3A_157 = tpu.memref_slice %arg4[%dma_start3A_156] : memref<100352xf32, #tpu.memory_space<vmem_shared>> -> memref<100352xf32, #tpu.memory_space<vmem_shared>>
      tpu.enqueue_indirect_dma source(%arg10 : memref<1024xf32, #tpu.memory_space<vmem>>) target(%dma_start3A_157 : memref<100352xf32, #tpu.memory_space<vmem_shared>>) offsets(%arg9 : memref<1024xi32, #tpu.memory_space<vmem>>) semaphore(%arg18 : memref<!tpu.dma_semaphore, #tpu.memory_space<semaphore_mem>>) {add = true}
      %scan3A_158 = arith.constant 0 : i32
      scf.yield %scan3A_158 : i32
    }
    %scan3A_47 = arith.constant 50 : i32
    %dma_wait3A = arith.constant 0 : i32
    %dma_wait3A_48 = tpu.memref_slice %arg4[%dma_wait3A] : memref<100352xf32, #tpu.memory_space<vmem_shared>> -> memref<100352xf32, #tpu.memory_space<vmem_shared>>
    tpu.wait_indirect_dma semaphore(%arg16 : memref<!tpu.dma_semaphore, #tpu.memory_space<semaphore_mem>>) src(%arg10 : memref<1024xf32, #tpu.memory_space<vmem>>) dst(%dma_wait3A_48 : memref<100352xf32, #tpu.memory_space<vmem_shared>>)
    %dma_wait3A_49 = arith.constant 0 : i32
    %dma_wait3A_50 = tpu.memref_slice %arg4[%dma_wait3A_49] : memref<100352xf32, #tpu.memory_space<vmem_shared>> -> memref<100352xf32, #tpu.memory_space<vmem_shared>>
    tpu.wait_indirect_dma semaphore(%arg17 : memref<!tpu.dma_semaphore, #tpu.memory_space<semaphore_mem>>) src(%arg10 : memref<1024xf32, #tpu.memory_space<vmem>>) dst(%dma_wait3A_50 : memref<100352xf32, #tpu.memory_space<vmem_shared>>)
    %dma_wait3A_51 = arith.constant 0 : i32
    %dma_wait3A_52 = tpu.memref_slice %arg4[%dma_wait3A_51] : memref<100352xf32, #tpu.memory_space<vmem_shared>> -> memref<100352xf32, #tpu.memory_space<vmem_shared>>
    tpu.wait_indirect_dma semaphore(%arg18 : memref<!tpu.dma_semaphore, #tpu.memory_space<semaphore_mem>>) src(%arg10 : memref<1024xf32, #tpu.memory_space<vmem>>) dst(%dma_wait3A_52 : memref<100352xf32, #tpu.memory_space<vmem_shared>>)
    %barrier3A_53 = arith.constant 0 : index
    tpu.barrier barrier_id(%barrier3A_53)
    %mul3A_54 = arith.constant 100352 : i32
    %mul3A_55 = arith.muli %arg0, %mul3A_54 : i32
    %add3A_56 = arith.addi %mul3A_55, %mul3A_0 : i32
    "tpu.region"() ({
      %run_scoped3A = tpu.sem_alloc : memref<!tpu.dma_semaphore, #tpu.memory_space<semaphore_mem>>
      %dma_start3A_57 = tpu.memref_slice %arg3[%add3A_56] : memref<200704xf32, #tpu.memory_space<hbm>> -> memref<6272xf32, #tpu.memory_space<hbm>>
      %dma_start3A_58 = tpu.memref_slice %arg4[%mul3A_0] : memref<100352xf32, #tpu.memory_space<vmem_shared>> -> memref<6272xf32, #tpu.memory_space<vmem_shared>>
      tpu.enqueue_dma source(%dma_start3A_58 : memref<6272xf32, #tpu.memory_space<vmem_shared>>) target(%dma_start3A_57 : memref<6272xf32, #tpu.memory_space<hbm>>) target_semaphore(%run_scoped3A : memref<!tpu.dma_semaphore, #tpu.memory_space<semaphore_mem>>)
      %dma_wait3A_59 = tpu.memref_slice %arg3[%add3A_56] : memref<200704xf32, #tpu.memory_space<hbm>> -> memref<6272xf32, #tpu.memory_space<hbm>>
      %dma_wait3A_60 = tpu.memref_slice %arg4[%mul3A_0] : memref<100352xf32, #tpu.memory_space<vmem_shared>> -> memref<6272xf32, #tpu.memory_space<vmem_shared>>
      tpu.wait_dma2 semaphore(%run_scoped3A : memref<!tpu.dma_semaphore, #tpu.memory_space<semaphore_mem>>) src(%dma_wait3A_60 : memref<6272xf32, #tpu.memory_space<vmem_shared>>) dst(%dma_wait3A_59 : memref<6272xf32, #tpu.memory_space<hbm>>)
      tpu.yield
    }) : () -> ()
    return
  }
}

#map = affine_map<(d0, d1) -> (0)>
#map1 = affine_map<(d0, d1) -> (0, 0)>
module attributes {stable_mosaic.version = 14 : i64} {
  func.func @_final_body(%arg0: i32, %arg1: i32, %arg2: memref<200704xf32, #tpu.memory_space<hbm>>, %arg3: memref<100352xf32, #tpu.memory_space<hbm>>, %arg4: memref<100352xf32, #tpu.memory_space<hbm>>, %arg5: memref<16x16xf32, #tpu.memory_space<hbm>>, %arg6: memref<6272xf32, #tpu.memory_space<vmem>>, %arg7: memref<6272xf32, #tpu.memory_space<vmem>>, %arg8: memref<6272xf32, #tpu.memory_space<vmem>>, %arg9: memref<6272xf32, #tpu.memory_space<vmem>>, %arg10: memref<16xf32, #tpu.memory_space<vmem>>) attributes {dimension_semantics = [#tpu.dimension_semantics<core_parallel>, #tpu.dimension_semantics<subcore_parallel>], iteration_bounds = array<i64: 2, 16>, scalar_prefetch = 0 : i64, scratch_operands = 5 : i64, tpu.core_type = #tpu.core_type<sc_vector_subcore>, window_params = [{transform_indices = #map}, {transform_indices = #map}, {transform_indices = #map}, {transform_indices = #map1}]} {
    %mul3A = arith.constant 6272 : i32
    %mul3A_0 = arith.muli %arg1, %mul3A : i32
    "tpu.region"() ({
      %run_scoped3A = tpu.sem_alloc : memref<!tpu.dma_semaphore, #tpu.memory_space<semaphore_mem>>
      %dma_start3A = tpu.memref_slice %arg2[%mul3A_0] : memref<200704xf32, #tpu.memory_space<hbm>> -> memref<6272xf32, #tpu.memory_space<hbm>>
      %dma_start3A_14 = tpu.memref_slice %arg2[%mul3A_0] : memref<200704xf32, #tpu.memory_space<hbm>> -> memref<6272xf32, #tpu.memory_space<hbm>>
      tpu.enqueue_dma source(%dma_start3A_14 : memref<6272xf32, #tpu.memory_space<hbm>>) target(%arg6 : memref<6272xf32, #tpu.memory_space<vmem>>) target_semaphore(%run_scoped3A : memref<!tpu.dma_semaphore, #tpu.memory_space<semaphore_mem>>)
      %dma_wait3A = tpu.memref_slice %arg2[%mul3A_0] : memref<200704xf32, #tpu.memory_space<hbm>> -> memref<6272xf32, #tpu.memory_space<hbm>>
      %dma_wait3A_15 = tpu.memref_slice %arg2[%mul3A_0] : memref<200704xf32, #tpu.memory_space<hbm>> -> memref<6272xf32, #tpu.memory_space<hbm>>
      tpu.wait_dma2 semaphore(%run_scoped3A : memref<!tpu.dma_semaphore, #tpu.memory_space<semaphore_mem>>) src(%dma_wait3A_15 : memref<6272xf32, #tpu.memory_space<hbm>>) dst(%arg6 : memref<6272xf32, #tpu.memory_space<vmem>>)
      tpu.yield
    }) : () -> ()
    %mul3A_1 = arith.constant 6272 : i32
    %mul3A_2 = arith.muli %arg1, %mul3A_1 : i32
    %add3A = arith.constant 100352 : i32
    %add3A_3 = arith.addi %add3A, %mul3A_2 : i32
    "tpu.region"() ({
      %run_scoped3A = tpu.sem_alloc : memref<!tpu.dma_semaphore, #tpu.memory_space<semaphore_mem>>
      %dma_start3A = tpu.memref_slice %arg2[%add3A_3] : memref<200704xf32, #tpu.memory_space<hbm>> -> memref<6272xf32, #tpu.memory_space<hbm>>
      %dma_start3A_14 = tpu.memref_slice %arg2[%add3A_3] : memref<200704xf32, #tpu.memory_space<hbm>> -> memref<6272xf32, #tpu.memory_space<hbm>>
      tpu.enqueue_dma source(%dma_start3A_14 : memref<6272xf32, #tpu.memory_space<hbm>>) target(%arg7 : memref<6272xf32, #tpu.memory_space<vmem>>) target_semaphore(%run_scoped3A : memref<!tpu.dma_semaphore, #tpu.memory_space<semaphore_mem>>)
      %dma_wait3A = tpu.memref_slice %arg2[%add3A_3] : memref<200704xf32, #tpu.memory_space<hbm>> -> memref<6272xf32, #tpu.memory_space<hbm>>
      %dma_wait3A_15 = tpu.memref_slice %arg2[%add3A_3] : memref<200704xf32, #tpu.memory_space<hbm>> -> memref<6272xf32, #tpu.memory_space<hbm>>
      tpu.wait_dma2 semaphore(%run_scoped3A : memref<!tpu.dma_semaphore, #tpu.memory_space<semaphore_mem>>) src(%dma_wait3A_15 : memref<6272xf32, #tpu.memory_space<hbm>>) dst(%arg7 : memref<6272xf32, #tpu.memory_space<vmem>>)
      tpu.yield
    }) : () -> ()
    "tpu.region"() ({
      %run_scoped3A = tpu.sem_alloc : memref<!tpu.dma_semaphore, #tpu.memory_space<semaphore_mem>>
      %dma_start3A = tpu.memref_slice %arg3[%mul3A_0] : memref<100352xf32, #tpu.memory_space<hbm>> -> memref<6272xf32, #tpu.memory_space<hbm>>
      %dma_start3A_14 = tpu.memref_slice %arg3[%mul3A_0] : memref<100352xf32, #tpu.memory_space<hbm>> -> memref<6272xf32, #tpu.memory_space<hbm>>
      tpu.enqueue_dma source(%dma_start3A_14 : memref<6272xf32, #tpu.memory_space<hbm>>) target(%arg8 : memref<6272xf32, #tpu.memory_space<vmem>>) target_semaphore(%run_scoped3A : memref<!tpu.dma_semaphore, #tpu.memory_space<semaphore_mem>>)
      %dma_wait3A = tpu.memref_slice %arg3[%mul3A_0] : memref<100352xf32, #tpu.memory_space<hbm>> -> memref<6272xf32, #tpu.memory_space<hbm>>
      %dma_wait3A_15 = tpu.memref_slice %arg3[%mul3A_0] : memref<100352xf32, #tpu.memory_space<hbm>> -> memref<6272xf32, #tpu.memory_space<hbm>>
      tpu.wait_dma2 semaphore(%run_scoped3A : memref<!tpu.dma_semaphore, #tpu.memory_space<semaphore_mem>>) src(%dma_wait3A_15 : memref<6272xf32, #tpu.memory_space<hbm>>) dst(%arg8 : memref<6272xf32, #tpu.memory_space<vmem>>)
      tpu.yield
    }) : () -> ()
    "tpu.region"() ({
      %run_scoped3A = tpu.sem_alloc : memref<!tpu.dma_semaphore, #tpu.memory_space<semaphore_mem>>
      %dma_start3A = tpu.memref_slice %arg4[%mul3A_0] : memref<100352xf32, #tpu.memory_space<hbm>> -> memref<6272xf32, #tpu.memory_space<hbm>>
      %dma_start3A_14 = tpu.memref_slice %arg4[%mul3A_0] : memref<100352xf32, #tpu.memory_space<hbm>> -> memref<6272xf32, #tpu.memory_space<hbm>>
      tpu.enqueue_dma source(%dma_start3A_14 : memref<6272xf32, #tpu.memory_space<hbm>>) target(%arg9 : memref<6272xf32, #tpu.memory_space<vmem>>) target_semaphore(%run_scoped3A : memref<!tpu.dma_semaphore, #tpu.memory_space<semaphore_mem>>)
      %dma_wait3A = tpu.memref_slice %arg4[%mul3A_0] : memref<100352xf32, #tpu.memory_space<hbm>> -> memref<6272xf32, #tpu.memory_space<hbm>>
      %dma_wait3A_15 = tpu.memref_slice %arg4[%mul3A_0] : memref<100352xf32, #tpu.memory_space<hbm>> -> memref<6272xf32, #tpu.memory_space<hbm>>
      tpu.wait_dma2 semaphore(%run_scoped3A : memref<!tpu.dma_semaphore, #tpu.memory_space<semaphore_mem>>) src(%dma_wait3A_15 : memref<6272xf32, #tpu.memory_space<hbm>>) dst(%arg9 : memref<6272xf32, #tpu.memory_space<vmem>>)
      tpu.yield
    }) : () -> ()
    %broadcast_in_dim3A = arith.constant 0.000000e+00 : f32
    %broadcast_in_dim3A_4 = vector.broadcast %broadcast_in_dim3A : f32 to vector<16xf32>
    %swap3A = arith.constant 0 : index
    %swap3A_5 = tpu.vector_load %arg10[%swap3A] {strides = array<i32>} : memref<16xf32, #tpu.memory_space<vmem>>, vector<16xf32>,
    tpu.vector_store %arg10[%swap3A], %broadcast_in_dim3A_4 {strides = array<i32>} : memref<16xf32, #tpu.memory_space<vmem>>, vector<16xf32>,
    %scan3A = arith.constant 0 : i32
    %scan3A_6 = arith.constant 0 : i32
    %scan3A_7 = arith.constant 392 : i32
    %scan3A_8 = arith.addi %scan3A_6, %scan3A_7 : i32
    %scan3A_9 = arith.constant 1 : i32
    %scan3A_10 = scf.for %scan3A_14 = %scan3A_6 to %scan3A_8 step %scan3A_9 iter_args(%scan3A_15 = %scan3A) -> (i32)  : i32 {
      %mul3A_16 = arith.constant 16 : i32
      %mul3A_17 = arith.muli %scan3A_14, %mul3A_16 : i32
      %get3A = arith.index_cast %mul3A_17 : i32 to index
      %get3A_18 = tpu.vector_load %arg9[%get3A] {strides = array<i32>} : memref<6272xf32, #tpu.memory_space<vmem>>, vector<16xf32>,
      %get3A_19 = vector.shape_cast %get3A_18 : vector<16xf32> to vector<16xf32>
      %get3A_20 = arith.index_cast %mul3A_17 : i32 to index
      %get3A_21 = tpu.vector_load %arg6[%get3A_20] {strides = array<i32>} : memref<6272xf32, #tpu.memory_space<vmem>>, vector<16xf32>,
      %get3A_22 = vector.shape_cast %get3A_21 : vector<16xf32> to vector<16xf32>
      %get3A_23 = arith.index_cast %mul3A_17 : i32 to index
      %get3A_24 = tpu.vector_load %arg7[%get3A_23] {strides = array<i32>} : memref<6272xf32, #tpu.memory_space<vmem>>, vector<16xf32>,
      %get3A_25 = vector.shape_cast %get3A_24 : vector<16xf32> to vector<16xf32>
      %add3A_26 = arith.addf %get3A_22, %get3A_25 : vector<16xf32>
      %get3A_27 = arith.index_cast %mul3A_17 : i32 to index
      %get3A_28 = tpu.vector_load %arg8[%get3A_27] {strides = array<i32>} : memref<6272xf32, #tpu.memory_space<vmem>>, vector<16xf32>,
      %get3A_29 = vector.shape_cast %get3A_28 : vector<16xf32> to vector<16xf32>
      %add3A_30 = arith.addf %add3A_26, %get3A_29 : vector<16xf32>
      %mul3A_31 = arith.mulf %get3A_19, %add3A_30 : vector<16xf32>
      %get3A_32 = arith.constant 0 : index
      %get3A_33 = tpu.vector_load %arg10[%get3A_32] {strides = array<i32>} : memref<16xf32, #tpu.memory_space<vmem>>, vector<16xf32>,
      %mul3A_34 = arith.mulf %mul3A_31, %mul3A_31 : vector<16xf32>
      %add3A_35 = arith.addf %get3A_33, %mul3A_34 : vector<16xf32>
      %swap3A_36 = arith.constant 0 : index
      %swap3A_37 = tpu.vector_load %arg10[%swap3A_36] {strides = array<i32>} : memref<16xf32, #tpu.memory_space<vmem>>, vector<16xf32>,
      tpu.vector_store %arg10[%swap3A_36], %add3A_35 {strides = array<i32>} : memref<16xf32, #tpu.memory_space<vmem>>, vector<16xf32>,
      %scan3A_38 = arith.constant 0 : i32
      scf.yield %scan3A_38 : i32
    }
    %scan3A_11 = arith.constant 392 : i32
    %eq3A = arith.constant 0 : i32
    %eq3A_12 = arith.cmpi eq, %arg0, %eq3A : i32
    %convert_element_type3A = arith.extui %eq3A_12 : i1 to i32
    %cond3A = arith.constant 0 : i32
    %cond3A_13 = arith.cmpi ne, %convert_element_type3A, %cond3A : i32
    scf.if %cond3A_13 {
      "tpu.region"() ({
        %run_scoped3A = tpu.sem_alloc : memref<!tpu.dma_semaphore, #tpu.memory_space<semaphore_mem>>
        %dma_start3A = arith.constant 0 : i32
        %dma_start3A_14 = tpu.memref_slice %arg5[%arg1, %dma_start3A] : memref<16x16xf32, #tpu.memory_space<hbm>> -> memref<1x16xf32, #tpu.memory_space<hbm>>
        %dma_start3A_15 = tpu.memref_squeeze %dma_start3A_14 : memref<1x16xf32, #tpu.memory_space<hbm>> -> memref<16xf32, #tpu.memory_space<hbm>>
        %dma_start3A_16 = arith.constant 0 : i32
        %dma_start3A_17 = tpu.memref_slice %arg5[%arg1, %dma_start3A_16] : memref<16x16xf32, #tpu.memory_space<hbm>> -> memref<1x16xf32, #tpu.memory_space<hbm>>
        %dma_start3A_18 = tpu.memref_squeeze %dma_start3A_17 : memref<1x16xf32, #tpu.memory_space<hbm>> -> memref<16xf32, #tpu.memory_space<hbm>>
        tpu.enqueue_dma source(%arg10 : memref<16xf32, #tpu.memory_space<vmem>>) target(%dma_start3A_18 : memref<16xf32, #tpu.memory_space<hbm>>) target_semaphore(%run_scoped3A : memref<!tpu.dma_semaphore, #tpu.memory_space<semaphore_mem>>)
        %dma_wait3A = arith.constant 0 : i32
        %dma_wait3A_19 = tpu.memref_slice %arg5[%arg1, %dma_wait3A] : memref<16x16xf32, #tpu.memory_space<hbm>> -> memref<1x16xf32, #tpu.memory_space<hbm>>
        %dma_wait3A_20 = tpu.memref_squeeze %dma_wait3A_19 : memref<1x16xf32, #tpu.memory_space<hbm>> -> memref<16xf32, #tpu.memory_space<hbm>>
        %dma_wait3A_21 = arith.constant 0 : i32
        %dma_wait3A_22 = tpu.memref_slice %arg5[%arg1, %dma_wait3A_21] : memref<16x16xf32, #tpu.memory_space<hbm>> -> memref<1x16xf32, #tpu.memory_space<hbm>>
        %dma_wait3A_23 = tpu.memref_squeeze %dma_wait3A_22 : memref<1x16xf32, #tpu.memory_space<hbm>> -> memref<16xf32, #tpu.memory_space<hbm>>
        tpu.wait_dma2 semaphore(%run_scoped3A : memref<!tpu.dma_semaphore, #tpu.memory_space<semaphore_mem>>) src(%arg10 : memref<16xf32, #tpu.memory_space<vmem>>) dst(%dma_wait3A_23 : memref<16xf32, #tpu.memory_space<hbm>>)
        tpu.yield
      }) : () -> ()
    } else {
    }
    return
  }
}

module attributes {stable_mosaic.version = 14 : i64} {
  func.func @_dinv_tc_body(%arg0: memref<2x784x128xf32, #tpu.memory_space<vmem>>, %arg1: memref<784x128xf32, #tpu.memory_space<vmem>>, %arg2: memref<784x128xf32, #tpu.memory_space<vmem>>, %arg3: memref<784x128xf32, #tpu.memory_space<vmem>>) attributes {dimension_semantics = [], scalar_prefetch = 0 : i64, scratch_operands = 0 : i64, tpu.core_type = #tpu.core_type<tc>} {
    %get3A = arith.constant 0 : index
    %get3A_0 = arith.constant 0 : index
    %get3A_1 = arith.constant 0 : index
    %get3A_2 = vector.load %arg0[%get3A, %get3A_0, %get3A_1] : memref<2x784x128xf32, #tpu.memory_space<vmem>>, vector<1x784x128xf32>
    %get3A_3 = vector.shape_cast %get3A_2 : vector<1x784x128xf32> to vector<784x128xf32>
    %get3A_4 = arith.constant 1 : index
    %get3A_5 = arith.constant 0 : index
    %get3A_6 = arith.constant 0 : index
    %get3A_7 = vector.load %arg0[%get3A_4, %get3A_5, %get3A_6] : memref<2x784x128xf32, #tpu.memory_space<vmem>>, vector<1x784x128xf32>
    %get3A_8 = vector.shape_cast %get3A_7 : vector<1x784x128xf32> to vector<784x128xf32>
    %add3A = arith.addf %get3A_3, %get3A_8 : vector<784x128xf32>
    %add3A_9 = arith.constant 1.000000e+00 : f32
    %add3A_10 = vector.broadcast %add3A_9 : f32 to vector<784x128xf32>
    %add3A_11 = arith.addf %add3A, %add3A_10 : vector<784x128xf32>
    %rsqrt3A = math.rsqrt %add3A_11 : vector<784x128xf32>
    %swap3A = arith.constant 0 : index
    %swap3A_12 = arith.constant 0 : index
    %swap3A_13 = vector.load %arg2[%swap3A, %swap3A_12] : memref<784x128xf32, #tpu.memory_space<vmem>>, vector<784x128xf32>
    tpu.vector_store %arg2[%swap3A, %swap3A_12], %rsqrt3A {strides = array<i32>} : memref<784x128xf32, #tpu.memory_space<vmem>>, vector<784x128xf32>,
    %get3A_14 = arith.constant 0 : index
    %get3A_15 = arith.constant 0 : index
    %get3A_16 = vector.load %arg1[%get3A_14, %get3A_15] : memref<784x128xf32, #tpu.memory_space<vmem>>, vector<784x128xf32>
    %mul3A = arith.mulf %rsqrt3A, %get3A_16 : vector<784x128xf32>
    %swap3A_17 = arith.constant 0 : index
    %swap3A_18 = arith.constant 0 : index
    %swap3A_19 = vector.load %arg3[%swap3A_17, %swap3A_18] : memref<784x128xf32, #tpu.memory_space<vmem>>, vector<784x128xf32>
    tpu.vector_store %arg3[%swap3A_17, %swap3A_18], %mul3A {strides = array<i32>} : memref<784x128xf32, #tpu.memory_space<vmem>>, vector<784x128xf32>,
    return
  }
}

</mosaic_0001>

<sc_bundles>
// kernel: kernel.11.cloned.1.call-start
scs
__scs_entry_jumppad:
0x0: {  	(pc) =	sbr.rel $0x88, $3  }
0x1: {  	(tag) =	ssettag $0x0;
	lr =	simm.s32 $0x1  }
0x2: {  	[smem:$0x3F9F] =	sst lr;
	_ =	strace $0xD0000000  }
0x3: {  	_ = 	snop  }
0x4: {  	_ = 	snop  }
0x5: {  	_ = 	snop  }
0x6: {  	_ = 	snop  }
0x7: {  	_ = 	snop  }
__scs_overlays_trampoline_lowered:
0x8: {  	[smem:$0x3FAE] =	sst s0  }
0x9: {  	[smem:$0x3FAF] =	sst s1  }
0xa: {  	[smem:$0x3FB0] =	sst s2  }
0xb: {  	[smem:$0x3FB1] =	sst s3  }
0xc: {  	[smem:$0x3FB2] =	sst s4  }
0xd: {  	[smem:$0x3FB3] =	sst s5  }
0xe: {  	[smem:$0x3FB4] =	sst s6  }
0xf: {  	[smem:$0x3FB5] =	sst s7  }
0x10: {  	[smem:$0x3FB6] =	sst s8  }
0x11: {  	[smem:$0x3FB7] =	sst s9;
	s0 =	simm.s32 @!p0 $0x0  }
0x12: {  	s1 =	sld [smem:$0x3F9D];
	s0 =	simm.s32 @p0 $0x1  }
0x13: {  	[smem:$0x3FB8] =	sst s0;
	s0 =	simm.s32 @!p1 $0x0  }
0x14: {  	s2 =	sld [smem:$0x3F9C];
	s0 =	simm.s32 @p1 $0x1  }
0x15: {  	[smem:$0x3FB9] =	sst s0;
	s0 =	simm.s32 @!p2 $0x0  }
0x16: {  	s3 =	sld [smem:$0x3FDB];
	s0 =	simm.s32 @p2 $0x1  }
0x17: {  	s4 =	simm.s32 $0x1BF5;
	[smem:$0x3FBB] =	sst s0  }
0x18: {  	s0 =	sld [smem:$0x3F9E];
	_ =	swait.ge [sflag:s4], $0x0  }
0x19: {  	s7 =	sld [smem:$0x3F9F]  }
0x1a: {  	s8 =	sadd.s32 $0xFFFFE003, lr  }
0x1b: {  	s9 =	sadd.s32 $0xFFFFFEF7, lr;
	s5 =	simm.s32 $0xFFFFFFFF;
	p2 =	slt.u32 s8, $0xFFFFF086  }
0x1c: {  	p1 =	slt.u32 s9, $0xF7A;
	s5 =	simm.s32 @!p2 $0x0  }
0x1d: {  	s5 =	simm.s32 @p1 $0x1;
	p0 =	seq.s32 s7, s2  }
0x1e: {  	s7 =	smul.u32 @!p0 $0xF7A, s2;
	p2 =	seq.s32 @!p0 s5, $0x0  }
0x1f: {  	s9 =	smul.u32 $0xF7A, s1;
	s8 =	simm.s32 @!p0 $0x1BF5;
	p2 =	por !p2, p0  }
0x20: {  	[sflag:s8] =	ssyncset.s32 @!p0 $0xFFFFF086;
	s6 =	sadd.s32 @!p0 s3, s7;
	s7 =	simm.s32 @!p0 $0x108  }
0x21: {  	s3 =	sadd.s32 s3, s9;
	s6 =	sadd.s32 @!p0 $0x88, s6;
	s7 =	simm.s32 @p2 $0x1082  }
0x22: {  	[simem:s7], [sflag:s8] =	dma.local @!p0 [hbm:s6], $0xF7A  }
0x23: {  	s9 =	sor.u32 $0xD0000000, s2;
	s6 =	simm.s32 $0x108;
	_ =	swait.ge @!p0 [sflag:s8], $0x0  }
0x24: {  	s3 =	sadd.s32 $0x88, s3;
	s6 =	simm.s32 @!p1 $0x1082;
	[sflag:s4] =	ssyncset.s32 $0xFFFFF086  }
0x25: {  	[simem:s6], [sflag:s4] =	dma.local [hbm:s3], $0xF7A  }
0x26: {  	[smem:$0x3F9F] =	sst s1;
	(tag) =	ssettag s2;
	_ =	strace s9  }
0x27: {  	s1 =	sld [smem:$0x3FAF]  }
0x28: {  	s2 =	sld [smem:$0x3FB0]  }
0x29: {  	s4 =	sld [smem:$0x3FB2]  }
0x2a: {  	p0 =	seq.s32 s5, $0x0;
	s5 =	sld [smem:$0x3FB3]  }
0x2b: {  	s6 =	sld [smem:$0x3FB4]  }
0x2c: {  	s7 =	sld [smem:$0x3FB5]  }
0x2d: {  	s3 =	simm.s32 $0x108;
	s8 =	sld [smem:$0x3FB6]  }
0x2e: {  	s3 =	simm.s32 @!p0 $0x1082;
	s9 =	sld [smem:$0x3FB7]  }
0x2f: {  	lr =	sadd.s32 s0, s3;
	s0 =	sld [smem:$0x3FAE]  }
0x30: {  	s3 =	sld [smem:$0x3FB1]  }
0x31: {  	[smem:$0x3FBA] =	sst s10  }
0x32: {  	s10 =	sld [smem:$0x3FB8];
	_ =	sdelay $0x3  }
0x33: {  	p0 =	seq.s32 s10, $0x1;
	s10 =	sld [smem:$0x3FBA];
	_ =	sdelay $0x3  }
0x34: {  	[smem:$0x3FBA] =	sst s10  }
0x35: {  	s10 =	sld [smem:$0x3FB9];
	_ =	sdelay $0x3  }
0x36: {  	p1 =	seq.s32 s10, $0x1;
	s10 =	sld [smem:$0x3FBA];
	_ =	sdelay $0x3  }
0x37: {  	[smem:$0x3FBA] =	sst s10  }
0x38: {  	s10 =	sld [smem:$0x3FBB]  }
0x39: {  	_ = 	snop;
	(pc) =	sbr.ind lr, $3  }
0x3a: {  	_ = 	snop  }
0x3b: {  	_ = 	snop  }
0x3c: {  	p2 =	seq.s32 s10, $0x1;
	s10 =	sld [smem:$0x3FBA]  }
0x3d: {  	_ =	shalt  }
0x3e: {  	_ =	shalt  }
0x3f: {  	_ =	shalt  }
0x40: {  	_ =	shalt  }
0x41: {  	_ =	shalt  }
0x42: {  	_ =	shalt  }
0x43: {  	_ =	shalt  }
0x44: {  	_ =	shalt  }
0x45: {  	_ =	shalt  }
0x46: {  	_ =	shalt  }
0x47: {  	_ =	shalt  }
0x48: {  	_ =	shalt  }
0x49: {  	_ =	shalt  }
0x4a: {  	_ =	shalt  }
0x4b: {  	_ =	shalt  }
0x4c: {  	_ =	shalt  }
0x4d: {  	_ =	shalt  }
0x4e: {  	_ =	shalt  }
0x4f: {  	_ =	shalt  }
0x50: {  	_ =	shalt  }
0x51: {  	_ =	shalt  }
0x52: {  	_ =	shalt  }
0x53: {  	_ =	shalt  }
0x54: {  	_ =	shalt  }
0x55: {  	_ =	shalt  }
0x56: {  	_ =	shalt  }
0x57: {  	_ =	shalt  }
0x58: {  	_ =	shalt  }
0x59: {  	_ =	shalt  }
0x5a: {  	_ =	shalt  }
0x5b: {  	_ =	shalt  }
0x5c: {  	_ =	shalt  }
0x5d: {  	_ =	shalt  }
0x5e: {  	_ =	shalt  }
0x5f: {  	_ =	shalt  }
0x60: {  	_ =	shalt  }
0x61: {  	_ =	shalt  }
0x62: {  	_ =	shalt  }
0x63: {  	_ =	shalt  }
0x64: {  	_ =	shalt  }
0x65: {  	_ =	shalt  }
0x66: {  	_ =	shalt  }
0x67: {  	_ =	shalt  }
0x68: {  	_ =	shalt  }
0x69: {  	_ =	shalt  }
0x6a: {  	_ =	shalt  }
0x6b: {  	_ =	shalt  }
0x6c: {  	_ =	shalt  }
0x6d: {  	_ =	shalt  }
0x6e: {  	_ =	shalt  }
0x6f: {  	_ =	shalt  }
0x70: {  	_ =	shalt  }
0x71: {  	_ =	shalt  }
0x72: {  	_ =	shalt  }
0x73: {  	_ =	shalt  }
0x74: {  	_ =	shalt  }
0x75: {  	_ =	shalt  }
0x76: {  	_ =	shalt  }
0x77: {  	_ =	shalt  }
0x78: {  	_ =	shalt  }
0x79: {  	_ =	shalt  }
0x7a: {  	_ =	shalt  }
0x7b: {  	_ =	shalt  }
0x7c: {  	_ =	shalt  }
0x7d: {  	_ =	shalt  }
0x7e: {  	_ =	shalt  }
0x7f: {  	_ =	shalt  }
0x80: {  	_ =	shalt  }
0x81: {  	_ =	shalt  }
0x82: {  	_ =	shalt  }
0x83: {  	_ =	shalt  }
0x84: {  	_ =	shalt  }
0x85: {  	_ =	shalt  }
0x86: {  	_ =	shalt  }
0x87: {  	_ =	shalt  }
.Lfunc_end0:
.L_simem_size_0:
called_computation.1_lowered:
.L_overlay_start_0:
0x88: {  	s2 =	sld [smem:$0x3FD9]  }
0x89: {  	s3 =	sld [smem:$0x3FFE];
	_ =	sdelay $0x1  }
0x8a: {  	s1 =	srdreg.scid  }
0x8b: {  	s0 =	sand.u32 $0x1, s1  }
0x8c: {  	s16 =	sshll.u32 s0, $0xA;
	s2 =	sadd.s32 s3, s2  }
0x8d: {  	s2 =	sadd.s32 s2, s16  }
0x8e: {  	[smem:$0x3FC6] =	sst s2  }
0x8f: {  	_ = 	snop  }
0x90: {  	(tm) =	ssettm $0x1  }
0x91: {  	s17 =	sld [smem:$0x3FFB];
	_ =	sdelay $0x3  }
0x92: {  	_ =	strace s17  }
0x93: {  	s2 =	sld [smem:$0x3FFC];
	_ =	sdelay $0x3  }
0x94: {  	_ =	strace s2  }
0x95: {  	s2 =	sld [smem:$0x3FFD];
	_ =	sdelay $0x3  }
0x96: {  	_ =	strace s2  }
0x97: {  	_ =	strace $0x8FFFFFFF  }
0x98: {  	s18 =	sld [smem:$0x3FDB];
	_ =	sdelay $0x1  }
0x99: {  	s19 =	simm.s32 $_scs_section_size  }
0x9a: {  	s4 =	simm.s32 $_size__tile_overlayer_lowered;
	s5 =	simm.s32 $_tile_overlayer_lowered  }
0x9b: {  	s22 =	simm.s32 $0x1BFF;
	s21 =	sshll.u32 s5, $0x1;
	s2 =	sadd.s32 s19, s18  }
0x9c: {  	s6 =	simm.s32 $0x0;
	s20 =	sshll.u32 s4, $0x1;
	s4 =	sadd.s32 s21, s2  }
0x9d: {  	[timem:s6], [sflag:s22] =	dma.local [hbm:s4], s20  }
0x9e: {  	_ =	swait.ge [sflag:s22], s20  }
0x9f: {  	s3 =	ssub.s32 $0x0, s20;
	[sflag:s22] =	ssyncset.done $0x0  }
0xa0: {  	[sflag:s22] =	ssyncadd.s32 s3;
	_ =	sdelay $0x1  }
0xa1: {  	s23 =	simm.s32 $0x1B8B  }
0xa2: {  	_ =	swait.ge [sflag:s23], $0x1  }
0xa3: {  	[sflag:s23] =	ssyncset.done $0x0  }
0xa4: {  	s25 =	simm.s32 $0x1B8E;
	s24 =	sld [smem:$0x3FFE];
	[sflag:s23] =	ssyncadd.s32 $0xFFFFFFFF  }
0xa5: {  	s26 =	simm.s32 $execute0_lowered;
	[smem:$0x3FD2] =	sst s25  }
0xa6: {  	s4 =	sshll.u32 s26, $0x1;
	_ =	strace $0x80000049;
	[dreg:$0x1] =	wrdreg $0xFFFFFFFF  }
0xa7: {  	s28 =	simm.s32 $_size_execute0_lowered;
	s2 =	sadd.s32 s2, s4;
	[dreg:$0x0] =	wrdreg $0x0  }
0xa8: {  	s4 =	sshll.u32 s28, $0x1;
	[dreg:$0x2] =	wrdreg s2  }
0xa9: {  	[dreg:$0x3] =	wrdreg s4  }
0xaa: {  	[dreg:$0x4] =	wrdreg $0xC0  }
0xab: {  	_ =	task [dreg:s6], $0x5FFFF  }
0xac: {  	[dreg:$0x1] =	wrdreg $0xFFFFFFFF  }
0xad: {  	[dreg:$0x0] =	wrdreg $0x60  }
0xae: {  	[dreg:$0x2] =	wrdreg s24  }
0xaf: {  	[dreg:$0x3] =	wrdreg $0x0  }
0xb0: {  	[dreg:$0x4] =	wrdreg $0x18800  }
0xb1: {  	[dreg:$0x5] =	wrdreg $0x9  }
0xb2: {  	_ =	task.clear_ibuf [dreg:s6], $0x6FFFF;
	_ =	strace $0x90000049  }
0xb3: {  	s29 =	simm.s32 $0x9;
	_ =	strace $0x8000004B  }
0xb4: {  	_ =	swait.ge [sflag:s29], $0x1  }
0xb5: {  	[sflag:s29] =	ssyncadd.s32 $0xFFFFFFFF  }
0xb6: {  	_ =	strace $0x9000004B  }
0xb7: {  	_ =	sfence  }
0xb8: {  	s30 =	sld [smem:$0x0];
	_ =	sdelay $0x2  }
0xb9: {  	s31 =	sshll.u32 s1, $0xD;
	s1 =	sshrl.u32 s1, $0x2  }
0xba: {  	s3 =	sand.u32 $0x4000, s31;
	s1 =	sadd.s32 s1, s30  }
0xbb: {  	s0 =	sor.u32 s3, s0;
	s1 =	sshll.u32 s1, $0x11  }
0xbc: {  	s0 =	sor.u32 s1, s0  }
0xbd: {  	s0 =	sadd.s32 $0x8F2B, s0  }
0xbe: {  	[sflag:s0] =	ssyncadd.remote.s32 $0x1  }
0xbf: {  	_ =	sfence.sel $0xFFFF  }
0xc0: {  	[dreg:$0x0] =	wrdreg $0xFFFFFFFF;
	(pc) =	sbr.abs _section_cstart, $3  }
0xc1: {  	[dreg:$0x1] =	wrdreg $0xFFFFFFFF  }
0xc2: {  	_ =	task.clear_ibuf [dreg:s6], $0x2FFFF;
	_ =	strace $0x9FFFFFFF  }
0xc3: {  	(tm) =	ssettm $0x7FFFFFFF  }
tec
execute0_lowered:
.L_overlay_start_1:
0x0: {  	(tag) =	ssettag $0x1  }
0x1: {  	s0 =	rddreg [dreg:$0x0]  }
0x2: {  	s2 =	rddreg [dreg:$0x1]  }
0x3: {  	s3 =	rddreg [dreg:$0x2]  }
0x4: {  	s11 =	stileid.u32;
	s1 =	srdreg.scid;
	s4 =	simm.s32 $0x0  }
0x5: {  	s28 =	simm.s32 $0x1E780;
	s7 =	smul.u32 $0x1880, s11;
	s1 =	sand.u32 $0x1, s1  }
0x6: {  	[smem:$0x7FF] =	sst s4;
	s5 =	sadd.s32 $0xC4C00, s0;
	s6 =	sadd.s32 $0x18CC00, s0  }
0x7: {  	s26 =	sshll.u32 s11, $0x6;
	s8 =	smul.u32 $0x18800, s1;
	_ =	strace $0x8000004A  }
0x8: {  	s10 =	ssub.s32 $0x2, s1;
	s1 =	sshll.u32 s1, $0x4;
	s9 =	sshrl.u32 s7, $0x3  }
0x9: {  	s24 =	sshrl.u32 s10, $0x1;
	s25 =	sadd.s32 s7, s2;
	s1 =	sor.u32 s11, s1  }
0xa: {  	s29 =	sadd.s32 s7, s3;
	s8 =	sadd.s32 s7, s8;
	s9 =	sadd.s32 s9, s0  }
0xb: {  	s30 =	smul.u32 $0x6400, s1;
	s22 =	sadd.s32 $0x380, s29;
	[dreg:$0x6] =	wrdreg s29  }
0xc: {  	s1 =	smul.u32 $0xC8, s1;
	s23 =	sshrl.u32 s25, $0x3;
	[dreg:$0x11] =	wrdreg s22  }
0xd: {  	s25 =	sadd.s32 $0xA80, s29;
	s8 =	sshrl.u32 s8, $0x3;
	[dreg:$0x12] =	wrdreg s23  }
0xe: {  	s9 =	sadd.s32 $0x1600, s9;
	[dreg:$0x14] =	wrdreg s25;
	s22 =	simm.s32 $0x1DF80  }
0xf: {  	s23 =	simm.s32 $0x3;
	s25 =	simm.s32 $0x5;
	s0 =	sadd.s32 s8, s0  }
0x10: {  	s8 =	ssub.s32 s10, s24;
	[dreg:$0x4] =	wrdreg s9;
	s31 =	sadd.s32 s5, s30  }
0x11: {  	s9 =	sor.u32 $0x1C09, s26;
	s12 =	sadd.s32 s6, s30;
	[dreg:$0x7] =	wrdreg s31  }
0x12: {  	s13 =	sor.u32 $0x80, s30;
	s24 =	sadd.s32 $0x700, s29;
	[dreg:$0x8] =	wrdreg s12  }
0x13: {  	s14 =	sor.u32 $0x100, s30;
	s26 =	sadd.s32 $0xE00, s29;
	[dreg:$0x13] =	wrdreg s24  }
0x14: {  	s16 =	sor.u32 $0x180, s30;
	s30 =	sadd.s32 $0x1180, s29;
	[dreg:$0x15] =	wrdreg s26  }
0x15: {  	s18 =	sor.u32 $0x1, s1;
	s19 =	sor.u32 $0x2, s1;
	[dreg:$0x16] =	wrdreg s30  }
0x16: {  	s20 =	sor.u32 $0x3, s1;
	s12 =	sadd.s32 s5, s13;
	[dreg:$0x5] =	wrdreg s9  }
0x17: {  	s21 =	sor.u32 $0x4, s1;
	s7 =	sadd.s32 s6, s13;
	[dreg:$0x9] =	wrdreg s12  }
0x18: {  	s10 =	simm.s32 $0x1CF80;
	s15 =	sadd.s32 s5, s14;
	[dreg:$0xa] =	wrdreg s7  }
0x19: {  	s11 =	sadd.s32 s5, s16;
	s0 =	sadd.s32 $0x7A00, s0;
	[dreg:$0xb] =	wrdreg s15  }
0x1a: {  	s17 =	smax.u32 s8, $0x1;
	s31 =	sadd.s32 $0x1500, s29;
	[dreg:$0xd] =	wrdreg s11  }
0x1b: {  	s13 =	simm.s32 $0x1;
	s24 =	simm.s32 $0x1E380;
	[dreg:$0xf] =	wrdreg s0  }
0x1c: {  	s26 =	simm.s32 $0x4;
	s7 =	sadd.s32 s6, s14;
	[dreg:$0x10] =	wrdreg s17  }
0x1d: {  	[dreg:$0x17] =	wrdreg s31;
	s0 =	simm.s32 $0x9;
	s11 =	simm.s32 $0x1D380  }
0x1e: {  	s12 =	simm.s32 $0x1D780;
	s14 =	simm.s32 $0x3100;
	s15 =	simm.s32 $0x400  }
0x1f: {  	s17 =	simm.s32 $0x2;
	[dreg:$0xc] =	wrdreg s7;
	s7 =	sadd.s32 s6, s16  }
0x20: {  	v0 =	vimm.f32 $0.0e+00;
	s16 =	simm.s32 $0x1DB80;
	[dreg:$0xe] =	wrdreg s7;
	s7 =	simm.s32 $0x1CB80  }
.LBB2_1:
0x21: {  	s1 =	rddreg [dreg:$0x4]  }
0x22: {  	s8 =	rddreg [dreg:$0x12]  }
0x23: {  	[spmem:s8], [sflag:s9] =	dma.local [hbm:s1], $0x310  }
0x24: {  	_ =	swait.ge [sflag:s0], $0x310  }
0x25: {  	[sflag:s0] =	ssyncset.done $0x0  }
0x26: {  	s8 =	simm.s32 $0x40;
	s9 =	simm.s32 $0x0;
	[sflag:s0] =	ssyncadd.s32 $0xFFFFFCF0  }
.LBB2_2:
0x27: {  	p0 =	sne.s32 s8, $0xDC0;
	[tilespmem:s9+$0x1B800] =	vst v0;
	s9 =	smov.u32 s8;
	s8 =	sadd.s32 $0x40, s8  }
.Ltmp0:
0x28: {  	(pc) =	sbr.rel @p0 .LBB2_2-.Ltmp0, $2  }
0x29: {  	_ =	sdelay $0x2  }
0x2a: {  	s9 =	sshra.s32 s9, $0x2  }
0x2b: {  	[tilespmem:s9+$0x1B800] =	vst v0;
	s8 =	simm.s32 $0x1B800  }
0x2c: {  	[spmem:s29] =	stream.linear.scatter [tilespmem:s8], [sflag:$0x9], $0x380, $0x38;
	[tilespmem:$0x1EB80] =	vst v63  }
0x2d: {  	_ =	swait.ge [sflag:s0], $0x380  }
0x2e: {  	[sflag:s0] =	ssyncset.done $0x0  }
0x2f: {  	s1 =	rddreg [dreg:$0x11];
	[sflag:s0] =	ssyncadd.s32 $0xFFFFFC80  }
0x30: {  	[spmem:s1] =	stream.linear.scatter [tilespmem:s8], [sflag:$0x9], $0x380, $0x38;
	[tilespmem:$0x1EB80] =	vst v63  }
0x31: {  	_ =	swait.ge [sflag:s0], $0x380  }
0x32: {  	[sflag:s0] =	ssyncset.done $0x0  }
0x33: {  	s29 =	rddreg [dreg:$0x13];
	[sflag:s0] =	ssyncadd.s32 $0xFFFFFC80  }
0x34: {  	[spmem:s29] =	stream.linear.scatter [tilespmem:s8], [sflag:$0x9], $0x380, $0x38;
	[tilespmem:$0x1EB80] =	vst v63  }
0x35: {  	_ =	swait.ge [sflag:s0], $0x380  }
0x36: {  	[sflag:s0] =	ssyncset.done $0x0  }
0x37: {  	s30 =	rddreg [dreg:$0x14];
	[sflag:s0] =	ssyncadd.s32 $0xFFFFFC80  }
0x38: {  	[spmem:s30] =	stream.linear.scatter [tilespmem:s8], [sflag:$0x9], $0x380, $0x38;
	[tilespmem:$0x1EB80] =	vst v63  }
0x39: {  	_ =	swait.ge [sflag:s0], $0x380  }
0x3a: {  	[sflag:s0] =	ssyncset.done $0x0  }
0x3b: {  	s31 =	rddreg [dreg:$0x15];
	[sflag:s0] =	ssyncadd.s32 $0xFFFFFC80  }
0x3c: {  	[spmem:s31] =	stream.linear.scatter [tilespmem:s8], [sflag:$0x9], $0x380, $0x38;
	[tilespmem:$0x1EB80] =	vst v63  }
0x3d: {  	_ =	swait.ge [sflag:s0], $0x380  }
0x3e: {  	[sflag:s0] =	ssyncset.done $0x0  }
0x3f: {  	s9 =	rddreg [dreg:$0x16];
	[sflag:s0] =	ssyncadd.s32 $0xFFFFFC80  }
0x40: {  	[spmem:s9] =	stream.linear.scatter [tilespmem:s8], [sflag:$0x9], $0x380, $0x38;
	[tilespmem:$0x1EB80] =	vst v63  }
0x41: {  	_ =	swait.ge [sflag:s0], $0x380  }
0x42: {  	[sflag:s0] =	ssyncset.done $0x0  }
0x43: {  	s29 =	rddreg [dreg:$0x17];
	[sflag:s0] =	ssyncadd.s32 $0xFFFFFC80  }
0x44: {  	[spmem:s29] =	stream.linear.scatter [tilespmem:s8], [sflag:$0x9], $0x380, $0x38;
	[tilespmem:$0x1EB80] =	vst v63  }
0x45: {  	_ =	swait.ge [sflag:s0], $0x380  }
0x46: {  	[sflag:s0] =	ssyncset.done $0x0  }
0x47: {  	[sflag:s0] =	ssyncadd.s32 $0xFFFFFC80  }
0x48: {  	s30 =	simm.s32 $0x3100;
	s31 =	sadd.s32 $0x0, s2;
	[bflag:$0x0] =	sbarrier.arrive $0xFFFF  }
0x49: {  	[tilespmem:s30], [sflag:$0x9] =	stream.linear.gather [spmem:s31], $0xFA0, $0x38;
	[tilespmem:$0x1EB80] =	vst v63  }
0x4a: {  	s8 =	simm.s32 $0x3E80;
	_ =	swait.ge [sflag:s0], $0xFA0  }
.LBB2_4:
0x4b: {  	s9 =	sshra.s32 s8, $0x2  }
0x4c: {  	[sflag:s0] =	ssyncset.done $0x0;
	p0 =	sne.s32 s8, $0x5DC00;
	s29 =	sadd.s32 $0x3100, s9  }
.Ltmp1:
0x4d: {  	s9 =	sadd.s32 s9, s2;
	[sflag:s0] =	ssyncadd.s32 $0xFFFFF060;
	(pc) =	sbr.rel @p0 .LBB2_4-.Ltmp1, $3  }
0x4e: {  	[tilespmem:s29], [sflag:$0x9] =	stream.linear.gather [spmem:s9], $0xFA0, $0x38;
	[tilespmem:$0x1EB80] =	vst v63  }
0x4f: {  	s8 =	sadd.s32 $0x3E80, s8;
	_ =	sdelay $0x1  }
0x50: {  	_ =	swait.ge [sflag:s0], $0xFA0  }
0x51: {  	[sflag:s0] =	ssyncset.done $0x0;
	s29 =	simm.s32 $0x0  }
0x52: {  	s1 =	rddreg [dreg:$0x7];
	s8 =	simm.s32 $0x1BB80;
	[sflag:s0] =	ssyncadd.s32 $0xFFFFF060  }
0x53: {  	[tilespmem:s8], [sflag:$0x1] =	stream.linear.gather [hbm4b:s1+s29], $0x400, $0x38;
	[tilespmem:$0x1EB80] =	vst v63  }
0x54: {  	s9 =	rddreg [dreg:$0x8]  }
0x55: {  	[tilespmem:s7], [sflag:$0x1] =	stream.linear.gather [hbm4b:s9+s29], $0x400, $0x38;
	[tilespmem:$0x1EB80] =	vst v63  }
0x56: {  	s30 =	rddreg [dreg:$0x9];
	s31 =	simm.s32 $0x1BF80  }
0x57: {  	[tilespmem:s31], [sflag:$0x2] =	stream.linear.gather [hbm4b:s30+s29], $0x400, $0x38;
	[tilespmem:$0x1EB80] =	vst v63  }
0x58: {  	s9 =	rddreg [dreg:$0xa]  }
0x59: {  	[tilespmem:s10], [sflag:$0x2] =	stream.linear.gather [hbm4b:s9+s29], $0x400, $0x38;
	[tilespmem:$0x1EB80] =	vst v63  }
0x5a: {  	s30 =	rddreg [dreg:$0xb];
	s31 =	simm.s32 $0x1C380  }
0x5b: {  	[tilespmem:s31], [sflag:$0x3] =	stream.linear.gather [hbm4b:s30+s29], $0x400, $0x38;
	[tilespmem:$0x1EB80] =	vst v63  }
0x5c: {  	s8 =	rddreg [dreg:$0xc]  }
0x5d: {  	[tilespmem:s11], [sflag:$0x3] =	stream.linear.gather [hbm4b:s8+s29], $0x400, $0x38;
	[tilespmem:$0x1EB80] =	vst v63  }
0x5e: {  	s9 =	rddreg [dreg:$0xd];
	s30 =	simm.s32 $0x1C780  }
0x5f: {  	[tilespmem:s30], [sflag:$0x4] =	stream.linear.gather [hbm4b:s9+s29], $0x400, $0x38;
	[tilespmem:$0x1EB80] =	vst v63  }
0x60: {  	s31 =	rddreg [dreg:$0xe]  }
0x61: {  	[tilespmem:s12], [sflag:$0x4] =	stream.linear.gather [hbm4b:s31+s29], $0x400, $0x38;
	[tilespmem:$0x1EB80] =	vst v63  }
.LBB2_6:
0x62: {  	p0 =	seq.s32 s29, $0x0  }
0x63: {  	s30 =	sshll.u32 s29, $0x2;
	s8 =	simm.s32 @!p0 $0x6  }
0x64: {  	s9 =	sadd.s32 @!p0 s30, s18;
	_ =	swait.ge @!p0 [sflag:s8], $0x400  }
0x65: {  	s9 =	sshll.u32 @!p0 s9, $0x7;
	[sflag:s8] =	ssyncset.done @!p0 $0x0  }
0x66: {  	[sflag:s8] =	ssyncadd.s32 @!p0 $0xFFFFFC00;
	s8 =	sand.u32 @!p0 $0x1FFFFE80, s9  }
0x67: {  	s31 =	simm.s32 @!p0 $0x0;
	s1 =	simm.s32 @!p0 $0x1BF80;
	s9 =	sadd.s32 @!p0 s5, s8  }
0x68: {  	[tilespmem:s1], [sflag:$0x2] =	stream.linear.gather @!p0 [hbm4b:s9+s31], $0x400, $0x38;
	[tilespmem:$0x1EB80] =	vst v63  }
0x69: {  	s1 =	sadd.s32 @!p0 s6, s8;
	s8 =	simm.s32 @!p0 $0x1CF80  }
0x6a: {  	[tilespmem:s8], [sflag:$0x2] =	stream.linear.gather @!p0 [hbm4b:s1+s31], $0x400, $0x38;
	[tilespmem:$0x1EB80] =	vst v63  }
0x6b: {  	_ =	swait.ge [sflag:s13], $0x400  }
0x6c: {  	[sflag:s13] =	ssyncset.done $0x0  }
0x6d: {  	[sflag:s13] =	ssyncadd.s32 $0xFFFFFC00  }
0x6e: {  	_ =	swait.ge [sflag:s13], $0x400  }
0x6f: {  	[sflag:s13] =	ssyncset.done $0x0  }
0x70: {  	s31 =	simm.s32 $0x0;
	[sflag:s13] =	ssyncadd.s32 $0xFFFFFC00  }
0x71: {  	v1 =	vld [tilespmem:s31+$0x1BB80];
	_ =	sdelay $0x7  }
0x72: {  	s9 =	simm.s32 $0x80;
	s8 =	simm.s32 $0x10;
	v1 =	vld.idx.msk [tilespmem:v1+s14+$0x0], $0xffff  }
.LBB2_7:
0x73: {  	p1 =	sne.s32 s9, $0xFC0;
	v2 =	vld [tilespmem:s8+$0x1BB80];
	_ =	sdelay $0x3  }
.Ltmp2:
0x74: {  	(pc) =	sbr.rel @p1 .LBB2_7-.Ltmp2, $2  }
0x75: {  	[tilespmem:s31+$0x1DB80] =	vst v1;
	s31 =	smov.u32 s8;
	_ =	sdelay $0x2  }
0x76: {  	s8 =	sshra.s32 s9, $0x2;
	s9 =	sadd.s32 $0x40, s9;
	v1 =	vld.idx.msk [tilespmem:v2+s14+$0x0], $0xffff  }
0x77: {  	v2 =	vld [tilespmem:s8+$0x1BB80];
	_ =	sdelay $0x6  }
0x78: {  	[tilespmem:s31+$0x1DB80] =	vst v1  }
0x79: {  	v1 =	vld.idx.msk [tilespmem:v2+s14+$0x0], $0xffff;
	_ =	sdelay $0x4  }
0x7a: {  	s1 =	simm.s32 @!p0 $0x7;
	[tilespmem:s8+$0x1DB80] =	vst v1  }
0x7b: {  	[spmem:s3] =	stream.indirect.scatter.add.f32 [tilespmem:s16], [sflag:$0x5], $0x1, s7, s15, $0xb8;
	[tilespmem:$0x1EB80] =	vst v63  }
0x7c: {  	s8 =	sadd.s32 @!p0 s30, s19;
	_ =	swait.ge @!p0 [sflag:s1], $0x400  }
0x7d: {  	s8 =	sshll.u32 @!p0 s8, $0x7;
	[sflag:s1] =	ssyncset.done @!p0 $0x0  }
0x7e: {  	[sflag:s1] =	ssyncadd.s32 @!p0 $0xFFFFFC00;
	s1 =	sand.u32 @!p0 $0x1FFFFF00, s8  }
0x7f: {  	s9 =	simm.s32 @!p0 $0x0;
	s31 =	simm.s32 @!p0 $0x1C380;
	s8 =	sadd.s32 @!p0 s5, s1  }
0x80: {  	[tilespmem:s31], [sflag:$0x3] =	stream.linear.gather @!p0 [hbm4b:s8+s9], $0x400, $0x38;
	[tilespmem:$0x1EB80] =	vst v63  }
0x81: {  	s1 =	sadd.s32 @!p0 s6, s1;
	s8 =	simm.s32 @!p0 $0x1D380  }
0x82: {  	[tilespmem:s8], [sflag:$0x3] =	stream.linear.gather @!p0 [hbm4b:s1+s9], $0x400, $0x38;
	[tilespmem:$0x1EB80] =	vst v63  }
0x83: {  	_ =	swait.ge [sflag:s17], $0x400  }
0x84: {  	[sflag:s17] =	ssyncset.done $0x0  }
0x85: {  	[sflag:s17] =	ssyncadd.s32 $0xFFFFFC00  }
0x86: {  	_ =	swait.ge [sflag:s17], $0x400  }
0x87: {  	[sflag:s17] =	ssyncset.done $0x0  }
0x88: {  	s31 =	simm.s32 $0x0;
	[sflag:s17] =	ssyncadd.s32 $0xFFFFFC00  }
0x89: {  	v1 =	vld [tilespmem:s31+$0x1BF80];
	_ =	sdelay $0x7  }
0x8a: {  	s8 =	simm.s32 $0x10;
	s9 =	simm.s32 $0x80;
	v1 =	vld.idx.msk [tilespmem:v1+s14+$0x0], $0xffff  }
.LBB2_9:
0x8b: {  	p1 =	sne.s32 s9, $0xFC0;
	v2 =	vld [tilespmem:s8+$0x1BF80];
	_ =	sdelay $0x3  }
.Ltmp3:
0x8c: {  	(pc) =	sbr.rel @p1 .LBB2_9-.Ltmp3, $2  }
0x8d: {  	[tilespmem:s31+$0x1DF80] =	vst v1;
	s31 =	smov.u32 s8;
	_ =	sdelay $0x2  }
0x8e: {  	s8 =	sshra.s32 s9, $0x2;
	s9 =	sadd.s32 $0x40, s9;
	v1 =	vld.idx.msk [tilespmem:v2+s14+$0x0], $0xffff  }
0x8f: {  	v2 =	vld [tilespmem:s8+$0x1BF80];
	_ =	sdelay $0x6  }
0x90: {  	[tilespmem:s31+$0x1DF80] =	vst v1  }
0x91: {  	v1 =	vld.idx.msk [tilespmem:v2+s14+$0x0], $0xffff;
	_ =	sdelay $0x4  }
0x92: {  	s1 =	simm.s32 @!p0 $0x8;
	[tilespmem:s8+$0x1DF80] =	vst v1  }
0x93: {  	[spmem:s3] =	stream.indirect.scatter.add.f32 [tilespmem:s22], [sflag:$0x6], $0x1, s10, s15, $0xb8;
	[tilespmem:$0x1EB80] =	vst v63  }
0x94: {  	s8 =	sadd.s32 @!p0 s30, s20;
	_ =	swait.ge @!p0 [sflag:s1], $0x400  }
0x95: {  	s8 =	sshll.u32 @!p0 s8, $0x7;
	[sflag:s1] =	ssyncset.done @!p0 $0x0  }
0x96: {  	[sflag:s1] =	ssyncadd.s32 @!p0 $0xFFFFFC00;
	s1 =	sand.u32 @!p0 $0x1FFFFF80, s8  }
0x97: {  	s9 =	simm.s32 @!p0 $0x0;
	s31 =	simm.s32 @!p0 $0x1C780;
	s8 =	sadd.s32 @!p0 s5, s1  }
0x98: {  	[tilespmem:s31], [sflag:$0x4] =	stream.linear.gather @!p0 [hbm4b:s8+s9], $0x400, $0x38;
	[tilespmem:$0x1EB80] =	vst v63  }
0x99: {  	s1 =	sadd.s32 @!p0 s6, s1;
	s8 =	simm.s32 @!p0 $0x1D780  }
0x9a: {  	[tilespmem:s8], [sflag:$0x4] =	stream.linear.gather @!p0 [hbm4b:s1+s9], $0x400, $0x38;
	[tilespmem:$0x1EB80] =	vst v63  }
0x9b: {  	_ =	swait.ge [sflag:s23], $0x400  }
0x9c: {  	[sflag:s23] =	ssyncset.done $0x0  }
0x9d: {  	[sflag:s23] =	ssyncadd.s32 $0xFFFFFC00  }
0x9e: {  	_ =	swait.ge [sflag:s23], $0x400  }
0x9f: {  	[sflag:s23] =	ssyncset.done $0x0  }
0xa0: {  	s31 =	simm.s32 $0x0;
	[sflag:s23] =	ssyncadd.s32 $0xFFFFFC00  }
0xa1: {  	v1 =	vld [tilespmem:s31+$0x1C380];
	_ =	sdelay $0x7  }
0xa2: {  	s8 =	simm.s32 $0x10;
	s9 =	simm.s32 $0x80;
	v1 =	vld.idx.msk [tilespmem:v1+s14+$0x0], $0xffff  }
.LBB2_11:
0xa3: {  	p0 =	sne.s32 s9, $0xFC0;
	v2 =	vld [tilespmem:s8+$0x1C380];
	_ =	sdelay $0x3  }
.Ltmp4:
0xa4: {  	(pc) =	sbr.rel @p0 .LBB2_11-.Ltmp4, $2  }
0xa5: {  	[tilespmem:s31+$0x1E380] =	vst v1;
	s31 =	smov.u32 s8;
	_ =	sdelay $0x2  }
0xa6: {  	s8 =	sshra.s32 s9, $0x2;
	s9 =	sadd.s32 $0x40, s9;
	v1 =	vld.idx.msk [tilespmem:v2+s14+$0x0], $0xffff  }
0xa7: {  	v2 =	vld [tilespmem:s8+$0x1C380];
	_ =	sdelay $0x6  }
0xa8: {  	[tilespmem:s31+$0x1E380] =	vst v1  }
0xa9: {  	v1 =	vld.idx.msk [tilespmem:v2+s14+$0x0], $0xffff;
	_ =	sdelay $0x3  }
0xaa: {  	p0 =	seq.s32 s29, $0x31  }
0xab: {  	s1 =	sadd.s32 @!p0 s30, s21;
	[tilespmem:s8+$0x1E380] =	vst v1  }
0xac: {  	[spmem:s3] =	stream.indirect.scatter.add.f32 [tilespmem:s24], [sflag:$0x7], $0x1, s11, s15, $0xb8;
	[tilespmem:$0x1EB80] =	vst v63  }
0xad: {  	s1 =	sshll.u32 @!p0 s1, $0x7;
	_ =	swait.ge [sflag:s25], $0x400  }
0xae: {  	s9 =	simm.s32 @!p0 $0x0;
	s1 =	sand.u32 @!p0 $0x1FFFFE00, s1;
	[sflag:s25] =	ssyncset.done $0x0  }
0xaf: {  	s30 =	simm.s32 @!p0 $0x1BB80;
	s8 =	sadd.s32 @!p0 s5, s1;
	[sflag:s25] =	ssyncadd.s32 $0xFFFFFC00  }
0xb0: {  	[tilespmem:s30], [sflag:$0x1] =	stream.linear.gather @!p0 [hbm4b:s8+s9], $0x400, $0x38;
	[tilespmem:$0x1EB80] =	vst v63  }
0xb1: {  	s1 =	sadd.s32 @!p0 s6, s1;
	s8 =	simm.s32 @!p0 $0x1CB80  }
0xb2: {  	[tilespmem:s8], [sflag:$0x1] =	stream.linear.gather @!p0 [hbm4b:s1+s9], $0x400, $0x38;
	[tilespmem:$0x1EB80] =	vst v63  }
0xb3: {  	_ =	swait.ge [sflag:s26], $0x400  }
0xb4: {  	[sflag:s26] =	ssyncset.done $0x0  }
0xb5: {  	[sflag:s26] =	ssyncadd.s32 $0xFFFFFC00  }
0xb6: {  	_ =	swait.ge [sflag:s26], $0x400  }
0xb7: {  	[sflag:s26] =	ssyncset.done $0x0  }
0xb8: {  	s30 =	simm.s32 $0x0;
	[sflag:s26] =	ssyncadd.s32 $0xFFFFFC00  }
0xb9: {  	v1 =	vld [tilespmem:s30+$0x1C780];
	_ =	sdelay $0x7  }
0xba: {  	s8 =	simm.s32 $0x10;
	s9 =	simm.s32 $0x80;
	v1 =	vld.idx.msk [tilespmem:v1+s14+$0x0], $0xffff  }
.LBB2_13:
0xbb: {  	p0 =	sne.s32 s9, $0xFC0;
	v2 =	vld [tilespmem:s8+$0x1C780];
	_ =	sdelay $0x3  }
.Ltmp5:
0xbc: {  	(pc) =	sbr.rel @p0 .LBB2_13-.Ltmp5, $2  }
0xbd: {  	[tilespmem:s30+$0x1E780] =	vst v1;
	s30 =	smov.u32 s8;
	_ =	sdelay $0x2  }
0xbe: {  	s8 =	sshra.s32 s9, $0x2;
	s9 =	sadd.s32 $0x40, s9;
	v1 =	vld.idx.msk [tilespmem:v2+s14+$0x0], $0xffff  }
0xbf: {  	v2 =	vld [tilespmem:s8+$0x1C780];
	_ =	sdelay $0x6  }
0xc0: {  	[tilespmem:s30+$0x1E780] =	vst v1  }
0xc1: {  	s29 =	sadd.s32 $0x1, s29;
	v1 =	vld.idx.msk [tilespmem:v2+s14+$0x0], $0xffff  }
0xc2: {  	p0 =	sne.s32 s29, $0x32  }
.Ltmp6:
0xc3: {  	_ = 	snop;
	(pc) =	sbr.rel @p0 .LBB2_6-.Ltmp6, $3  }
0xc4: {  	_ =	sdelay $0x1  }
0xc5: {  	[tilespmem:s8+$0x1E780] =	vst v1  }
0xc6: {  	[spmem:s3] =	stream.indirect.scatter.add.f32 [tilespmem:s28], [sflag:$0x8], $0x1, s12, s15, $0xb8;
	[tilespmem:$0x1EB80] =	vst v63  }
0xc7: {  	s1 =	simm.s32 $0x6  }
0xc8: {  	_ =	swait.ge [sflag:s1], $0x400  }
0xc9: {  	[sflag:s1] =	ssyncset.done $0x0  }
0xca: {  	s8 =	simm.s32 $0x7;
	[sflag:s1] =	ssyncadd.s32 $0xFFFFFC00  }
0xcb: {  	_ =	swait.ge [sflag:s8], $0x400  }
0xcc: {  	[sflag:s8] =	ssyncset.done $0x0  }
0xcd: {  	s9 =	simm.s32 $0x8;
	[sflag:s8] =	ssyncadd.s32 $0xFFFFFC00  }
0xce: {  	_ =	swait.ge [sflag:s9], $0x400  }
0xcf: {  	[sflag:s9] =	ssyncset.done $0x0  }
0xd0: {  	[sflag:s9] =	ssyncadd.s32 $0xFFFFFC00  }
0xd1: {  	[bflag:$0x0] =	sbarrier.arrive $0xFFFF  }
0xd2: {  	s29 =	rddreg [dreg:$0x6]  }
0xd3: {  	s9 =	rddreg [dreg:$0x5]  }
0xd4: {  	s8 =	rddreg [dreg:$0xf];
	s30 =	sshrl.u32 s29, $0x3  }
0xd5: {  	[hbm:s8], [sflag:s9] =	dma.local [spmem:s30], $0x310  }
0xd6: {  	_ =	swait.ge [sflag:s0], $0x310  }
0xd7: {  	s4 =	sadd.s32 $0x1, s4;
	s31 =	rddreg [dreg:$0x10]  }
0xd8: {  	p0 =	sne.s32 s4, s31  }
.Ltmp7:
0xd9: {  	_ = 	snop;
	(pc) =	sbr.rel @p0 .LBB2_1-.Ltmp7, $3  }
0xda: {  	_ =	sdelay $0x1  }
0xdb: {  	[sflag:s0] =	ssyncset.done $0x0  }
0xdc: {  	[sflag:s0] =	ssyncadd.s32 $0xFFFFFCF0  }
0xdd: {  	_ =	sfence.sel $0x180000  }
0xde: {  	[bflag:$0x0] =	sbarrier.arrive $0xFFFF  }
0xdf: {  	_ =	strace $0x9000004A  }
0xe0: {  	s0 =	stileid.u32;
	[bflag:$0x2] =	sbarrier.arrive $0xFFFF  }
0xe1: {  	p0 =	sne.s32 s0, $0x0;
	s0 =	rddreg [dreg:$0x3]  }
0xe2: {  	s0 =	sadd.s32 @!p0 $0x100000, s0  }
0xe3: {  	[sflag:s0] =	ssyncadd.tile.s32 @!p0 $0x1;
	_ =	shalt  }
.Lfunc_end2:
_tile_overlayer_lowered:
.L_overlay_start_2:
0xe4: {  	(tag) =	ssettag $0x2  }
0xe5: {  	s0 =	rddreg [dreg:$0x0];
	s2 =	stileid.u32  }
0xe6: {  	s1 =	rddreg [dreg:$0x1];
	p0 =	sne.s32 s2, $0x0  }
0xe7: {  	s3 =	rddreg [dreg:$0x2];
	[bflag:$0x3] =	sbarrier.arrive $0xFFFF;
	s2 =	simm.s32 @!p0 $0x1C09  }
0xe8: {  	[timem:s3], [sflag:s2] =	dma.local @!p0 [hbm:s0], s1  }
0xe9: {  	s0 =	simm.s32 @!p0 $0x9  }
0xea: {  	_ =	swait.ge @!p0 [sflag:s0], s1  }
0xeb: {  	s1 =	ssub.s32 @!p0 $0x0, s1;
	[sflag:s0] =	ssyncset.done @!p0 $0x0  }
0xec: {  	[sflag:s0] =	ssyncadd.s32 @!p0 s1  }
0xed: {  	[bflag:$0x3] =	sbarrier.arrive $0xFFFF  }
0xee: {  	_ =	shalt  }

// kernel: kernel.14.cloned.1.call-start
scs
__scs_entry_jumppad:
0x0: {  	(pc) =	sbr.rel $0x88, $3  }
0x1: {  	(tag) =	ssettag $0x0;
	lr =	simm.s32 $0x1  }
0x2: {  	[smem:$0x3F9F] =	sst lr;
	_ =	strace $0xD0000000  }
0x3: {  	_ = 	snop  }
0x4: {  	_ = 	snop  }
0x5: {  	_ = 	snop  }
0x6: {  	_ = 	snop  }
0x7: {  	_ = 	snop  }
__scs_overlays_trampoline_lowered:
0x8: {  	[smem:$0x3FAE] =	sst s0  }
0x9: {  	[smem:$0x3FAF] =	sst s1  }
0xa: {  	[smem:$0x3FB0] =	sst s2  }
0xb: {  	[smem:$0x3FB1] =	sst s3  }
0xc: {  	[smem:$0x3FB2] =	sst s4  }
0xd: {  	[smem:$0x3FB3] =	sst s5  }
0xe: {  	[smem:$0x3FB4] =	sst s6  }
0xf: {  	[smem:$0x3FB5] =	sst s7  }
0x10: {  	[smem:$0x3FB6] =	sst s8  }
0x11: {  	[smem:$0x3FB7] =	sst s9;
	s0 =	simm.s32 @!p0 $0x0  }
0x12: {  	s1 =	sld [smem:$0x3F9D];
	s0 =	simm.s32 @p0 $0x1  }
0x13: {  	[smem:$0x3FB8] =	sst s0;
	s0 =	simm.s32 @!p1 $0x0  }
0x14: {  	s2 =	sld [smem:$0x3F9C];
	s0 =	simm.s32 @p1 $0x1  }
0x15: {  	[smem:$0x3FB9] =	sst s0;
	s0 =	simm.s32 @!p2 $0x0  }
0x16: {  	s3 =	sld [smem:$0x3FDB];
	s0 =	simm.s32 @p2 $0x1  }
0x17: {  	s4 =	simm.s32 $0x1BF5;
	[smem:$0x3FBB] =	sst s0  }
0x18: {  	s0 =	sld [smem:$0x3F9E];
	_ =	swait.ge [sflag:s4], $0x0  }
0x19: {  	s7 =	sld [smem:$0x3F9F]  }
0x1a: {  	s8 =	sadd.s32 $0xFFFFE003, lr  }
0x1b: {  	s9 =	sadd.s32 $0xFFFFFEF7, lr;
	s5 =	simm.s32 $0xFFFFFFFF;
	p2 =	slt.u32 s8, $0xFFFFF086  }
0x1c: {  	p1 =	slt.u32 s9, $0xF7A;
	s5 =	simm.s32 @!p2 $0x0  }
0x1d: {  	s5 =	simm.s32 @p1 $0x1;
	p0 =	seq.s32 s7, s2  }
0x1e: {  	s7 =	smul.u32 @!p0 $0xF7A, s2;
	p2 =	seq.s32 @!p0 s5, $0x0  }
0x1f: {  	s9 =	smul.u32 $0xF7A, s1;
	s8 =	simm.s32 @!p0 $0x1BF5;
	p2 =	por !p2, p0  }
0x20: {  	[sflag:s8] =	ssyncset.s32 @!p0 $0xFFFFF086;
	s6 =	sadd.s32 @!p0 s3, s7;
	s7 =	simm.s32 @!p0 $0x108  }
0x21: {  	s3 =	sadd.s32 s3, s9;
	s6 =	sadd.s32 @!p0 $0x88, s6;
	s7 =	simm.s32 @p2 $0x1082  }
0x22: {  	[simem:s7], [sflag:s8] =	dma.local @!p0 [hbm:s6], $0xF7A  }
0x23: {  	s9 =	sor.u32 $0xD0000000, s2;
	s6 =	simm.s32 $0x108;
	_ =	swait.ge @!p0 [sflag:s8], $0x0  }
0x24: {  	s3 =	sadd.s32 $0x88, s3;
	s6 =	simm.s32 @!p1 $0x1082;
	[sflag:s4] =	ssyncset.s32 $0xFFFFF086  }
0x25: {  	[simem:s6], [sflag:s4] =	dma.local [hbm:s3], $0xF7A  }
0x26: {  	[smem:$0x3F9F] =	sst s1;
	(tag) =	ssettag s2;
	_ =	strace s9  }
0x27: {  	s1 =	sld [smem:$0x3FAF]  }
0x28: {  	s2 =	sld [smem:$0x3FB0]  }
0x29: {  	s4 =	sld [smem:$0x3FB2]  }
0x2a: {  	p0 =	seq.s32 s5, $0x0;
	s5 =	sld [smem:$0x3FB3]  }
0x2b: {  	s6 =	sld [smem:$0x3FB4]  }
0x2c: {  	s7 =	sld [smem:$0x3FB5]  }
0x2d: {  	s3 =	simm.s32 $0x108;
	s8 =	sld [smem:$0x3FB6]  }
0x2e: {  	s3 =	simm.s32 @!p0 $0x1082;
	s9 =	sld [smem:$0x3FB7]  }
0x2f: {  	lr =	sadd.s32 s0, s3;
	s0 =	sld [smem:$0x3FAE]  }
0x30: {  	s3 =	sld [smem:$0x3FB1]  }
0x31: {  	[smem:$0x3FBA] =	sst s10  }
0x32: {  	s10 =	sld [smem:$0x3FB8];
	_ =	sdelay $0x3  }
0x33: {  	p0 =	seq.s32 s10, $0x1;
	s10 =	sld [smem:$0x3FBA];
	_ =	sdelay $0x3  }
0x34: {  	[smem:$0x3FBA] =	sst s10  }
0x35: {  	s10 =	sld [smem:$0x3FB9];
	_ =	sdelay $0x3  }
0x36: {  	p1 =	seq.s32 s10, $0x1;
	s10 =	sld [smem:$0x3FBA];
	_ =	sdelay $0x3  }
0x37: {  	[smem:$0x3FBA] =	sst s10  }
0x38: {  	s10 =	sld [smem:$0x3FBB]  }
0x39: {  	_ = 	snop;
	(pc) =	sbr.ind lr, $3  }
0x3a: {  	_ = 	snop  }
0x3b: {  	_ = 	snop  }
0x3c: {  	p2 =	seq.s32 s10, $0x1;
	s10 =	sld [smem:$0x3FBA]  }
0x3d: {  	_ =	shalt  }
0x3e: {  	_ =	shalt  }
0x3f: {  	_ =	shalt  }
0x40: {  	_ =	shalt  }
0x41: {  	_ =	shalt  }
0x42: {  	_ =	shalt  }
0x43: {  	_ =	shalt  }
0x44: {  	_ =	shalt  }
0x45: {  	_ =	shalt  }
0x46: {  	_ =	shalt  }
0x47: {  	_ =	shalt  }
0x48: {  	_ =	shalt  }
0x49: {  	_ =	shalt  }
0x4a: {  	_ =	shalt  }
0x4b: {  	_ =	shalt  }
0x4c: {  	_ =	shalt  }
0x4d: {  	_ =	shalt  }
0x4e: {  	_ =	shalt  }
0x4f: {  	_ =	shalt  }
0x50: {  	_ =	shalt  }
0x51: {  	_ =	shalt  }
0x52: {  	_ =	shalt  }
0x53: {  	_ =	shalt  }
0x54: {  	_ =	shalt  }
0x55: {  	_ =	shalt  }
0x56: {  	_ =	shalt  }
0x57: {  	_ =	shalt  }
0x58: {  	_ =	shalt  }
0x59: {  	_ =	shalt  }
0x5a: {  	_ =	shalt  }
0x5b: {  	_ =	shalt  }
0x5c: {  	_ =	shalt  }
0x5d: {  	_ =	shalt  }
0x5e: {  	_ =	shalt  }
0x5f: {  	_ =	shalt  }
0x60: {  	_ =	shalt  }
0x61: {  	_ =	shalt  }
0x62: {  	_ =	shalt  }
0x63: {  	_ =	shalt  }
0x64: {  	_ =	shalt  }
0x65: {  	_ =	shalt  }
0x66: {  	_ =	shalt  }
0x67: {  	_ =	shalt  }
0x68: {  	_ =	shalt  }
0x69: {  	_ =	shalt  }
0x6a: {  	_ =	shalt  }
0x6b: {  	_ =	shalt  }
0x6c: {  	_ =	shalt  }
0x6d: {  	_ =	shalt  }
0x6e: {  	_ =	shalt  }
0x6f: {  	_ =	shalt  }
0x70: {  	_ =	shalt  }
0x71: {  	_ =	shalt  }
0x72: {  	_ =	shalt  }
0x73: {  	_ =	shalt  }
0x74: {  	_ =	shalt  }
0x75: {  	_ =	shalt  }
0x76: {  	_ =	shalt  }
0x77: {  	_ =	shalt  }
0x78: {  	_ =	shalt  }
0x79: {  	_ =	shalt  }
0x7a: {  	_ =	shalt  }
0x7b: {  	_ =	shalt  }
0x7c: {  	_ =	shalt  }
0x7d: {  	_ =	shalt  }
0x7e: {  	_ =	shalt  }
0x7f: {  	_ =	shalt  }
0x80: {  	_ =	shalt  }
0x81: {  	_ =	shalt  }
0x82: {  	_ =	shalt  }
0x83: {  	_ =	shalt  }
0x84: {  	_ =	shalt  }
0x85: {  	_ =	shalt  }
0x86: {  	_ =	shalt  }
0x87: {  	_ =	shalt  }
.Lfunc_end0:
.L_simem_size_0:
called_computation.2_lowered:
.L_overlay_start_0:
0x88: {  	s2 =	sld [smem:$0x3FD9]  }
0x89: {  	s3 =	sld [smem:$0x3FFE];
	_ =	sdelay $0x1  }
0x8a: {  	s1 =	srdreg.scid  }
0x8b: {  	s0 =	sand.u32 $0x1, s1  }
0x8c: {  	s16 =	sshll.u32 s0, $0xA;
	s2 =	sadd.s32 s3, s2  }
0x8d: {  	s2 =	sadd.s32 s2, s16  }
0x8e: {  	[smem:$0x3FC6] =	sst s2  }
0x8f: {  	_ = 	snop  }
0x90: {  	(tm) =	ssettm $0x1  }
0x91: {  	s17 =	sld [smem:$0x3FFB];
	_ =	sdelay $0x3  }
0x92: {  	_ =	strace s17  }
0x93: {  	s2 =	sld [smem:$0x3FFC];
	_ =	sdelay $0x3  }
0x94: {  	_ =	strace s2  }
0x95: {  	s2 =	sld [smem:$0x3FFD];
	_ =	sdelay $0x3  }
0x96: {  	_ =	strace s2  }
0x97: {  	_ =	strace $0x8FFFFFFF  }
0x98: {  	s18 =	sld [smem:$0x3FDB];
	_ =	sdelay $0x1  }
0x99: {  	s19 =	simm.s32 $_scs_section_size  }
0x9a: {  	s4 =	simm.s32 $_size__tile_overlayer_lowered;
	s5 =	simm.s32 $_tile_overlayer_lowered  }
0x9b: {  	s22 =	simm.s32 $0x1BFF;
	s21 =	sshll.u32 s5, $0x1;
	s2 =	sadd.s32 s19, s18  }
0x9c: {  	s6 =	simm.s32 $0x0;
	s20 =	sshll.u32 s4, $0x1;
	s4 =	sadd.s32 s21, s2  }
0x9d: {  	[timem:s6], [sflag:s22] =	dma.local [hbm:s4], s20  }
0x9e: {  	_ =	swait.ge [sflag:s22], s20  }
0x9f: {  	s3 =	ssub.s32 $0x0, s20;
	[sflag:s22] =	ssyncset.done $0x0  }
0xa0: {  	[sflag:s22] =	ssyncadd.s32 s3;
	_ =	sdelay $0x1  }
0xa1: {  	s23 =	simm.s32 $0x1B8B  }
0xa2: {  	_ =	swait.ge [sflag:s23], $0x1  }
0xa3: {  	[sflag:s23] =	ssyncset.done $0x0  }
0xa4: {  	s25 =	simm.s32 $0x1B8E;
	s24 =	sld [smem:$0x3FFE];
	[sflag:s23] =	ssyncadd.s32 $0xFFFFFFFF  }
0xa5: {  	s26 =	simm.s32 $execute0_lowered;
	[smem:$0x3FD2] =	sst s25  }
0xa6: {  	s4 =	sshll.u32 s26, $0x1;
	_ =	strace $0x8000004C;
	[dreg:$0x1] =	wrdreg $0xFFFFFFFF  }
0xa7: {  	s28 =	simm.s32 $_size_execute0_lowered;
	s2 =	sadd.s32 s2, s4;
	[dreg:$0x0] =	wrdreg $0x0  }
0xa8: {  	s4 =	sshll.u32 s28, $0x1;
	[dreg:$0x2] =	wrdreg s2  }
0xa9: {  	[dreg:$0x3] =	wrdreg s4  }
0xaa: {  	[dreg:$0x4] =	wrdreg $0xC0  }
0xab: {  	_ =	task [dreg:s6], $0x5FFFF  }
0xac: {  	[dreg:$0x1] =	wrdreg $0xFFFFFFFF  }
0xad: {  	[dreg:$0x0] =	wrdreg $0x60  }
0xae: {  	[dreg:$0x2] =	wrdreg s24  }
0xaf: {  	[dreg:$0x3] =	wrdreg $0x0  }
0xb0: {  	[dreg:$0x4] =	wrdreg $0x18800  }
0xb1: {  	[dreg:$0x5] =	wrdreg $0x9  }
0xb2: {  	_ =	task.clear_ibuf [dreg:s6], $0x6FFFF;
	_ =	strace $0x9000004C  }
0xb3: {  	s29 =	simm.s32 $0x9;
	_ =	strace $0x8000004E  }
0xb4: {  	_ =	swait.ge [sflag:s29], $0x1  }
0xb5: {  	[sflag:s29] =	ssyncadd.s32 $0xFFFFFFFF  }
0xb6: {  	_ =	strace $0x9000004E  }
0xb7: {  	_ =	sfence  }
0xb8: {  	s30 =	sld [smem:$0x0];
	_ =	sdelay $0x2  }
0xb9: {  	s31 =	sshll.u32 s1, $0xD;
	s1 =	sshrl.u32 s1, $0x2  }
0xba: {  	s3 =	sand.u32 $0x4000, s31;
	s1 =	sadd.s32 s1, s30  }
0xbb: {  	s0 =	sor.u32 s3, s0;
	s1 =	sshll.u32 s1, $0x11  }
0xbc: {  	s0 =	sor.u32 s1, s0  }
0xbd: {  	s0 =	sadd.s32 $0x8F2B, s0  }
0xbe: {  	[sflag:s0] =	ssyncadd.remote.s32 $0x1  }
0xbf: {  	_ =	sfence.sel $0xFFFF  }
0xc0: {  	[dreg:$0x0] =	wrdreg $0xFFFFFFFF;
	(pc) =	sbr.abs _section_cstart, $3  }
0xc1: {  	[dreg:$0x1] =	wrdreg $0xFFFFFFFF  }
0xc2: {  	_ =	task.clear_ibuf [dreg:s6], $0x2FFFF;
	_ =	strace $0x9FFFFFFF  }
0xc3: {  	(tm) =	ssettm $0x7FFFFFFF  }
tec
execute0_lowered:
.L_overlay_start_1:
0x0: {  	(tag) =	ssettag $0x1  }
0x1: {  	s0 =	rddreg [dreg:$0x0]  }
0x2: {  	s1 =	rddreg [dreg:$0x1]  }
0x3: {  	s2 =	rddreg [dreg:$0x2]  }
0x4: {  	s3 =	simm.s32 $0x0;
	s14 =	stileid.u32;
	s16 =	srdreg.scid  }
0x5: {  	s31 =	simm.s32 $0x1;
	[smem:$0x7FF] =	sst s3;
	s5 =	sadd.s32 $0xC4C00, s0  }
0x6: {  	s6 =	sadd.s32 $0x18CC00, s0;
	s7 =	sadd.s32 $0x7A00, s0;
	s8 =	sadd.s32 $0x1600, s0  }
0x7: {  	s3 =	sand.u32 $0x1, s16;
	s9 =	smul.u32 $0x1880, s14;
	s10 =	sadd.s32 $0x4800, s0  }
0x8: {  	s4 =	sshll.u32 s14, $0x4;
	s12 =	sadd.s32 $0xDC00, s0;
	_ =	strace $0x8000004D  }
0x9: {  	s11 =	smul.u32 $0x18800, s3;
	[dreg:$0x4] =	wrdreg s12;
	s4 =	sadd.s32 s4, s0  }
0xa: {  	s17 =	sshll.u32 s3, $0x4;
	s13 =	ssub.s32 $0x2, s3;
	p0 =	sne.s32 s3, $0x0  }
0xb: {  	s3 =	simm.s32 $0x3;
	s12 =	sor.u32 s14, s17;
	s18 =	sshrl.u32 s13, $0x1  }
0xc: {  	s4 =	sadd.s32 $0x17000, s4;
	s15 =	smul.u32 $0x6400, s12;
	s19 =	ssub.s32 s13, s18  }
0xd: {  	s28 =	sadd.s32 $0x18800, s9;
	[dreg:$0x5] =	wrdreg s4;
	s17 =	smax.u32 s19, $0x1  }
0xe: {  	s11 =	sadd.s32 s9, s11;
	s24 =	sadd.s32 s5, s15;
	[dreg:$0xf] =	wrdreg s17  }
0xf: {  	s25 =	sor.u32 $0x80, s15;
	s26 =	sadd.s32 s6, s15;
	[dreg:$0x6] =	wrdreg s24  }
0x10: {  	s20 =	smul.u32 $0xC8, s12;
	[dreg:$0x7] =	wrdreg s26;
	s29 =	sadd.s32 s5, s25  }
0x11: {  	s30 =	sor.u32 $0x100, s15;
	s12 =	sadd.s32 s6, s25;
	[dreg:$0x8] =	wrdreg s29  }
0x12: {  	s11 =	sshrl.u32 s11, $0x3;
	s14 =	sadd.s32 s5, s30;
	[dreg:$0x9] =	wrdreg s12  }
0x13: {  	s15 =	sor.u32 $0x180, s15;
	s13 =	sadd.s32 s6, s30;
	[dreg:$0xa] =	wrdreg s14  }
0x14: {  	s0 =	sadd.s32 s11, s0;
	s16 =	sadd.s32 s5, s15;
	[dreg:$0xb] =	wrdreg s13  }
0x15: {  	s21 =	sor.u32 $0x1, s20;
	s0 =	sadd.s32 $0x10E00, s0;
	[dreg:$0xc] =	wrdreg s16  }
0x16: {  	s22 =	sor.u32 $0x2, s20;
	s30 =	sadd.s32 s9, s2;
	[dreg:$0xe] =	wrdreg s0  }
0x17: {  	s23 =	sor.u32 $0x3, s20;
	s12 =	sadd.s32 s6, s15;
	[dreg:$0x10] =	wrdreg s30  }
0x18: {  	s17 =	simm.s32 $0x4;
	s18 =	sadd.s32 $0x380, s30;
	[dreg:$0xd] =	wrdreg s12  }
0x19: {  	s11 =	simm.s32 $0x0;
	s19 =	sadd.s32 $0x700, s30;
	[dreg:$0x11] =	wrdreg s18  }
0x1a: {  	s24 =	sor.u32 $0x4, s20;
	s20 =	sadd.s32 $0xA80, s30;
	[dreg:$0x12] =	wrdreg s19  }
0x1b: {  	s25 =	sadd.s32 $0xE00, s30;
	s26 =	sadd.s32 $0x1180, s30;
	[dreg:$0x13] =	wrdreg s20  }
0x1c: {  	s29 =	sadd.s32 $0x1500, s30;
	s14 =	simm.s32 $0x1B800;
	[dreg:$0x14] =	wrdreg s25  }
0x1d: {  	s15 =	simm.s32 $0xA;
	s0 =	simm.s32 $0x3100;
	[dreg:$0x15] =	wrdreg s26  }
0x1e: {  	s13 =	simm.s32 $0x2;
	s16 =	simm.s32 $0x5;
	[dreg:$0x16] =	wrdreg s29  }
0x1f: {  	v0 =	vimm.f32 $0.0e+00;
	s18 =	simm.s32 $0x1C280;
	s19 =	simm.s32 $0x9;
	s12 =	simm.s32 $0x400  }
.LBB2_1:
.Ltmp0:
0x20: {  	(pc) =	sbr.rel .LBB2_2-.Ltmp0, $2  }
0x21: {  	_ =	sdelay $0x2  }
0x22: {  	[dreg:$0x17] =	wrdreg s11;
	[tilespmem:$0x1F600] =	vst v0;
	s11 =	simm.s32 $0x0  }
.LBB2_23:
0x23: {  	s11 =	sadd.s32 $0x1, s11  }
0x24: {  	p1 =	seq.s32 s11, $0x7  }
.Ltmp1:
0x25: {  	_ = 	snop;
	(pc) =	sbr.rel @p1 .LBB2_7-.Ltmp1, $1  }
0x26: {  	_ =	sdelay $0x3  }
.LBB2_2:
0x27: {  	s4 =	smul.u32 $0x380, s11;
	_ =	sdelay $0x1  }
0x28: {  	s20 =	sadd.s32 s9, s4  }
0x29: {  	s29 =	sshrl.u32 s20, $0x3  }
0x2a: {  	s26 =	simm.s32 $0x0;
	s25 =	sadd.s32 s7, s29  }
0x2b: {  	[tilespmem:s14], [sflag:$0xA] =	stream.linear.gather [hbm4b:s25+s26], $0x380, $0x38;
	[tilespmem:$0x1F680] =	vst v63  }
0x2c: {  	s4 =	sadd.s32 s4, s28;
	_ =	swait.ge [sflag:s15], $0x380  }
0x2d: {  	s4 =	sshrl.u32 s4, $0x3;
	[sflag:s15] =	ssyncset.done $0x0  }
0x2e: {  	s30 =	simm.s32 $0x1BB80;
	s4 =	sadd.s32 s7, s4;
	[sflag:s15] =	ssyncadd.s32 $0xFFFFFC80  }
0x2f: {  	[tilespmem:s30], [sflag:$0xA] =	stream.linear.gather [hbm4b:s4+s26], $0x380, $0x38;
	[tilespmem:$0x1F680] =	vst v63  }
0x30: {  	_ =	swait.ge [sflag:s15], $0x380  }
0x31: {  	[sflag:s15] =	ssyncset.done $0x0  }
0x32: {  	s25 =	sadd.s32 s8, s29;
	s30 =	simm.s32 $0x1BF00;
	[sflag:s15] =	ssyncadd.s32 $0xFFFFFC80  }
0x33: {  	[tilespmem:s30], [sflag:$0xA] =	stream.linear.gather [hbm4b:s25+s26], $0x380, $0x38;
	[tilespmem:$0x1F680] =	vst v63  }
0x34: {  	_ =	swait.ge [sflag:s15], $0x380  }
0x35: {  	[sflag:s15] =	ssyncset.done $0x0  }
0x36: {  	s30 =	sadd.s32 s10, s29;
	[sflag:s15] =	ssyncadd.s32 $0xFFFFFC80  }
0x37: {  	[tilespmem:s18], [sflag:$0xA] =	stream.linear.gather [hbm4b:s30+s26], $0x380, $0x38;
	[tilespmem:$0x1F680] =	vst v63  }
0x38: {  	_ =	swait.ge [sflag:s15], $0x380  }
0x39: {  	[sflag:s15] =	ssyncset.done $0x0  }
0x3a: {  	s25 =	simm.s32 $0x0;
	[sflag:s15] =	ssyncadd.s32 $0xFFFFFC80  }
0x3b: {  	v1 =	vld [tilespmem:s25+$0x1B800]  }
0x3c: {  	v2 =	vld [tilespmem:s25+$0x1BB80];
	_ =	sdelay $0x1  }
0x3d: {  	v3 =	vld [tilespmem:s25+$0x1BF00];
	_ =	sdelay $0x1  }
0x3e: {  	v4 =	vld [tilespmem:s25+$0x1C280]  }
0x3f: {  	v1 =	vadd.f32 v2, v1;
	_ =	sdelay $0x1  }
0x40: {  	v1 =	vadd.f32 v3, v1  }
0x41: {  	v2 =	vld [tilespmem:$0x1F600]  }
0x42: {  	v1 =	vmul.f32 v1, v4;
	_ =	sdelay $0x1  }
0x43: {  	v3 =	vmul.f32 v1, v1;
	_ =	sdelay $0x1  }
0x44: {  	s4 =	simm.s32 $0x40;
	s26 =	simm.s32 $0x80;
	v1 =	vmul.f32 v1, v4;
	v2 =	vadd.f32 v3, v2  }
.LBB2_3:
0x45: {  	p1 =	sne.s32 s26, $0xDC0  }
0x46: {  	s30 =	sshra.s32 s4, $0x2;
	s4 =	smov.u32 s26;
	s26 =	sadd.s32 $0x40, s26;
	[tilespmem:$0x1F600] =	vst v2  }
0x47: {  	v2 =	vld [tilespmem:s30+$0x1B800];
	[tilespmem:s25+$0x1C280] =	vst v1;
	s25 =	smov.u32 s30  }
0x48: {  	v1 =	vld [tilespmem:s25+$0x1BB80]  }
0x49: {  	v3 =	vld [tilespmem:s25+$0x1BF00];
	_ =	sdelay $0x1  }
0x4a: {  	v4 =	vld [tilespmem:s25+$0x1C280];
	_ =	sdelay $0x1  }
0x4b: {  	v1 =	vadd.f32 v1, v2;
	_ =	sdelay $0x1  }
0x4c: {  	v1 =	vadd.f32 v3, v1;
	v2 =	vld [tilespmem:$0x1F600];
	_ =	sdelay $0x1  }
.Ltmp2:
0x4d: {  	v1 =	vmul.f32 v1, v4;
	(pc) =	sbr.rel @p1 .LBB2_3-.Ltmp2, $3  }
0x4e: {  	_ = 	snop  }
0x4f: {  	v3 =	vmul.f32 v1, v1;
	_ =	sdelay $0x1  }
0x50: {  	v1 =	vmul.f32 v1, v4;
	v2 =	vadd.f32 v3, v2  }
0x51: {  	_ = 	snop  }
0x52: {  	s4 =	sshra.s32 s4, $0x2;
	[tilespmem:$0x1F600] =	vst v2  }
0x53: {  	v2 =	vld [tilespmem:s4+$0x1B800];
	[tilespmem:s25+$0x1C280] =	vst v1  }
0x54: {  	v1 =	vld [tilespmem:s4+$0x1BB80];
	_ =	sdelay $0x1  }
0x55: {  	v3 =	vld [tilespmem:s4+$0x1BF00];
	_ =	sdelay $0x1  }
0x56: {  	v4 =	vld [tilespmem:s4+$0x1C280]  }
0x57: {  	v1 =	vadd.f32 v1, v2;
	_ =	sdelay $0x1  }
0x58: {  	v1 =	vadd.f32 v3, v1  }
0x59: {  	v2 =	vld [tilespmem:$0x1F600]  }
0x5a: {  	v1 =	vmul.f32 v1, v4;
	_ =	sdelay $0x1  }
0x5b: {  	v3 =	vmul.f32 v1, v1;
	_ =	sdelay $0x1  }
0x5c: {  	v2 =	vadd.f32 v3, v2  }
0x5d: {  	v1 =	vmul.f32 v1, v4  }
0x5e: {  	[tilespmem:$0x1F600] =	vst v2  }
.Ltmp3:
0x5f: {  	s30 =	sadd.s32 s20, s1;
	[tilespmem:s4+$0x1C280] =	vst v1;
	(pc) =	sbr.rel @p0 .LBB2_23-.Ltmp3, $4  }
0x60: {  	[spmem:s30] =	stream.linear.scatter [tilespmem:s18], [sflag:$0xA], $0x380, $0x38;
	[tilespmem:$0x1F680] =	vst v63  }
0x61: {  	_ =	swait.ge [sflag:s15], $0x380  }
0x62: {  	[sflag:s15] =	ssyncset.done $0x0  }
0x63: {  	[sflag:s15] =	ssyncadd.s32 $0xFFFFFC80  }
0x64: {  	s11 =	sadd.s32 $0x1, s11  }
0x65: {  	s4 =	rddreg [dreg:$0x4];
	p1 =	seq.s32 s11, $0x7  }
.Ltmp4:
0x66: {  	s20 =	simm.s32 $0x0;
	s4 =	sadd.s32 s4, s29;
	(pc) =	sbr.rel @!p1 .LBB2_2-.Ltmp4, $4  }
0x67: {  	[hbm4b:s4+s20] =	stream.linear.scatter [tilespmem:s18], [sflag:$0x9], $0x380, $0x38;
	[tilespmem:$0x1F680] =	vst v63  }
0x68: {  	_ =	swait.ge [sflag:s19], $0x380  }
0x69: {  	[sflag:s19] =	ssyncset.done $0x0  }
0x6a: {  	[sflag:s19] =	ssyncadd.s32 $0xFFFFFC80  }
0x6b: {  	s4 =	simm.s32 $0x0;
	s11 =	rddreg [dreg:$0x5];
	s20 =	simm.s32 $0x1F600  }
0x6c: {  	[hbm4b:s11+s4] =	stream.linear.scatter [tilespmem:s20], [sflag:$0x9], $0x80, $0x38;
	[tilespmem:$0x1F680] =	vst v63  }
0x6d: {  	_ =	swait.ge [sflag:s19], $0x80  }
0x6e: {  	[sflag:s19] =	ssyncset.done $0x0  }
0x6f: {  	[sflag:s19] =	ssyncadd.s32 $0xFFFFFF80  }
.LBB2_7:
0x70: {  	s4 =	simm.s32 $0x40;
	s11 =	simm.s32 $0x0;
	s30 =	rddreg [dreg:$0x10]  }
.LBB2_8:
0x71: {  	p1 =	seq.s32 s4, $0xDC0;
	[tilespmem:s11+$0x1B800] =	vst v0;
	s11 =	smov.u32 s4;
	s4 =	sadd.s32 $0x40, s4  }
.Ltmp5:
0x72: {  	(pc) =	sbr.rel @!p1 .LBB2_8-.Ltmp5, $2  }
0x73: {  	_ =	sdelay $0x2  }
0x74: {  	s11 =	sshra.s32 s11, $0x2  }
0x75: {  	[tilespmem:s11+$0x1B800] =	vst v0  }
0x76: {  	[spmem:s30] =	stream.linear.scatter [tilespmem:s14], [sflag:$0x9], $0x380, $0x38;
	[tilespmem:$0x1F680] =	vst v63  }
0x77: {  	_ =	swait.ge [sflag:s19], $0x380  }
0x78: {  	[sflag:s19] =	ssyncset.done $0x0  }
0x79: {  	s4 =	rddreg [dreg:$0x11];
	[sflag:s19] =	ssyncadd.s32 $0xFFFFFC80  }
0x7a: {  	[spmem:s4] =	stream.linear.scatter [tilespmem:s14], [sflag:$0x9], $0x380, $0x38;
	[tilespmem:$0x1F680] =	vst v63  }
0x7b: {  	_ =	swait.ge [sflag:s19], $0x380  }
0x7c: {  	[sflag:s19] =	ssyncset.done $0x0  }
0x7d: {  	s26 =	rddreg [dreg:$0x12];
	[sflag:s19] =	ssyncadd.s32 $0xFFFFFC80  }
0x7e: {  	[spmem:s26] =	stream.linear.scatter [tilespmem:s14], [sflag:$0x9], $0x380, $0x38;
	[tilespmem:$0x1F680] =	vst v63  }
0x7f: {  	_ =	swait.ge [sflag:s19], $0x380  }
0x80: {  	[sflag:s19] =	ssyncset.done $0x0  }
0x81: {  	s29 =	rddreg [dreg:$0x13];
	[sflag:s19] =	ssyncadd.s32 $0xFFFFFC80  }
0x82: {  	[spmem:s29] =	stream.linear.scatter [tilespmem:s14], [sflag:$0x9], $0x380, $0x38;
	[tilespmem:$0x1F680] =	vst v63  }
0x83: {  	_ =	swait.ge [sflag:s19], $0x380  }
0x84: {  	[sflag:s19] =	ssyncset.done $0x0  }
0x85: {  	s11 =	rddreg [dreg:$0x14];
	[sflag:s19] =	ssyncadd.s32 $0xFFFFFC80  }
0x86: {  	[spmem:s11] =	stream.linear.scatter [tilespmem:s14], [sflag:$0x9], $0x380, $0x38;
	[tilespmem:$0x1F680] =	vst v63  }
0x87: {  	_ =	swait.ge [sflag:s19], $0x380  }
0x88: {  	[sflag:s19] =	ssyncset.done $0x0  }
0x89: {  	s20 =	rddreg [dreg:$0x15];
	[sflag:s19] =	ssyncadd.s32 $0xFFFFFC80  }
0x8a: {  	[spmem:s20] =	stream.linear.scatter [tilespmem:s14], [sflag:$0x9], $0x380, $0x38;
	[tilespmem:$0x1F680] =	vst v63  }
0x8b: {  	_ =	swait.ge [sflag:s19], $0x380  }
0x8c: {  	[sflag:s19] =	ssyncset.done $0x0  }
0x8d: {  	s25 =	rddreg [dreg:$0x16];
	[sflag:s19] =	ssyncadd.s32 $0xFFFFFC80  }
0x8e: {  	[spmem:s25] =	stream.linear.scatter [tilespmem:s14], [sflag:$0x9], $0x380, $0x38;
	[tilespmem:$0x1F680] =	vst v63  }
0x8f: {  	_ =	swait.ge [sflag:s19], $0x380  }
0x90: {  	[sflag:s19] =	ssyncset.done $0x0  }
0x91: {  	[sflag:s19] =	ssyncadd.s32 $0xFFFFFC80  }
0x92: {  	s26 =	simm.s32 $0x3100;
	s29 =	sadd.s32 $0x0, s1;
	[bflag:$0x0] =	sbarrier.arrive $0xFFFF  }
0x93: {  	[tilespmem:s26], [sflag:$0x9] =	stream.linear.gather [spmem:s29], $0xFA0, $0x38;
	[tilespmem:$0x1F680] =	vst v63  }
0x94: {  	s4 =	simm.s32 $0x3E80;
	_ =	swait.ge [sflag:s19], $0xFA0  }
.LBB2_10:
0x95: {  	s11 =	sshra.s32 s4, $0x2  }
0x96: {  	[sflag:s19] =	ssyncset.done $0x0;
	p1 =	sne.s32 s4, $0x5DC00;
	s20 =	sadd.s32 $0x3100, s11  }
.Ltmp6:
0x97: {  	s11 =	sadd.s32 s11, s1;
	[sflag:s19] =	ssyncadd.s32 $0xFFFFF060;
	(pc) =	sbr.rel @p1 .LBB2_10-.Ltmp6, $3  }
0x98: {  	[tilespmem:s20], [sflag:$0x9] =	stream.linear.gather [spmem:s11], $0xFA0, $0x38;
	[tilespmem:$0x1F680] =	vst v63  }
0x99: {  	s4 =	sadd.s32 $0x3E80, s4;
	_ =	sdelay $0x1  }
0x9a: {  	_ =	swait.ge [sflag:s19], $0xFA0  }
0x9b: {  	[sflag:s19] =	ssyncset.done $0x0;
	s29 =	simm.s32 $0x0  }
0x9c: {  	s4 =	rddreg [dreg:$0x6];
	s11 =	simm.s32 $0x1C600;
	[sflag:s19] =	ssyncadd.s32 $0xFFFFF060  }
0x9d: {  	[tilespmem:s11], [sflag:$0x1] =	stream.linear.gather [hbm4b:s4+s29], $0x400, $0x38;
	[tilespmem:$0x1F680] =	vst v63  }
0x9e: {  	s25 =	rddreg [dreg:$0x7];
	s26 =	simm.s32 $0x1D600  }
0x9f: {  	[tilespmem:s26], [sflag:$0x1] =	stream.linear.gather [hbm4b:s25+s29], $0x400, $0x38;
	[tilespmem:$0x1F680] =	vst v63  }
0xa0: {  	s20 =	simm.s32 $0x1CA00;
	s11 =	rddreg [dreg:$0x8]  }
0xa1: {  	[tilespmem:s20], [sflag:$0x2] =	stream.linear.gather [hbm4b:s11+s29], $0x400, $0x38;
	[tilespmem:$0x1F680] =	vst v63  }
0xa2: {  	s25 =	rddreg [dreg:$0x9];
	s26 =	simm.s32 $0x1DA00  }
0xa3: {  	[tilespmem:s26], [sflag:$0x2] =	stream.linear.gather [hbm4b:s25+s29], $0x400, $0x38;
	[tilespmem:$0x1F680] =	vst v63  }
0xa4: {  	s11 =	rddreg [dreg:$0xa];
	s20 =	simm.s32 $0x1CE00  }
0xa5: {  	[tilespmem:s20], [sflag:$0x3] =	stream.linear.gather [hbm4b:s11+s29], $0x400, $0x38;
	[tilespmem:$0x1F680] =	vst v63  }
0xa6: {  	s25 =	rddreg [dreg:$0xb];
	s26 =	simm.s32 $0x1DE00  }
0xa7: {  	[tilespmem:s26], [sflag:$0x3] =	stream.linear.gather [hbm4b:s25+s29], $0x400, $0x38;
	[tilespmem:$0x1F680] =	vst v63  }
0xa8: {  	s11 =	rddreg [dreg:$0xc];
	s20 =	simm.s32 $0x1D200  }
0xa9: {  	[tilespmem:s20], [sflag:$0x4] =	stream.linear.gather [hbm4b:s11+s29], $0x400, $0x38;
	[tilespmem:$0x1F680] =	vst v63  }
0xaa: {  	s25 =	rddreg [dreg:$0xd];
	s26 =	simm.s32 $0x1E200  }
0xab: {  	[tilespmem:s26], [sflag:$0x4] =	stream.linear.gather [hbm4b:s25+s29], $0x400, $0x38;
	[tilespmem:$0x1F680] =	vst v63  }
.LBB2_12:
0xac: {  	p1 =	seq.s32 s29, $0x0  }
0xad: {  	s11 =	sshll.u32 s29, $0x2;
	s4 =	simm.s32 @!p1 $0x6  }
0xae: {  	s20 =	sadd.s32 @!p1 s11, s21;
	_ =	swait.ge @!p1 [sflag:s4], $0x400  }
0xaf: {  	s20 =	sshll.u32 @!p1 s20, $0x7;
	[sflag:s4] =	ssyncset.done @!p1 $0x0  }
0xb0: {  	[sflag:s4] =	ssyncadd.s32 @!p1 $0xFFFFFC00;
	s4 =	sand.u32 @!p1 $0x1FFFFE80, s20  }
0xb1: {  	s25 =	simm.s32 @!p1 $0x0;
	s26 =	simm.s32 @!p1 $0x1CA00;
	s20 =	sadd.s32 @!p1 s5, s4  }
0xb2: {  	[tilespmem:s26], [sflag:$0x2] =	stream.linear.gather @!p1 [hbm4b:s20+s25], $0x400, $0x38;
	[tilespmem:$0x1F680] =	vst v63  }
0xb3: {  	s4 =	sadd.s32 @!p1 s6, s4;
	s20 =	simm.s32 @!p1 $0x1DA00  }
0xb4: {  	[tilespmem:s20], [sflag:$0x2] =	stream.linear.gather @!p1 [hbm4b:s4+s25], $0x400, $0x38;
	[tilespmem:$0x1F680] =	vst v63  }
0xb5: {  	_ =	swait.ge [sflag:s31], $0x400  }
0xb6: {  	[sflag:s31] =	ssyncset.done $0x0  }
0xb7: {  	[sflag:s31] =	ssyncadd.s32 $0xFFFFFC00  }
0xb8: {  	_ =	swait.ge [sflag:s31], $0x400  }
0xb9: {  	[sflag:s31] =	ssyncset.done $0x0  }
0xba: {  	s4 =	simm.s32 $0x0;
	[sflag:s31] =	ssyncadd.s32 $0xFFFFFC00  }
0xbb: {  	v1 =	vld [tilespmem:s4+$0x1C600];
	_ =	sdelay $0x7  }
0xbc: {  	s20 =	simm.s32 $0x10;
	s25 =	simm.s32 $0x80;
	v1 =	vld.idx.msk [tilespmem:v1+s0+$0x0], $0xffff  }
.LBB2_13:
0xbd: {  	p2 =	sne.s32 s25, $0xFC0;
	v2 =	vld [tilespmem:s20+$0x1C600];
	_ =	sdelay $0x3  }
.Ltmp7:
0xbe: {  	(pc) =	sbr.rel @p2 .LBB2_13-.Ltmp7, $2  }
0xbf: {  	[tilespmem:s4+$0x1E600] =	vst v1;
	s4 =	smov.u32 s20;
	_ =	sdelay $0x2  }
0xc0: {  	s20 =	sshra.s32 s25, $0x2;
	s25 =	sadd.s32 $0x40, s25;
	v1 =	vld.idx.msk [tilespmem:v2+s0+$0x0], $0xffff  }
0xc1: {  	v2 =	vld [tilespmem:s20+$0x1C600];
	_ =	sdelay $0x6  }
0xc2: {  	[tilespmem:s4+$0x1E600] =	vst v1  }
0xc3: {  	v1 =	vld.idx.msk [tilespmem:v2+s0+$0x0], $0xffff;
	_ =	sdelay $0x4  }
0xc4: {  	s25 =	simm.s32 $0x1D600;
	s26 =	simm.s32 $0x1E600;
	s4 =	simm.s32 @!p1 $0x7;
	[tilespmem:s20+$0x1E600] =	vst v1  }
0xc5: {  	[spmem:s2] =	stream.indirect.scatter.add.f32 [tilespmem:s26], [sflag:$0x5], $0x1, s25, s12, $0xb8;
	[tilespmem:$0x1F680] =	vst v63  }
0xc6: {  	s20 =	sadd.s32 @!p1 s11, s22;
	_ =	swait.ge @!p1 [sflag:s4], $0x400  }
0xc7: {  	s20 =	sshll.u32 @!p1 s20, $0x7;
	[sflag:s4] =	ssyncset.done @!p1 $0x0  }
0xc8: {  	[sflag:s4] =	ssyncadd.s32 @!p1 $0xFFFFFC00;
	s4 =	sand.u32 @!p1 $0x1FFFFF00, s20  }
0xc9: {  	s25 =	simm.s32 @!p1 $0x0;
	s26 =	simm.s32 @!p1 $0x1CE00;
	s20 =	sadd.s32 @!p1 s5, s4  }
0xca: {  	[tilespmem:s26], [sflag:$0x3] =	stream.linear.gather @!p1 [hbm4b:s20+s25], $0x400, $0x38;
	[tilespmem:$0x1F680] =	vst v63  }
0xcb: {  	s4 =	sadd.s32 @!p1 s6, s4;
	s20 =	simm.s32 @!p1 $0x1DE00  }
0xcc: {  	[tilespmem:s20], [sflag:$0x3] =	stream.linear.gather @!p1 [hbm4b:s4+s25], $0x400, $0x38;
	[tilespmem:$0x1F680] =	vst v63  }
0xcd: {  	_ =	swait.ge [sflag:s13], $0x400  }
0xce: {  	[sflag:s13] =	ssyncset.done $0x0  }
0xcf: {  	[sflag:s13] =	ssyncadd.s32 $0xFFFFFC00  }
0xd0: {  	_ =	swait.ge [sflag:s13], $0x400  }
0xd1: {  	[sflag:s13] =	ssyncset.done $0x0  }
0xd2: {  	s4 =	simm.s32 $0x0;
	[sflag:s13] =	ssyncadd.s32 $0xFFFFFC00  }
0xd3: {  	v1 =	vld [tilespmem:s4+$0x1CA00];
	_ =	sdelay $0x7  }
0xd4: {  	s20 =	simm.s32 $0x10;
	s25 =	simm.s32 $0x80;
	v1 =	vld.idx.msk [tilespmem:v1+s0+$0x0], $0xffff  }
.LBB2_15:
0xd5: {  	p2 =	sne.s32 s25, $0xFC0;
	v2 =	vld [tilespmem:s20+$0x1CA00];
	_ =	sdelay $0x3  }
.Ltmp8:
0xd6: {  	(pc) =	sbr.rel @p2 .LBB2_15-.Ltmp8, $2  }
0xd7: {  	[tilespmem:s4+$0x1EA00] =	vst v1;
	s4 =	smov.u32 s20;
	_ =	sdelay $0x2  }
0xd8: {  	s20 =	sshra.s32 s25, $0x2;
	s25 =	sadd.s32 $0x40, s25;
	v1 =	vld.idx.msk [tilespmem:v2+s0+$0x0], $0xffff  }
0xd9: {  	v2 =	vld [tilespmem:s20+$0x1CA00];
	_ =	sdelay $0x6  }
0xda: {  	[tilespmem:s4+$0x1EA00] =	vst v1  }
0xdb: {  	v1 =	vld.idx.msk [tilespmem:v2+s0+$0x0], $0xffff;
	_ =	sdelay $0x4  }
0xdc: {  	s25 =	simm.s32 $0x1DA00;
	s26 =	simm.s32 $0x1EA00;
	s4 =	simm.s32 @!p1 $0x8;
	[tilespmem:s20+$0x1EA00] =	vst v1  }
0xdd: {  	[spmem:s2] =	stream.indirect.scatter.add.f32 [tilespmem:s26], [sflag:$0x6], $0x1, s25, s12, $0xb8;
	[tilespmem:$0x1F680] =	vst v63  }
0xde: {  	s20 =	sadd.s32 @!p1 s11, s23;
	_ =	swait.ge @!p1 [sflag:s4], $0x400  }
0xdf: {  	s20 =	sshll.u32 @!p1 s20, $0x7;
	[sflag:s4] =	ssyncset.done @!p1 $0x0  }
0xe0: {  	[sflag:s4] =	ssyncadd.s32 @!p1 $0xFFFFFC00;
	s4 =	sand.u32 @!p1 $0x1FFFFF80, s20  }
0xe1: {  	s25 =	simm.s32 @!p1 $0x0;
	s26 =	simm.s32 @!p1 $0x1D200;
	s20 =	sadd.s32 @!p1 s5, s4  }
0xe2: {  	[tilespmem:s26], [sflag:$0x4] =	stream.linear.gather @!p1 [hbm4b:s20+s25], $0x400, $0x38;
	[tilespmem:$0x1F680] =	vst v63  }
0xe3: {  	s4 =	sadd.s32 @!p1 s6, s4;
	s20 =	simm.s32 @!p1 $0x1E200  }
0xe4: {  	[tilespmem:s20], [sflag:$0x4] =	stream.linear.gather @!p1 [hbm4b:s4+s25], $0x400, $0x38;
	[tilespmem:$0x1F680] =	vst v63  }
0xe5: {  	_ =	swait.ge [sflag:s3], $0x400  }
0xe6: {  	[sflag:s3] =	ssyncset.done $0x0  }
0xe7: {  	[sflag:s3] =	ssyncadd.s32 $0xFFFFFC00  }
0xe8: {  	_ =	swait.ge [sflag:s3], $0x400  }
0xe9: {  	[sflag:s3] =	ssyncset.done $0x0  }
0xea: {  	s4 =	simm.s32 $0x0;
	[sflag:s3] =	ssyncadd.s32 $0xFFFFFC00  }
0xeb: {  	v1 =	vld [tilespmem:s4+$0x1CE00];
	_ =	sdelay $0x7  }
0xec: {  	s20 =	simm.s32 $0x10;
	s25 =	simm.s32 $0x80;
	v1 =	vld.idx.msk [tilespmem:v1+s0+$0x0], $0xffff  }
.LBB2_17:
0xed: {  	p1 =	sne.s32 s25, $0xFC0;
	v2 =	vld [tilespmem:s20+$0x1CE00];
	_ =	sdelay $0x3  }
.Ltmp9:
0xee: {  	(pc) =	sbr.rel @p1 .LBB2_17-.Ltmp9, $2  }
0xef: {  	[tilespmem:s4+$0x1EE00] =	vst v1;
	s4 =	smov.u32 s20;
	_ =	sdelay $0x2  }
0xf0: {  	s20 =	sshra.s32 s25, $0x2;
	s25 =	sadd.s32 $0x40, s25;
	v1 =	vld.idx.msk [tilespmem:v2+s0+$0x0], $0xffff  }
0xf1: {  	v2 =	vld [tilespmem:s20+$0x1CE00];
	_ =	sdelay $0x6  }
0xf2: {  	[tilespmem:s4+$0x1EE00] =	vst v1  }
0xf3: {  	v1 =	vld.idx.msk [tilespmem:v2+s0+$0x0], $0xffff;
	_ =	sdelay $0x2  }
0xf4: {  	p1 =	seq.s32 s29, $0x31  }
0xf5: {  	s4 =	sadd.s32 @!p1 s11, s24  }
0xf6: {  	s25 =	simm.s32 $0x1DE00;
	s26 =	simm.s32 $0x1EE00;
	s4 =	sshll.u32 @!p1 s4, $0x7;
	[tilespmem:s20+$0x1EE00] =	vst v1  }
0xf7: {  	[spmem:s2] =	stream.indirect.scatter.add.f32 [tilespmem:s26], [sflag:$0x7], $0x1, s25, s12, $0xb8;
	[tilespmem:$0x1F680] =	vst v63  }
0xf8: {  	s4 =	sand.u32 @!p1 $0x1FFFFE00, s4;
	_ =	swait.ge [sflag:s16], $0x400  }
0xf9: {  	s11 =	sadd.s32 @!p1 s5, s4;
	[sflag:s16] =	ssyncset.done $0x0  }
0xfa: {  	s20 =	simm.s32 @!p1 $0x0;
	s25 =	simm.s32 @!p1 $0x1C600;
	[sflag:s16] =	ssyncadd.s32 $0xFFFFFC00  }
0xfb: {  	[tilespmem:s25], [sflag:$0x1] =	stream.linear.gather @!p1 [hbm4b:s11+s20], $0x400, $0x38;
	[tilespmem:$0x1F680] =	vst v63  }
0xfc: {  	s4 =	sadd.s32 @!p1 s6, s4;
	s11 =	simm.s32 @!p1 $0x1D600  }
0xfd: {  	[tilespmem:s11], [sflag:$0x1] =	stream.linear.gather @!p1 [hbm4b:s4+s20], $0x400, $0x38;
	[tilespmem:$0x1F680] =	vst v63  }
0xfe: {  	_ =	swait.ge [sflag:s17], $0x400  }
0xff: {  	[sflag:s17] =	ssyncset.done $0x0  }
0x100: {  	[sflag:s17] =	ssyncadd.s32 $0xFFFFFC00  }
0x101: {  	_ =	swait.ge [sflag:s17], $0x400  }
0x102: {  	[sflag:s17] =	ssyncset.done $0x0  }
0x103: {  	s4 =	simm.s32 $0x0;
	[sflag:s17] =	ssyncadd.s32 $0xFFFFFC00  }
0x104: {  	v1 =	vld [tilespmem:s4+$0x1D200];
	_ =	sdelay $0x7  }
0x105: {  	s11 =	simm.s32 $0x10;
	s20 =	simm.s32 $0x80;
	v1 =	vld.idx.msk [tilespmem:v1+s0+$0x0], $0xffff  }
.LBB2_19:
0x106: {  	p1 =	sne.s32 s20, $0xFC0;
	v2 =	vld [tilespmem:s11+$0x1D200];
	_ =	sdelay $0x3  }
.Ltmp10:
0x107: {  	(pc) =	sbr.rel @p1 .LBB2_19-.Ltmp10, $2  }
0x108: {  	[tilespmem:s4+$0x1F200] =	vst v1;
	s4 =	smov.u32 s11;
	_ =	sdelay $0x2  }
0x109: {  	s11 =	sshra.s32 s20, $0x2;
	s20 =	sadd.s32 $0x40, s20;
	v1 =	vld.idx.msk [tilespmem:v2+s0+$0x0], $0xffff  }
0x10a: {  	v2 =	vld [tilespmem:s11+$0x1D200];
	_ =	sdelay $0x6  }
0x10b: {  	[tilespmem:s4+$0x1F200] =	vst v1  }
0x10c: {  	s29 =	sadd.s32 $0x1, s29;
	v1 =	vld.idx.msk [tilespmem:v2+s0+$0x0], $0xffff  }
0x10d: {  	p1 =	sne.s32 s29, $0x32  }
.Ltmp11:
0x10e: {  	_ = 	snop;
	(pc) =	sbr.rel @p1 .LBB2_12-.Ltmp11, $3  }
0x10f: {  	_ =	sdelay $0x1  }
0x110: {  	s25 =	simm.s32 $0x1E200;
	s26 =	simm.s32 $0x1F200;
	[tilespmem:s11+$0x1F200] =	vst v1  }
0x111: {  	[spmem:s2] =	stream.indirect.scatter.add.f32 [tilespmem:s26], [sflag:$0x8], $0x1, s25, s12, $0xb8;
	[tilespmem:$0x1F680] =	vst v63  }
0x112: {  	s4 =	simm.s32 $0x6  }
0x113: {  	_ =	swait.ge [sflag:s4], $0x400  }
0x114: {  	[sflag:s4] =	ssyncset.done $0x0  }
0x115: {  	s20 =	simm.s32 $0x7;
	[sflag:s4] =	ssyncadd.s32 $0xFFFFFC00  }
0x116: {  	_ =	swait.ge [sflag:s20], $0x400  }
0x117: {  	[sflag:s20] =	ssyncset.done $0x0  }
0x118: {  	s25 =	simm.s32 $0x8;
	[sflag:s20] =	ssyncadd.s32 $0xFFFFFC00  }
0x119: {  	_ =	swait.ge [sflag:s25], $0x400  }
0x11a: {  	[sflag:s25] =	ssyncset.done $0x0  }
0x11b: {  	s26 =	stileid.u32;
	[sflag:s25] =	ssyncadd.s32 $0xFFFFFC00  }
0x11c: {  	s4 =	sshll.u32 s26, $0x6;
	[bflag:$0x0] =	sbarrier.arrive $0xFFFF  }
0x11d: {  	s11 =	sshrl.u32 s30, $0x3;
	s4 =	sor.u32 $0x1C09, s4;
	s20 =	rddreg [dreg:$0xe]  }
0x11e: {  	[hbm:s20], [sflag:s4] =	dma.local [spmem:s11], $0x310  }
0x11f: {  	_ =	swait.ge [sflag:s19], $0x310  }
0x120: {  	s29 =	rddreg [dreg:$0x17]  }
0x121: {  	s30 =	rddreg [dreg:$0xf];
	s11 =	sadd.s32 $0x1, s29  }
0x122: {  	p1 =	sne.s32 s11, s30  }
.Ltmp12:
0x123: {  	_ = 	snop;
	(pc) =	sbr.rel @p1 .LBB2_1-.Ltmp12, $3  }
0x124: {  	_ =	sdelay $0x1  }
0x125: {  	[sflag:s19] =	ssyncset.done $0x0  }
0x126: {  	[sflag:s19] =	ssyncadd.s32 $0xFFFFFCF0  }
0x127: {  	_ =	sfence.sel $0x180000  }
0x128: {  	[bflag:$0x0] =	sbarrier.arrive $0xFFFF  }
0x129: {  	_ =	strace $0x9000004D  }
0x12a: {  	s0 =	stileid.u32;
	[bflag:$0x2] =	sbarrier.arrive $0xFFFF  }
0x12b: {  	p0 =	sne.s32 s0, $0x0;
	s0 =	rddreg [dreg:$0x3]  }
0x12c: {  	s0 =	sadd.s32 @!p0 $0x100000, s0  }
0x12d: {  	[sflag:s0] =	ssyncadd.tile.s32 @!p0 $0x1;
	_ =	shalt  }
.Lfunc_end2:
_tile_overlayer_lowered:
.L_overlay_start_2:
0x12e: {  	(tag) =	ssettag $0x2  }
0x12f: {  	s0 =	rddreg [dreg:$0x0];
	s2 =	stileid.u32  }
0x130: {  	s1 =	rddreg [dreg:$0x1];
	p0 =	sne.s32 s2, $0x0  }
0x131: {  	s3 =	rddreg [dreg:$0x2];
	[bflag:$0x3] =	sbarrier.arrive $0xFFFF;
	s2 =	simm.s32 @!p0 $0x1C09  }
0x132: {  	[timem:s3], [sflag:s2] =	dma.local @!p0 [hbm:s0], s1  }
0x133: {  	s0 =	simm.s32 @!p0 $0x9  }
0x134: {  	_ =	swait.ge @!p0 [sflag:s0], s1  }
0x135: {  	s1 =	ssub.s32 @!p0 $0x0, s1;
	[sflag:s0] =	ssyncset.done @!p0 $0x0  }
0x136: {  	[sflag:s0] =	ssyncadd.s32 @!p0 s1  }
0x137: {  	[bflag:$0x3] =	sbarrier.arrive $0xFFFF  }
0x138: {  	_ =	shalt  }

// kernel: kernel.17.cloned.1.call-start
scs
__scs_entry_jumppad:
0x0: {  	(pc) =	sbr.rel $0x88, $3  }
0x1: {  	(tag) =	ssettag $0x0;
	lr =	simm.s32 $0x1  }
0x2: {  	[smem:$0x3F9F] =	sst lr;
	_ =	strace $0xD0000000  }
0x3: {  	_ = 	snop  }
0x4: {  	_ = 	snop  }
0x5: {  	_ = 	snop  }
0x6: {  	_ = 	snop  }
0x7: {  	_ = 	snop  }
__scs_overlays_trampoline_lowered:
0x8: {  	[smem:$0x3FAE] =	sst s0  }
0x9: {  	[smem:$0x3FAF] =	sst s1  }
0xa: {  	[smem:$0x3FB0] =	sst s2  }
0xb: {  	[smem:$0x3FB1] =	sst s3  }
0xc: {  	[smem:$0x3FB2] =	sst s4  }
0xd: {  	[smem:$0x3FB3] =	sst s5  }
0xe: {  	[smem:$0x3FB4] =	sst s6  }
0xf: {  	[smem:$0x3FB5] =	sst s7  }
0x10: {  	[smem:$0x3FB6] =	sst s8  }
0x11: {  	[smem:$0x3FB7] =	sst s9;
	s0 =	simm.s32 @!p0 $0x0  }
0x12: {  	s1 =	sld [smem:$0x3F9D];
	s0 =	simm.s32 @p0 $0x1  }
0x13: {  	[smem:$0x3FB8] =	sst s0;
	s0 =	simm.s32 @!p1 $0x0  }
0x14: {  	s2 =	sld [smem:$0x3F9C];
	s0 =	simm.s32 @p1 $0x1  }
0x15: {  	[smem:$0x3FB9] =	sst s0;
	s0 =	simm.s32 @!p2 $0x0  }
0x16: {  	s3 =	sld [smem:$0x3FDB];
	s0 =	simm.s32 @p2 $0x1  }
0x17: {  	s4 =	simm.s32 $0x1BF5;
	[smem:$0x3FBB] =	sst s0  }
0x18: {  	s0 =	sld [smem:$0x3F9E];
	_ =	swait.ge [sflag:s4], $0x0  }
0x19: {  	s7 =	sld [smem:$0x3F9F]  }
0x1a: {  	s8 =	sadd.s32 $0xFFFFE003, lr  }
0x1b: {  	s9 =	sadd.s32 $0xFFFFFEF7, lr;
	s5 =	simm.s32 $0xFFFFFFFF;
	p2 =	slt.u32 s8, $0xFFFFF086  }
0x1c: {  	p1 =	slt.u32 s9, $0xF7A;
	s5 =	simm.s32 @!p2 $0x0  }
0x1d: {  	s5 =	simm.s32 @p1 $0x1;
	p0 =	seq.s32 s7, s2  }
0x1e: {  	s7 =	smul.u32 @!p0 $0xF7A, s2;
	p2 =	seq.s32 @!p0 s5, $0x0  }
0x1f: {  	s9 =	smul.u32 $0xF7A, s1;
	s8 =	simm.s32 @!p0 $0x1BF5;
	p2 =	por !p2, p0  }
0x20: {  	[sflag:s8] =	ssyncset.s32 @!p0 $0xFFFFF086;
	s6 =	sadd.s32 @!p0 s3, s7;
	s7 =	simm.s32 @!p0 $0x108  }
0x21: {  	s3 =	sadd.s32 s3, s9;
	s6 =	sadd.s32 @!p0 $0x88, s6;
	s7 =	simm.s32 @p2 $0x1082  }
0x22: {  	[simem:s7], [sflag:s8] =	dma.local @!p0 [hbm:s6], $0xF7A  }
0x23: {  	s9 =	sor.u32 $0xD0000000, s2;
	s6 =	simm.s32 $0x108;
	_ =	swait.ge @!p0 [sflag:s8], $0x0  }
0x24: {  	s3 =	sadd.s32 $0x88, s3;
	s6 =	simm.s32 @!p1 $0x1082;
	[sflag:s4] =	ssyncset.s32 $0xFFFFF086  }
0x25: {  	[simem:s6], [sflag:s4] =	dma.local [hbm:s3], $0xF7A  }
0x26: {  	[smem:$0x3F9F] =	sst s1;
	(tag) =	ssettag s2;
	_ =	strace s9  }
0x27: {  	s1 =	sld [smem:$0x3FAF]  }
0x28: {  	s2 =	sld [smem:$0x3FB0]  }
0x29: {  	s4 =	sld [smem:$0x3FB2]  }
0x2a: {  	p0 =	seq.s32 s5, $0x0;
	s5 =	sld [smem:$0x3FB3]  }
0x2b: {  	s6 =	sld [smem:$0x3FB4]  }
0x2c: {  	s7 =	sld [smem:$0x3FB5]  }
0x2d: {  	s3 =	simm.s32 $0x108;
	s8 =	sld [smem:$0x3FB6]  }
0x2e: {  	s3 =	simm.s32 @!p0 $0x1082;
	s9 =	sld [smem:$0x3FB7]  }
0x2f: {  	lr =	sadd.s32 s0, s3;
	s0 =	sld [smem:$0x3FAE]  }
0x30: {  	s3 =	sld [smem:$0x3FB1]  }
0x31: {  	[smem:$0x3FBA] =	sst s10  }
0x32: {  	s10 =	sld [smem:$0x3FB8];
	_ =	sdelay $0x3  }
0x33: {  	p0 =	seq.s32 s10, $0x1;
	s10 =	sld [smem:$0x3FBA];
	_ =	sdelay $0x3  }
0x34: {  	[smem:$0x3FBA] =	sst s10  }
0x35: {  	s10 =	sld [smem:$0x3FB9];
	_ =	sdelay $0x3  }
0x36: {  	p1 =	seq.s32 s10, $0x1;
	s10 =	sld [smem:$0x3FBA];
	_ =	sdelay $0x3  }
0x37: {  	[smem:$0x3FBA] =	sst s10  }
0x38: {  	s10 =	sld [smem:$0x3FBB]  }
0x39: {  	_ = 	snop;
	(pc) =	sbr.ind lr, $3  }
0x3a: {  	_ = 	snop  }
0x3b: {  	_ = 	snop  }
0x3c: {  	p2 =	seq.s32 s10, $0x1;
	s10 =	sld [smem:$0x3FBA]  }
0x3d: {  	_ =	shalt  }
0x3e: {  	_ =	shalt  }
0x3f: {  	_ =	shalt  }
0x40: {  	_ =	shalt  }
0x41: {  	_ =	shalt  }
0x42: {  	_ =	shalt  }
0x43: {  	_ =	shalt  }
0x44: {  	_ =	shalt  }
0x45: {  	_ =	shalt  }
0x46: {  	_ =	shalt  }
0x47: {  	_ =	shalt  }
0x48: {  	_ =	shalt  }
0x49: {  	_ =	shalt  }
0x4a: {  	_ =	shalt  }
0x4b: {  	_ =	shalt  }
0x4c: {  	_ =	shalt  }
0x4d: {  	_ =	shalt  }
0x4e: {  	_ =	shalt  }
0x4f: {  	_ =	shalt  }
0x50: {  	_ =	shalt  }
0x51: {  	_ =	shalt  }
0x52: {  	_ =	shalt  }
0x53: {  	_ =	shalt  }
0x54: {  	_ =	shalt  }
0x55: {  	_ =	shalt  }
0x56: {  	_ =	shalt  }
0x57: {  	_ =	shalt  }
0x58: {  	_ =	shalt  }
0x59: {  	_ =	shalt  }
0x5a: {  	_ =	shalt  }
0x5b: {  	_ =	shalt  }
0x5c: {  	_ =	shalt  }
0x5d: {  	_ =	shalt  }
0x5e: {  	_ =	shalt  }
0x5f: {  	_ =	shalt  }
0x60: {  	_ =	shalt  }
0x61: {  	_ =	shalt  }
0x62: {  	_ =	shalt  }
0x63: {  	_ =	shalt  }
0x64: {  	_ =	shalt  }
0x65: {  	_ =	shalt  }
0x66: {  	_ =	shalt  }
0x67: {  	_ =	shalt  }
0x68: {  	_ =	shalt  }
0x69: {  	_ =	shalt  }
0x6a: {  	_ =	shalt  }
0x6b: {  	_ =	shalt  }
0x6c: {  	_ =	shalt  }
0x6d: {  	_ =	shalt  }
0x6e: {  	_ =	shalt  }
0x6f: {  	_ =	shalt  }
0x70: {  	_ =	shalt  }
0x71: {  	_ =	shalt  }
0x72: {  	_ =	shalt  }
0x73: {  	_ =	shalt  }
0x74: {  	_ =	shalt  }
0x75: {  	_ =	shalt  }
0x76: {  	_ =	shalt  }
0x77: {  	_ =	shalt  }
0x78: {  	_ =	shalt  }
0x79: {  	_ =	shalt  }
0x7a: {  	_ =	shalt  }
0x7b: {  	_ =	shalt  }
0x7c: {  	_ =	shalt  }
0x7d: {  	_ =	shalt  }
0x7e: {  	_ =	shalt  }
0x7f: {  	_ =	shalt  }
0x80: {  	_ =	shalt  }
0x81: {  	_ =	shalt  }
0x82: {  	_ =	shalt  }
0x83: {  	_ =	shalt  }
0x84: {  	_ =	shalt  }
0x85: {  	_ =	shalt  }
0x86: {  	_ =	shalt  }
0x87: {  	_ =	shalt  }
.Lfunc_end0:
.L_simem_size_0:
called_computation.3_lowered:
.L_overlay_start_0:
0x88: {  	s2 =	sld [smem:$0x3FD9]  }
0x89: {  	s3 =	sld [smem:$0x3FFE];
	_ =	sdelay $0x1  }
0x8a: {  	s1 =	srdreg.scid  }
0x8b: {  	s0 =	sand.u32 $0x1, s1  }
0x8c: {  	s16 =	sshll.u32 s0, $0xA;
	s2 =	sadd.s32 s3, s2  }
0x8d: {  	s2 =	sadd.s32 s2, s16  }
0x8e: {  	[smem:$0x3FC6] =	sst s2  }
0x8f: {  	_ = 	snop  }
0x90: {  	(tm) =	ssettm $0x1  }
0x91: {  	s17 =	sld [smem:$0x3FFB];
	_ =	sdelay $0x3  }
0x92: {  	_ =	strace s17  }
0x93: {  	s2 =	sld [smem:$0x3FFC];
	_ =	sdelay $0x3  }
0x94: {  	_ =	strace s2  }
0x95: {  	s2 =	sld [smem:$0x3FFD];
	_ =	sdelay $0x3  }
0x96: {  	_ =	strace s2  }
0x97: {  	_ =	strace $0x8FFFFFFF  }
0x98: {  	s18 =	sld [smem:$0x3FDB];
	_ =	sdelay $0x1  }
0x99: {  	s19 =	simm.s32 $_scs_section_size  }
0x9a: {  	s4 =	simm.s32 $_size__tile_overlayer_lowered;
	s5 =	simm.s32 $_tile_overlayer_lowered  }
0x9b: {  	s22 =	simm.s32 $0x1BFF;
	s21 =	sshll.u32 s5, $0x1;
	s2 =	sadd.s32 s19, s18  }
0x9c: {  	s6 =	simm.s32 $0x0;
	s20 =	sshll.u32 s4, $0x1;
	s4 =	sadd.s32 s21, s2  }
0x9d: {  	[timem:s6], [sflag:s22] =	dma.local [hbm:s4], s20  }
0x9e: {  	_ =	swait.ge [sflag:s22], s20  }
0x9f: {  	s3 =	ssub.s32 $0x0, s20;
	[sflag:s22] =	ssyncset.done $0x0  }
0xa0: {  	[sflag:s22] =	ssyncadd.s32 s3;
	_ =	sdelay $0x1  }
0xa1: {  	s23 =	simm.s32 $0x1B8B  }
0xa2: {  	_ =	swait.ge [sflag:s23], $0x1  }
0xa3: {  	[sflag:s23] =	ssyncset.done $0x0  }
0xa4: {  	s25 =	simm.s32 $0x1B8E;
	s24 =	sld [smem:$0x3FFE];
	[sflag:s23] =	ssyncadd.s32 $0xFFFFFFFF  }
0xa5: {  	s26 =	simm.s32 $execute0_lowered;
	[smem:$0x3FD2] =	sst s25  }
0xa6: {  	s4 =	sshll.u32 s26, $0x1;
	_ =	strace $0x8000004F;
	[dreg:$0x1] =	wrdreg $0xFFFFFFFF  }
0xa7: {  	s28 =	simm.s32 $_size_execute0_lowered;
	s2 =	sadd.s32 s2, s4;
	[dreg:$0x0] =	wrdreg $0x0  }
0xa8: {  	s4 =	sshll.u32 s28, $0x1;
	[dreg:$0x2] =	wrdreg s2  }
0xa9: {  	[dreg:$0x3] =	wrdreg s4  }
0xaa: {  	[dreg:$0x4] =	wrdreg $0xC0  }
0xab: {  	_ =	task [dreg:s6], $0x5FFFF  }
0xac: {  	[dreg:$0x1] =	wrdreg $0xFFFFFFFF  }
0xad: {  	[dreg:$0x0] =	wrdreg $0x60  }
0xae: {  	[dreg:$0x2] =	wrdreg s24  }
0xaf: {  	[dreg:$0x3] =	wrdreg $0x0  }
0xb0: {  	[dreg:$0x4] =	wrdreg $0x18800  }
0xb1: {  	[dreg:$0x5] =	wrdreg $0x9  }
0xb2: {  	_ =	task.clear_ibuf [dreg:s6], $0x6FFFF;
	_ =	strace $0x9000004F  }
0xb3: {  	s29 =	simm.s32 $0x9;
	_ =	strace $0x80000051  }
0xb4: {  	_ =	swait.ge [sflag:s29], $0x1  }
0xb5: {  	[sflag:s29] =	ssyncadd.s32 $0xFFFFFFFF  }
0xb6: {  	_ =	strace $0x90000051  }
0xb7: {  	_ =	sfence  }
0xb8: {  	s30 =	sld [smem:$0x0];
	_ =	sdelay $0x2  }
0xb9: {  	s31 =	sshll.u32 s1, $0xD;
	s1 =	sshrl.u32 s1, $0x2  }
0xba: {  	s3 =	sand.u32 $0x4000, s31;
	s1 =	sadd.s32 s1, s30  }
0xbb: {  	s0 =	sor.u32 s3, s0;
	s1 =	sshll.u32 s1, $0x11  }
0xbc: {  	s0 =	sor.u32 s1, s0  }
0xbd: {  	s0 =	sadd.s32 $0x8F2B, s0  }
0xbe: {  	[sflag:s0] =	ssyncadd.remote.s32 $0x1  }
0xbf: {  	_ =	sfence.sel $0xFFFF  }
0xc0: {  	[dreg:$0x0] =	wrdreg $0xFFFFFFFF;
	(pc) =	sbr.abs _section_cstart, $3  }
0xc1: {  	[dreg:$0x1] =	wrdreg $0xFFFFFFFF  }
0xc2: {  	_ =	task.clear_ibuf [dreg:s6], $0x2FFFF;
	_ =	strace $0x9FFFFFFF  }
0xc3: {  	(tm) =	ssettm $0x7FFFFFFF  }
tec
execute0_lowered:
.L_overlay_start_1:
0x0: {  	(tag) =	ssettag $0x1  }
0x1: {  	s0 =	rddreg [dreg:$0x0]  }
0x2: {  	s1 =	rddreg [dreg:$0x1]  }
0x3: {  	s2 =	rddreg [dreg:$0x2]  }
0x4: {  	s3 =	simm.s32 $0x0;
	s14 =	stileid.u32;
	s16 =	srdreg.scid  }
0x5: {  	s31 =	simm.s32 $0x1;
	[smem:$0x7FF] =	sst s3;
	s5 =	sadd.s32 $0xC4C00, s0  }
0x6: {  	s6 =	sadd.s32 $0x18CC00, s0;
	s7 =	sadd.s32 $0x10E00, s0;
	s8 =	sadd.s32 $0xDC00, s0  }
0x7: {  	s3 =	sand.u32 $0x1, s16;
	s9 =	smul.u32 $0x1880, s14;
	s10 =	sadd.s32 $0x4800, s0  }
0x8: {  	s4 =	sshll.u32 s14, $0x4;
	s12 =	sadd.s32 $0x7A00, s0;
	_ =	strace $0x80000050  }
0x9: {  	s11 =	smul.u32 $0x18800, s3;
	[dreg:$0x4] =	wrdreg s12;
	s4 =	sadd.s32 s4, s0  }
0xa: {  	s17 =	sshll.u32 s3, $0x4;
	s13 =	ssub.s32 $0x2, s3;
	p0 =	sne.s32 s3, $0x0  }
0xb: {  	s3 =	simm.s32 $0x3;
	s12 =	sor.u32 s14, s17;
	s18 =	sshrl.u32 s13, $0x1  }
0xc: {  	s4 =	sadd.s32 $0x1600, s4;
	s15 =	smul.u32 $0x6400, s12;
	s19 =	ssub.s32 s13, s18  }
0xd: {  	s28 =	sadd.s32 $0x18800, s9;
	[dreg:$0x5] =	wrdreg s4;
	s17 =	smax.u32 s19, $0x1  }
0xe: {  	s11 =	sadd.s32 s9, s11;
	s24 =	sadd.s32 s5, s15;
	[dreg:$0xf] =	wrdreg s17  }
0xf: {  	s25 =	sor.u32 $0x80, s15;
	s26 =	sadd.s32 s6, s15;
	[dreg:$0x6] =	wrdreg s24  }
0x10: {  	s20 =	smul.u32 $0xC8, s12;
	[dreg:$0x7] =	wrdreg s26;
	s29 =	sadd.s32 s5, s25  }
0x11: {  	s30 =	sor.u32 $0x100, s15;
	s12 =	sadd.s32 s6, s25;
	[dreg:$0x8] =	wrdreg s29  }
0x12: {  	s11 =	sshrl.u32 s11, $0x3;
	s14 =	sadd.s32 s5, s30;
	[dreg:$0x9] =	wrdreg s12  }
0x13: {  	s15 =	sor.u32 $0x180, s15;
	s13 =	sadd.s32 s6, s30;
	[dreg:$0xa] =	wrdreg s14  }
0x14: {  	s0 =	sadd.s32 s11, s0;
	s16 =	sadd.s32 s5, s15;
	[dreg:$0xb] =	wrdreg s13  }
0x15: {  	s21 =	sor.u32 $0x1, s20;
	s0 =	sadd.s32 $0x17200, s0;
	[dreg:$0xc] =	wrdreg s16  }
0x16: {  	s22 =	sor.u32 $0x2, s20;
	s30 =	sadd.s32 s9, s2;
	[dreg:$0xe] =	wrdreg s0  }
0x17: {  	s23 =	sor.u32 $0x3, s20;
	s12 =	sadd.s32 s6, s15;
	[dreg:$0x10] =	wrdreg s30  }
0x18: {  	s17 =	simm.s32 $0x4;
	s18 =	sadd.s32 $0x380, s30;
	[dreg:$0xd] =	wrdreg s12  }
0x19: {  	s11 =	simm.s32 $0x0;
	s19 =	sadd.s32 $0x700, s30;
	[dreg:$0x11] =	wrdreg s18  }
0x1a: {  	s24 =	sor.u32 $0x4, s20;
	s20 =	sadd.s32 $0xA80, s30;
	[dreg:$0x12] =	wrdreg s19  }
0x1b: {  	s25 =	sadd.s32 $0xE00, s30;
	s26 =	sadd.s32 $0x1180, s30;
	[dreg:$0x13] =	wrdreg s20  }
0x1c: {  	s29 =	sadd.s32 $0x1500, s30;
	s14 =	simm.s32 $0x1B800;
	[dreg:$0x14] =	wrdreg s25  }
0x1d: {  	s15 =	simm.s32 $0xA;
	s0 =	simm.s32 $0x3100;
	[dreg:$0x15] =	wrdreg s26  }
0x1e: {  	s13 =	simm.s32 $0x2;
	s16 =	simm.s32 $0x5;
	[dreg:$0x16] =	wrdreg s29  }
0x1f: {  	v0 =	vimm.f32 $0.0e+00;
	s18 =	simm.s32 $0x1C280;
	s19 =	simm.s32 $0x9;
	s12 =	simm.s32 $0x400  }
.LBB2_1:
.Ltmp0:
0x20: {  	(pc) =	sbr.rel .LBB2_2-.Ltmp0, $2  }
0x21: {  	_ =	sdelay $0x2  }
0x22: {  	[dreg:$0x17] =	wrdreg s11;
	[tilespmem:$0x1F600] =	vst v0;
	s11 =	simm.s32 $0x0  }
.LBB2_23:
0x23: {  	s11 =	sadd.s32 $0x1, s11  }
0x24: {  	p1 =	seq.s32 s11, $0x7  }
.Ltmp1:
0x25: {  	_ = 	snop;
	(pc) =	sbr.rel @p1 .LBB2_7-.Ltmp1, $1  }
0x26: {  	_ =	sdelay $0x3  }
.LBB2_2:
0x27: {  	s4 =	smul.u32 $0x380, s11;
	_ =	sdelay $0x1  }
0x28: {  	s20 =	sadd.s32 s9, s4  }
0x29: {  	s29 =	sshrl.u32 s20, $0x3  }
0x2a: {  	s26 =	simm.s32 $0x0;
	s25 =	sadd.s32 s7, s29  }
0x2b: {  	[tilespmem:s14], [sflag:$0xA] =	stream.linear.gather [hbm4b:s25+s26], $0x380, $0x38;
	[tilespmem:$0x1F680] =	vst v63  }
0x2c: {  	s4 =	sadd.s32 s4, s28;
	_ =	swait.ge [sflag:s15], $0x380  }
0x2d: {  	s4 =	sshrl.u32 s4, $0x3;
	[sflag:s15] =	ssyncset.done $0x0  }
0x2e: {  	s30 =	simm.s32 $0x1BB80;
	s4 =	sadd.s32 s7, s4;
	[sflag:s15] =	ssyncadd.s32 $0xFFFFFC80  }
0x2f: {  	[tilespmem:s30], [sflag:$0xA] =	stream.linear.gather [hbm4b:s4+s26], $0x380, $0x38;
	[tilespmem:$0x1F680] =	vst v63  }
0x30: {  	_ =	swait.ge [sflag:s15], $0x380  }
0x31: {  	[sflag:s15] =	ssyncset.done $0x0  }
0x32: {  	s25 =	sadd.s32 s8, s29;
	s30 =	simm.s32 $0x1BF00;
	[sflag:s15] =	ssyncadd.s32 $0xFFFFFC80  }
0x33: {  	[tilespmem:s30], [sflag:$0xA] =	stream.linear.gather [hbm4b:s25+s26], $0x380, $0x38;
	[tilespmem:$0x1F680] =	vst v63  }
0x34: {  	_ =	swait.ge [sflag:s15], $0x380  }
0x35: {  	[sflag:s15] =	ssyncset.done $0x0  }
0x36: {  	s30 =	sadd.s32 s10, s29;
	[sflag:s15] =	ssyncadd.s32 $0xFFFFFC80  }
0x37: {  	[tilespmem:s18], [sflag:$0xA] =	stream.linear.gather [hbm4b:s30+s26], $0x380, $0x38;
	[tilespmem:$0x1F680] =	vst v63  }
0x38: {  	_ =	swait.ge [sflag:s15], $0x380  }
0x39: {  	[sflag:s15] =	ssyncset.done $0x0  }
0x3a: {  	s25 =	simm.s32 $0x0;
	[sflag:s15] =	ssyncadd.s32 $0xFFFFFC80  }
0x3b: {  	v1 =	vld [tilespmem:s25+$0x1B800]  }
0x3c: {  	v2 =	vld [tilespmem:s25+$0x1BB80];
	_ =	sdelay $0x1  }
0x3d: {  	v3 =	vld [tilespmem:s25+$0x1BF00];
	_ =	sdelay $0x1  }
0x3e: {  	v4 =	vld [tilespmem:s25+$0x1C280]  }
0x3f: {  	v1 =	vadd.f32 v2, v1;
	_ =	sdelay $0x1  }
0x40: {  	v1 =	vadd.f32 v3, v1  }
0x41: {  	v2 =	vld [tilespmem:$0x1F600]  }
0x42: {  	v1 =	vmul.f32 v1, v4;
	_ =	sdelay $0x1  }
0x43: {  	v3 =	vmul.f32 v1, v1;
	_ =	sdelay $0x1  }
0x44: {  	s4 =	simm.s32 $0x40;
	s26 =	simm.s32 $0x80;
	v1 =	vmul.f32 v1, v4;
	v2 =	vadd.f32 v3, v2  }
.LBB2_3:
0x45: {  	p1 =	sne.s32 s26, $0xDC0  }
0x46: {  	s30 =	sshra.s32 s4, $0x2;
	s4 =	smov.u32 s26;
	s26 =	sadd.s32 $0x40, s26;
	[tilespmem:$0x1F600] =	vst v2  }
0x47: {  	v2 =	vld [tilespmem:s30+$0x1B800];
	[tilespmem:s25+$0x1C280] =	vst v1;
	s25 =	smov.u32 s30  }
0x48: {  	v1 =	vld [tilespmem:s25+$0x1BB80]  }
0x49: {  	v3 =	vld [tilespmem:s25+$0x1BF00];
	_ =	sdelay $0x1  }
0x4a: {  	v4 =	vld [tilespmem:s25+$0x1C280];
	_ =	sdelay $0x1  }
0x4b: {  	v1 =	vadd.f32 v1, v2;
	_ =	sdelay $0x1  }
0x4c: {  	v1 =	vadd.f32 v3, v1;
	v2 =	vld [tilespmem:$0x1F600];
	_ =	sdelay $0x1  }
.Ltmp2:
0x4d: {  	v1 =	vmul.f32 v1, v4;
	(pc) =	sbr.rel @p1 .LBB2_3-.Ltmp2, $3  }
0x4e: {  	_ = 	snop  }
0x4f: {  	v3 =	vmul.f32 v1, v1;
	_ =	sdelay $0x1  }
0x50: {  	v1 =	vmul.f32 v1, v4;
	v2 =	vadd.f32 v3, v2  }
0x51: {  	_ = 	snop  }
0x52: {  	s4 =	sshra.s32 s4, $0x2;
	[tilespmem:$0x1F600] =	vst v2  }
0x53: {  	v2 =	vld [tilespmem:s4+$0x1B800];
	[tilespmem:s25+$0x1C280] =	vst v1  }
0x54: {  	v1 =	vld [tilespmem:s4+$0x1BB80];
	_ =	sdelay $0x1  }
0x55: {  	v3 =	vld [tilespmem:s4+$0x1BF00];
	_ =	sdelay $0x1  }
0x56: {  	v4 =	vld [tilespmem:s4+$0x1C280]  }
0x57: {  	v1 =	vadd.f32 v1, v2;
	_ =	sdelay $0x1  }
0x58: {  	v1 =	vadd.f32 v3, v1  }
0x59: {  	v2 =	vld [tilespmem:$0x1F600]  }
0x5a: {  	v1 =	vmul.f32 v1, v4;
	_ =	sdelay $0x1  }
0x5b: {  	v3 =	vmul.f32 v1, v1;
	_ =	sdelay $0x1  }
0x5c: {  	v2 =	vadd.f32 v3, v2  }
0x5d: {  	v1 =	vmul.f32 v1, v4  }
0x5e: {  	[tilespmem:$0x1F600] =	vst v2  }
.Ltmp3:
0x5f: {  	s30 =	sadd.s32 s20, s1;
	[tilespmem:s4+$0x1C280] =	vst v1;
	(pc) =	sbr.rel @p0 .LBB2_23-.Ltmp3, $4  }
0x60: {  	[spmem:s30] =	stream.linear.scatter [tilespmem:s18], [sflag:$0xA], $0x380, $0x38;
	[tilespmem:$0x1F680] =	vst v63  }
0x61: {  	_ =	swait.ge [sflag:s15], $0x380  }
0x62: {  	[sflag:s15] =	ssyncset.done $0x0  }
0x63: {  	[sflag:s15] =	ssyncadd.s32 $0xFFFFFC80  }
0x64: {  	s11 =	sadd.s32 $0x1, s11  }
0x65: {  	s4 =	rddreg [dreg:$0x4];
	p1 =	seq.s32 s11, $0x7  }
.Ltmp4:
0x66: {  	s20 =	simm.s32 $0x0;
	s4 =	sadd.s32 s4, s29;
	(pc) =	sbr.rel @!p1 .LBB2_2-.Ltmp4, $4  }
0x67: {  	[hbm4b:s4+s20] =	stream.linear.scatter [tilespmem:s18], [sflag:$0x9], $0x380, $0x38;
	[tilespmem:$0x1F680] =	vst v63  }
0x68: {  	_ =	swait.ge [sflag:s19], $0x380  }
0x69: {  	[sflag:s19] =	ssyncset.done $0x0  }
0x6a: {  	[sflag:s19] =	ssyncadd.s32 $0xFFFFFC80  }
0x6b: {  	s4 =	simm.s32 $0x0;
	s11 =	rddreg [dreg:$0x5];
	s20 =	simm.s32 $0x1F600  }
0x6c: {  	[hbm4b:s11+s4] =	stream.linear.scatter [tilespmem:s20], [sflag:$0x9], $0x80, $0x38;
	[tilespmem:$0x1F680] =	vst v63  }
0x6d: {  	_ =	swait.ge [sflag:s19], $0x80  }
0x6e: {  	[sflag:s19] =	ssyncset.done $0x0  }
0x6f: {  	[sflag:s19] =	ssyncadd.s32 $0xFFFFFF80  }
.LBB2_7:
0x70: {  	s4 =	simm.s32 $0x40;
	s11 =	simm.s32 $0x0;
	s30 =	rddreg [dreg:$0x10]  }
.LBB2_8:
0x71: {  	p1 =	seq.s32 s4, $0xDC0;
	[tilespmem:s11+$0x1B800] =	vst v0;
	s11 =	smov.u32 s4;
	s4 =	sadd.s32 $0x40, s4  }
.Ltmp5:
0x72: {  	(pc) =	sbr.rel @!p1 .LBB2_8-.Ltmp5, $2  }
0x73: {  	_ =	sdelay $0x2  }
0x74: {  	s11 =	sshra.s32 s11, $0x2  }
0x75: {  	[tilespmem:s11+$0x1B800] =	vst v0  }
0x76: {  	[spmem:s30] =	stream.linear.scatter [tilespmem:s14], [sflag:$0x9], $0x380, $0x38;
	[tilespmem:$0x1F680] =	vst v63  }
0x77: {  	_ =	swait.ge [sflag:s19], $0x380  }
0x78: {  	[sflag:s19] =	ssyncset.done $0x0  }
0x79: {  	s4 =	rddreg [dreg:$0x11];
	[sflag:s19] =	ssyncadd.s32 $0xFFFFFC80  }
0x7a: {  	[spmem:s4] =	stream.linear.scatter [tilespmem:s14], [sflag:$0x9], $0x380, $0x38;
	[tilespmem:$0x1F680] =	vst v63  }
0x7b: {  	_ =	swait.ge [sflag:s19], $0x380  }
0x7c: {  	[sflag:s19] =	ssyncset.done $0x0  }
0x7d: {  	s26 =	rddreg [dreg:$0x12];
	[sflag:s19] =	ssyncadd.s32 $0xFFFFFC80  }
0x7e: {  	[spmem:s26] =	stream.linear.scatter [tilespmem:s14], [sflag:$0x9], $0x380, $0x38;
	[tilespmem:$0x1F680] =	vst v63  }
0x7f: {  	_ =	swait.ge [sflag:s19], $0x380  }
0x80: {  	[sflag:s19] =	ssyncset.done $0x0  }
0x81: {  	s29 =	rddreg [dreg:$0x13];
	[sflag:s19] =	ssyncadd.s32 $0xFFFFFC80  }
0x82: {  	[spmem:s29] =	stream.linear.scatter [tilespmem:s14], [sflag:$0x9], $0x380, $0x38;
	[tilespmem:$0x1F680] =	vst v63  }
0x83: {  	_ =	swait.ge [sflag:s19], $0x380  }
0x84: {  	[sflag:s19] =	ssyncset.done $0x0  }
0x85: {  	s11 =	rddreg [dreg:$0x14];
	[sflag:s19] =	ssyncadd.s32 $0xFFFFFC80  }
0x86: {  	[spmem:s11] =	stream.linear.scatter [tilespmem:s14], [sflag:$0x9], $0x380, $0x38;
	[tilespmem:$0x1F680] =	vst v63  }
0x87: {  	_ =	swait.ge [sflag:s19], $0x380  }
0x88: {  	[sflag:s19] =	ssyncset.done $0x0  }
0x89: {  	s20 =	rddreg [dreg:$0x15];
	[sflag:s19] =	ssyncadd.s32 $0xFFFFFC80  }
0x8a: {  	[spmem:s20] =	stream.linear.scatter [tilespmem:s14], [sflag:$0x9], $0x380, $0x38;
	[tilespmem:$0x1F680] =	vst v63  }
0x8b: {  	_ =	swait.ge [sflag:s19], $0x380  }
0x8c: {  	[sflag:s19] =	ssyncset.done $0x0  }
0x8d: {  	s25 =	rddreg [dreg:$0x16];
	[sflag:s19] =	ssyncadd.s32 $0xFFFFFC80  }
0x8e: {  	[spmem:s25] =	stream.linear.scatter [tilespmem:s14], [sflag:$0x9], $0x380, $0x38;
	[tilespmem:$0x1F680] =	vst v63  }
0x8f: {  	_ =	swait.ge [sflag:s19], $0x380  }
0x90: {  	[sflag:s19] =	ssyncset.done $0x0  }
0x91: {  	[sflag:s19] =	ssyncadd.s32 $0xFFFFFC80  }
0x92: {  	s26 =	simm.s32 $0x3100;
	s29 =	sadd.s32 $0x0, s1;
	[bflag:$0x0] =	sbarrier.arrive $0xFFFF  }
0x93: {  	[tilespmem:s26], [sflag:$0x9] =	stream.linear.gather [spmem:s29], $0xFA0, $0x38;
	[tilespmem:$0x1F680] =	vst v63  }
0x94: {  	s4 =	simm.s32 $0x3E80;
	_ =	swait.ge [sflag:s19], $0xFA0  }
.LBB2_10:
0x95: {  	s11 =	sshra.s32 s4, $0x2  }
0x96: {  	[sflag:s19] =	ssyncset.done $0x0;
	p1 =	sne.s32 s4, $0x5DC00;
	s20 =	sadd.s32 $0x3100, s11  }
.Ltmp6:
0x97: {  	s11 =	sadd.s32 s11, s1;
	[sflag:s19] =	ssyncadd.s32 $0xFFFFF060;
	(pc) =	sbr.rel @p1 .LBB2_10-.Ltmp6, $3  }
0x98: {  	[tilespmem:s20], [sflag:$0x9] =	stream.linear.gather [spmem:s11], $0xFA0, $0x38;
	[tilespmem:$0x1F680] =	vst v63  }
0x99: {  	s4 =	sadd.s32 $0x3E80, s4;
	_ =	sdelay $0x1  }
0x9a: {  	_ =	swait.ge [sflag:s19], $0xFA0  }
0x9b: {  	[sflag:s19] =	ssyncset.done $0x0;
	s29 =	simm.s32 $0x0  }
0x9c: {  	s4 =	rddreg [dreg:$0x6];
	s11 =	simm.s32 $0x1C600;
	[sflag:s19] =	ssyncadd.s32 $0xFFFFF060  }
0x9d: {  	[tilespmem:s11], [sflag:$0x1] =	stream.linear.gather [hbm4b:s4+s29], $0x400, $0x38;
	[tilespmem:$0x1F680] =	vst v63  }
0x9e: {  	s25 =	rddreg [dreg:$0x7];
	s26 =	simm.s32 $0x1D600  }
0x9f: {  	[tilespmem:s26], [sflag:$0x1] =	stream.linear.gather [hbm4b:s25+s29], $0x400, $0x38;
	[tilespmem:$0x1F680] =	vst v63  }
0xa0: {  	s20 =	simm.s32 $0x1CA00;
	s11 =	rddreg [dreg:$0x8]  }
0xa1: {  	[tilespmem:s20], [sflag:$0x2] =	stream.linear.gather [hbm4b:s11+s29], $0x400, $0x38;
	[tilespmem:$0x1F680] =	vst v63  }
0xa2: {  	s25 =	rddreg [dreg:$0x9];
	s26 =	simm.s32 $0x1DA00  }
0xa3: {  	[tilespmem:s26], [sflag:$0x2] =	stream.linear.gather [hbm4b:s25+s29], $0x400, $0x38;
	[tilespmem:$0x1F680] =	vst v63  }
0xa4: {  	s11 =	rddreg [dreg:$0xa];
	s20 =	simm.s32 $0x1CE00  }
0xa5: {  	[tilespmem:s20], [sflag:$0x3] =	stream.linear.gather [hbm4b:s11+s29], $0x400, $0x38;
	[tilespmem:$0x1F680] =	vst v63  }
0xa6: {  	s25 =	rddreg [dreg:$0xb];
	s26 =	simm.s32 $0x1DE00  }
0xa7: {  	[tilespmem:s26], [sflag:$0x3] =	stream.linear.gather [hbm4b:s25+s29], $0x400, $0x38;
	[tilespmem:$0x1F680] =	vst v63  }
0xa8: {  	s11 =	rddreg [dreg:$0xc];
	s20 =	simm.s32 $0x1D200  }
0xa9: {  	[tilespmem:s20], [sflag:$0x4] =	stream.linear.gather [hbm4b:s11+s29], $0x400, $0x38;
	[tilespmem:$0x1F680] =	vst v63  }
0xaa: {  	s25 =	rddreg [dreg:$0xd];
	s26 =	simm.s32 $0x1E200  }
0xab: {  	[tilespmem:s26], [sflag:$0x4] =	stream.linear.gather [hbm4b:s25+s29], $0x400, $0x38;
	[tilespmem:$0x1F680] =	vst v63  }
.LBB2_12:
0xac: {  	p1 =	seq.s32 s29, $0x0  }
0xad: {  	s11 =	sshll.u32 s29, $0x2;
	s4 =	simm.s32 @!p1 $0x6  }
0xae: {  	s20 =	sadd.s32 @!p1 s11, s21;
	_ =	swait.ge @!p1 [sflag:s4], $0x400  }
0xaf: {  	s20 =	sshll.u32 @!p1 s20, $0x7;
	[sflag:s4] =	ssyncset.done @!p1 $0x0  }
0xb0: {  	[sflag:s4] =	ssyncadd.s32 @!p1 $0xFFFFFC00;
	s4 =	sand.u32 @!p1 $0x1FFFFE80, s20  }
0xb1: {  	s25 =	simm.s32 @!p1 $0x0;
	s26 =	simm.s32 @!p1 $0x1CA00;
	s20 =	sadd.s32 @!p1 s5, s4  }
0xb2: {  	[tilespmem:s26], [sflag:$0x2] =	stream.linear.gather @!p1 [hbm4b:s20+s25], $0x400, $0x38;
	[tilespmem:$0x1F680] =	vst v63  }
0xb3: {  	s4 =	sadd.s32 @!p1 s6, s4;
	s20 =	simm.s32 @!p1 $0x1DA00  }
0xb4: {  	[tilespmem:s20], [sflag:$0x2] =	stream.linear.gather @!p1 [hbm4b:s4+s25], $0x400, $0x38;
	[tilespmem:$0x1F680] =	vst v63  }
0xb5: {  	_ =	swait.ge [sflag:s31], $0x400  }
0xb6: {  	[sflag:s31] =	ssyncset.done $0x0  }
0xb7: {  	[sflag:s31] =	ssyncadd.s32 $0xFFFFFC00  }
0xb8: {  	_ =	swait.ge [sflag:s31], $0x400  }
0xb9: {  	[sflag:s31] =	ssyncset.done $0x0  }
0xba: {  	s4 =	simm.s32 $0x0;
	[sflag:s31] =	ssyncadd.s32 $0xFFFFFC00  }
0xbb: {  	v1 =	vld [tilespmem:s4+$0x1C600];
	_ =	sdelay $0x7  }
0xbc: {  	s20 =	simm.s32 $0x10;
	s25 =	simm.s32 $0x80;
	v1 =	vld.idx.msk [tilespmem:v1+s0+$0x0], $0xffff  }
.LBB2_13:
0xbd: {  	p2 =	sne.s32 s25, $0xFC0;
	v2 =	vld [tilespmem:s20+$0x1C600];
	_ =	sdelay $0x3  }
.Ltmp7:
0xbe: {  	(pc) =	sbr.rel @p2 .LBB2_13-.Ltmp7, $2  }
0xbf: {  	[tilespmem:s4+$0x1E600] =	vst v1;
	s4 =	smov.u32 s20;
	_ =	sdelay $0x2  }
0xc0: {  	s20 =	sshra.s32 s25, $0x2;
	s25 =	sadd.s32 $0x40, s25;
	v1 =	vld.idx.msk [tilespmem:v2+s0+$0x0], $0xffff  }
0xc1: {  	v2 =	vld [tilespmem:s20+$0x1C600];
	_ =	sdelay $0x6  }
0xc2: {  	[tilespmem:s4+$0x1E600] =	vst v1  }
0xc3: {  	v1 =	vld.idx.msk [tilespmem:v2+s0+$0x0], $0xffff;
	_ =	sdelay $0x4  }
0xc4: {  	s25 =	simm.s32 $0x1D600;
	s26 =	simm.s32 $0x1E600;
	s4 =	simm.s32 @!p1 $0x7;
	[tilespmem:s20+$0x1E600] =	vst v1  }
0xc5: {  	[spmem:s2] =	stream.indirect.scatter.add.f32 [tilespmem:s26], [sflag:$0x5], $0x1, s25, s12, $0xb8;
	[tilespmem:$0x1F680] =	vst v63  }
0xc6: {  	s20 =	sadd.s32 @!p1 s11, s22;
	_ =	swait.ge @!p1 [sflag:s4], $0x400  }
0xc7: {  	s20 =	sshll.u32 @!p1 s20, $0x7;
	[sflag:s4] =	ssyncset.done @!p1 $0x0  }
0xc8: {  	[sflag:s4] =	ssyncadd.s32 @!p1 $0xFFFFFC00;
	s4 =	sand.u32 @!p1 $0x1FFFFF00, s20  }
0xc9: {  	s25 =	simm.s32 @!p1 $0x0;
	s26 =	simm.s32 @!p1 $0x1CE00;
	s20 =	sadd.s32 @!p1 s5, s4  }
0xca: {  	[tilespmem:s26], [sflag:$0x3] =	stream.linear.gather @!p1 [hbm4b:s20+s25], $0x400, $0x38;
	[tilespmem:$0x1F680] =	vst v63  }
0xcb: {  	s4 =	sadd.s32 @!p1 s6, s4;
	s20 =	simm.s32 @!p1 $0x1DE00  }
0xcc: {  	[tilespmem:s20], [sflag:$0x3] =	stream.linear.gather @!p1 [hbm4b:s4+s25], $0x400, $0x38;
	[tilespmem:$0x1F680] =	vst v63  }
0xcd: {  	_ =	swait.ge [sflag:s13], $0x400  }
0xce: {  	[sflag:s13] =	ssyncset.done $0x0  }
0xcf: {  	[sflag:s13] =	ssyncadd.s32 $0xFFFFFC00  }
0xd0: {  	_ =	swait.ge [sflag:s13], $0x400  }
0xd1: {  	[sflag:s13] =	ssyncset.done $0x0  }
0xd2: {  	s4 =	simm.s32 $0x0;
	[sflag:s13] =	ssyncadd.s32 $0xFFFFFC00  }
0xd3: {  	v1 =	vld [tilespmem:s4+$0x1CA00];
	_ =	sdelay $0x7  }
0xd4: {  	s20 =	simm.s32 $0x10;
	s25 =	simm.s32 $0x80;
	v1 =	vld.idx.msk [tilespmem:v1+s0+$0x0], $0xffff  }
.LBB2_15:
0xd5: {  	p2 =	sne.s32 s25, $0xFC0;
	v2 =	vld [tilespmem:s20+$0x1CA00];
	_ =	sdelay $0x3  }
.Ltmp8:
0xd6: {  	(pc) =	sbr.rel @p2 .LBB2_15-.Ltmp8, $2  }
0xd7: {  	[tilespmem:s4+$0x1EA00] =	vst v1;
	s4 =	smov.u32 s20;
	_ =	sdelay $0x2  }
0xd8: {  	s20 =	sshra.s32 s25, $0x2;
	s25 =	sadd.s32 $0x40, s25;
	v1 =	vld.idx.msk [tilespmem:v2+s0+$0x0], $0xffff  }
0xd9: {  	v2 =	vld [tilespmem:s20+$0x1CA00];
	_ =	sdelay $0x6  }
0xda: {  	[tilespmem:s4+$0x1EA00] =	vst v1  }
0xdb: {  	v1 =	vld.idx.msk [tilespmem:v2+s0+$0x0], $0xffff;
	_ =	sdelay $0x4  }
0xdc: {  	s25 =	simm.s32 $0x1DA00;
	s26 =	simm.s32 $0x1EA00;
	s4 =	simm.s32 @!p1 $0x8;
	[tilespmem:s20+$0x1EA00] =	vst v1  }
0xdd: {  	[spmem:s2] =	stream.indirect.scatter.add.f32 [tilespmem:s26], [sflag:$0x6], $0x1, s25, s12, $0xb8;
	[tilespmem:$0x1F680] =	vst v63  }
0xde: {  	s20 =	sadd.s32 @!p1 s11, s23;
	_ =	swait.ge @!p1 [sflag:s4], $0x400  }
0xdf: {  	s20 =	sshll.u32 @!p1 s20, $0x7;
	[sflag:s4] =	ssyncset.done @!p1 $0x0  }
0xe0: {  	[sflag:s4] =	ssyncadd.s32 @!p1 $0xFFFFFC00;
	s4 =	sand.u32 @!p1 $0x1FFFFF80, s20  }
0xe1: {  	s25 =	simm.s32 @!p1 $0x0;
	s26 =	simm.s32 @!p1 $0x1D200;
	s20 =	sadd.s32 @!p1 s5, s4  }
0xe2: {  	[tilespmem:s26], [sflag:$0x4] =	stream.linear.gather @!p1 [hbm4b:s20+s25], $0x400, $0x38;
	[tilespmem:$0x1F680] =	vst v63  }
0xe3: {  	s4 =	sadd.s32 @!p1 s6, s4;
	s20 =	simm.s32 @!p1 $0x1E200  }
0xe4: {  	[tilespmem:s20], [sflag:$0x4] =	stream.linear.gather @!p1 [hbm4b:s4+s25], $0x400, $0x38;
	[tilespmem:$0x1F680] =	vst v63  }
0xe5: {  	_ =	swait.ge [sflag:s3], $0x400  }
0xe6: {  	[sflag:s3] =	ssyncset.done $0x0  }
0xe7: {  	[sflag:s3] =	ssyncadd.s32 $0xFFFFFC00  }
0xe8: {  	_ =	swait.ge [sflag:s3], $0x400  }
0xe9: {  	[sflag:s3] =	ssyncset.done $0x0  }
0xea: {  	s4 =	simm.s32 $0x0;
	[sflag:s3] =	ssyncadd.s32 $0xFFFFFC00  }
0xeb: {  	v1 =	vld [tilespmem:s4+$0x1CE00];
	_ =	sdelay $0x7  }
0xec: {  	s20 =	simm.s32 $0x10;
	s25 =	simm.s32 $0x80;
	v1 =	vld.idx.msk [tilespmem:v1+s0+$0x0], $0xffff  }
.LBB2_17:
0xed: {  	p1 =	sne.s32 s25, $0xFC0;
	v2 =	vld [tilespmem:s20+$0x1CE00];
	_ =	sdelay $0x3  }
.Ltmp9:
0xee: {  	(pc) =	sbr.rel @p1 .LBB2_17-.Ltmp9, $2  }
0xef: {  	[tilespmem:s4+$0x1EE00] =	vst v1;
	s4 =	smov.u32 s20;
	_ =	sdelay $0x2  }
0xf0: {  	s20 =	sshra.s32 s25, $0x2;
	s25 =	sadd.s32 $0x40, s25;
	v1 =	vld.idx.msk [tilespmem:v2+s0+$0x0], $0xffff  }
0xf1: {  	v2 =	vld [tilespmem:s20+$0x1CE00];
	_ =	sdelay $0x6  }
0xf2: {  	[tilespmem:s4+$0x1EE00] =	vst v1  }
0xf3: {  	v1 =	vld.idx.msk [tilespmem:v2+s0+$0x0], $0xffff;
	_ =	sdelay $0x2  }
0xf4: {  	p1 =	seq.s32 s29, $0x31  }
0xf5: {  	s4 =	sadd.s32 @!p1 s11, s24  }
0xf6: {  	s25 =	simm.s32 $0x1DE00;
	s26 =	simm.s32 $0x1EE00;
	s4 =	sshll.u32 @!p1 s4, $0x7;
	[tilespmem:s20+$0x1EE00] =	vst v1  }
0xf7: {  	[spmem:s2] =	stream.indirect.scatter.add.f32 [tilespmem:s26], [sflag:$0x7], $0x1, s25, s12, $0xb8;
	[tilespmem:$0x1F680] =	vst v63  }
0xf8: {  	s4 =	sand.u32 @!p1 $0x1FFFFE00, s4;
	_ =	swait.ge [sflag:s16], $0x400  }
0xf9: {  	s11 =	sadd.s32 @!p1 s5, s4;
	[sflag:s16] =	ssyncset.done $0x0  }
0xfa: {  	s20 =	simm.s32 @!p1 $0x0;
	s25 =	simm.s32 @!p1 $0x1C600;
	[sflag:s16] =	ssyncadd.s32 $0xFFFFFC00  }
0xfb: {  	[tilespmem:s25], [sflag:$0x1] =	stream.linear.gather @!p1 [hbm4b:s11+s20], $0x400, $0x38;
	[tilespmem:$0x1F680] =	vst v63  }
0xfc: {  	s4 =	sadd.s32 @!p1 s6, s4;
	s11 =	simm.s32 @!p1 $0x1D600  }
0xfd: {  	[tilespmem:s11], [sflag:$0x1] =	stream.linear.gather @!p1 [hbm4b:s4+s20], $0x400, $0x38;
	[tilespmem:$0x1F680] =	vst v63  }
0xfe: {  	_ =	swait.ge [sflag:s17], $0x400  }
0xff: {  	[sflag:s17] =	ssyncset.done $0x0  }
0x100: {  	[sflag:s17] =	ssyncadd.s32 $0xFFFFFC00  }
0x101: {  	_ =	swait.ge [sflag:s17], $0x400  }
0x102: {  	[sflag:s17] =	ssyncset.done $0x0  }
0x103: {  	s4 =	simm.s32 $0x0;
	[sflag:s17] =	ssyncadd.s32 $0xFFFFFC00  }
0x104: {  	v1 =	vld [tilespmem:s4+$0x1D200];
	_ =	sdelay $0x7  }
0x105: {  	s11 =	simm.s32 $0x10;
	s20 =	simm.s32 $0x80;
	v1 =	vld.idx.msk [tilespmem:v1+s0+$0x0], $0xffff  }
.LBB2_19:
0x106: {  	p1 =	sne.s32 s20, $0xFC0;
	v2 =	vld [tilespmem:s11+$0x1D200];
	_ =	sdelay $0x3  }
.Ltmp10:
0x107: {  	(pc) =	sbr.rel @p1 .LBB2_19-.Ltmp10, $2  }
0x108: {  	[tilespmem:s4+$0x1F200] =	vst v1;
	s4 =	smov.u32 s11;
	_ =	sdelay $0x2  }
0x109: {  	s11 =	sshra.s32 s20, $0x2;
	s20 =	sadd.s32 $0x40, s20;
	v1 =	vld.idx.msk [tilespmem:v2+s0+$0x0], $0xffff  }
0x10a: {  	v2 =	vld [tilespmem:s11+$0x1D200];
	_ =	sdelay $0x6  }
0x10b: {  	[tilespmem:s4+$0x1F200] =	vst v1  }
0x10c: {  	s29 =	sadd.s32 $0x1, s29;
	v1 =	vld.idx.msk [tilespmem:v2+s0+$0x0], $0xffff  }
0x10d: {  	p1 =	sne.s32 s29, $0x32  }
.Ltmp11:
0x10e: {  	_ = 	snop;
	(pc) =	sbr.rel @p1 .LBB2_12-.Ltmp11, $3  }
0x10f: {  	_ =	sdelay $0x1  }
0x110: {  	s25 =	simm.s32 $0x1E200;
	s26 =	simm.s32 $0x1F200;
	[tilespmem:s11+$0x1F200] =	vst v1  }
0x111: {  	[spmem:s2] =	stream.indirect.scatter.add.f32 [tilespmem:s26], [sflag:$0x8], $0x1, s25, s12, $0xb8;
	[tilespmem:$0x1F680] =	vst v63  }
0x112: {  	s4 =	simm.s32 $0x6  }
0x113: {  	_ =	swait.ge [sflag:s4], $0x400  }
0x114: {  	[sflag:s4] =	ssyncset.done $0x0  }
0x115: {  	s20 =	simm.s32 $0x7;
	[sflag:s4] =	ssyncadd.s32 $0xFFFFFC00  }
0x116: {  	_ =	swait.ge [sflag:s20], $0x400  }
0x117: {  	[sflag:s20] =	ssyncset.done $0x0  }
0x118: {  	s25 =	simm.s32 $0x8;
	[sflag:s20] =	ssyncadd.s32 $0xFFFFFC00  }
0x119: {  	_ =	swait.ge [sflag:s25], $0x400  }
0x11a: {  	[sflag:s25] =	ssyncset.done $0x0  }
0x11b: {  	s26 =	stileid.u32;
	[sflag:s25] =	ssyncadd.s32 $0xFFFFFC00  }
0x11c: {  	s4 =	sshll.u32 s26, $0x6;
	[bflag:$0x0] =	sbarrier.arrive $0xFFFF  }
0x11d: {  	s11 =	sshrl.u32 s30, $0x3;
	s4 =	sor.u32 $0x1C09, s4;
	s20 =	rddreg [dreg:$0xe]  }
0x11e: {  	[hbm:s20], [sflag:s4] =	dma.local [spmem:s11], $0x310  }
0x11f: {  	_ =	swait.ge [sflag:s19], $0x310  }
0x120: {  	s29 =	rddreg [dreg:$0x17]  }
0x121: {  	s30 =	rddreg [dreg:$0xf];
	s11 =	sadd.s32 $0x1, s29  }
0x122: {  	p1 =	sne.s32 s11, s30  }
.Ltmp12:
0x123: {  	_ = 	snop;
	(pc) =	sbr.rel @p1 .LBB2_1-.Ltmp12, $3  }
0x124: {  	_ =	sdelay $0x1  }
0x125: {  	[sflag:s19] =	ssyncset.done $0x0  }
0x126: {  	[sflag:s19] =	ssyncadd.s32 $0xFFFFFCF0  }
0x127: {  	_ =	sfence.sel $0x180000  }
0x128: {  	[bflag:$0x0] =	sbarrier.arrive $0xFFFF  }
0x129: {  	_ =	strace $0x90000050  }
0x12a: {  	s0 =	stileid.u32;
	[bflag:$0x2] =	sbarrier.arrive $0xFFFF  }
0x12b: {  	p0 =	sne.s32 s0, $0x0;
	s0 =	rddreg [dreg:$0x3]  }
0x12c: {  	s0 =	sadd.s32 @!p0 $0x100000, s0  }
0x12d: {  	[sflag:s0] =	ssyncadd.tile.s32 @!p0 $0x1;
	_ =	shalt  }
.Lfunc_end2:
_tile_overlayer_lowered:
.L_overlay_start_2:
0x12e: {  	(tag) =	ssettag $0x2  }
0x12f: {  	s0 =	rddreg [dreg:$0x0];
	s2 =	stileid.u32  }
0x130: {  	s1 =	rddreg [dreg:$0x1];
	p0 =	sne.s32 s2, $0x0  }
0x131: {  	s3 =	rddreg [dreg:$0x2];
	[bflag:$0x3] =	sbarrier.arrive $0xFFFF;
	s2 =	simm.s32 @!p0 $0x1C09  }
0x132: {  	[timem:s3], [sflag:s2] =	dma.local @!p0 [hbm:s0], s1  }
0x133: {  	s0 =	simm.s32 @!p0 $0x9  }
0x134: {  	_ =	swait.ge @!p0 [sflag:s0], s1  }
0x135: {  	s1 =	ssub.s32 @!p0 $0x0, s1;
	[sflag:s0] =	ssyncset.done @!p0 $0x0  }
0x136: {  	[sflag:s0] =	ssyncadd.s32 @!p0 s1  }
0x137: {  	[bflag:$0x3] =	sbarrier.arrive $0xFFFF  }
0x138: {  	_ =	shalt  }

// kernel: kernel.20.cloned.1.call-start
scs
__scs_entry_jumppad:
0x0: {  	(pc) =	sbr.rel $0x88, $3  }
0x1: {  	(tag) =	ssettag $0x0;
	lr =	simm.s32 $0x1  }
0x2: {  	[smem:$0x3F9F] =	sst lr;
	_ =	strace $0xD0000000  }
0x3: {  	_ = 	snop  }
0x4: {  	_ = 	snop  }
0x5: {  	_ = 	snop  }
0x6: {  	_ = 	snop  }
0x7: {  	_ = 	snop  }
__scs_overlays_trampoline_lowered:
0x8: {  	[smem:$0x3FAE] =	sst s0  }
0x9: {  	[smem:$0x3FAF] =	sst s1  }
0xa: {  	[smem:$0x3FB0] =	sst s2  }
0xb: {  	[smem:$0x3FB1] =	sst s3  }
0xc: {  	[smem:$0x3FB2] =	sst s4  }
0xd: {  	[smem:$0x3FB3] =	sst s5  }
0xe: {  	[smem:$0x3FB4] =	sst s6  }
0xf: {  	[smem:$0x3FB5] =	sst s7  }
0x10: {  	[smem:$0x3FB6] =	sst s8  }
0x11: {  	[smem:$0x3FB7] =	sst s9;
	s0 =	simm.s32 @!p0 $0x0  }
0x12: {  	s1 =	sld [smem:$0x3F9D];
	s0 =	simm.s32 @p0 $0x1  }
0x13: {  	[smem:$0x3FB8] =	sst s0;
	s0 =	simm.s32 @!p1 $0x0  }
0x14: {  	s2 =	sld [smem:$0x3F9C];
	s0 =	simm.s32 @p1 $0x1  }
0x15: {  	[smem:$0x3FB9] =	sst s0;
	s0 =	simm.s32 @!p2 $0x0  }
0x16: {  	s3 =	sld [smem:$0x3FDB];
	s0 =	simm.s32 @p2 $0x1  }
0x17: {  	s4 =	simm.s32 $0x1BF5;
	[smem:$0x3FBB] =	sst s0  }
0x18: {  	s0 =	sld [smem:$0x3F9E];
	_ =	swait.ge [sflag:s4], $0x0  }
0x19: {  	s7 =	sld [smem:$0x3F9F]  }
0x1a: {  	s8 =	sadd.s32 $0xFFFFE003, lr  }
0x1b: {  	s9 =	sadd.s32 $0xFFFFFEF7, lr;
	s5 =	simm.s32 $0xFFFFFFFF;
	p2 =	slt.u32 s8, $0xFFFFF086  }
0x1c: {  	p1 =	slt.u32 s9, $0xF7A;
	s5 =	simm.s32 @!p2 $0x0  }
0x1d: {  	s5 =	simm.s32 @p1 $0x1;
	p0 =	seq.s32 s7, s2  }
0x1e: {  	s7 =	smul.u32 @!p0 $0xF7A, s2;
	p2 =	seq.s32 @!p0 s5, $0x0  }
0x1f: {  	s9 =	smul.u32 $0xF7A, s1;
	s8 =	simm.s32 @!p0 $0x1BF5;
	p2 =	por !p2, p0  }
0x20: {  	[sflag:s8] =	ssyncset.s32 @!p0 $0xFFFFF086;
	s6 =	sadd.s32 @!p0 s3, s7;
	s7 =	simm.s32 @!p0 $0x108  }
0x21: {  	s3 =	sadd.s32 s3, s9;
	s6 =	sadd.s32 @!p0 $0x88, s6;
	s7 =	simm.s32 @p2 $0x1082  }
0x22: {  	[simem:s7], [sflag:s8] =	dma.local @!p0 [hbm:s6], $0xF7A  }
0x23: {  	s9 =	sor.u32 $0xD0000000, s2;
	s6 =	simm.s32 $0x108;
	_ =	swait.ge @!p0 [sflag:s8], $0x0  }
0x24: {  	s3 =	sadd.s32 $0x88, s3;
	s6 =	simm.s32 @!p1 $0x1082;
	[sflag:s4] =	ssyncset.s32 $0xFFFFF086  }
0x25: {  	[simem:s6], [sflag:s4] =	dma.local [hbm:s3], $0xF7A  }
0x26: {  	[smem:$0x3F9F] =	sst s1;
	(tag) =	ssettag s2;
	_ =	strace s9  }
0x27: {  	s1 =	sld [smem:$0x3FAF]  }
0x28: {  	s2 =	sld [smem:$0x3FB0]  }
0x29: {  	s4 =	sld [smem:$0x3FB2]  }
0x2a: {  	p0 =	seq.s32 s5, $0x0;
	s5 =	sld [smem:$0x3FB3]  }
0x2b: {  	s6 =	sld [smem:$0x3FB4]  }
0x2c: {  	s7 =	sld [smem:$0x3FB5]  }
0x2d: {  	s3 =	simm.s32 $0x108;
	s8 =	sld [smem:$0x3FB6]  }
0x2e: {  	s3 =	simm.s32 @!p0 $0x1082;
	s9 =	sld [smem:$0x3FB7]  }
0x2f: {  	lr =	sadd.s32 s0, s3;
	s0 =	sld [smem:$0x3FAE]  }
0x30: {  	s3 =	sld [smem:$0x3FB1]  }
0x31: {  	[smem:$0x3FBA] =	sst s10  }
0x32: {  	s10 =	sld [smem:$0x3FB8];
	_ =	sdelay $0x3  }
0x33: {  	p0 =	seq.s32 s10, $0x1;
	s10 =	sld [smem:$0x3FBA];
	_ =	sdelay $0x3  }
0x34: {  	[smem:$0x3FBA] =	sst s10  }
0x35: {  	s10 =	sld [smem:$0x3FB9];
	_ =	sdelay $0x3  }
0x36: {  	p1 =	seq.s32 s10, $0x1;
	s10 =	sld [smem:$0x3FBA];
	_ =	sdelay $0x3  }
0x37: {  	[smem:$0x3FBA] =	sst s10  }
0x38: {  	s10 =	sld [smem:$0x3FBB]  }
0x39: {  	_ = 	snop;
	(pc) =	sbr.ind lr, $3  }
0x3a: {  	_ = 	snop  }
0x3b: {  	_ = 	snop  }
0x3c: {  	p2 =	seq.s32 s10, $0x1;
	s10 =	sld [smem:$0x3FBA]  }
0x3d: {  	_ =	shalt  }
0x3e: {  	_ =	shalt  }
0x3f: {  	_ =	shalt  }
0x40: {  	_ =	shalt  }
0x41: {  	_ =	shalt  }
0x42: {  	_ =	shalt  }
0x43: {  	_ =	shalt  }
0x44: {  	_ =	shalt  }
0x45: {  	_ =	shalt  }
0x46: {  	_ =	shalt  }
0x47: {  	_ =	shalt  }
0x48: {  	_ =	shalt  }
0x49: {  	_ =	shalt  }
0x4a: {  	_ =	shalt  }
0x4b: {  	_ =	shalt  }
0x4c: {  	_ =	shalt  }
0x4d: {  	_ =	shalt  }
0x4e: {  	_ =	shalt  }
0x4f: {  	_ =	shalt  }
0x50: {  	_ =	shalt  }
0x51: {  	_ =	shalt  }
0x52: {  	_ =	shalt  }
0x53: {  	_ =	shalt  }
0x54: {  	_ =	shalt  }
0x55: {  	_ =	shalt  }
0x56: {  	_ =	shalt  }
0x57: {  	_ =	shalt  }
0x58: {  	_ =	shalt  }
0x59: {  	_ =	shalt  }
0x5a: {  	_ =	shalt  }
0x5b: {  	_ =	shalt  }
0x5c: {  	_ =	shalt  }
0x5d: {  	_ =	shalt  }
0x5e: {  	_ =	shalt  }
0x5f: {  	_ =	shalt  }
0x60: {  	_ =	shalt  }
0x61: {  	_ =	shalt  }
0x62: {  	_ =	shalt  }
0x63: {  	_ =	shalt  }
0x64: {  	_ =	shalt  }
0x65: {  	_ =	shalt  }
0x66: {  	_ =	shalt  }
0x67: {  	_ =	shalt  }
0x68: {  	_ =	shalt  }
0x69: {  	_ =	shalt  }
0x6a: {  	_ =	shalt  }
0x6b: {  	_ =	shalt  }
0x6c: {  	_ =	shalt  }
0x6d: {  	_ =	shalt  }
0x6e: {  	_ =	shalt  }
0x6f: {  	_ =	shalt  }
0x70: {  	_ =	shalt  }
0x71: {  	_ =	shalt  }
0x72: {  	_ =	shalt  }
0x73: {  	_ =	shalt  }
0x74: {  	_ =	shalt  }
0x75: {  	_ =	shalt  }
0x76: {  	_ =	shalt  }
0x77: {  	_ =	shalt  }
0x78: {  	_ =	shalt  }
0x79: {  	_ =	shalt  }
0x7a: {  	_ =	shalt  }
0x7b: {  	_ =	shalt  }
0x7c: {  	_ =	shalt  }
0x7d: {  	_ =	shalt  }
0x7e: {  	_ =	shalt  }
0x7f: {  	_ =	shalt  }
0x80: {  	_ =	shalt  }
0x81: {  	_ =	shalt  }
0x82: {  	_ =	shalt  }
0x83: {  	_ =	shalt  }
0x84: {  	_ =	shalt  }
0x85: {  	_ =	shalt  }
0x86: {  	_ =	shalt  }
0x87: {  	_ =	shalt  }
.Lfunc_end0:
.L_simem_size_0:
called_computation.4_lowered:
.L_overlay_start_0:
0x88: {  	s2 =	sld [smem:$0x3FD9]  }
0x89: {  	s3 =	sld [smem:$0x3FFE];
	_ =	sdelay $0x1  }
0x8a: {  	s1 =	srdreg.scid  }
0x8b: {  	s0 =	sand.u32 $0x1, s1  }
0x8c: {  	s16 =	sshll.u32 s0, $0xA;
	s2 =	sadd.s32 s3, s2  }
0x8d: {  	s2 =	sadd.s32 s2, s16  }
0x8e: {  	[smem:$0x3FC6] =	sst s2  }
0x8f: {  	_ = 	snop  }
0x90: {  	(tm) =	ssettm $0x1  }
0x91: {  	s17 =	sld [smem:$0x3FFB];
	_ =	sdelay $0x3  }
0x92: {  	_ =	strace s17  }
0x93: {  	s2 =	sld [smem:$0x3FFC];
	_ =	sdelay $0x3  }
0x94: {  	_ =	strace s2  }
0x95: {  	s2 =	sld [smem:$0x3FFD];
	_ =	sdelay $0x3  }
0x96: {  	_ =	strace s2  }
0x97: {  	_ =	strace $0x8FFFFFFF  }
0x98: {  	s18 =	sld [smem:$0x3FDB];
	_ =	sdelay $0x1  }
0x99: {  	s19 =	simm.s32 $_scs_section_size  }
0x9a: {  	s4 =	simm.s32 $_size__tile_overlayer_lowered;
	s5 =	simm.s32 $_tile_overlayer_lowered  }
0x9b: {  	s22 =	simm.s32 $0x1BFF;
	s21 =	sshll.u32 s5, $0x1;
	s2 =	sadd.s32 s19, s18  }
0x9c: {  	s6 =	simm.s32 $0x0;
	s20 =	sshll.u32 s4, $0x1;
	s4 =	sadd.s32 s21, s2  }
0x9d: {  	[timem:s6], [sflag:s22] =	dma.local [hbm:s4], s20  }
0x9e: {  	_ =	swait.ge [sflag:s22], s20  }
0x9f: {  	s3 =	ssub.s32 $0x0, s20;
	[sflag:s22] =	ssyncset.done $0x0  }
0xa0: {  	[sflag:s22] =	ssyncadd.s32 s3;
	_ =	sdelay $0x1  }
0xa1: {  	s23 =	simm.s32 $0x1B8B  }
0xa2: {  	_ =	swait.ge [sflag:s23], $0x1  }
0xa3: {  	[sflag:s23] =	ssyncset.done $0x0  }
0xa4: {  	s25 =	simm.s32 $0x1B8E;
	s24 =	sld [smem:$0x3FFE];
	[sflag:s23] =	ssyncadd.s32 $0xFFFFFFFF  }
0xa5: {  	s26 =	simm.s32 $execute0_lowered;
	[smem:$0x3FD2] =	sst s25  }
0xa6: {  	s4 =	sshll.u32 s26, $0x1;
	_ =	strace $0x80000052;
	[dreg:$0x1] =	wrdreg $0xFFFFFFFF  }
0xa7: {  	s28 =	simm.s32 $_size_execute0_lowered;
	s2 =	sadd.s32 s2, s4;
	[dreg:$0x0] =	wrdreg $0x0  }
0xa8: {  	s4 =	sshll.u32 s28, $0x1;
	[dreg:$0x2] =	wrdreg s2  }
0xa9: {  	[dreg:$0x3] =	wrdreg s4  }
0xaa: {  	[dreg:$0x4] =	wrdreg $0xC0  }
0xab: {  	_ =	task [dreg:s6], $0x5FFFF  }
0xac: {  	[dreg:$0x1] =	wrdreg $0xFFFFFFFF  }
0xad: {  	[dreg:$0x0] =	wrdreg $0x60  }
0xae: {  	[dreg:$0x2] =	wrdreg s24  }
0xaf: {  	[dreg:$0x3] =	wrdreg $0x9  }
0xb0: {  	_ =	task.clear_ibuf [dreg:s6], $0x4FFFF;
	_ =	strace $0x90000052  }
0xb1: {  	s29 =	simm.s32 $0x9;
	_ =	strace $0x80000054  }
0xb2: {  	_ =	swait.ge [sflag:s29], $0x1  }
0xb3: {  	[sflag:s29] =	ssyncadd.s32 $0xFFFFFFFF  }
0xb4: {  	_ =	strace $0x90000054  }
0xb5: {  	_ =	sfence  }
0xb6: {  	s30 =	sld [smem:$0x0];
	_ =	sdelay $0x2  }
0xb7: {  	s31 =	sshll.u32 s1, $0xD;
	s1 =	sshrl.u32 s1, $0x2  }
0xb8: {  	s3 =	sand.u32 $0x4000, s31;
	s1 =	sadd.s32 s1, s30  }
0xb9: {  	s0 =	sor.u32 s3, s0;
	s1 =	sshll.u32 s1, $0x11  }
0xba: {  	s0 =	sor.u32 s1, s0  }
0xbb: {  	s0 =	sadd.s32 $0x8F2B, s0  }
0xbc: {  	[sflag:s0] =	ssyncadd.remote.s32 $0x1  }
0xbd: {  	_ =	sfence.sel $0xFFFF  }
0xbe: {  	[dreg:$0x0] =	wrdreg $0xFFFFFFFF;
	(pc) =	sbr.abs _section_cstart, $3  }
0xbf: {  	[dreg:$0x1] =	wrdreg $0xFFFFFFFF  }
0xc0: {  	_ =	task.clear_ibuf [dreg:s6], $0x2FFFF;
	_ =	strace $0x9FFFFFFF  }
0xc1: {  	(tm) =	ssettm $0x7FFFFFFF  }
tec
execute0_lowered:
.L_overlay_start_1:
0x0: {  	(tag) =	ssettag $0x1  }
0x1: {  	s3 =	rddreg [dreg:$0x0]  }
0x2: {  	s0 =	rddreg [dreg:$0x1];
	s2 =	simm.s32 $0x0;
	s1 =	stileid.u32  }
0x3: {  	s4 =	srdreg.scid;
	s11 =	simm.s32 $0x3100;
	s12 =	simm.s32 $0x4980  }
0x4: {  	[smem:$0x7FF] =	sst s2;
	s5 =	smul.u32 $0x1880, s1;
	s13 =	sand.u32 $0x1, s4  }
0x5: {  	s6 =	sshll.u32 s1, $0x4;
	_ =	strace $0x80000053;
	s4 =	ssub.s32 $0x2, s13  }
0x6: {  	s9 =	sadd.s32 s6, s3;
	p0 =	sne.s32 s13, $0x0;
	s5 =	sshrl.u32 s5, $0x3  }
0x7: {  	s13 =	simm.s32 $0x0;
	s7 =	sshrl.u32 s4, $0x1;
	s8 =	sadd.s32 s5, s3  }
0x8: {  	s10 =	ssub.s32 s4, s7;
	s7 =	sadd.s32 $0x1800, s9;
	s9 =	simm.s32 $0x1  }
0x9: {  	s3 =	sadd.s32 $0x17200, s8;
	s4 =	sadd.s32 $0x1A300, s8;
	s5 =	sadd.s32 $0x7A00, s8  }
0xa: {  	s6 =	sadd.s32 $0x4800, s8;
	s8 =	smax.u32 s10, $0x1;
	s10 =	simm.s32 $0x1880  }
.LBB2_1:
0xb: {  	[tilespmem:s2], [sflag:$0x1] =	stream.linear.gather [hbm4b:s3+s2], $0x1880, $0x38;
	[tilespmem:$0x6280] =	vst v63  }
0xc: {  	_ =	swait.ge [sflag:s9], $0x1880  }
0xd: {  	[sflag:s9] =	ssyncset.done $0x0  }
0xe: {  	[sflag:s9] =	ssyncadd.s32 $0xFFFFE780  }
0xf: {  	[tilespmem:s10], [sflag:$0x1] =	stream.linear.gather [hbm4b:s4+s2], $0x1880, $0x38;
	[tilespmem:$0x6280] =	vst v63  }
0x10: {  	_ =	swait.ge [sflag:s9], $0x1880  }
0x11: {  	[sflag:s9] =	ssyncset.done $0x0  }
0x12: {  	[sflag:s9] =	ssyncadd.s32 $0xFFFFE780  }
0x13: {  	[tilespmem:s11], [sflag:$0x1] =	stream.linear.gather [hbm4b:s5+s2], $0x1880, $0x38;
	[tilespmem:$0x6280] =	vst v63  }
0x14: {  	_ =	swait.ge [sflag:s9], $0x1880  }
0x15: {  	[sflag:s9] =	ssyncset.done $0x0  }
0x16: {  	[sflag:s9] =	ssyncadd.s32 $0xFFFFE780  }
0x17: {  	[tilespmem:s12], [sflag:$0x1] =	stream.linear.gather [hbm4b:s6+s2], $0x1880, $0x38;
	[tilespmem:$0x6280] =	vst v63  }
0x18: {  	_ =	swait.ge [sflag:s9], $0x1880  }
0x19: {  	[sflag:s9] =	ssyncset.done $0x0  }
0x1a: {  	v0 =	vimm.f32 $0.0e+00;
	[sflag:s9] =	ssyncadd.s32 $0xFFFFE780  }
0x1b: {  	s15 =	simm.s32 $0x0;
	[tilespmem:$0x6200] =	vst v0  }
0x1c: {  	s14 =	simm.s32 $0x40;
	v1 =	vld [tilespmem:s15+$0x0]  }
.LBB2_2:
0x1d: {  	p1 =	sne.s32 s14, $0x61C0;
	v2 =	vld [tilespmem:s15+$0x1880];
	_ =	sdelay $0x1  }
0x1e: {  	v3 =	vld [tilespmem:s15+$0x3100];
	_ =	sdelay $0x1  }
0x1f: {  	v4 =	vld [tilespmem:s15+$0x4980]  }
0x20: {  	v1 =	vadd.f32 v2, v1;
	_ =	sdelay $0x1  }
0x21: {  	v1 =	vadd.f32 v3, v1;
	_ =	sdelay $0x1  }
0x22: {  	v1 =	vmul.f32 v1, v4;
	_ =	sdelay $0x1  }
0x23: {  	v1 =	vmul.f32 v1, v1  }
.Ltmp0:
0x24: {  	(pc) =	sbr.rel @p1 .LBB2_2-.Ltmp0, $3  }
0x25: {  	v0 =	vadd.f32 v1, v0;
	_ =	sdelay $0x1  }
0x26: {  	s15 =	sshra.s32 s14, $0x2;
	[tilespmem:$0x6200] =	vst v0  }
0x27: {  	s14 =	sadd.s32 $0x40, s14;
	v1 =	vld [tilespmem:s15+$0x0]  }
0x28: {  	v2 =	vld [tilespmem:s15+$0x1880];
	_ =	sdelay $0x1  }
0x29: {  	v3 =	vld [tilespmem:s15+$0x3100];
	_ =	sdelay $0x1  }
0x2a: {  	v4 =	vld [tilespmem:s15+$0x4980]  }
0x2b: {  	v1 =	vadd.f32 v2, v1;
	_ =	sdelay $0x1  }
0x2c: {  	v1 =	vadd.f32 v3, v1;
	_ =	sdelay $0x1  }
0x2d: {  	v1 =	vmul.f32 v1, v4;
	_ =	sdelay $0x1  }
0x2e: {  	v1 =	vmul.f32 v1, v1;
	_ =	sdelay $0x1  }
0x2f: {  	v0 =	vadd.f32 v1, v0  }
0x30: {  	s13 =	sadd.s32 $0x1, s13  }
0x31: {  	s14 =	simm.s32 @!p0 $0x0;
	s15 =	simm.s32 @!p0 $0x6200;
	p1 =	sne.s32 s13, s8;
	[tilespmem:$0x6200] =	vst v0  }
0x32: {  	[hbm4b:s7+s14] =	stream.linear.scatter @!p0 [tilespmem:s15], [sflag:$0x1], $0x80, $0x38;
	[tilespmem:$0x6280] =	vst v63  }
.Ltmp1:
0x33: {  	_ = 	snop;
	(pc) =	sbr.rel @p1 .LBB2_1-.Ltmp1, $4  }
0x34: {  	s14 =	simm.s32 @!p0 $0x1  }
0x35: {  	_ =	swait.ge @!p0 [sflag:s14], $0x80  }
0x36: {  	[sflag:s14] =	ssyncset.done @!p0 $0x0  }
0x37: {  	[sflag:s14] =	ssyncadd.s32 @!p0 $0xFFFFFF80  }
0x38: {  	_ =	sfence.sel $0x180000  }
0x39: {  	[bflag:$0x0] =	sbarrier.arrive $0xFFFF  }
0x3a: {  	p0 =	sne.s32 s1, $0x0;
	_ =	strace $0x90000053  }
0x3b: {  	s0 =	sadd.s32 @!p0 $0x100000, s0;
	[bflag:$0x2] =	sbarrier.arrive $0xFFFF  }
0x3c: {  	[sflag:s0] =	ssyncadd.tile.s32 @!p0 $0x1;
	_ =	shalt  }
.Lfunc_end2:
_tile_overlayer_lowered:
.L_overlay_start_2:
0x3d: {  	(tag) =	ssettag $0x2  }
0x3e: {  	s0 =	rddreg [dreg:$0x0];
	s2 =	stileid.u32  }
0x3f: {  	s1 =	rddreg [dreg:$0x1];
	p0 =	sne.s32 s2, $0x0  }
0x40: {  	s3 =	rddreg [dreg:$0x2];
	[bflag:$0x3] =	sbarrier.arrive $0xFFFF;
	s2 =	simm.s32 @!p0 $0x1C01  }
0x41: {  	[timem:s3], [sflag:s2] =	dma.local @!p0 [hbm:s0], s1  }
0x42: {  	s0 =	simm.s32 @!p0 $0x1  }
0x43: {  	_ =	swait.ge @!p0 [sflag:s0], s1  }
0x44: {  	s1 =	ssub.s32 @!p0 $0x0, s1;
	[sflag:s0] =	ssyncset.done @!p0 $0x0  }
0x45: {  	[sflag:s0] =	ssyncadd.s32 @!p0 s1  }
0x46: {  	[bflag:$0x3] =	sbarrier.arrive $0xFFFF  }
0x47: {  	_ =	shalt  }

// kernel: kernel.8.cloned.1.call-start
scs
__scs_entry_jumppad:
0x0: {  	(pc) =	sbr.rel $0x88, $3  }
0x1: {  	(tag) =	ssettag $0x0;
	lr =	simm.s32 $0x1  }
0x2: {  	[smem:$0x3F9F] =	sst lr;
	_ =	strace $0xD0000000  }
0x3: {  	_ = 	snop  }
0x4: {  	_ = 	snop  }
0x5: {  	_ = 	snop  }
0x6: {  	_ = 	snop  }
0x7: {  	_ = 	snop  }
__scs_overlays_trampoline_lowered:
0x8: {  	[smem:$0x3FAE] =	sst s0  }
0x9: {  	[smem:$0x3FAF] =	sst s1  }
0xa: {  	[smem:$0x3FB0] =	sst s2  }
0xb: {  	[smem:$0x3FB1] =	sst s3  }
0xc: {  	[smem:$0x3FB2] =	sst s4  }
0xd: {  	[smem:$0x3FB3] =	sst s5  }
0xe: {  	[smem:$0x3FB4] =	sst s6  }
0xf: {  	[smem:$0x3FB5] =	sst s7  }
0x10: {  	[smem:$0x3FB6] =	sst s8  }
0x11: {  	[smem:$0x3FB7] =	sst s9;
	s0 =	simm.s32 @!p0 $0x0  }
0x12: {  	s1 =	sld [smem:$0x3F9D];
	s0 =	simm.s32 @p0 $0x1  }
0x13: {  	[smem:$0x3FB8] =	sst s0;
	s0 =	simm.s32 @!p1 $0x0  }
0x14: {  	s2 =	sld [smem:$0x3F9C];
	s0 =	simm.s32 @p1 $0x1  }
0x15: {  	[smem:$0x3FB9] =	sst s0;
	s0 =	simm.s32 @!p2 $0x0  }
0x16: {  	s3 =	sld [smem:$0x3FDB];
	s0 =	simm.s32 @p2 $0x1  }
0x17: {  	s4 =	simm.s32 $0x1BF5;
	[smem:$0x3FBB] =	sst s0  }
0x18: {  	s0 =	sld [smem:$0x3F9E];
	_ =	swait.ge [sflag:s4], $0x0  }
0x19: {  	s7 =	sld [smem:$0x3F9F]  }
0x1a: {  	s8 =	sadd.s32 $0xFFFFE003, lr  }
0x1b: {  	s9 =	sadd.s32 $0xFFFFFEF7, lr;
	s5 =	simm.s32 $0xFFFFFFFF;
	p2 =	slt.u32 s8, $0xFFFFF086  }
0x1c: {  	p1 =	slt.u32 s9, $0xF7A;
	s5 =	simm.s32 @!p2 $0x0  }
0x1d: {  	s5 =	simm.s32 @p1 $0x1;
	p0 =	seq.s32 s7, s2  }
0x1e: {  	s7 =	smul.u32 @!p0 $0xF7A, s2;
	p2 =	seq.s32 @!p0 s5, $0x0  }
0x1f: {  	s9 =	smul.u32 $0xF7A, s1;
	s8 =	simm.s32 @!p0 $0x1BF5;
	p2 =	por !p2, p0  }
0x20: {  	[sflag:s8] =	ssyncset.s32 @!p0 $0xFFFFF086;
	s6 =	sadd.s32 @!p0 s3, s7;
	s7 =	simm.s32 @!p0 $0x108  }
0x21: {  	s3 =	sadd.s32 s3, s9;
	s6 =	sadd.s32 @!p0 $0x88, s6;
	s7 =	simm.s32 @p2 $0x1082  }
0x22: {  	[simem:s7], [sflag:s8] =	dma.local @!p0 [hbm:s6], $0xF7A  }
0x23: {  	s9 =	sor.u32 $0xD0000000, s2;
	s6 =	simm.s32 $0x108;
	_ =	swait.ge @!p0 [sflag:s8], $0x0  }
0x24: {  	s3 =	sadd.s32 $0x88, s3;
	s6 =	simm.s32 @!p1 $0x1082;
	[sflag:s4] =	ssyncset.s32 $0xFFFFF086  }
0x25: {  	[simem:s6], [sflag:s4] =	dma.local [hbm:s3], $0xF7A  }
0x26: {  	[smem:$0x3F9F] =	sst s1;
	(tag) =	ssettag s2;
	_ =	strace s9  }
0x27: {  	s1 =	sld [smem:$0x3FAF]  }
0x28: {  	s2 =	sld [smem:$0x3FB0]  }
0x29: {  	s4 =	sld [smem:$0x3FB2]  }
0x2a: {  	p0 =	seq.s32 s5, $0x0;
	s5 =	sld [smem:$0x3FB3]  }
0x2b: {  	s6 =	sld [smem:$0x3FB4]  }
0x2c: {  	s7 =	sld [smem:$0x3FB5]  }
0x2d: {  	s3 =	simm.s32 $0x108;
	s8 =	sld [smem:$0x3FB6]  }
0x2e: {  	s3 =	simm.s32 @!p0 $0x1082;
	s9 =	sld [smem:$0x3FB7]  }
0x2f: {  	lr =	sadd.s32 s0, s3;
	s0 =	sld [smem:$0x3FAE]  }
0x30: {  	s3 =	sld [smem:$0x3FB1]  }
0x31: {  	[smem:$0x3FBA] =	sst s10  }
0x32: {  	s10 =	sld [smem:$0x3FB8];
	_ =	sdelay $0x3  }
0x33: {  	p0 =	seq.s32 s10, $0x1;
	s10 =	sld [smem:$0x3FBA];
	_ =	sdelay $0x3  }
0x34: {  	[smem:$0x3FBA] =	sst s10  }
0x35: {  	s10 =	sld [smem:$0x3FB9];
	_ =	sdelay $0x3  }
0x36: {  	p1 =	seq.s32 s10, $0x1;
	s10 =	sld [smem:$0x3FBA];
	_ =	sdelay $0x3  }
0x37: {  	[smem:$0x3FBA] =	sst s10  }
0x38: {  	s10 =	sld [smem:$0x3FBB]  }
0x39: {  	_ = 	snop;
	(pc) =	sbr.ind lr, $3  }
0x3a: {  	_ = 	snop  }
0x3b: {  	_ = 	snop  }
0x3c: {  	p2 =	seq.s32 s10, $0x1;
	s10 =	sld [smem:$0x3FBA]  }
0x3d: {  	_ =	shalt  }
0x3e: {  	_ =	shalt  }
0x3f: {  	_ =	shalt  }
0x40: {  	_ =	shalt  }
0x41: {  	_ =	shalt  }
0x42: {  	_ =	shalt  }
0x43: {  	_ =	shalt  }
0x44: {  	_ =	shalt  }
0x45: {  	_ =	shalt  }
0x46: {  	_ =	shalt  }
0x47: {  	_ =	shalt  }
0x48: {  	_ =	shalt  }
0x49: {  	_ =	shalt  }
0x4a: {  	_ =	shalt  }
0x4b: {  	_ =	shalt  }
0x4c: {  	_ =	shalt  }
0x4d: {  	_ =	shalt  }
0x4e: {  	_ =	shalt  }
0x4f: {  	_ =	shalt  }
0x50: {  	_ =	shalt  }
0x51: {  	_ =	shalt  }
0x52: {  	_ =	shalt  }
0x53: {  	_ =	shalt  }
0x54: {  	_ =	shalt  }
0x55: {  	_ =	shalt  }
0x56: {  	_ =	shalt  }
0x57: {  	_ =	shalt  }
0x58: {  	_ =	shalt  }
0x59: {  	_ =	shalt  }
0x5a: {  	_ =	shalt  }
0x5b: {  	_ =	shalt  }
0x5c: {  	_ =	shalt  }
0x5d: {  	_ =	shalt  }
0x5e: {  	_ =	shalt  }
0x5f: {  	_ =	shalt  }
0x60: {  	_ =	shalt  }
0x61: {  	_ =	shalt  }
0x62: {  	_ =	shalt  }
0x63: {  	_ =	shalt  }
0x64: {  	_ =	shalt  }
0x65: {  	_ =	shalt  }
0x66: {  	_ =	shalt  }
0x67: {  	_ =	shalt  }
0x68: {  	_ =	shalt  }
0x69: {  	_ =	shalt  }
0x6a: {  	_ =	shalt  }
0x6b: {  	_ =	shalt  }
0x6c: {  	_ =	shalt  }
0x6d: {  	_ =	shalt  }
0x6e: {  	_ =	shalt  }
0x6f: {  	_ =	shalt  }
0x70: {  	_ =	shalt  }
0x71: {  	_ =	shalt  }
0x72: {  	_ =	shalt  }
0x73: {  	_ =	shalt  }
0x74: {  	_ =	shalt  }
0x75: {  	_ =	shalt  }
0x76: {  	_ =	shalt  }
0x77: {  	_ =	shalt  }
0x78: {  	_ =	shalt  }
0x79: {  	_ =	shalt  }
0x7a: {  	_ =	shalt  }
0x7b: {  	_ =	shalt  }
0x7c: {  	_ =	shalt  }
0x7d: {  	_ =	shalt  }
0x7e: {  	_ =	shalt  }
0x7f: {  	_ =	shalt  }
0x80: {  	_ =	shalt  }
0x81: {  	_ =	shalt  }
0x82: {  	_ =	shalt  }
0x83: {  	_ =	shalt  }
0x84: {  	_ =	shalt  }
0x85: {  	_ =	shalt  }
0x86: {  	_ =	shalt  }
0x87: {  	_ =	shalt  }
.Lfunc_end0:
.L_simem_size_0:
called_computation_lowered:
.L_overlay_start_0:
0x88: {  	s2 =	sld [smem:$0x3FD9]  }
0x89: {  	s3 =	sld [smem:$0x3FFE];
	_ =	sdelay $0x1  }
0x8a: {  	s1 =	srdreg.scid  }
0x8b: {  	s0 =	sand.u32 $0x1, s1  }
0x8c: {  	s16 =	sshll.u32 s0, $0xA;
	s2 =	sadd.s32 s3, s2  }
0x8d: {  	s2 =	sadd.s32 s2, s16  }
0x8e: {  	[smem:$0x3FC6] =	sst s2  }
0x8f: {  	_ = 	snop  }
0x90: {  	(tm) =	ssettm $0x1  }
0x91: {  	s17 =	sld [smem:$0x3FFB];
	_ =	sdelay $0x3  }
0x92: {  	_ =	strace s17  }
0x93: {  	s2 =	sld [smem:$0x3FFC];
	_ =	sdelay $0x3  }
0x94: {  	_ =	strace s2  }
0x95: {  	s2 =	sld [smem:$0x3FFD];
	_ =	sdelay $0x3  }
0x96: {  	_ =	strace s2  }
0x97: {  	_ =	strace $0x8FFFFFFF  }
0x98: {  	s18 =	sld [smem:$0x3FDB];
	_ =	sdelay $0x1  }
0x99: {  	s19 =	simm.s32 $_scs_section_size  }
0x9a: {  	s4 =	simm.s32 $_size__tile_overlayer_lowered;
	s5 =	simm.s32 $_tile_overlayer_lowered  }
0x9b: {  	s22 =	simm.s32 $0x1BFF;
	s21 =	sshll.u32 s5, $0x1;
	s2 =	sadd.s32 s19, s18  }
0x9c: {  	s6 =	simm.s32 $0x0;
	s20 =	sshll.u32 s4, $0x1;
	s4 =	sadd.s32 s21, s2  }
0x9d: {  	[timem:s6], [sflag:s22] =	dma.local [hbm:s4], s20  }
0x9e: {  	_ =	swait.ge [sflag:s22], s20  }
0x9f: {  	s3 =	ssub.s32 $0x0, s20;
	[sflag:s22] =	ssyncset.done $0x0  }
0xa0: {  	[sflag:s22] =	ssyncadd.s32 s3;
	_ =	sdelay $0x1  }
0xa1: {  	s23 =	simm.s32 $0x1B8B  }
0xa2: {  	_ =	swait.ge [sflag:s23], $0x1  }
0xa3: {  	[sflag:s23] =	ssyncset.done $0x0  }
0xa4: {  	s25 =	simm.s32 $0x1B8E;
	s24 =	sld [smem:$0x3FFE];
	[sflag:s23] =	ssyncadd.s32 $0xFFFFFFFF  }
0xa5: {  	s26 =	simm.s32 $execute0_lowered;
	[smem:$0x3FD2] =	sst s25  }
0xa6: {  	s4 =	sshll.u32 s26, $0x1;
	_ =	strace $0x80000046;
	[dreg:$0x1] =	wrdreg $0xFFFFFFFF  }
0xa7: {  	s28 =	simm.s32 $_size_execute0_lowered;
	s2 =	sadd.s32 s2, s4;
	[dreg:$0x0] =	wrdreg $0x0  }
0xa8: {  	s4 =	sshll.u32 s28, $0x1;
	[dreg:$0x2] =	wrdreg s2  }
0xa9: {  	[dreg:$0x3] =	wrdreg s4  }
0xaa: {  	[dreg:$0x4] =	wrdreg $0xC0  }
0xab: {  	_ =	task [dreg:s6], $0x5FFFF  }
0xac: {  	[dreg:$0x1] =	wrdreg $0xFFFFFFFF  }
0xad: {  	[dreg:$0x0] =	wrdreg $0x60  }
0xae: {  	[dreg:$0x2] =	wrdreg s24  }
0xaf: {  	[dreg:$0x3] =	wrdreg $0x0  }
0xb0: {  	[dreg:$0x4] =	wrdreg $0x9  }
0xb1: {  	_ =	task.clear_ibuf [dreg:s6], $0x5FFFF;
	_ =	strace $0x90000046  }
0xb2: {  	s29 =	simm.s32 $0x9;
	_ =	strace $0x80000048  }
0xb3: {  	_ =	swait.ge [sflag:s29], $0x1  }
0xb4: {  	[sflag:s29] =	ssyncadd.s32 $0xFFFFFFFF  }
0xb5: {  	_ =	strace $0x90000048  }
0xb6: {  	_ =	sfence  }
0xb7: {  	s30 =	sld [smem:$0x0];
	_ =	sdelay $0x2  }
0xb8: {  	s31 =	sshll.u32 s1, $0xD;
	s1 =	sshrl.u32 s1, $0x2  }
0xb9: {  	s3 =	sand.u32 $0x4000, s31;
	s1 =	sadd.s32 s1, s30  }
0xba: {  	s0 =	sor.u32 s3, s0;
	s1 =	sshll.u32 s1, $0x11  }
0xbb: {  	s0 =	sor.u32 s1, s0  }
0xbc: {  	s0 =	sadd.s32 $0x8F2B, s0  }
0xbd: {  	[sflag:s0] =	ssyncadd.remote.s32 $0x1  }
0xbe: {  	_ =	sfence.sel $0xFFFF  }
0xbf: {  	[dreg:$0x0] =	wrdreg $0xFFFFFFFF;
	(pc) =	sbr.abs _section_cstart, $3  }
0xc0: {  	[dreg:$0x1] =	wrdreg $0xFFFFFFFF  }
0xc1: {  	_ =	task.clear_ibuf [dreg:s6], $0x2FFFF;
	_ =	strace $0x9FFFFFFF  }
0xc2: {  	(tm) =	ssettm $0x7FFFFFFF  }
0xc3: {  	_ =	shalt  }
tec
execute0_lowered:
.L_overlay_start_1:
0x0: {  	(tag) =	ssettag $0x1  }
0x1: {  	s6 =	rddreg [dreg:$0x0]  }
0x2: {  	s2 =	rddreg [dreg:$0x1]  }
0x3: {  	s4 =	srdreg.scid;
	s0 =	stileid.u32  }
0x4: {  	s3 =	simm.s32 $0x0;
	s15 =	simm.s32 $0x3500;
	s16 =	simm.s32 $0x3900  }
0x5: {  	s17 =	simm.s32 $0x3D00;
	s18 =	simm.s32 $0x2;
	s19 =	simm.s32 $0x400  }
0x6: {  	s20 =	simm.s32 $0x4100;
	s21 =	simm.s32 $0x3;
	s5 =	smul.u32 $0x1880, s0  }
0x7: {  	s4 =	sand.u32 $0x1, s4;
	s8 =	sadd.s32 $0x18CC00, s6;
	s11 =	smul.u32 $0xC8, s0  }
0x8: {  	[smem:$0x7FF] =	sst s3;
	s14 =	sadd.s32 $0x18CD00, s6;
	s7 =	smul.u32 $0x18800, s4  }
0x9: {  	s9 =	smul.u32 $0xC80, s4;
	s10 =	sshll.u32 s4, $0x4;
	s4 =	ssub.s32 $0x2, s4  }
0xa: {  	_ =	strace $0x80000047;
	s22 =	sor.u32 s0, s10;
	s23 =	sshrl.u32 s4, $0x1  }
0xb: {  	s7 =	sadd.s32 s5, s7;
	s13 =	smul.u32 $0x6400, s22;
	s24 =	sadd.s32 s11, s9  }
0xc: {  	s25 =	ssub.s32 s4, s23;
	s4 =	sadd.s32 s5, s2;
	s22 =	simm.s32 $0x5  }
0xd: {  	s23 =	simm.s32 $0x4;
	s7 =	sshrl.u32 s7, $0x3;
	s26 =	sshll.u32 s24, $0x7  }
0xe: {  	s11 =	smax.u32 s25, $0x1;
	s24 =	simm.s32 $0x6;
	s25 =	simm.s32 $0x7  }
0xf: {  	s12 =	sadd.s32 s7, s6;
	s5 =	sadd.s32 s8, s13;
	s29 =	sadd.s32 s13, s14  }
0x10: {  	s6 =	sadd.s32 s26, s8;
	s31 =	sadd.s32 s26, s14;
	[dreg:$0x6] =	wrdreg s29  }
0x11: {  	s13 =	simm.s32 $0x9;
	s28 =	sadd.s32 $0x80, s5;
	[dreg:$0x3] =	wrdreg s31  }
0x12: {  	s26 =	simm.s32 $0x8;
	s30 =	sadd.s32 $0x200, s6;
	[dreg:$0x5] =	wrdreg s28  }
0x13: {  	v0 =	vimm.f32 $0.0e+00;
	v1 =	vimm.f32 $1.000000000e+00;
	s9 =	sadd.s32 $0x180, s5;
	s10 =	sadd.s32 $0x1600, s12;
	[dreg:$0x4] =	wrdreg s30  }
.LBB2_1:
0x14: {  	s28 =	simm.s32 $0x0  }
.LBB2_2:
0x15: {  	p0 =	sne.s32 s28, $0x61C0  }
.Ltmp0:
0x16: {  	_ = 	snop;
	(pc) =	sbr.rel @p0 .LBB2_2-.Ltmp0, $3  }
0x17: {  	_ =	sdelay $0x1  }
0x18: {  	s29 =	sshra.s32 s28, $0x2  }
0x19: {  	s28 =	sadd.s32 $0x40, s28;
	[tilespmem:s29+$0x1880] =	vst v0  }
0x1a: {  	s28 =	simm.s32 $0x40;
	s29 =	simm.s32 $0x0  }
.LBB2_4:
0x1b: {  	p0 =	sne.s32 s28, $0xFC0;
	[tilespmem:s29+$0x4100] =	vst v1;
	s29 =	smov.u32 s28;
	s28 =	sadd.s32 $0x40, s28  }
.Ltmp1:
0x1c: {  	(pc) =	sbr.rel @p0 .LBB2_4-.Ltmp1, $2  }
0x1d: {  	_ =	sdelay $0x2  }
0x1e: {  	s29 =	sshra.s32 s29, $0x2  }
0x1f: {  	[tilespmem:s29+$0x4100] =	vst v1;
	s0 =	simm.s32 $0x1880  }
0x20: {  	[spmem:s4] =	stream.linear.scatter [tilespmem:s0], [sflag:$0x9], $0x1880, $0x38;
	[tilespmem:$0x4500] =	vst v63  }
0x21: {  	_ =	swait.ge [sflag:s13], $0x1880  }
0x22: {  	[sflag:s13] =	ssyncset.done $0x0  }
0x23: {  	[sflag:s13] =	ssyncadd.s32 $0xFFFFE780  }
0x24: {  	s28 =	simm.s32 $0x0;
	s14 =	simm.s32 $0x3100;
	[bflag:$0x0] =	sbarrier.arrive $0xFFFF  }
0x25: {  	[tilespmem:s14], [sflag:$0x1] =	stream.linear.gather [hbm4b:s5+s28], $0x400, $0x38;
	[tilespmem:$0x4500] =	vst v63  }
0x26: {  	s30 =	rddreg [dreg:$0x5]  }
0x27: {  	[tilespmem:s15], [sflag:$0x2] =	stream.linear.gather [hbm4b:s30+s28], $0x400, $0x38;
	[tilespmem:$0x4500] =	vst v63  }
0x28: {  	s31 =	rddreg [dreg:$0x6]  }
0x29: {  	[tilespmem:s16], [sflag:$0x3] =	stream.linear.gather [hbm4b:s31+s28], $0x400, $0x38;
	[tilespmem:$0x4500] =	vst v63  }
0x2a: {  	p0 =	por $0x1, $0x1  }
0x2b: {  	[tilespmem:s17], [sflag:$0x4] =	stream.linear.gather [hbm4b:s9+s28], $0x400, $0x38;
	[tilespmem:$0x4500] =	vst v63  }
0x2c: {  	s28 =	simm.s32 @p0 $0x1  }
0x2d: {  	_ =	swait.ge @p0 [sflag:s28], $0x400  }
0x2e: {  	s29 =	simm.s32 @p0 $0x4100;
	s0 =	simm.s32 @p0 $0x3100;
	[sflag:s28] =	ssyncset.done @p0 $0x0  }
0x2f: {  	s30 =	simm.s32 @!p0 $0x6;
	s31 =	simm.s32 @p0 $0x400;
	[sflag:s28] =	ssyncadd.s32 @p0 $0xFFFFFC00  }
0x30: {  	[spmem:s2] =	stream.indirect.scatter.add.f32 @p0 [tilespmem:s29], [sflag:$0x5], $0x1, s0, s31, $0xb8;
	[tilespmem:$0x4500] =	vst v63  }
0x31: {  	s28 =	simm.s32 @!p0 $0x3500;
	_ =	swait.ge @!p0 [sflag:s30], $0x400  }
0x32: {  	s0 =	sadd.s32 @!p0 $0x0, s6;
	s31 =	simm.s32 @!p0 $0x0;
	[sflag:s30] =	ssyncset.done @!p0 $0x0  }
0x33: {  	s29 =	sadd.s32 @!p0 $0x80, s0;
	[sflag:s30] =	ssyncadd.s32 @!p0 $0xFFFFFC00;
	s30 =	simm.s32 @!p0 $0x1  }
0x34: {  	[tilespmem:s28], [sflag:$0x2] =	stream.linear.gather @!p0 [hbm4b:s29+s31], $0x400, $0x38;
	[tilespmem:$0x4500] =	vst v63  }
0x35: {  	_ =	swait.ge @!p0 [sflag:s30], $0x400  }
0x36: {  	s28 =	simm.s32 @!p0 $0x4100;
	[sflag:s30] =	ssyncset.done @!p0 $0x0  }
0x37: {  	s29 =	simm.s32 @!p0 $0x400;
	[sflag:s30] =	ssyncadd.s32 @!p0 $0xFFFFFC00;
	s30 =	simm.s32 @!p0 $0x3100  }
0x38: {  	[spmem:s2] =	stream.indirect.scatter.add.f32 @!p0 [tilespmem:s28], [sflag:$0x5], $0x1, s30, s29, $0xb8;
	[tilespmem:$0x4500] =	vst v63  }
0x39: {  	s28 =	simm.s32 @!p0 $0x7  }
0x3a: {  	_ =	swait.ge @!p0 [sflag:s28], $0x400  }
0x3b: {  	s29 =	rddreg [dreg:$0x3];
	[sflag:s28] =	ssyncset.done @!p0 $0x0  }
0x3c: {  	[sflag:s28] =	ssyncadd.s32 @!p0 $0xFFFFFC00;
	s28 =	simm.s32 @!p0 $0x3900;
	s29 =	sadd.s32 @!p0 $0x0, s29  }
0x3d: {  	[tilespmem:s28], [sflag:$0x3] =	stream.linear.gather @!p0 [hbm4b:s29+s31], $0x400, $0x38;
	[tilespmem:$0x4500] =	vst v63  }
0x3e: {  	_ =	swait.ge [sflag:s18], $0x400  }
0x3f: {  	[sflag:s18] =	ssyncset.done $0x0  }
0x40: {  	s28 =	simm.s32 @!p0 $0x8;
	[sflag:s18] =	ssyncadd.s32 $0xFFFFFC00  }
0x41: {  	[spmem:s2] =	stream.indirect.scatter.add.f32 [tilespmem:s20], [sflag:$0x6], $0x1, s15, s19, $0xb8;
	[tilespmem:$0x4500] =	vst v63  }
0x42: {  	_ =	swait.ge @!p0 [sflag:s28], $0x400  }
0x43: {  	[sflag:s28] =	ssyncset.done @!p0 $0x0  }
0x44: {  	s0 =	sadd.s32 @!p0 $0x180, s0;
	[sflag:s28] =	ssyncadd.s32 @!p0 $0xFFFFFC00;
	s28 =	simm.s32 @!p0 $0x3D00  }
0x45: {  	[tilespmem:s28], [sflag:$0x4] =	stream.linear.gather @!p0 [hbm4b:s0+s31], $0x400, $0x38;
	[tilespmem:$0x4500] =	vst v63  }
0x46: {  	_ =	swait.ge [sflag:s21], $0x400  }
0x47: {  	[sflag:s21] =	ssyncset.done $0x0  }
0x48: {  	[sflag:s21] =	ssyncadd.s32 $0xFFFFFC00  }
0x49: {  	[spmem:s2] =	stream.indirect.scatter.add.f32 [tilespmem:s20], [sflag:$0x7], $0x1, s16, s19, $0xb8;
	[tilespmem:$0x4500] =	vst v63  }
0x4a: {  	p0 =	por $0x0, $0x0;
	_ =	swait.ge [sflag:s22], $0x400  }
0x4b: {  	s28 =	simm.s32 @!p0 $0x0;
	s0 =	rddreg [dreg:$0x4];
	[sflag:s22] =	ssyncset.done $0x0  }
0x4c: {  	s29 =	simm.s32 @!p0 $0x3100;
	[sflag:s22] =	ssyncadd.s32 $0xFFFFFC00;
	s0 =	sadd.s32 @!p0 $0x0, s0  }
0x4d: {  	[tilespmem:s29], [sflag:$0x1] =	stream.linear.gather @!p0 [hbm4b:s0+s28], $0x400, $0x38;
	[tilespmem:$0x4500] =	vst v63  }
0x4e: {  	s28 =	simm.s32 $0x200  }
0x4f: {  	s29 =	simm.s32 $0x400;
	p0 =	por $0x0, $0x0;
	_ =	swait.ge [sflag:s23], $0x400  }
.LBB2_6:
0x50: {  	[sflag:s23] =	ssyncset.done $0x0  }
0x51: {  	s0 =	simm.s32 @p0 $0x1;
	[sflag:s23] =	ssyncadd.s32 $0xFFFFFC00  }
0x52: {  	[spmem:s2] =	stream.indirect.scatter.add.f32 [tilespmem:s20], [sflag:$0x8], $0x1, s17, s19, $0xb8;
	[tilespmem:$0x4500] =	vst v63  }
0x53: {  	_ =	swait.ge @p0 [sflag:s0], $0x400  }
0x54: {  	s31 =	simm.s32 @p0 $0x4100;
	s12 =	simm.s32 @!p0 $0x6;
	[sflag:s0] =	ssyncset.done @p0 $0x0  }
0x55: {  	s14 =	simm.s32 @p0 $0x400;
	s1 =	simm.s32 @p0 $0x3100;
	[sflag:s0] =	ssyncadd.s32 @p0 $0xFFFFFC00  }
0x56: {  	[spmem:s2] =	stream.indirect.scatter.add.f32 @p0 [tilespmem:s31], [sflag:$0x5], $0x1, s1, s14, $0xb8;
	[tilespmem:$0x4500] =	vst v63  }
0x57: {  	s0 =	sadd.s32 @!p0 s28, s6;
	_ =	swait.ge @!p0 [sflag:s12], $0x400  }
0x58: {  	s1 =	simm.s32 @!p0 $0x3500;
	s14 =	sadd.s32 @!p0 $0x80, s0;
	[sflag:s12] =	ssyncset.done @!p0 $0x0  }
0x59: {  	s31 =	simm.s32 @!p0 $0x0;
	[sflag:s12] =	ssyncadd.s32 @!p0 $0xFFFFFC00;
	s12 =	simm.s32 @!p0 $0x1  }
0x5a: {  	[tilespmem:s1], [sflag:$0x2] =	stream.linear.gather @!p0 [hbm4b:s14+s31], $0x400, $0x38;
	[tilespmem:$0x4500] =	vst v63  }
0x5b: {  	_ =	swait.ge @!p0 [sflag:s12], $0x400  }
0x5c: {  	s7 =	simm.s32 @!p0 $0x400;
	s8 =	simm.s32 @!p0 $0x3100;
	[sflag:s12] =	ssyncset.done @!p0 $0x0  }
0x5d: {  	s1 =	simm.s32 @!p0 $0x4100;
	s14 =	simm.s32 @!p0 $0x7;
	[sflag:s12] =	ssyncadd.s32 @!p0 $0xFFFFFC00  }
0x5e: {  	[spmem:s2] =	stream.indirect.scatter.add.f32 @!p0 [tilespmem:s1], [sflag:$0x5], $0x1, s8, s7, $0xb8;
	[tilespmem:$0x4500] =	vst v63  }
0x5f: {  	_ =	swait.ge @!p0 [sflag:s14], $0x400  }
0x60: {  	[sflag:s14] =	ssyncset.done @!p0 $0x0;
	s1 =	rddreg [dreg:$0x3]  }
0x61: {  	s7 =	simm.s32 @!p0 $0x3900;
	[sflag:s14] =	ssyncadd.s32 @!p0 $0xFFFFFC00;
	s1 =	sadd.s32 @!p0 s28, s1  }
0x62: {  	[tilespmem:s7], [sflag:$0x3] =	stream.linear.gather @!p0 [hbm4b:s1+s31], $0x400, $0x38;
	[tilespmem:$0x4500] =	vst v63  }
0x63: {  	_ =	swait.ge [sflag:s18], $0x400  }
0x64: {  	[sflag:s18] =	ssyncset.done $0x0  }
0x65: {  	s1 =	simm.s32 @!p0 $0x8;
	[sflag:s18] =	ssyncadd.s32 $0xFFFFFC00  }
0x66: {  	[spmem:s2] =	stream.indirect.scatter.add.f32 [tilespmem:s20], [sflag:$0x6], $0x1, s15, s19, $0xb8;
	[tilespmem:$0x4500] =	vst v63  }
0x67: {  	_ =	swait.ge @!p0 [sflag:s1], $0x400  }
0x68: {  	[sflag:s1] =	ssyncset.done @!p0 $0x0  }
0x69: {  	s0 =	sadd.s32 @!p0 $0x180, s0;
	s7 =	simm.s32 @!p0 $0x3D00;
	[sflag:s1] =	ssyncadd.s32 @!p0 $0xFFFFFC00  }
0x6a: {  	[tilespmem:s7], [sflag:$0x4] =	stream.linear.gather @!p0 [hbm4b:s0+s31], $0x400, $0x38;
	[tilespmem:$0x4500] =	vst v63  }
0x6b: {  	_ =	swait.ge [sflag:s21], $0x400  }
0x6c: {  	s30 =	smov.u32 s29;
	s29 =	sadd.s32 $0x200, s29;
	[sflag:s21] =	ssyncset.done $0x0  }
0x6d: {  	p1 =	sne.s32 s29, $0x6400;
	p0 =	seq.s32 s28, $0x6200;
	[sflag:s21] =	ssyncadd.s32 $0xFFFFFC00  }
0x6e: {  	[spmem:s2] =	stream.indirect.scatter.add.f32 [tilespmem:s20], [sflag:$0x7], $0x1, s16, s19, $0xb8;
	[tilespmem:$0x4500] =	vst v63  }
.Ltmp2:
0x6f: {  	s1 =	simm.s32 @!p0 $0x0;
	_ =	swait.ge [sflag:s22], $0x400;
	(pc) =	sbr.rel @p1 .LBB2_6-.Ltmp2, $4  }
0x70: {  	s7 =	simm.s32 @!p0 $0x3100;
	s0 =	rddreg [dreg:$0x4];
	[sflag:s22] =	ssyncset.done $0x0  }
0x71: {  	[sflag:s22] =	ssyncadd.s32 $0xFFFFFC00;
	s0 =	sadd.s32 @!p0 s28, s0;
	s28 =	smov.u32 s30  }
0x72: {  	[tilespmem:s7], [sflag:$0x1] =	stream.linear.gather @!p0 [hbm4b:s0+s1], $0x400, $0x38;
	[tilespmem:$0x4500] =	vst v63  }
0x73: {  	p0 =	seq.s32 s28, $0x0;
	_ =	swait.ge [sflag:s23], $0x400  }
0x74: {  	[sflag:s23] =	ssyncset.done $0x0  }
0x75: {  	s0 =	simm.s32 @p0 $0x1;
	[sflag:s23] =	ssyncadd.s32 $0xFFFFFC00  }
0x76: {  	[spmem:s2] =	stream.indirect.scatter.add.f32 [tilespmem:s20], [sflag:$0x8], $0x1, s17, s19, $0xb8;
	[tilespmem:$0x4500] =	vst v63  }
0x77: {  	_ =	swait.ge @p0 [sflag:s0], $0x400  }
0x78: {  	s1 =	simm.s32 @p0 $0x4100;
	s7 =	simm.s32 @!p0 $0x6;
	[sflag:s0] =	ssyncset.done @p0 $0x0  }
0x79: {  	s8 =	simm.s32 @p0 $0x400;
	s12 =	simm.s32 @p0 $0x3100;
	[sflag:s0] =	ssyncadd.s32 @p0 $0xFFFFFC00  }
0x7a: {  	[spmem:s2] =	stream.indirect.scatter.add.f32 @p0 [tilespmem:s1], [sflag:$0x5], $0x1, s12, s8, $0xb8;
	[tilespmem:$0x4500] =	vst v63  }
0x7b: {  	s0 =	sadd.s32 @!p0 s28, s6;
	_ =	swait.ge @!p0 [sflag:s7], $0x400  }
0x7c: {  	s1 =	simm.s32 @!p0 $0x3500;
	s8 =	sadd.s32 @!p0 $0x80, s0;
	[sflag:s7] =	ssyncset.done @!p0 $0x0  }
0x7d: {  	s12 =	simm.s32 @!p0 $0x0;
	[sflag:s7] =	ssyncadd.s32 @!p0 $0xFFFFFC00;
	s7 =	simm.s32 @!p0 $0x1  }
0x7e: {  	[tilespmem:s1], [sflag:$0x2] =	stream.linear.gather @!p0 [hbm4b:s8+s12], $0x400, $0x38;
	[tilespmem:$0x4500] =	vst v63  }
0x7f: {  	_ =	swait.ge @!p0 [sflag:s7], $0x400  }
0x80: {  	s1 =	simm.s32 @!p0 $0x4100;
	[sflag:s7] =	ssyncset.done @!p0 $0x0  }
0x81: {  	s8 =	simm.s32 @!p0 $0x400;
	[sflag:s7] =	ssyncadd.s32 @!p0 $0xFFFFFC00;
	s7 =	simm.s32 @!p0 $0x3100  }
0x82: {  	[spmem:s2] =	stream.indirect.scatter.add.f32 @!p0 [tilespmem:s1], [sflag:$0x5], $0x1, s7, s8, $0xb8;
	[tilespmem:$0x4500] =	vst v63  }
0x83: {  	s1 =	simm.s32 @!p0 $0x7  }
0x84: {  	_ =	swait.ge @!p0 [sflag:s1], $0x400  }
0x85: {  	s7 =	rddreg [dreg:$0x3];
	[sflag:s1] =	ssyncset.done @!p0 $0x0  }
0x86: {  	[sflag:s1] =	ssyncadd.s32 @!p0 $0xFFFFFC00;
	s1 =	simm.s32 @!p0 $0x3900;
	s7 =	sadd.s32 @!p0 s28, s7  }
0x87: {  	[tilespmem:s1], [sflag:$0x3] =	stream.linear.gather @!p0 [hbm4b:s7+s12], $0x400, $0x38;
	[tilespmem:$0x4500] =	vst v63  }
0x88: {  	_ =	swait.ge [sflag:s18], $0x400  }
0x89: {  	[sflag:s18] =	ssyncset.done $0x0  }
0x8a: {  	s1 =	simm.s32 @!p0 $0x8;
	[sflag:s18] =	ssyncadd.s32 $0xFFFFFC00  }
0x8b: {  	[spmem:s2] =	stream.indirect.scatter.add.f32 [tilespmem:s20], [sflag:$0x6], $0x1, s15, s19, $0xb8;
	[tilespmem:$0x4500] =	vst v63  }
0x8c: {  	_ =	swait.ge @!p0 [sflag:s1], $0x400  }
0x8d: {  	[sflag:s1] =	ssyncset.done @!p0 $0x0  }
0x8e: {  	s0 =	sadd.s32 @!p0 $0x180, s0;
	[sflag:s1] =	ssyncadd.s32 @!p0 $0xFFFFFC00;
	s1 =	simm.s32 @!p0 $0x3D00  }
0x8f: {  	[tilespmem:s1], [sflag:$0x4] =	stream.linear.gather @!p0 [hbm4b:s0+s12], $0x400, $0x38;
	[tilespmem:$0x4500] =	vst v63  }
0x90: {  	_ =	swait.ge [sflag:s21], $0x400  }
0x91: {  	[sflag:s21] =	ssyncset.done $0x0  }
0x92: {  	[sflag:s21] =	ssyncadd.s32 $0xFFFFFC00  }
0x93: {  	[spmem:s2] =	stream.indirect.scatter.add.f32 [tilespmem:s20], [sflag:$0x7], $0x1, s16, s19, $0xb8;
	[tilespmem:$0x4500] =	vst v63  }
0x94: {  	p0 =	seq.s32 s28, $0x6200;
	_ =	swait.ge [sflag:s22], $0x400  }
0x95: {  	s1 =	simm.s32 @!p0 $0x0;
	s0 =	rddreg [dreg:$0x4];
	[sflag:s22] =	ssyncset.done $0x0  }
0x96: {  	s7 =	simm.s32 @!p0 $0x3100;
	[sflag:s22] =	ssyncadd.s32 $0xFFFFFC00;
	s0 =	sadd.s32 @!p0 s28, s0  }
0x97: {  	[tilespmem:s7], [sflag:$0x1] =	stream.linear.gather @!p0 [hbm4b:s0+s1], $0x400, $0x38;
	[tilespmem:$0x4500] =	vst v63  }
0x98: {  	_ =	swait.ge [sflag:s23], $0x400  }
0x99: {  	[sflag:s23] =	ssyncset.done $0x0  }
0x9a: {  	[sflag:s23] =	ssyncadd.s32 $0xFFFFFC00  }
0x9b: {  	[spmem:s2] =	stream.indirect.scatter.add.f32 [tilespmem:s20], [sflag:$0x8], $0x1, s17, s19, $0xb8;
	[tilespmem:$0x4500] =	vst v63  }
0x9c: {  	_ =	swait.ge [sflag:s24], $0x400  }
0x9d: {  	[sflag:s24] =	ssyncset.done $0x0  }
0x9e: {  	[sflag:s24] =	ssyncadd.s32 $0xFFFFFC00  }
0x9f: {  	_ =	swait.ge [sflag:s25], $0x400  }
0xa0: {  	[sflag:s25] =	ssyncset.done $0x0  }
0xa1: {  	[sflag:s25] =	ssyncadd.s32 $0xFFFFFC00  }
0xa2: {  	s30 =	stileid.u32;
	_ =	swait.ge [sflag:s26], $0x400  }
0xa3: {  	s31 =	sshrl.u32 s4, $0x3;
	s3 =	sadd.s32 $0x1, s3;
	[sflag:s26] =	ssyncset.done $0x0  }
0xa4: {  	s0 =	sshll.u32 s30, $0x6;
	p0 =	sne.s32 s3, s11;
	[sflag:s26] =	ssyncadd.s32 $0xFFFFFC00  }
.Ltmp3:
0xa5: {  	s0 =	sor.u32 $0x1C09, s0;
	[bflag:$0x0] =	sbarrier.arrive $0xFFFF;
	(pc) =	sbr.rel @p0 .LBB2_1-.Ltmp3, $4  }
0xa6: {  	[hbm:s10], [sflag:s0] =	dma.local [spmem:s31], $0x310  }
0xa7: {  	_ =	swait.ge [sflag:s13], $0x310  }
0xa8: {  	[sflag:s13] =	ssyncset.done $0x0  }
0xa9: {  	[sflag:s13] =	ssyncadd.s32 $0xFFFFFCF0  }
0xaa: {  	_ =	sfence.sel $0x180000  }
0xab: {  	[bflag:$0x0] =	sbarrier.arrive $0xFFFF  }
0xac: {  	_ =	strace $0x90000047  }
0xad: {  	s0 =	stileid.u32;
	[bflag:$0x2] =	sbarrier.arrive $0xFFFF  }
0xae: {  	p0 =	sne.s32 s0, $0x0;
	s0 =	rddreg [dreg:$0x2]  }
0xaf: {  	s0 =	sadd.s32 @!p0 $0x100000, s0  }
0xb0: {  	[sflag:s0] =	ssyncadd.tile.s32 @!p0 $0x1;
	_ =	shalt  }
.Lfunc_end2:
_tile_overlayer_lowered:
.L_overlay_start_2:
0xb1: {  	(tag) =	ssettag $0x2  }
0xb2: {  	s0 =	rddreg [dreg:$0x0];
	s2 =	stileid.u32  }
0xb3: {  	s1 =	rddreg [dreg:$0x1];
	p0 =	sne.s32 s2, $0x0  }
0xb4: {  	s3 =	rddreg [dreg:$0x2];
	[bflag:$0x3] =	sbarrier.arrive $0xFFFF;
	s2 =	simm.s32 @!p0 $0x1C09  }
0xb5: {  	[timem:s3], [sflag:s2] =	dma.local @!p0 [hbm:s0], s1  }
0xb6: {  	s0 =	simm.s32 @!p0 $0x9  }
0xb7: {  	_ =	swait.ge @!p0 [sflag:s0], s1  }
0xb8: {  	s1 =	ssub.s32 @!p0 $0x0, s1;
	[sflag:s0] =	ssyncset.done @!p0 $0x0  }
0xb9: {  	[sflag:s0] =	ssyncadd.s32 @!p0 s1  }
0xba: {  	[bflag:$0x3] =	sbarrier.arrive $0xFFFF  }
0xbb: {  	_ =	shalt  }

</sc_bundles>
